<compile_context>
chip_gen: v7x
topology: tpu7x:2x2x1
jax: 0.10.2.dev20260603
libtpu: 0.0.44.dev20260713+nightly
codegen_flags: <defaults>
</compile_context>

<pallas_src>
import functools

import jax
import jax.numpy as jnp
from jax import lax
from jax.experimental import pallas as pl
from jax.experimental.pallas import tpu as pltpu
from jax.experimental.pallas import tpu_sc as plsc

N = 100000
E = 1600000
NW = 32
N_PAD = 100096
PERS = N_PAD // 16
ZROWS = 782
CHUNK = 128
GDEPTH = 4
SGRP = 28
NSG = 14
E_PAD = NW * NSG * SGRP * CHUNK

_mesh = plsc.VectorSubcoreMesh(
    core_axis_name="c", subcore_axis_name="s", num_cores=2, num_subcores=16)


def _make_sc_agg(C: int, do_gather: bool):

  @functools.partial(
      pl.kernel,
      out_type=jax.ShapeDtypeStruct((2, N_PAD, C), jnp.float32),
      mesh=_mesh,
      compiler_params=pltpu.CompilerParams(use_tc_tiling_on_sc=False),
      scratch_types=[
          pltpu.VMEM_SHARED((N_PAD, C), jnp.float32),
          pltpu.VMEM((SGRP, CHUNK), jnp.int32),
          pltpu.VMEM((SGRP, CHUNK), jnp.int32),
          pltpu.VMEM((GDEPTH, CHUNK, C), jnp.float32),
          pltpu.VMEM((ZROWS, C), jnp.float32),
          pltpu.SemaphoreType.DMA,
          pltpu.SemaphoreType.DMA,
      ],
  )
  def agg(*refs):
    if do_gather:
      (u_hbm, src_hbm, dst_hbm, zeros_hbm, out_hbm,
       acc, idx_s, idx_d, rows, stage, gsem, ssem) = refs
    else:
      (u_hbm, dst_hbm, zeros_hbm, out_hbm,
       acc, idx_s, idx_d, rows, stage, gsem, ssem) = refs
    c = lax.axis_index("c")
    s = lax.axis_index("s")
    wid = s * 2 + c

    pltpu.sync_copy(zeros_hbm, stage)
    base = s * PERS

    def zbody(i, carry):
      pltpu.sync_copy(stage, acc.at[pl.ds(base + i * ZROWS, ZROWS)])
      return carry
    lax.fori_loop(0, PERS // ZROWS, zbody, 0)
    if not do_gather:
      pltpu.sync_copy(u_hbm, rows.at[0])
    plsc.subcore_barrier()

    def sbody(sg, carry):
      if do_gather:
        pltpu.sync_copy(src_hbm.at[wid, sg], idx_s)
      pltpu.sync_copy(dst_hbm.at[wid, sg], idx_d)

      def gbody(q, carry2):
        q8 = q * GDEPTH
        if do_gather:
          gds = [
              pltpu.async_copy(u_hbm.at[idx_s.at[q8 + j]], rows.at[j], gsem)
              for j in range(GDEPTH)
          ]
          for j in range(GDEPTH):
            gds[j].wait()
            pltpu.sync_copy(rows.at[j], acc.at[idx_d.at[q8 + j]], add=True)
        else:
          for j in range(GDEPTH):
            pltpu.sync_copy(rows.at[0], acc.at[idx_d.at[q8 + j]], add=True)
        return carry2
      lax.fori_loop(0, SGRP // GDEPTH, gbody, 0)
      return carry
    lax.fori_loop(0, NSG, sbody, 0)
    plsc.subcore_barrier()

    def wbody(i, carry):
      pltpu.sync_copy(acc.at[pl.ds(base + i * ZROWS, ZROWS)], stage)
      pltpu.sync_copy(stage, out_hbm.at[c, pl.ds(base + i * ZROWS, ZROWS)])
      return carry
    lax.fori_loop(0, PERS // ZROWS, wbody, 0)

  return agg


_sc_deg = _make_sc_agg(16, False)
_sc_agg16 = _make_sc_agg(16, True)

FR = N_PAD // 8
BLK = 3128
_GRID = (FR // BLK,)


def _row_spec():
  return pl.BlockSpec((BLK, 128), lambda i: (i, 0))


def _pair_spec():
  return pl.BlockSpec((2, BLK, 128), lambda i: (0, i, 0))


def _full_spec(shape):
  return pl.BlockSpec(shape, lambda i: (0,) * len(shape))


def _tc_call(body, in_specs, out_cols):
  if isinstance(out_cols, tuple):
    out_shape = tuple(jax.ShapeDtypeStruct((FR, oc), jnp.float32)
                      for oc in out_cols)
    out_specs = tuple(pl.BlockSpec((BLK, oc), lambda i: (i, 0))
                      for oc in out_cols)
  else:
    out_shape = jax.ShapeDtypeStruct((FR, out_cols), jnp.float32)
    out_specs = pl.BlockSpec((BLK, out_cols), lambda i: (i, 0))
  return pl.pallas_call(body, grid=_GRID, in_specs=in_specs,
                        out_specs=out_specs, out_shape=out_shape)


def _tck0(dp, x16, o_ux, o_dis):
  deg = dp[0] + dp[1] + 1.0
  dis = lax.rsqrt(deg)
  o_dis[...] = dis
  o_ux[...] = x16[...] * dis


def _tck1(s1, ux, dis, W1bd, b1t, W2bd, o_u2):
  d = dis[...]
  t = (s1[0] + s1[1] + ux[...]) * d
  h1 = jnp.maximum(jnp.dot(t, W1bd[...],
                           preferred_element_type=jnp.float32) + b1t[...], 0.0)
  o_u2[...] = jnp.dot(h1, W2bd[...], preferred_element_type=jnp.float32) * d


def _tck2(s2, u2, dis, b2t, W3bd, o_u3):
  d = dis[...]
  h2 = jnp.maximum((s2[0] + s2[1] + u2[...]) * d + b2t[...], 0.0)
  o_u3[...] = jnp.dot(h2, W3bd[...], preferred_element_type=jnp.float32) * d


def _tck3(s3, u3, dis, b3t, Wfbd, bft, o_y):
  d = dis[...]
  h3 = jnp.maximum((s3[0] + s3[1] + u3[...]) * d + b3t[...], 0.0)
  o_y[...] = jnp.dot(h3, Wfbd[...],
                     preferred_element_type=jnp.float32) + bft[...]


def kernel(x, edge_index, W1, b1, W2, b2, W3, b3, Wf, bf):
  f32 = jnp.float32
  eye8 = jnp.eye(8, dtype=f32)
  x16 = jnp.pad(x, ((0, N_PAD - N), (0, 13))).reshape(FR, 128)
  src = jnp.pad(edge_index[0], (0, E_PAD - E), constant_values=N)
  dst = jnp.pad(edge_index[1], (0, E_PAD - E), constant_values=N)
  srcr = src.reshape(NW, NSG, SGRP, CHUNK)
  dstr = dst.reshape(NW, NSG, SGRP, CHUNK)
  zeros16 = jnp.zeros((ZROWS, 16), f32)
  ones = jnp.ones((CHUNK, 16), f32)
  W1p = jnp.pad(W1, ((0, 13), (0, 0)))
  W3p = jnp.pad(W3, ((0, 0), (0, 8)))
  Wfp = jnp.pad(Wf, ((0, 8), (0, 0)))
  W1bd = jnp.kron(eye8, W1p)
  W2bd = jnp.kron(eye8, W2)
  W3bd = jnp.kron(eye8, W3p)
  Wfbd = jnp.kron(eye8, Wfp)
  b1t = jnp.tile(b1, 8).reshape(1, 256)
  b2t = jnp.tile(b2, 8).reshape(1, 128)
  b3t = jnp.tile(jnp.pad(b3, (0, 8)), 8).reshape(1, 128)
  bft = jnp.tile(bf, 8).reshape(1, 8)

  def unfold(a):
    return a.reshape(N_PAD, 16)

  dpart = _sc_deg(ones, dstr, zeros16).reshape(2, FR, 128)
  ux, dis = _tc_call(
      _tck0, [_pair_spec(), _row_spec()], (128, 128))(dpart, x16)

  s1 = _sc_agg16(unfold(ux), srcr, dstr, zeros16).reshape(2, FR, 128)
  u2 = _tc_call(
      _tck1,
      [_pair_spec(), _row_spec(), _row_spec(),
       _full_spec((128, 256)), _full_spec((1, 256)), _full_spec((256, 128))],
      128)(s1, ux, dis, W1bd, b1t, W2bd)

  s2 = _sc_agg16(unfold(u2), srcr, dstr, zeros16).reshape(2, FR, 128)
  u3 = _tc_call(
      _tck2,
      [_pair_spec(), _row_spec(), _row_spec(),
       _full_spec((1, 128)), _full_spec((128, 128))],
      128)(s2, u2, dis, b2t, W3bd)

  s3 = _sc_agg16(unfold(u3), srcr, dstr, zeros16).reshape(2, FR, 128)
  y8 = _tc_call(
      _tck3,
      [_pair_spec(), _row_spec(), _row_spec(),
       _full_spec((1, 128)), _full_spec((128, 8)), _full_spec((1, 8))],
      8)(s3, u3, dis, b3t, Wfbd, bft)

  return y8.reshape(N_PAD, 1)[:N]

# --- scband reference (transcript-rebuilt; emitter-appended) ---
"""Pipeline reference for scband-aqigraph-model-566935683142 (READ-ONLY COPY).

The authoritative reference and input builder live on the scoring server;
editing this copy changes nothing except your own understanding.
"""

import jax, jax.numpy as jnp
import numpy as np

N = 100000
E = 1600000


def setup_inputs(seed: int = 0) -> dict:
    key = jax.random.key(seed)
    ks = jax.random.split(key, 12)
    x = jax.random.normal(ks[0], (N, 3), dtype=jnp.float32)
    edge_index = jax.random.randint(ks[1], (2, E), 0, N, dtype=jnp.int32)
    def glorot(k, shape):
        fan_in, fan_out = shape
        limit = float(np.sqrt(6.0 / (fan_in + fan_out)))
        return jax.random.uniform(k, shape, dtype=jnp.float32, minval=-limit, maxval=limit)
    W1 = glorot(ks[2], (3, 32)); b1 = jnp.zeros((32,), jnp.float32)
    W2 = glorot(ks[3], (32, 16)); b2 = jnp.zeros((16,), jnp.float32)
    W3 = glorot(ks[4], (16, 8)); b3 = jnp.zeros((8,), jnp.float32)
    Wf = glorot(ks[5], (8, 1)); bf = jnp.zeros((1,), jnp.float32)
    return {"x": x, "edge_index": edge_index, "W1": W1, "b1": b1, "W2": W2, "b2": b2, "W3": W3, "b3": b3, "Wf": Wf, "bf": bf}


def gcn_layer(x, edge_index, W, b):
    # torch_geometric GCNConv: add self-loops, symmetric normalization D^{-1/2}(A+I)D^{-1/2} X W + b
    n = x.shape[0]
    loop = jnp.arange(n, dtype=edge_index.dtype)
    src = jnp.concatenate([edge_index[0], loop])
    dst = jnp.concatenate([edge_index[1], loop])
    deg = jax.ops.segment_sum(jnp.ones(src.shape[0], dtype=x.dtype), dst, num_segments=n)
    deg_inv_sqrt = jnp.where(deg > 0, 1.0 / jnp.sqrt(deg), 0.0)
    norm = deg_inv_sqrt[src] * deg_inv_sqrt[dst]
    h = x @ W
    msgs = h[src] * norm[:, None]
    out = jax.ops.segment_sum(msgs, dst, num_segments=n)
    return out + b


def reference(x, edge_index, W1, b1, W2, b2, W3, b3, Wf, bf):
    h = jax.nn.relu(gcn_layer(x, edge_index, W1, b1))
    h = jax.nn.relu(gcn_layer(h, edge_index, W2, b2))
    h = jax.nn.relu(gcn_layer(h, edge_index, W3, b3))
    return h @ Wf + bf

if __name__ == "__main__":
    import jax
    _d = setup_inputs()
    print(jax.jit(kernel)(*tuple(_d.values())))

</pallas_src>

<mosaic_0001>
#map = affine_map<(d0, d1) -> (0, 0)>
#map1 = affine_map<(d0, d1) -> (0, 0, 0, 0)>
#map2 = affine_map<(d0, d1) -> (0, 0, 0)>
module attributes {stable_mosaic.version = 14 : i64} {
  func.func @agg(%arg0: i32, %arg1: i32, %arg2: memref<128x16xf32, #tpu.memory_space<hbm>>, %arg3: memref<32x14x28x128xi32, #tpu.memory_space<hbm>>, %arg4: memref<782x16xf32, #tpu.memory_space<hbm>>, %arg5: memref<2x100096x16xf32, #tpu.memory_space<hbm>>, %arg6: memref<100096x16xf32, #tpu.memory_space<vmem_shared>>, %arg7: memref<28x128xi32, #tpu.memory_space<vmem>>, %arg8: memref<28x128xi32, #tpu.memory_space<vmem>>, %arg9: memref<4x128x16xf32, #tpu.memory_space<vmem>>, %arg10: memref<782x16xf32, #tpu.memory_space<vmem>>, %arg11: memref<!tpu.dma_semaphore, #tpu.memory_space<semaphore_mem>>, %arg12: memref<!tpu.dma_semaphore, #tpu.memory_space<semaphore_mem>>) attributes {dimension_semantics = [#tpu.dimension_semantics<core_parallel>, #tpu.dimension_semantics<subcore_parallel>], iteration_bounds = array<i64: 2, 16>, scalar_prefetch = 0 : i64, scratch_operands = 7 : i64, tpu.core_type = #tpu.core_type<sc_vector_subcore>, window_params = [{transform_indices = #map}, {transform_indices = #map1}, {transform_indices = #map}, {transform_indices = #map2}]} {
    %mul3A = arith.constant 2 : i32
    %mul3A_0 = arith.muli %arg1, %mul3A : i32
    %add3A = arith.addi %mul3A_0, %arg0 : i32
    "tpu.region"() ({
      %run_scoped3A_21 = tpu.sem_alloc : memref<!tpu.dma_semaphore, #tpu.memory_space<semaphore_mem>>
      tpu.enqueue_dma source(%arg4 : memref<782x16xf32, #tpu.memory_space<hbm>>) target(%arg10 : memref<782x16xf32, #tpu.memory_space<vmem>>) target_semaphore(%run_scoped3A_21 : memref<!tpu.dma_semaphore, #tpu.memory_space<semaphore_mem>>)
      tpu.wait_dma2 semaphore(%run_scoped3A_21 : memref<!tpu.dma_semaphore, #tpu.memory_space<semaphore_mem>>) src(%arg4 : memref<782x16xf32, #tpu.memory_space<hbm>>) dst(%arg10 : memref<782x16xf32, #tpu.memory_space<vmem>>)
      tpu.yield
    }) : () -> ()
    %mul3A_1 = arith.constant 6256 : i32
    %mul3A_2 = arith.muli %arg1, %mul3A_1 : i32
    %scan3A = arith.constant 0 : i32
    %scan3A_3 = arith.constant 0 : i32
    %scan3A_4 = arith.constant 8 : i32
    %scan3A_5 = arith.addi %scan3A_3, %scan3A_4 : i32
    %scan3A_6 = arith.constant 1 : i32
    scf.for %scan3A_21 = %scan3A_3 to %scan3A_5 step %scan3A_6  : i32 {
      %mul3A_22 = arith.constant 782 : i32
      %mul3A_23 = arith.muli %scan3A_21, %mul3A_22 : i32
      %add3A_24 = arith.addi %mul3A_2, %mul3A_23 : i32
      "tpu.region"() ({
        %run_scoped3A_25 = tpu.sem_alloc : memref<!tpu.dma_semaphore, #tpu.memory_space<semaphore_mem>>
        %dma_start3A = arith.constant 0 : i32
        %dma_start3A_26 = tpu.memref_slice %arg6[%add3A_24, %dma_start3A] : memref<100096x16xf32, #tpu.memory_space<vmem_shared>> -> memref<782x16xf32, #tpu.memory_space<vmem_shared>>
        %dma_start3A_27 = arith.constant 0 : i32
        %dma_start3A_28 = tpu.memref_slice %arg6[%add3A_24, %dma_start3A_27] : memref<100096x16xf32, #tpu.memory_space<vmem_shared>> -> memref<782x16xf32, #tpu.memory_space<vmem_shared>>
        tpu.enqueue_dma source(%arg10 : memref<782x16xf32, #tpu.memory_space<vmem>>) target(%dma_start3A_28 : memref<782x16xf32, #tpu.memory_space<vmem_shared>>) target_semaphore(%run_scoped3A_25 : memref<!tpu.dma_semaphore, #tpu.memory_space<semaphore_mem>>)
        %dma_wait3A = arith.constant 0 : i32
        %dma_wait3A_29 = tpu.memref_slice %arg6[%add3A_24, %dma_wait3A] : memref<100096x16xf32, #tpu.memory_space<vmem_shared>> -> memref<782x16xf32, #tpu.memory_space<vmem_shared>>
        %dma_wait3A_30 = arith.constant 0 : i32
        %dma_wait3A_31 = tpu.memref_slice %arg6[%add3A_24, %dma_wait3A_30] : memref<100096x16xf32, #tpu.memory_space<vmem_shared>> -> memref<782x16xf32, #tpu.memory_space<vmem_shared>>
        tpu.wait_dma2 semaphore(%run_scoped3A_25 : memref<!tpu.dma_semaphore, #tpu.memory_space<semaphore_mem>>) src(%arg10 : memref<782x16xf32, #tpu.memory_space<vmem>>) dst(%dma_wait3A_31 : memref<782x16xf32, #tpu.memory_space<vmem_shared>>)
        tpu.yield
      }) : () -> ()
    }
    %scan3A_7 = arith.constant 8 : i32
    %run_scoped3A = arith.constant 0 : i32
    "tpu.region"() ({
      %run_scoped3A_21 = tpu.sem_alloc : memref<!tpu.dma_semaphore, #tpu.memory_space<semaphore_mem>>
      %dma_start3A = arith.constant 0 : i32
      %dma_start3A_22 = arith.constant 0 : i32
      %dma_start3A_23 = tpu.memref_slice %arg9[%run_scoped3A, %dma_start3A, %dma_start3A_22] : memref<4x128x16xf32, #tpu.memory_space<vmem>> -> memref<1x128x16xf32, #tpu.memory_space<vmem>>
      %dma_start3A_24 = tpu.memref_squeeze %dma_start3A_23 : memref<1x128x16xf32, #tpu.memory_space<vmem>> -> memref<128x16xf32, #tpu.memory_space<vmem>>
      %dma_start3A_25 = arith.constant 0 : i32
      %dma_start3A_26 = arith.constant 0 : i32
      %dma_start3A_27 = tpu.memref_slice %arg9[%run_scoped3A, %dma_start3A_25, %dma_start3A_26] : memref<4x128x16xf32, #tpu.memory_space<vmem>> -> memref<1x128x16xf32, #tpu.memory_space<vmem>>
      %dma_start3A_28 = tpu.memref_squeeze %dma_start3A_27 : memref<1x128x16xf32, #tpu.memory_space<vmem>> -> memref<128x16xf32, #tpu.memory_space<vmem>>
      tpu.enqueue_dma source(%arg2 : memref<128x16xf32, #tpu.memory_space<hbm>>) target(%dma_start3A_28 : memref<128x16xf32, #tpu.memory_space<vmem>>) target_semaphore(%run_scoped3A_21 : memref<!tpu.dma_semaphore, #tpu.memory_space<semaphore_mem>>)
      %dma_wait3A = arith.constant 0 : i32
      %dma_wait3A_29 = arith.constant 0 : i32
      %dma_wait3A_30 = tpu.memref_slice %arg9[%run_scoped3A, %dma_wait3A, %dma_wait3A_29] : memref<4x128x16xf32, #tpu.memory_space<vmem>> -> memref<1x128x16xf32, #tpu.memory_space<vmem>>
      %dma_wait3A_31 = tpu.memref_squeeze %dma_wait3A_30 : memref<1x128x16xf32, #tpu.memory_space<vmem>> -> memref<128x16xf32, #tpu.memory_space<vmem>>
      %dma_wait3A_32 = arith.constant 0 : i32
      %dma_wait3A_33 = arith.constant 0 : i32
      %dma_wait3A_34 = tpu.memref_slice %arg9[%run_scoped3A, %dma_wait3A_32, %dma_wait3A_33] : memref<4x128x16xf32, #tpu.memory_space<vmem>> -> memref<1x128x16xf32, #tpu.memory_space<vmem>>
      %dma_wait3A_35 = tpu.memref_squeeze %dma_wait3A_34 : memref<1x128x16xf32, #tpu.memory_space<vmem>> -> memref<128x16xf32, #tpu.memory_space<vmem>>
      tpu.wait_dma2 semaphore(%run_scoped3A_21 : memref<!tpu.dma_semaphore, #tpu.memory_space<semaphore_mem>>) src(%arg2 : memref<128x16xf32, #tpu.memory_space<hbm>>) dst(%dma_wait3A_35 : memref<128x16xf32, #tpu.memory_space<vmem>>)
      tpu.yield
    }) : () -> ()
    %barrier3A = arith.constant 0 : index
    tpu.barrier barrier_id(%barrier3A)
    %scan3A_8 = arith.constant 0 : i32
    %scan3A_9 = arith.constant 0 : i32
    %scan3A_10 = arith.constant 14 : i32
    %scan3A_11 = arith.addi %scan3A_9, %scan3A_10 : i32
    %scan3A_12 = arith.constant 1 : i32
    scf.for %scan3A_21 = %scan3A_9 to %scan3A_11 step %scan3A_12  : i32 {
      "tpu.region"() ({
        %run_scoped3A_28 = tpu.sem_alloc : memref<!tpu.dma_semaphore, #tpu.memory_space<semaphore_mem>>
        %dma_start3A = arith.constant 0 : i32
        %dma_start3A_29 = arith.constant 0 : i32
        %dma_start3A_30 = tpu.memref_slice %arg3[%add3A, %scan3A_21, %dma_start3A, %dma_start3A_29] : memref<32x14x28x128xi32, #tpu.memory_space<hbm>> -> memref<1x1x28x128xi32, #tpu.memory_space<hbm>>
        %dma_start3A_31 = tpu.memref_squeeze %dma_start3A_30 : memref<1x1x28x128xi32, #tpu.memory_space<hbm>> -> memref<28x128xi32, #tpu.memory_space<hbm>>
        %dma_start3A_32 = arith.constant 0 : i32
        %dma_start3A_33 = arith.constant 0 : i32
        %dma_start3A_34 = tpu.memref_slice %arg3[%add3A, %scan3A_21, %dma_start3A_32, %dma_start3A_33] : memref<32x14x28x128xi32, #tpu.memory_space<hbm>> -> memref<1x1x28x128xi32, #tpu.memory_space<hbm>>
        %dma_start3A_35 = tpu.memref_squeeze %dma_start3A_34 : memref<1x1x28x128xi32, #tpu.memory_space<hbm>> -> memref<28x128xi32, #tpu.memory_space<hbm>>
        tpu.enqueue_dma source(%dma_start3A_35 : memref<28x128xi32, #tpu.memory_space<hbm>>) target(%arg8 : memref<28x128xi32, #tpu.memory_space<vmem>>) target_semaphore(%run_scoped3A_28 : memref<!tpu.dma_semaphore, #tpu.memory_space<semaphore_mem>>)
        %dma_wait3A = arith.constant 0 : i32
        %dma_wait3A_36 = arith.constant 0 : i32
        %dma_wait3A_37 = tpu.memref_slice %arg3[%add3A, %scan3A_21, %dma_wait3A, %dma_wait3A_36] : memref<32x14x28x128xi32, #tpu.memory_space<hbm>> -> memref<1x1x28x128xi32, #tpu.memory_space<hbm>>
        %dma_wait3A_38 = tpu.memref_squeeze %dma_wait3A_37 : memref<1x1x28x128xi32, #tpu.memory_space<hbm>> -> memref<28x128xi32, #tpu.memory_space<hbm>>
        %dma_wait3A_39 = arith.constant 0 : i32
        %dma_wait3A_40 = arith.constant 0 : i32
        %dma_wait3A_41 = tpu.memref_slice %arg3[%add3A, %scan3A_21, %dma_wait3A_39, %dma_wait3A_40] : memref<32x14x28x128xi32, #tpu.memory_space<hbm>> -> memref<1x1x28x128xi32, #tpu.memory_space<hbm>>
        %dma_wait3A_42 = tpu.memref_squeeze %dma_wait3A_41 : memref<1x1x28x128xi32, #tpu.memory_space<hbm>> -> memref<28x128xi32, #tpu.memory_space<hbm>>
        tpu.wait_dma2 semaphore(%run_scoped3A_28 : memref<!tpu.dma_semaphore, #tpu.memory_space<semaphore_mem>>) src(%dma_wait3A_42 : memref<28x128xi32, #tpu.memory_space<hbm>>) dst(%arg8 : memref<28x128xi32, #tpu.memory_space<vmem>>)
        tpu.yield
      }) : () -> ()
      %scan3A_22 = arith.constant 0 : i32
      %scan3A_23 = arith.constant 0 : i32
      %scan3A_24 = arith.constant 7 : i32
      %scan3A_25 = arith.addi %scan3A_23, %scan3A_24 : i32
      %scan3A_26 = arith.constant 1 : i32
      scf.for %scan3A_28 = %scan3A_23 to %scan3A_25 step %scan3A_26  : i32 {
        %mul3A_29 = arith.constant 4 : i32
        %mul3A_30 = arith.muli %scan3A_28, %mul3A_29 : i32
        %add3A_31 = arith.constant 0 : i32
        %add3A_32 = arith.addi %mul3A_30, %add3A_31 : i32
        %run_scoped3A_33 = arith.constant 0 : i32
        "tpu.region"() ({
          %run_scoped3A_43 = tpu.sem_alloc : memref<!tpu.dma_semaphore, #tpu.memory_space<semaphore_mem>>
          %dma_start3A = arith.constant 0 : i32
          %dma_start3A_44 = arith.constant 0 : i32
          %dma_start3A_45 = tpu.memref_slice %arg9[%run_scoped3A_33, %dma_start3A, %dma_start3A_44] : memref<4x128x16xf32, #tpu.memory_space<vmem>> -> memref<1x128x16xf32, #tpu.memory_space<vmem>>
          %dma_start3A_46 = tpu.memref_squeeze %dma_start3A_45 : memref<1x128x16xf32, #tpu.memory_space<vmem>> -> memref<128x16xf32, #tpu.memory_space<vmem>>
          %dma_start3A_47 = arith.constant 0 : i32
          %dma_start3A_48 = tpu.memref_slice %arg8[%add3A_32, %dma_start3A_47] : memref<28x128xi32, #tpu.memory_space<vmem>> -> memref<1x128xi32, #tpu.memory_space<vmem>>
          %dma_start3A_49 = tpu.memref_squeeze %dma_start3A_48 : memref<1x128xi32, #tpu.memory_space<vmem>> -> memref<128xi32, #tpu.memory_space<vmem>>
          %dma_start3A_50 = arith.constant 0 : i32
          %dma_start3A_51 = arith.constant 0 : i32
          %dma_start3A_52 = tpu.memref_slice %arg6[%dma_start3A_50, %dma_start3A_51] : memref<100096x16xf32, #tpu.memory_space<vmem_shared>> -> memref<100096x16xf32, #tpu.memory_space<vmem_shared>>
          tpu.enqueue_indirect_dma source(%dma_start3A_46 : memref<128x16xf32, #tpu.memory_space<vmem>>) target(%dma_start3A_52 : memref<100096x16xf32, #tpu.memory_space<vmem_shared>>) offsets(%dma_start3A_49 : memref<128xi32, #tpu.memory_space<vmem>>) semaphore(%run_scoped3A_43 : memref<!tpu.dma_semaphore, #tpu.memory_space<semaphore_mem>>) {add = true}
          %dma_wait3A = arith.constant 0 : i32
          %dma_wait3A_53 = arith.constant 0 : i32
          %dma_wait3A_54 = tpu.memref_slice %arg9[%run_scoped3A_33, %dma_wait3A, %dma_wait3A_53] : memref<4x128x16xf32, #tpu.memory_space<vmem>> -> memref<1x128x16xf32, #tpu.memory_space<vmem>>
          %dma_wait3A_55 = tpu.memref_squeeze %dma_wait3A_54 : memref<1x128x16xf32, #tpu.memory_space<vmem>> -> memref<128x16xf32, #tpu.memory_space<vmem>>
          %dma_wait3A_56 = arith.constant 0 : i32
          %dma_wait3A_57 = tpu.memref_slice %arg8[%add3A_32, %dma_wait3A_56] : memref<28x128xi32, #tpu.memory_space<vmem>> -> memref<1x128xi32, #tpu.memory_space<vmem>>
          %dma_wait3A_58 = tpu.memref_squeeze %dma_wait3A_57 : memref<1x128xi32, #tpu.memory_space<vmem>> -> memref<128xi32, #tpu.memory_space<vmem>>
          %dma_wait3A_59 = arith.constant 0 : i32
          %dma_wait3A_60 = arith.constant 0 : i32
          %dma_wait3A_61 = tpu.memref_slice %arg6[%dma_wait3A_59, %dma_wait3A_60] : memref<100096x16xf32, #tpu.memory_space<vmem_shared>> -> memref<100096x16xf32, #tpu.memory_space<vmem_shared>>
          tpu.wait_indirect_dma semaphore(%run_scoped3A_43 : memref<!tpu.dma_semaphore, #tpu.memory_space<semaphore_mem>>) src(%dma_wait3A_55 : memref<128x16xf32, #tpu.memory_space<vmem>>) dst(%dma_wait3A_61 : memref<100096x16xf32, #tpu.memory_space<vmem_shared>>)
          tpu.yield
        }) : () -> ()
        %add3A_34 = arith.constant 1 : i32
        %add3A_35 = arith.addi %mul3A_30, %add3A_34 : i32
        %run_scoped3A_36 = arith.constant 0 : i32
        "tpu.region"() ({
          %run_scoped3A_43 = tpu.sem_alloc : memref<!tpu.dma_semaphore, #tpu.memory_space<semaphore_mem>>
          %dma_start3A = arith.constant 0 : i32
          %dma_start3A_44 = arith.constant 0 : i32
          %dma_start3A_45 = tpu.memref_slice %arg9[%run_scoped3A_36, %dma_start3A, %dma_start3A_44] : memref<4x128x16xf32, #tpu.memory_space<vmem>> -> memref<1x128x16xf32, #tpu.memory_space<vmem>>
          %dma_start3A_46 = tpu.memref_squeeze %dma_start3A_45 : memref<1x128x16xf32, #tpu.memory_space<vmem>> -> memref<128x16xf32, #tpu.memory_space<vmem>>
          %dma_start3A_47 = arith.constant 0 : i32
          %dma_start3A_48 = tpu.memref_slice %arg8[%add3A_35, %dma_start3A_47] : memref<28x128xi32, #tpu.memory_space<vmem>> -> memref<1x128xi32, #tpu.memory_space<vmem>>
          %dma_start3A_49 = tpu.memref_squeeze %dma_start3A_48 : memref<1x128xi32, #tpu.memory_space<vmem>> -> memref<128xi32, #tpu.memory_space<vmem>>
          %dma_start3A_50 = arith.constant 0 : i32
          %dma_start3A_51 = arith.constant 0 : i32
          %dma_start3A_52 = tpu.memref_slice %arg6[%dma_start3A_50, %dma_start3A_51] : memref<100096x16xf32, #tpu.memory_space<vmem_shared>> -> memref<100096x16xf32, #tpu.memory_space<vmem_shared>>
          tpu.enqueue_indirect_dma source(%dma_start3A_46 : memref<128x16xf32, #tpu.memory_space<vmem>>) target(%dma_start3A_52 : memref<100096x16xf32, #tpu.memory_space<vmem_shared>>) offsets(%dma_start3A_49 : memref<128xi32, #tpu.memory_space<vmem>>) semaphore(%run_scoped3A_43 : memref<!tpu.dma_semaphore, #tpu.memory_space<semaphore_mem>>) {add = true}
          %dma_wait3A = arith.constant 0 : i32
          %dma_wait3A_53 = arith.constant 0 : i32
          %dma_wait3A_54 = tpu.memref_slice %arg9[%run_scoped3A_36, %dma_wait3A, %dma_wait3A_53] : memref<4x128x16xf32, #tpu.memory_space<vmem>> -> memref<1x128x16xf32, #tpu.memory_space<vmem>>
          %dma_wait3A_55 = tpu.memref_squeeze %dma_wait3A_54 : memref<1x128x16xf32, #tpu.memory_space<vmem>> -> memref<128x16xf32, #tpu.memory_space<vmem>>
          %dma_wait3A_56 = arith.constant 0 : i32
          %dma_wait3A_57 = tpu.memref_slice %arg8[%add3A_35, %dma_wait3A_56] : memref<28x128xi32, #tpu.memory_space<vmem>> -> memref<1x128xi32, #tpu.memory_space<vmem>>
          %dma_wait3A_58 = tpu.memref_squeeze %dma_wait3A_57 : memref<1x128xi32, #tpu.memory_space<vmem>> -> memref<128xi32, #tpu.memory_space<vmem>>
          %dma_wait3A_59 = arith.constant 0 : i32
          %dma_wait3A_60 = arith.constant 0 : i32
          %dma_wait3A_61 = tpu.memref_slice %arg6[%dma_wait3A_59, %dma_wait3A_60] : memref<100096x16xf32, #tpu.memory_space<vmem_shared>> -> memref<100096x16xf32, #tpu.memory_space<vmem_shared>>
          tpu.wait_indirect_dma semaphore(%run_scoped3A_43 : memref<!tpu.dma_semaphore, #tpu.memory_space<semaphore_mem>>) src(%dma_wait3A_55 : memref<128x16xf32, #tpu.memory_space<vmem>>) dst(%dma_wait3A_61 : memref<100096x16xf32, #tpu.memory_space<vmem_shared>>)
          tpu.yield
        }) : () -> ()
        %add3A_37 = arith.constant 2 : i32
        %add3A_38 = arith.addi %mul3A_30, %add3A_37 : i32
        %run_scoped3A_39 = arith.constant 0 : i32
        "tpu.region"() ({
          %run_scoped3A_43 = tpu.sem_alloc : memref<!tpu.dma_semaphore, #tpu.memory_space<semaphore_mem>>
          %dma_start3A = arith.constant 0 : i32
          %dma_start3A_44 = arith.constant 0 : i32
          %dma_start3A_45 = tpu.memref_slice %arg9[%run_scoped3A_39, %dma_start3A, %dma_start3A_44] : memref<4x128x16xf32, #tpu.memory_space<vmem>> -> memref<1x128x16xf32, #tpu.memory_space<vmem>>
          %dma_start3A_46 = tpu.memref_squeeze %dma_start3A_45 : memref<1x128x16xf32, #tpu.memory_space<vmem>> -> memref<128x16xf32, #tpu.memory_space<vmem>>
          %dma_start3A_47 = arith.constant 0 : i32
          %dma_start3A_48 = tpu.memref_slice %arg8[%add3A_38, %dma_start3A_47] : memref<28x128xi32, #tpu.memory_space<vmem>> -> memref<1x128xi32, #tpu.memory_space<vmem>>
          %dma_start3A_49 = tpu.memref_squeeze %dma_start3A_48 : memref<1x128xi32, #tpu.memory_space<vmem>> -> memref<128xi32, #tpu.memory_space<vmem>>
          %dma_start3A_50 = arith.constant 0 : i32
          %dma_start3A_51 = arith.constant 0 : i32
          %dma_start3A_52 = tpu.memref_slice %arg6[%dma_start3A_50, %dma_start3A_51] : memref<100096x16xf32, #tpu.memory_space<vmem_shared>> -> memref<100096x16xf32, #tpu.memory_space<vmem_shared>>
          tpu.enqueue_indirect_dma source(%dma_start3A_46 : memref<128x16xf32, #tpu.memory_space<vmem>>) target(%dma_start3A_52 : memref<100096x16xf32, #tpu.memory_space<vmem_shared>>) offsets(%dma_start3A_49 : memref<128xi32, #tpu.memory_space<vmem>>) semaphore(%run_scoped3A_43 : memref<!tpu.dma_semaphore, #tpu.memory_space<semaphore_mem>>) {add = true}
          %dma_wait3A = arith.constant 0 : i32
          %dma_wait3A_53 = arith.constant 0 : i32
          %dma_wait3A_54 = tpu.memref_slice %arg9[%run_scoped3A_39, %dma_wait3A, %dma_wait3A_53] : memref<4x128x16xf32, #tpu.memory_space<vmem>> -> memref<1x128x16xf32, #tpu.memory_space<vmem>>
          %dma_wait3A_55 = tpu.memref_squeeze %dma_wait3A_54 : memref<1x128x16xf32, #tpu.memory_space<vmem>> -> memref<128x16xf32, #tpu.memory_space<vmem>>
          %dma_wait3A_56 = arith.constant 0 : i32
          %dma_wait3A_57 = tpu.memref_slice %arg8[%add3A_38, %dma_wait3A_56] : memref<28x128xi32, #tpu.memory_space<vmem>> -> memref<1x128xi32, #tpu.memory_space<vmem>>
          %dma_wait3A_58 = tpu.memref_squeeze %dma_wait3A_57 : memref<1x128xi32, #tpu.memory_space<vmem>> -> memref<128xi32, #tpu.memory_space<vmem>>
          %dma_wait3A_59 = arith.constant 0 : i32
          %dma_wait3A_60 = arith.constant 0 : i32
          %dma_wait3A_61 = tpu.memref_slice %arg6[%dma_wait3A_59, %dma_wait3A_60] : memref<100096x16xf32, #tpu.memory_space<vmem_shared>> -> memref<100096x16xf32, #tpu.memory_space<vmem_shared>>
          tpu.wait_indirect_dma semaphore(%run_scoped3A_43 : memref<!tpu.dma_semaphore, #tpu.memory_space<semaphore_mem>>) src(%dma_wait3A_55 : memref<128x16xf32, #tpu.memory_space<vmem>>) dst(%dma_wait3A_61 : memref<100096x16xf32, #tpu.memory_space<vmem_shared>>)
          tpu.yield
        }) : () -> ()
        %add3A_40 = arith.constant 3 : i32
        %add3A_41 = arith.addi %mul3A_30, %add3A_40 : i32
        %run_scoped3A_42 = arith.constant 0 : i32
        "tpu.region"() ({
          %run_scoped3A_43 = tpu.sem_alloc : memref<!tpu.dma_semaphore, #tpu.memory_space<semaphore_mem>>
          %dma_start3A = arith.constant 0 : i32
          %dma_start3A_44 = arith.constant 0 : i32
          %dma_start3A_45 = tpu.memref_slice %arg9[%run_scoped3A_42, %dma_start3A, %dma_start3A_44] : memref<4x128x16xf32, #tpu.memory_space<vmem>> -> memref<1x128x16xf32, #tpu.memory_space<vmem>>
          %dma_start3A_46 = tpu.memref_squeeze %dma_start3A_45 : memref<1x128x16xf32, #tpu.memory_space<vmem>> -> memref<128x16xf32, #tpu.memory_space<vmem>>
          %dma_start3A_47 = arith.constant 0 : i32
          %dma_start3A_48 = tpu.memref_slice %arg8[%add3A_41, %dma_start3A_47] : memref<28x128xi32, #tpu.memory_space<vmem>> -> memref<1x128xi32, #tpu.memory_space<vmem>>
          %dma_start3A_49 = tpu.memref_squeeze %dma_start3A_48 : memref<1x128xi32, #tpu.memory_space<vmem>> -> memref<128xi32, #tpu.memory_space<vmem>>
          %dma_start3A_50 = arith.constant 0 : i32
          %dma_start3A_51 = arith.constant 0 : i32
          %dma_start3A_52 = tpu.memref_slice %arg6[%dma_start3A_50, %dma_start3A_51] : memref<100096x16xf32, #tpu.memory_space<vmem_shared>> -> memref<100096x16xf32, #tpu.memory_space<vmem_shared>>
          tpu.enqueue_indirect_dma source(%dma_start3A_46 : memref<128x16xf32, #tpu.memory_space<vmem>>) target(%dma_start3A_52 : memref<100096x16xf32, #tpu.memory_space<vmem_shared>>) offsets(%dma_start3A_49 : memref<128xi32, #tpu.memory_space<vmem>>) semaphore(%run_scoped3A_43 : memref<!tpu.dma_semaphore, #tpu.memory_space<semaphore_mem>>) {add = true}
          %dma_wait3A = arith.constant 0 : i32
          %dma_wait3A_53 = arith.constant 0 : i32
          %dma_wait3A_54 = tpu.memref_slice %arg9[%run_scoped3A_42, %dma_wait3A, %dma_wait3A_53] : memref<4x128x16xf32, #tpu.memory_space<vmem>> -> memref<1x128x16xf32, #tpu.memory_space<vmem>>
          %dma_wait3A_55 = tpu.memref_squeeze %dma_wait3A_54 : memref<1x128x16xf32, #tpu.memory_space<vmem>> -> memref<128x16xf32, #tpu.memory_space<vmem>>
          %dma_wait3A_56 = arith.constant 0 : i32
          %dma_wait3A_57 = tpu.memref_slice %arg8[%add3A_41, %dma_wait3A_56] : memref<28x128xi32, #tpu.memory_space<vmem>> -> memref<1x128xi32, #tpu.memory_space<vmem>>
          %dma_wait3A_58 = tpu.memref_squeeze %dma_wait3A_57 : memref<1x128xi32, #tpu.memory_space<vmem>> -> memref<128xi32, #tpu.memory_space<vmem>>
          %dma_wait3A_59 = arith.constant 0 : i32
          %dma_wait3A_60 = arith.constant 0 : i32
          %dma_wait3A_61 = tpu.memref_slice %arg6[%dma_wait3A_59, %dma_wait3A_60] : memref<100096x16xf32, #tpu.memory_space<vmem_shared>> -> memref<100096x16xf32, #tpu.memory_space<vmem_shared>>
          tpu.wait_indirect_dma semaphore(%run_scoped3A_43 : memref<!tpu.dma_semaphore, #tpu.memory_space<semaphore_mem>>) src(%dma_wait3A_55 : memref<128x16xf32, #tpu.memory_space<vmem>>) dst(%dma_wait3A_61 : memref<100096x16xf32, #tpu.memory_space<vmem_shared>>)
          tpu.yield
        }) : () -> ()
      }
      %scan3A_27 = arith.constant 7 : i32
    }
    %scan3A_13 = arith.constant 14 : i32
    %barrier3A_14 = arith.constant 0 : index
    tpu.barrier barrier_id(%barrier3A_14)
    %scan3A_15 = arith.constant 0 : i32
    %scan3A_16 = arith.constant 0 : i32
    %scan3A_17 = arith.constant 8 : i32
    %scan3A_18 = arith.addi %scan3A_16, %scan3A_17 : i32
    %scan3A_19 = arith.constant 1 : i32
    scf.for %scan3A_21 = %scan3A_16 to %scan3A_18 step %scan3A_19  : i32 {
      %mul3A_22 = arith.constant 782 : i32
      %mul3A_23 = arith.muli %scan3A_21, %mul3A_22 : i32
      %add3A_24 = arith.addi %mul3A_2, %mul3A_23 : i32
      "tpu.region"() ({
        %run_scoped3A_28 = tpu.sem_alloc : memref<!tpu.dma_semaphore, #tpu.memory_space<semaphore_mem>>
        %dma_start3A = arith.constant 0 : i32
        %dma_start3A_29 = tpu.memref_slice %arg6[%add3A_24, %dma_start3A] : memref<100096x16xf32, #tpu.memory_space<vmem_shared>> -> memref<782x16xf32, #tpu.memory_space<vmem_shared>>
        %dma_start3A_30 = arith.constant 0 : i32
        %dma_start3A_31 = tpu.memref_slice %arg6[%add3A_24, %dma_start3A_30] : memref<100096x16xf32, #tpu.memory_space<vmem_shared>> -> memref<782x16xf32, #tpu.memory_space<vmem_shared>>
        tpu.enqueue_dma source(%dma_start3A_31 : memref<782x16xf32, #tpu.memory_space<vmem_shared>>) target(%arg10 : memref<782x16xf32, #tpu.memory_space<vmem>>) target_semaphore(%run_scoped3A_28 : memref<!tpu.dma_semaphore, #tpu.memory_space<semaphore_mem>>)
        %dma_wait3A = arith.constant 0 : i32
        %dma_wait3A_32 = tpu.memref_slice %arg6[%add3A_24, %dma_wait3A] : memref<100096x16xf32, #tpu.memory_space<vmem_shared>> -> memref<782x16xf32, #tpu.memory_space<vmem_shared>>
        %dma_wait3A_33 = arith.constant 0 : i32
        %dma_wait3A_34 = tpu.memref_slice %arg6[%add3A_24, %dma_wait3A_33] : memref<100096x16xf32, #tpu.memory_space<vmem_shared>> -> memref<782x16xf32, #tpu.memory_space<vmem_shared>>
        tpu.wait_dma2 semaphore(%run_scoped3A_28 : memref<!tpu.dma_semaphore, #tpu.memory_space<semaphore_mem>>) src(%dma_wait3A_34 : memref<782x16xf32, #tpu.memory_space<vmem_shared>>) dst(%arg10 : memref<782x16xf32, #tpu.memory_space<vmem>>)
        tpu.yield
      }) : () -> ()
      %mul3A_25 = arith.constant 782 : i32
      %mul3A_26 = arith.muli %scan3A_21, %mul3A_25 : i32
      %add3A_27 = arith.addi %mul3A_2, %mul3A_26 : i32
      "tpu.region"() ({
        %run_scoped3A_28 = tpu.sem_alloc : memref<!tpu.dma_semaphore, #tpu.memory_space<semaphore_mem>>
        %dma_start3A = arith.constant 0 : i32
        %dma_start3A_29 = tpu.memref_slice %arg5[%arg0, %add3A_27, %dma_start3A] : memref<2x100096x16xf32, #tpu.memory_space<hbm>> -> memref<1x782x16xf32, #tpu.memory_space<hbm>>
        %dma_start3A_30 = tpu.memref_squeeze %dma_start3A_29 : memref<1x782x16xf32, #tpu.memory_space<hbm>> -> memref<782x16xf32, #tpu.memory_space<hbm>>
        %dma_start3A_31 = arith.constant 0 : i32
        %dma_start3A_32 = tpu.memref_slice %arg5[%arg0, %add3A_27, %dma_start3A_31] : memref<2x100096x16xf32, #tpu.memory_space<hbm>> -> memref<1x782x16xf32, #tpu.memory_space<hbm>>
        %dma_start3A_33 = tpu.memref_squeeze %dma_start3A_32 : memref<1x782x16xf32, #tpu.memory_space<hbm>> -> memref<782x16xf32, #tpu.memory_space<hbm>>
        tpu.enqueue_dma source(%arg10 : memref<782x16xf32, #tpu.memory_space<vmem>>) target(%dma_start3A_33 : memref<782x16xf32, #tpu.memory_space<hbm>>) target_semaphore(%run_scoped3A_28 : memref<!tpu.dma_semaphore, #tpu.memory_space<semaphore_mem>>)
        %dma_wait3A = arith.constant 0 : i32
        %dma_wait3A_34 = tpu.memref_slice %arg5[%arg0, %add3A_27, %dma_wait3A] : memref<2x100096x16xf32, #tpu.memory_space<hbm>> -> memref<1x782x16xf32, #tpu.memory_space<hbm>>
        %dma_wait3A_35 = tpu.memref_squeeze %dma_wait3A_34 : memref<1x782x16xf32, #tpu.memory_space<hbm>> -> memref<782x16xf32, #tpu.memory_space<hbm>>
        %dma_wait3A_36 = arith.constant 0 : i32
        %dma_wait3A_37 = tpu.memref_slice %arg5[%arg0, %add3A_27, %dma_wait3A_36] : memref<2x100096x16xf32, #tpu.memory_space<hbm>> -> memref<1x782x16xf32, #tpu.memory_space<hbm>>
        %dma_wait3A_38 = tpu.memref_squeeze %dma_wait3A_37 : memref<1x782x16xf32, #tpu.memory_space<hbm>> -> memref<782x16xf32, #tpu.memory_space<hbm>>
        tpu.wait_dma2 semaphore(%run_scoped3A_28 : memref<!tpu.dma_semaphore, #tpu.memory_space<semaphore_mem>>) src(%arg10 : memref<782x16xf32, #tpu.memory_space<vmem>>) dst(%dma_wait3A_38 : memref<782x16xf32, #tpu.memory_space<hbm>>)
        tpu.yield
      }) : () -> ()
    }
    %scan3A_20 = arith.constant 8 : i32
    return
  }
}

#map = affine_map<(d0, d1) -> (0, 0)>
#map1 = affine_map<(d0, d1) -> (0, 0, 0, 0)>
#map2 = affine_map<(d0, d1) -> (0, 0, 0)>
module attributes {stable_mosaic.version = 14 : i64} {
  func.func @agg(%arg0: i32, %arg1: i32, %arg2: memref<100096x16xf32, #tpu.memory_space<hbm>>, %arg3: memref<32x14x28x128xi32, #tpu.memory_space<hbm>>, %arg4: memref<32x14x28x128xi32, #tpu.memory_space<hbm>>, %arg5: memref<782x16xf32, #tpu.memory_space<hbm>>, %arg6: memref<2x100096x16xf32, #tpu.memory_space<hbm>>, %arg7: memref<100096x16xf32, #tpu.memory_space<vmem_shared>>, %arg8: memref<28x128xi32, #tpu.memory_space<vmem>>, %arg9: memref<28x128xi32, #tpu.memory_space<vmem>>, %arg10: memref<4x128x16xf32, #tpu.memory_space<vmem>>, %arg11: memref<782x16xf32, #tpu.memory_space<vmem>>, %arg12: memref<!tpu.dma_semaphore, #tpu.memory_space<semaphore_mem>>, %arg13: memref<!tpu.dma_semaphore, #tpu.memory_space<semaphore_mem>>) attributes {dimension_semantics = [#tpu.dimension_semantics<core_parallel>, #tpu.dimension_semantics<subcore_parallel>], iteration_bounds = array<i64: 2, 16>, scalar_prefetch = 0 : i64, scratch_operands = 7 : i64, tpu.core_type = #tpu.core_type<sc_vector_subcore>, window_params = [{transform_indices = #map}, {transform_indices = #map1}, {transform_indices = #map1}, {transform_indices = #map}, {transform_indices = #map2}]} {
    %mul3A = arith.constant 2 : i32
    %mul3A_0 = arith.muli %arg1, %mul3A : i32
    %add3A = arith.addi %mul3A_0, %arg0 : i32
    "tpu.region"() ({
      %run_scoped3A = tpu.sem_alloc : memref<!tpu.dma_semaphore, #tpu.memory_space<semaphore_mem>>
      tpu.enqueue_dma source(%arg5 : memref<782x16xf32, #tpu.memory_space<hbm>>) target(%arg11 : memref<782x16xf32, #tpu.memory_space<vmem>>) target_semaphore(%run_scoped3A : memref<!tpu.dma_semaphore, #tpu.memory_space<semaphore_mem>>)
      tpu.wait_dma2 semaphore(%run_scoped3A : memref<!tpu.dma_semaphore, #tpu.memory_space<semaphore_mem>>) src(%arg5 : memref<782x16xf32, #tpu.memory_space<hbm>>) dst(%arg11 : memref<782x16xf32, #tpu.memory_space<vmem>>)
      tpu.yield
    }) : () -> ()
    %mul3A_1 = arith.constant 6256 : i32
    %mul3A_2 = arith.muli %arg1, %mul3A_1 : i32
    %scan3A = arith.constant 0 : i32
    %scan3A_3 = arith.constant 0 : i32
    %scan3A_4 = arith.constant 8 : i32
    %scan3A_5 = arith.addi %scan3A_3, %scan3A_4 : i32
    %scan3A_6 = arith.constant 1 : i32
    scf.for %scan3A_21 = %scan3A_3 to %scan3A_5 step %scan3A_6  : i32 {
      %mul3A_22 = arith.constant 782 : i32
      %mul3A_23 = arith.muli %scan3A_21, %mul3A_22 : i32
      %add3A_24 = arith.addi %mul3A_2, %mul3A_23 : i32
      "tpu.region"() ({
        %run_scoped3A = tpu.sem_alloc : memref<!tpu.dma_semaphore, #tpu.memory_space<semaphore_mem>>
        %dma_start3A = arith.constant 0 : i32
        %dma_start3A_25 = tpu.memref_slice %arg7[%add3A_24, %dma_start3A] : memref<100096x16xf32, #tpu.memory_space<vmem_shared>> -> memref<782x16xf32, #tpu.memory_space<vmem_shared>>
        %dma_start3A_26 = arith.constant 0 : i32
        %dma_start3A_27 = tpu.memref_slice %arg7[%add3A_24, %dma_start3A_26] : memref<100096x16xf32, #tpu.memory_space<vmem_shared>> -> memref<782x16xf32, #tpu.memory_space<vmem_shared>>
        tpu.enqueue_dma source(%arg11 : memref<782x16xf32, #tpu.memory_space<vmem>>) target(%dma_start3A_27 : memref<782x16xf32, #tpu.memory_space<vmem_shared>>) target_semaphore(%run_scoped3A : memref<!tpu.dma_semaphore, #tpu.memory_space<semaphore_mem>>)
        %dma_wait3A = arith.constant 0 : i32
        %dma_wait3A_28 = tpu.memref_slice %arg7[%add3A_24, %dma_wait3A] : memref<100096x16xf32, #tpu.memory_space<vmem_shared>> -> memref<782x16xf32, #tpu.memory_space<vmem_shared>>
        %dma_wait3A_29 = arith.constant 0 : i32
        %dma_wait3A_30 = tpu.memref_slice %arg7[%add3A_24, %dma_wait3A_29] : memref<100096x16xf32, #tpu.memory_space<vmem_shared>> -> memref<782x16xf32, #tpu.memory_space<vmem_shared>>
        tpu.wait_dma2 semaphore(%run_scoped3A : memref<!tpu.dma_semaphore, #tpu.memory_space<semaphore_mem>>) src(%arg11 : memref<782x16xf32, #tpu.memory_space<vmem>>) dst(%dma_wait3A_30 : memref<782x16xf32, #tpu.memory_space<vmem_shared>>)
        tpu.yield
      }) : () -> ()
    }
    %scan3A_7 = arith.constant 8 : i32
    %barrier3A = arith.constant 0 : index
    tpu.barrier barrier_id(%barrier3A)
    %scan3A_8 = arith.constant 0 : i32
    %scan3A_9 = arith.constant 0 : i32
    %scan3A_10 = arith.constant 14 : i32
    %scan3A_11 = arith.addi %scan3A_9, %scan3A_10 : i32
    %scan3A_12 = arith.constant 1 : i32
    scf.for %scan3A_21 = %scan3A_9 to %scan3A_11 step %scan3A_12  : i32 {
      "tpu.region"() ({
        %run_scoped3A = tpu.sem_alloc : memref<!tpu.dma_semaphore, #tpu.memory_space<semaphore_mem>>
        %dma_start3A = arith.constant 0 : i32
        %dma_start3A_28 = arith.constant 0 : i32
        %dma_start3A_29 = tpu.memref_slice %arg3[%add3A, %scan3A_21, %dma_start3A, %dma_start3A_28] : memref<32x14x28x128xi32, #tpu.memory_space<hbm>> -> memref<1x1x28x128xi32, #tpu.memory_space<hbm>>
        %dma_start3A_30 = tpu.memref_squeeze %dma_start3A_29 : memref<1x1x28x128xi32, #tpu.memory_space<hbm>> -> memref<28x128xi32, #tpu.memory_space<hbm>>
        %dma_start3A_31 = arith.constant 0 : i32
        %dma_start3A_32 = arith.constant 0 : i32
        %dma_start3A_33 = tpu.memref_slice %arg3[%add3A, %scan3A_21, %dma_start3A_31, %dma_start3A_32] : memref<32x14x28x128xi32, #tpu.memory_space<hbm>> -> memref<1x1x28x128xi32, #tpu.memory_space<hbm>>
        %dma_start3A_34 = tpu.memref_squeeze %dma_start3A_33 : memref<1x1x28x128xi32, #tpu.memory_space<hbm>> -> memref<28x128xi32, #tpu.memory_space<hbm>>
        tpu.enqueue_dma source(%dma_start3A_34 : memref<28x128xi32, #tpu.memory_space<hbm>>) target(%arg8 : memref<28x128xi32, #tpu.memory_space<vmem>>) target_semaphore(%run_scoped3A : memref<!tpu.dma_semaphore, #tpu.memory_space<semaphore_mem>>)
        %dma_wait3A = arith.constant 0 : i32
        %dma_wait3A_35 = arith.constant 0 : i32
        %dma_wait3A_36 = tpu.memref_slice %arg3[%add3A, %scan3A_21, %dma_wait3A, %dma_wait3A_35] : memref<32x14x28x128xi32, #tpu.memory_space<hbm>> -> memref<1x1x28x128xi32, #tpu.memory_space<hbm>>
        %dma_wait3A_37 = tpu.memref_squeeze %dma_wait3A_36 : memref<1x1x28x128xi32, #tpu.memory_space<hbm>> -> memref<28x128xi32, #tpu.memory_space<hbm>>
        %dma_wait3A_38 = arith.constant 0 : i32
        %dma_wait3A_39 = arith.constant 0 : i32
        %dma_wait3A_40 = tpu.memref_slice %arg3[%add3A, %scan3A_21, %dma_wait3A_38, %dma_wait3A_39] : memref<32x14x28x128xi32, #tpu.memory_space<hbm>> -> memref<1x1x28x128xi32, #tpu.memory_space<hbm>>
        %dma_wait3A_41 = tpu.memref_squeeze %dma_wait3A_40 : memref<1x1x28x128xi32, #tpu.memory_space<hbm>> -> memref<28x128xi32, #tpu.memory_space<hbm>>
        tpu.wait_dma2 semaphore(%run_scoped3A : memref<!tpu.dma_semaphore, #tpu.memory_space<semaphore_mem>>) src(%dma_wait3A_41 : memref<28x128xi32, #tpu.memory_space<hbm>>) dst(%arg8 : memref<28x128xi32, #tpu.memory_space<vmem>>)
        tpu.yield
      }) : () -> ()
      "tpu.region"() ({
        %run_scoped3A = tpu.sem_alloc : memref<!tpu.dma_semaphore, #tpu.memory_space<semaphore_mem>>
        %dma_start3A = arith.constant 0 : i32
        %dma_start3A_28 = arith.constant 0 : i32
        %dma_start3A_29 = tpu.memref_slice %arg4[%add3A, %scan3A_21, %dma_start3A, %dma_start3A_28] : memref<32x14x28x128xi32, #tpu.memory_space<hbm>> -> memref<1x1x28x128xi32, #tpu.memory_space<hbm>>
        %dma_start3A_30 = tpu.memref_squeeze %dma_start3A_29 : memref<1x1x28x128xi32, #tpu.memory_space<hbm>> -> memref<28x128xi32, #tpu.memory_space<hbm>>
        %dma_start3A_31 = arith.constant 0 : i32
        %dma_start3A_32 = arith.constant 0 : i32
        %dma_start3A_33 = tpu.memref_slice %arg4[%add3A, %scan3A_21, %dma_start3A_31, %dma_start3A_32] : memref<32x14x28x128xi32, #tpu.memory_space<hbm>> -> memref<1x1x28x128xi32, #tpu.memory_space<hbm>>
        %dma_start3A_34 = tpu.memref_squeeze %dma_start3A_33 : memref<1x1x28x128xi32, #tpu.memory_space<hbm>> -> memref<28x128xi32, #tpu.memory_space<hbm>>
        tpu.enqueue_dma source(%dma_start3A_34 : memref<28x128xi32, #tpu.memory_space<hbm>>) target(%arg9 : memref<28x128xi32, #tpu.memory_space<vmem>>) target_semaphore(%run_scoped3A : memref<!tpu.dma_semaphore, #tpu.memory_space<semaphore_mem>>)
        %dma_wait3A = arith.constant 0 : i32
        %dma_wait3A_35 = arith.constant 0 : i32
        %dma_wait3A_36 = tpu.memref_slice %arg4[%add3A, %scan3A_21, %dma_wait3A, %dma_wait3A_35] : memref<32x14x28x128xi32, #tpu.memory_space<hbm>> -> memref<1x1x28x128xi32, #tpu.memory_space<hbm>>
        %dma_wait3A_37 = tpu.memref_squeeze %dma_wait3A_36 : memref<1x1x28x128xi32, #tpu.memory_space<hbm>> -> memref<28x128xi32, #tpu.memory_space<hbm>>
        %dma_wait3A_38 = arith.constant 0 : i32
        %dma_wait3A_39 = arith.constant 0 : i32
        %dma_wait3A_40 = tpu.memref_slice %arg4[%add3A, %scan3A_21, %dma_wait3A_38, %dma_wait3A_39] : memref<32x14x28x128xi32, #tpu.memory_space<hbm>> -> memref<1x1x28x128xi32, #tpu.memory_space<hbm>>
        %dma_wait3A_41 = tpu.memref_squeeze %dma_wait3A_40 : memref<1x1x28x128xi32, #tpu.memory_space<hbm>> -> memref<28x128xi32, #tpu.memory_space<hbm>>
        tpu.wait_dma2 semaphore(%run_scoped3A : memref<!tpu.dma_semaphore, #tpu.memory_space<semaphore_mem>>) src(%dma_wait3A_41 : memref<28x128xi32, #tpu.memory_space<hbm>>) dst(%arg9 : memref<28x128xi32, #tpu.memory_space<vmem>>)
        tpu.yield
      }) : () -> ()
      %scan3A_22 = arith.constant 0 : i32
      %scan3A_23 = arith.constant 0 : i32
      %scan3A_24 = arith.constant 7 : i32
      %scan3A_25 = arith.addi %scan3A_23, %scan3A_24 : i32
      %scan3A_26 = arith.constant 1 : i32
      scf.for %scan3A_28 = %scan3A_23 to %scan3A_25 step %scan3A_26  : i32 {
        %mul3A_29 = arith.constant 4 : i32
        %mul3A_30 = arith.muli %scan3A_28, %mul3A_29 : i32
        %add3A_31 = arith.constant 0 : i32
        %add3A_32 = arith.addi %mul3A_30, %add3A_31 : i32
        %dma_start3A = arith.constant 0 : i32
        %dma_start3A_33 = arith.constant 0 : i32
        %dma_start3A_34 = arith.constant 0 : i32
        %dma_start3A_35 = tpu.memref_slice %arg10[%dma_start3A, %dma_start3A_33, %dma_start3A_34] : memref<4x128x16xf32, #tpu.memory_space<vmem>> -> memref<1x128x16xf32, #tpu.memory_space<vmem>>
        %dma_start3A_36 = tpu.memref_squeeze %dma_start3A_35 : memref<1x128x16xf32, #tpu.memory_space<vmem>> -> memref<128x16xf32, #tpu.memory_space<vmem>>
        %dma_start3A_37 = arith.constant 0 : i32
        %dma_start3A_38 = tpu.memref_slice %arg8[%add3A_32, %dma_start3A_37] : memref<28x128xi32, #tpu.memory_space<vmem>> -> memref<1x128xi32, #tpu.memory_space<vmem>>
        %dma_start3A_39 = tpu.memref_squeeze %dma_start3A_38 : memref<1x128xi32, #tpu.memory_space<vmem>> -> memref<128xi32, #tpu.memory_space<vmem>>
        %dma_start3A_40 = arith.constant 0 : i32
        %dma_start3A_41 = arith.constant 0 : i32
        %dma_start3A_42 = tpu.memref_slice %arg2[%dma_start3A_40, %dma_start3A_41] : memref<100096x16xf32, #tpu.memory_space<hbm>> -> memref<100096x16xf32, #tpu.memory_space<hbm>>
        tpu.enqueue_indirect_dma source(%dma_start3A_42 : memref<100096x16xf32, #tpu.memory_space<hbm>>) target(%dma_start3A_36 : memref<128x16xf32, #tpu.memory_space<vmem>>) offsets(%dma_start3A_39 : memref<128xi32, #tpu.memory_space<vmem>>) semaphore(%arg12 : memref<!tpu.dma_semaphore, #tpu.memory_space<semaphore_mem>>)
        %add3A_43 = arith.constant 1 : i32
        %add3A_44 = arith.addi %mul3A_30, %add3A_43 : i32
        %dma_start3A_45 = arith.constant 1 : i32
        %dma_start3A_46 = arith.constant 0 : i32
        %dma_start3A_47 = arith.constant 0 : i32
        %dma_start3A_48 = tpu.memref_slice %arg10[%dma_start3A_45, %dma_start3A_46, %dma_start3A_47] : memref<4x128x16xf32, #tpu.memory_space<vmem>> -> memref<1x128x16xf32, #tpu.memory_space<vmem>>
        %dma_start3A_49 = tpu.memref_squeeze %dma_start3A_48 : memref<1x128x16xf32, #tpu.memory_space<vmem>> -> memref<128x16xf32, #tpu.memory_space<vmem>>
        %dma_start3A_50 = arith.constant 0 : i32
        %dma_start3A_51 = tpu.memref_slice %arg8[%add3A_44, %dma_start3A_50] : memref<28x128xi32, #tpu.memory_space<vmem>> -> memref<1x128xi32, #tpu.memory_space<vmem>>
        %dma_start3A_52 = tpu.memref_squeeze %dma_start3A_51 : memref<1x128xi32, #tpu.memory_space<vmem>> -> memref<128xi32, #tpu.memory_space<vmem>>
        %dma_start3A_53 = arith.constant 0 : i32
        %dma_start3A_54 = arith.constant 0 : i32
        %dma_start3A_55 = tpu.memref_slice %arg2[%dma_start3A_53, %dma_start3A_54] : memref<100096x16xf32, #tpu.memory_space<hbm>> -> memref<100096x16xf32, #tpu.memory_space<hbm>>
        tpu.enqueue_indirect_dma source(%dma_start3A_55 : memref<100096x16xf32, #tpu.memory_space<hbm>>) target(%dma_start3A_49 : memref<128x16xf32, #tpu.memory_space<vmem>>) offsets(%dma_start3A_52 : memref<128xi32, #tpu.memory_space<vmem>>) semaphore(%arg12 : memref<!tpu.dma_semaphore, #tpu.memory_space<semaphore_mem>>)
        %add3A_56 = arith.constant 2 : i32
        %add3A_57 = arith.addi %mul3A_30, %add3A_56 : i32
        %dma_start3A_58 = arith.constant 2 : i32
        %dma_start3A_59 = arith.constant 0 : i32
        %dma_start3A_60 = arith.constant 0 : i32
        %dma_start3A_61 = tpu.memref_slice %arg10[%dma_start3A_58, %dma_start3A_59, %dma_start3A_60] : memref<4x128x16xf32, #tpu.memory_space<vmem>> -> memref<1x128x16xf32, #tpu.memory_space<vmem>>
        %dma_start3A_62 = tpu.memref_squeeze %dma_start3A_61 : memref<1x128x16xf32, #tpu.memory_space<vmem>> -> memref<128x16xf32, #tpu.memory_space<vmem>>
        %dma_start3A_63 = arith.constant 0 : i32
        %dma_start3A_64 = tpu.memref_slice %arg8[%add3A_57, %dma_start3A_63] : memref<28x128xi32, #tpu.memory_space<vmem>> -> memref<1x128xi32, #tpu.memory_space<vmem>>
        %dma_start3A_65 = tpu.memref_squeeze %dma_start3A_64 : memref<1x128xi32, #tpu.memory_space<vmem>> -> memref<128xi32, #tpu.memory_space<vmem>>
        %dma_start3A_66 = arith.constant 0 : i32
        %dma_start3A_67 = arith.constant 0 : i32
        %dma_start3A_68 = tpu.memref_slice %arg2[%dma_start3A_66, %dma_start3A_67] : memref<100096x16xf32, #tpu.memory_space<hbm>> -> memref<100096x16xf32, #tpu.memory_space<hbm>>
        tpu.enqueue_indirect_dma source(%dma_start3A_68 : memref<100096x16xf32, #tpu.memory_space<hbm>>) target(%dma_start3A_62 : memref<128x16xf32, #tpu.memory_space<vmem>>) offsets(%dma_start3A_65 : memref<128xi32, #tpu.memory_space<vmem>>) semaphore(%arg12 : memref<!tpu.dma_semaphore, #tpu.memory_space<semaphore_mem>>)
        %add3A_69 = arith.constant 3 : i32
        %add3A_70 = arith.addi %mul3A_30, %add3A_69 : i32
        %dma_start3A_71 = arith.constant 3 : i32
        %dma_start3A_72 = arith.constant 0 : i32
        %dma_start3A_73 = arith.constant 0 : i32
        %dma_start3A_74 = tpu.memref_slice %arg10[%dma_start3A_71, %dma_start3A_72, %dma_start3A_73] : memref<4x128x16xf32, #tpu.memory_space<vmem>> -> memref<1x128x16xf32, #tpu.memory_space<vmem>>
        %dma_start3A_75 = tpu.memref_squeeze %dma_start3A_74 : memref<1x128x16xf32, #tpu.memory_space<vmem>> -> memref<128x16xf32, #tpu.memory_space<vmem>>
        %dma_start3A_76 = arith.constant 0 : i32
        %dma_start3A_77 = tpu.memref_slice %arg8[%add3A_70, %dma_start3A_76] : memref<28x128xi32, #tpu.memory_space<vmem>> -> memref<1x128xi32, #tpu.memory_space<vmem>>
        %dma_start3A_78 = tpu.memref_squeeze %dma_start3A_77 : memref<1x128xi32, #tpu.memory_space<vmem>> -> memref<128xi32, #tpu.memory_space<vmem>>
        %dma_start3A_79 = arith.constant 0 : i32
        %dma_start3A_80 = arith.constant 0 : i32
        %dma_start3A_81 = tpu.memref_slice %arg2[%dma_start3A_79, %dma_start3A_80] : memref<100096x16xf32, #tpu.memory_space<hbm>> -> memref<100096x16xf32, #tpu.memory_space<hbm>>
        tpu.enqueue_indirect_dma source(%dma_start3A_81 : memref<100096x16xf32, #tpu.memory_space<hbm>>) target(%dma_start3A_75 : memref<128x16xf32, #tpu.memory_space<vmem>>) offsets(%dma_start3A_78 : memref<128xi32, #tpu.memory_space<vmem>>) semaphore(%arg12 : memref<!tpu.dma_semaphore, #tpu.memory_space<semaphore_mem>>)
        %dma_wait3A = arith.constant 0 : i32
        %dma_wait3A_82 = arith.constant 0 : i32
        %dma_wait3A_83 = arith.constant 0 : i32
        %dma_wait3A_84 = tpu.memref_slice %arg10[%dma_wait3A, %dma_wait3A_82, %dma_wait3A_83] : memref<4x128x16xf32, #tpu.memory_space<vmem>> -> memref<1x128x16xf32, #tpu.memory_space<vmem>>
        %dma_wait3A_85 = tpu.memref_squeeze %dma_wait3A_84 : memref<1x128x16xf32, #tpu.memory_space<vmem>> -> memref<128x16xf32, #tpu.memory_space<vmem>>
        %dma_wait3A_86 = arith.constant 0 : i32
        %dma_wait3A_87 = tpu.memref_slice %arg8[%add3A_32, %dma_wait3A_86] : memref<28x128xi32, #tpu.memory_space<vmem>> -> memref<1x128xi32, #tpu.memory_space<vmem>>
        %dma_wait3A_88 = tpu.memref_squeeze %dma_wait3A_87 : memref<1x128xi32, #tpu.memory_space<vmem>> -> memref<128xi32, #tpu.memory_space<vmem>>
        %dma_wait3A_89 = arith.constant 0 : i32
        %dma_wait3A_90 = arith.constant 0 : i32
        %dma_wait3A_91 = tpu.memref_slice %arg2[%dma_wait3A_89, %dma_wait3A_90] : memref<100096x16xf32, #tpu.memory_space<hbm>> -> memref<100096x16xf32, #tpu.memory_space<hbm>>
        tpu.wait_indirect_dma semaphore(%arg12 : memref<!tpu.dma_semaphore, #tpu.memory_space<semaphore_mem>>) src(%dma_wait3A_91 : memref<100096x16xf32, #tpu.memory_space<hbm>>) dst(%dma_wait3A_85 : memref<128x16xf32, #tpu.memory_space<vmem>>)
        %add3A_92 = arith.constant 0 : i32
        %add3A_93 = arith.addi %mul3A_30, %add3A_92 : i32
        %run_scoped3A = arith.constant 0 : i32
        "tpu.region"() ({
          %run_scoped3A_136 = tpu.sem_alloc : memref<!tpu.dma_semaphore, #tpu.memory_space<semaphore_mem>>
          %dma_start3A_137 = arith.constant 0 : i32
          %dma_start3A_138 = arith.constant 0 : i32
          %dma_start3A_139 = tpu.memref_slice %arg10[%run_scoped3A, %dma_start3A_137, %dma_start3A_138] : memref<4x128x16xf32, #tpu.memory_space<vmem>> -> memref<1x128x16xf32, #tpu.memory_space<vmem>>
          %dma_start3A_140 = tpu.memref_squeeze %dma_start3A_139 : memref<1x128x16xf32, #tpu.memory_space<vmem>> -> memref<128x16xf32, #tpu.memory_space<vmem>>
          %dma_start3A_141 = arith.constant 0 : i32
          %dma_start3A_142 = tpu.memref_slice %arg9[%add3A_93, %dma_start3A_141] : memref<28x128xi32, #tpu.memory_space<vmem>> -> memref<1x128xi32, #tpu.memory_space<vmem>>
          %dma_start3A_143 = tpu.memref_squeeze %dma_start3A_142 : memref<1x128xi32, #tpu.memory_space<vmem>> -> memref<128xi32, #tpu.memory_space<vmem>>
          %dma_start3A_144 = arith.constant 0 : i32
          %dma_start3A_145 = arith.constant 0 : i32
          %dma_start3A_146 = tpu.memref_slice %arg7[%dma_start3A_144, %dma_start3A_145] : memref<100096x16xf32, #tpu.memory_space<vmem_shared>> -> memref<100096x16xf32, #tpu.memory_space<vmem_shared>>
          tpu.enqueue_indirect_dma source(%dma_start3A_140 : memref<128x16xf32, #tpu.memory_space<vmem>>) target(%dma_start3A_146 : memref<100096x16xf32, #tpu.memory_space<vmem_shared>>) offsets(%dma_start3A_143 : memref<128xi32, #tpu.memory_space<vmem>>) semaphore(%run_scoped3A_136 : memref<!tpu.dma_semaphore, #tpu.memory_space<semaphore_mem>>) {add = true}
          %dma_wait3A_147 = arith.constant 0 : i32
          %dma_wait3A_148 = arith.constant 0 : i32
          %dma_wait3A_149 = tpu.memref_slice %arg10[%run_scoped3A, %dma_wait3A_147, %dma_wait3A_148] : memref<4x128x16xf32, #tpu.memory_space<vmem>> -> memref<1x128x16xf32, #tpu.memory_space<vmem>>
          %dma_wait3A_150 = tpu.memref_squeeze %dma_wait3A_149 : memref<1x128x16xf32, #tpu.memory_space<vmem>> -> memref<128x16xf32, #tpu.memory_space<vmem>>
          %dma_wait3A_151 = arith.constant 0 : i32
          %dma_wait3A_152 = tpu.memref_slice %arg9[%add3A_93, %dma_wait3A_151] : memref<28x128xi32, #tpu.memory_space<vmem>> -> memref<1x128xi32, #tpu.memory_space<vmem>>
          %dma_wait3A_153 = tpu.memref_squeeze %dma_wait3A_152 : memref<1x128xi32, #tpu.memory_space<vmem>> -> memref<128xi32, #tpu.memory_space<vmem>>
          %dma_wait3A_154 = arith.constant 0 : i32
          %dma_wait3A_155 = arith.constant 0 : i32
          %dma_wait3A_156 = tpu.memref_slice %arg7[%dma_wait3A_154, %dma_wait3A_155] : memref<100096x16xf32, #tpu.memory_space<vmem_shared>> -> memref<100096x16xf32, #tpu.memory_space<vmem_shared>>
          tpu.wait_indirect_dma semaphore(%run_scoped3A_136 : memref<!tpu.dma_semaphore, #tpu.memory_space<semaphore_mem>>) src(%dma_wait3A_150 : memref<128x16xf32, #tpu.memory_space<vmem>>) dst(%dma_wait3A_156 : memref<100096x16xf32, #tpu.memory_space<vmem_shared>>)
          tpu.yield
        }) : () -> ()
        %dma_wait3A_94 = arith.constant 1 : i32
        %dma_wait3A_95 = arith.constant 0 : i32
        %dma_wait3A_96 = arith.constant 0 : i32
        %dma_wait3A_97 = tpu.memref_slice %arg10[%dma_wait3A_94, %dma_wait3A_95, %dma_wait3A_96] : memref<4x128x16xf32, #tpu.memory_space<vmem>> -> memref<1x128x16xf32, #tpu.memory_space<vmem>>
        %dma_wait3A_98 = tpu.memref_squeeze %dma_wait3A_97 : memref<1x128x16xf32, #tpu.memory_space<vmem>> -> memref<128x16xf32, #tpu.memory_space<vmem>>
        %dma_wait3A_99 = arith.constant 0 : i32
        %dma_wait3A_100 = tpu.memref_slice %arg8[%add3A_44, %dma_wait3A_99] : memref<28x128xi32, #tpu.memory_space<vmem>> -> memref<1x128xi32, #tpu.memory_space<vmem>>
        %dma_wait3A_101 = tpu.memref_squeeze %dma_wait3A_100 : memref<1x128xi32, #tpu.memory_space<vmem>> -> memref<128xi32, #tpu.memory_space<vmem>>
        %dma_wait3A_102 = arith.constant 0 : i32
        %dma_wait3A_103 = arith.constant 0 : i32
        %dma_wait3A_104 = tpu.memref_slice %arg2[%dma_wait3A_102, %dma_wait3A_103] : memref<100096x16xf32, #tpu.memory_space<hbm>> -> memref<100096x16xf32, #tpu.memory_space<hbm>>
        tpu.wait_indirect_dma semaphore(%arg12 : memref<!tpu.dma_semaphore, #tpu.memory_space<semaphore_mem>>) src(%dma_wait3A_104 : memref<100096x16xf32, #tpu.memory_space<hbm>>) dst(%dma_wait3A_98 : memref<128x16xf32, #tpu.memory_space<vmem>>)
        %add3A_105 = arith.constant 1 : i32
        %add3A_106 = arith.addi %mul3A_30, %add3A_105 : i32
        %run_scoped3A_107 = arith.constant 1 : i32
        "tpu.region"() ({
          %run_scoped3A_136 = tpu.sem_alloc : memref<!tpu.dma_semaphore, #tpu.memory_space<semaphore_mem>>
          %dma_start3A_137 = arith.constant 0 : i32
          %dma_start3A_138 = arith.constant 0 : i32
          %dma_start3A_139 = tpu.memref_slice %arg10[%run_scoped3A_107, %dma_start3A_137, %dma_start3A_138] : memref<4x128x16xf32, #tpu.memory_space<vmem>> -> memref<1x128x16xf32, #tpu.memory_space<vmem>>
          %dma_start3A_140 = tpu.memref_squeeze %dma_start3A_139 : memref<1x128x16xf32, #tpu.memory_space<vmem>> -> memref<128x16xf32, #tpu.memory_space<vmem>>
          %dma_start3A_141 = arith.constant 0 : i32
          %dma_start3A_142 = tpu.memref_slice %arg9[%add3A_106, %dma_start3A_141] : memref<28x128xi32, #tpu.memory_space<vmem>> -> memref<1x128xi32, #tpu.memory_space<vmem>>
          %dma_start3A_143 = tpu.memref_squeeze %dma_start3A_142 : memref<1x128xi32, #tpu.memory_space<vmem>> -> memref<128xi32, #tpu.memory_space<vmem>>
          %dma_start3A_144 = arith.constant 0 : i32
          %dma_start3A_145 = arith.constant 0 : i32
          %dma_start3A_146 = tpu.memref_slice %arg7[%dma_start3A_144, %dma_start3A_145] : memref<100096x16xf32, #tpu.memory_space<vmem_shared>> -> memref<100096x16xf32, #tpu.memory_space<vmem_shared>>
          tpu.enqueue_indirect_dma source(%dma_start3A_140 : memref<128x16xf32, #tpu.memory_space<vmem>>) target(%dma_start3A_146 : memref<100096x16xf32, #tpu.memory_space<vmem_shared>>) offsets(%dma_start3A_143 : memref<128xi32, #tpu.memory_space<vmem>>) semaphore(%run_scoped3A_136 : memref<!tpu.dma_semaphore, #tpu.memory_space<semaphore_mem>>) {add = true}
          %dma_wait3A_147 = arith.constant 0 : i32
          %dma_wait3A_148 = arith.constant 0 : i32
          %dma_wait3A_149 = tpu.memref_slice %arg10[%run_scoped3A_107, %dma_wait3A_147, %dma_wait3A_148] : memref<4x128x16xf32, #tpu.memory_space<vmem>> -> memref<1x128x16xf32, #tpu.memory_space<vmem>>
          %dma_wait3A_150 = tpu.memref_squeeze %dma_wait3A_149 : memref<1x128x16xf32, #tpu.memory_space<vmem>> -> memref<128x16xf32, #tpu.memory_space<vmem>>
          %dma_wait3A_151 = arith.constant 0 : i32
          %dma_wait3A_152 = tpu.memref_slice %arg9[%add3A_106, %dma_wait3A_151] : memref<28x128xi32, #tpu.memory_space<vmem>> -> memref<1x128xi32, #tpu.memory_space<vmem>>
          %dma_wait3A_153 = tpu.memref_squeeze %dma_wait3A_152 : memref<1x128xi32, #tpu.memory_space<vmem>> -> memref<128xi32, #tpu.memory_space<vmem>>
          %dma_wait3A_154 = arith.constant 0 : i32
          %dma_wait3A_155 = arith.constant 0 : i32
          %dma_wait3A_156 = tpu.memref_slice %arg7[%dma_wait3A_154, %dma_wait3A_155] : memref<100096x16xf32, #tpu.memory_space<vmem_shared>> -> memref<100096x16xf32, #tpu.memory_space<vmem_shared>>
          tpu.wait_indirect_dma semaphore(%run_scoped3A_136 : memref<!tpu.dma_semaphore, #tpu.memory_space<semaphore_mem>>) src(%dma_wait3A_150 : memref<128x16xf32, #tpu.memory_space<vmem>>) dst(%dma_wait3A_156 : memref<100096x16xf32, #tpu.memory_space<vmem_shared>>)
          tpu.yield
        }) : () -> ()
        %dma_wait3A_108 = arith.constant 2 : i32
        %dma_wait3A_109 = arith.constant 0 : i32
        %dma_wait3A_110 = arith.constant 0 : i32
        %dma_wait3A_111 = tpu.memref_slice %arg10[%dma_wait3A_108, %dma_wait3A_109, %dma_wait3A_110] : memref<4x128x16xf32, #tpu.memory_space<vmem>> -> memref<1x128x16xf32, #tpu.memory_space<vmem>>
        %dma_wait3A_112 = tpu.memref_squeeze %dma_wait3A_111 : memref<1x128x16xf32, #tpu.memory_space<vmem>> -> memref<128x16xf32, #tpu.memory_space<vmem>>
        %dma_wait3A_113 = arith.constant 0 : i32
        %dma_wait3A_114 = tpu.memref_slice %arg8[%add3A_57, %dma_wait3A_113] : memref<28x128xi32, #tpu.memory_space<vmem>> -> memref<1x128xi32, #tpu.memory_space<vmem>>
        %dma_wait3A_115 = tpu.memref_squeeze %dma_wait3A_114 : memref<1x128xi32, #tpu.memory_space<vmem>> -> memref<128xi32, #tpu.memory_space<vmem>>
        %dma_wait3A_116 = arith.constant 0 : i32
        %dma_wait3A_117 = arith.constant 0 : i32
        %dma_wait3A_118 = tpu.memref_slice %arg2[%dma_wait3A_116, %dma_wait3A_117] : memref<100096x16xf32, #tpu.memory_space<hbm>> -> memref<100096x16xf32, #tpu.memory_space<hbm>>
        tpu.wait_indirect_dma semaphore(%arg12 : memref<!tpu.dma_semaphore, #tpu.memory_space<semaphore_mem>>) src(%dma_wait3A_118 : memref<100096x16xf32, #tpu.memory_space<hbm>>) dst(%dma_wait3A_112 : memref<128x16xf32, #tpu.memory_space<vmem>>)
        %add3A_119 = arith.constant 2 : i32
        %add3A_120 = arith.addi %mul3A_30, %add3A_119 : i32
        %run_scoped3A_121 = arith.constant 2 : i32
        "tpu.region"() ({
          %run_scoped3A_136 = tpu.sem_alloc : memref<!tpu.dma_semaphore, #tpu.memory_space<semaphore_mem>>
          %dma_start3A_137 = arith.constant 0 : i32
          %dma_start3A_138 = arith.constant 0 : i32
          %dma_start3A_139 = tpu.memref_slice %arg10[%run_scoped3A_121, %dma_start3A_137, %dma_start3A_138] : memref<4x128x16xf32, #tpu.memory_space<vmem>> -> memref<1x128x16xf32, #tpu.memory_space<vmem>>
          %dma_start3A_140 = tpu.memref_squeeze %dma_start3A_139 : memref<1x128x16xf32, #tpu.memory_space<vmem>> -> memref<128x16xf32, #tpu.memory_space<vmem>>
          %dma_start3A_141 = arith.constant 0 : i32
          %dma_start3A_142 = tpu.memref_slice %arg9[%add3A_120, %dma_start3A_141] : memref<28x128xi32, #tpu.memory_space<vmem>> -> memref<1x128xi32, #tpu.memory_space<vmem>>
          %dma_start3A_143 = tpu.memref_squeeze %dma_start3A_142 : memref<1x128xi32, #tpu.memory_space<vmem>> -> memref<128xi32, #tpu.memory_space<vmem>>
          %dma_start3A_144 = arith.constant 0 : i32
          %dma_start3A_145 = arith.constant 0 : i32
          %dma_start3A_146 = tpu.memref_slice %arg7[%dma_start3A_144, %dma_start3A_145] : memref<100096x16xf32, #tpu.memory_space<vmem_shared>> -> memref<100096x16xf32, #tpu.memory_space<vmem_shared>>
          tpu.enqueue_indirect_dma source(%dma_start3A_140 : memref<128x16xf32, #tpu.memory_space<vmem>>) target(%dma_start3A_146 : memref<100096x16xf32, #tpu.memory_space<vmem_shared>>) offsets(%dma_start3A_143 : memref<128xi32, #tpu.memory_space<vmem>>) semaphore(%run_scoped3A_136 : memref<!tpu.dma_semaphore, #tpu.memory_space<semaphore_mem>>) {add = true}
          %dma_wait3A_147 = arith.constant 0 : i32
          %dma_wait3A_148 = arith.constant 0 : i32
          %dma_wait3A_149 = tpu.memref_slice %arg10[%run_scoped3A_121, %dma_wait3A_147, %dma_wait3A_148] : memref<4x128x16xf32, #tpu.memory_space<vmem>> -> memref<1x128x16xf32, #tpu.memory_space<vmem>>
          %dma_wait3A_150 = tpu.memref_squeeze %dma_wait3A_149 : memref<1x128x16xf32, #tpu.memory_space<vmem>> -> memref<128x16xf32, #tpu.memory_space<vmem>>
          %dma_wait3A_151 = arith.constant 0 : i32
          %dma_wait3A_152 = tpu.memref_slice %arg9[%add3A_120, %dma_wait3A_151] : memref<28x128xi32, #tpu.memory_space<vmem>> -> memref<1x128xi32, #tpu.memory_space<vmem>>
          %dma_wait3A_153 = tpu.memref_squeeze %dma_wait3A_152 : memref<1x128xi32, #tpu.memory_space<vmem>> -> memref<128xi32, #tpu.memory_space<vmem>>
          %dma_wait3A_154 = arith.constant 0 : i32
          %dma_wait3A_155 = arith.constant 0 : i32
          %dma_wait3A_156 = tpu.memref_slice %arg7[%dma_wait3A_154, %dma_wait3A_155] : memref<100096x16xf32, #tpu.memory_space<vmem_shared>> -> memref<100096x16xf32, #tpu.memory_space<vmem_shared>>
          tpu.wait_indirect_dma semaphore(%run_scoped3A_136 : memref<!tpu.dma_semaphore, #tpu.memory_space<semaphore_mem>>) src(%dma_wait3A_150 : memref<128x16xf32, #tpu.memory_space<vmem>>) dst(%dma_wait3A_156 : memref<100096x16xf32, #tpu.memory_space<vmem_shared>>)
          tpu.yield
        }) : () -> ()
        %dma_wait3A_122 = arith.constant 3 : i32
        %dma_wait3A_123 = arith.constant 0 : i32
        %dma_wait3A_124 = arith.constant 0 : i32
        %dma_wait3A_125 = tpu.memref_slice %arg10[%dma_wait3A_122, %dma_wait3A_123, %dma_wait3A_124] : memref<4x128x16xf32, #tpu.memory_space<vmem>> -> memref<1x128x16xf32, #tpu.memory_space<vmem>>
        %dma_wait3A_126 = tpu.memref_squeeze %dma_wait3A_125 : memref<1x128x16xf32, #tpu.memory_space<vmem>> -> memref<128x16xf32, #tpu.memory_space<vmem>>
        %dma_wait3A_127 = arith.constant 0 : i32
        %dma_wait3A_128 = tpu.memref_slice %arg8[%add3A_70, %dma_wait3A_127] : memref<28x128xi32, #tpu.memory_space<vmem>> -> memref<1x128xi32, #tpu.memory_space<vmem>>
        %dma_wait3A_129 = tpu.memref_squeeze %dma_wait3A_128 : memref<1x128xi32, #tpu.memory_space<vmem>> -> memref<128xi32, #tpu.memory_space<vmem>>
        %dma_wait3A_130 = arith.constant 0 : i32
        %dma_wait3A_131 = arith.constant 0 : i32
        %dma_wait3A_132 = tpu.memref_slice %arg2[%dma_wait3A_130, %dma_wait3A_131] : memref<100096x16xf32, #tpu.memory_space<hbm>> -> memref<100096x16xf32, #tpu.memory_space<hbm>>
        tpu.wait_indirect_dma semaphore(%arg12 : memref<!tpu.dma_semaphore, #tpu.memory_space<semaphore_mem>>) src(%dma_wait3A_132 : memref<100096x16xf32, #tpu.memory_space<hbm>>) dst(%dma_wait3A_126 : memref<128x16xf32, #tpu.memory_space<vmem>>)
        %add3A_133 = arith.constant 3 : i32
        %add3A_134 = arith.addi %mul3A_30, %add3A_133 : i32
        %run_scoped3A_135 = arith.constant 3 : i32
        "tpu.region"() ({
          %run_scoped3A_136 = tpu.sem_alloc : memref<!tpu.dma_semaphore, #tpu.memory_space<semaphore_mem>>
          %dma_start3A_137 = arith.constant 0 : i32
          %dma_start3A_138 = arith.constant 0 : i32
          %dma_start3A_139 = tpu.memref_slice %arg10[%run_scoped3A_135, %dma_start3A_137, %dma_start3A_138] : memref<4x128x16xf32, #tpu.memory_space<vmem>> -> memref<1x128x16xf32, #tpu.memory_space<vmem>>
          %dma_start3A_140 = tpu.memref_squeeze %dma_start3A_139 : memref<1x128x16xf32, #tpu.memory_space<vmem>> -> memref<128x16xf32, #tpu.memory_space<vmem>>
          %dma_start3A_141 = arith.constant 0 : i32
          %dma_start3A_142 = tpu.memref_slice %arg9[%add3A_134, %dma_start3A_141] : memref<28x128xi32, #tpu.memory_space<vmem>> -> memref<1x128xi32, #tpu.memory_space<vmem>>
          %dma_start3A_143 = tpu.memref_squeeze %dma_start3A_142 : memref<1x128xi32, #tpu.memory_space<vmem>> -> memref<128xi32, #tpu.memory_space<vmem>>
          %dma_start3A_144 = arith.constant 0 : i32
          %dma_start3A_145 = arith.constant 0 : i32
          %dma_start3A_146 = tpu.memref_slice %arg7[%dma_start3A_144, %dma_start3A_145] : memref<100096x16xf32, #tpu.memory_space<vmem_shared>> -> memref<100096x16xf32, #tpu.memory_space<vmem_shared>>
          tpu.enqueue_indirect_dma source(%dma_start3A_140 : memref<128x16xf32, #tpu.memory_space<vmem>>) target(%dma_start3A_146 : memref<100096x16xf32, #tpu.memory_space<vmem_shared>>) offsets(%dma_start3A_143 : memref<128xi32, #tpu.memory_space<vmem>>) semaphore(%run_scoped3A_136 : memref<!tpu.dma_semaphore, #tpu.memory_space<semaphore_mem>>) {add = true}
          %dma_wait3A_147 = arith.constant 0 : i32
          %dma_wait3A_148 = arith.constant 0 : i32
          %dma_wait3A_149 = tpu.memref_slice %arg10[%run_scoped3A_135, %dma_wait3A_147, %dma_wait3A_148] : memref<4x128x16xf32, #tpu.memory_space<vmem>> -> memref<1x128x16xf32, #tpu.memory_space<vmem>>
          %dma_wait3A_150 = tpu.memref_squeeze %dma_wait3A_149 : memref<1x128x16xf32, #tpu.memory_space<vmem>> -> memref<128x16xf32, #tpu.memory_space<vmem>>
          %dma_wait3A_151 = arith.constant 0 : i32
          %dma_wait3A_152 = tpu.memref_slice %arg9[%add3A_134, %dma_wait3A_151] : memref<28x128xi32, #tpu.memory_space<vmem>> -> memref<1x128xi32, #tpu.memory_space<vmem>>
          %dma_wait3A_153 = tpu.memref_squeeze %dma_wait3A_152 : memref<1x128xi32, #tpu.memory_space<vmem>> -> memref<128xi32, #tpu.memory_space<vmem>>
          %dma_wait3A_154 = arith.constant 0 : i32
          %dma_wait3A_155 = arith.constant 0 : i32
          %dma_wait3A_156 = tpu.memref_slice %arg7[%dma_wait3A_154, %dma_wait3A_155] : memref<100096x16xf32, #tpu.memory_space<vmem_shared>> -> memref<100096x16xf32, #tpu.memory_space<vmem_shared>>
          tpu.wait_indirect_dma semaphore(%run_scoped3A_136 : memref<!tpu.dma_semaphore, #tpu.memory_space<semaphore_mem>>) src(%dma_wait3A_150 : memref<128x16xf32, #tpu.memory_space<vmem>>) dst(%dma_wait3A_156 : memref<100096x16xf32, #tpu.memory_space<vmem_shared>>)
          tpu.yield
        }) : () -> ()
      }
      %scan3A_27 = arith.constant 7 : i32
    }
    %scan3A_13 = arith.constant 14 : i32
    %barrier3A_14 = arith.constant 0 : index
    tpu.barrier barrier_id(%barrier3A_14)
    %scan3A_15 = arith.constant 0 : i32
    %scan3A_16 = arith.constant 0 : i32
    %scan3A_17 = arith.constant 8 : i32
    %scan3A_18 = arith.addi %scan3A_16, %scan3A_17 : i32
    %scan3A_19 = arith.constant 1 : i32
    scf.for %scan3A_21 = %scan3A_16 to %scan3A_18 step %scan3A_19  : i32 {
      %mul3A_22 = arith.constant 782 : i32
      %mul3A_23 = arith.muli %scan3A_21, %mul3A_22 : i32
      %add3A_24 = arith.addi %mul3A_2, %mul3A_23 : i32
      "tpu.region"() ({
        %run_scoped3A = tpu.sem_alloc : memref<!tpu.dma_semaphore, #tpu.memory_space<semaphore_mem>>
        %dma_start3A = arith.constant 0 : i32
        %dma_start3A_28 = tpu.memref_slice %arg7[%add3A_24, %dma_start3A] : memref<100096x16xf32, #tpu.memory_space<vmem_shared>> -> memref<782x16xf32, #tpu.memory_space<vmem_shared>>
        %dma_start3A_29 = arith.constant 0 : i32
        %dma_start3A_30 = tpu.memref_slice %arg7[%add3A_24, %dma_start3A_29] : memref<100096x16xf32, #tpu.memory_space<vmem_shared>> -> memref<782x16xf32, #tpu.memory_space<vmem_shared>>
        tpu.enqueue_dma source(%dma_start3A_30 : memref<782x16xf32, #tpu.memory_space<vmem_shared>>) target(%arg11 : memref<782x16xf32, #tpu.memory_space<vmem>>) target_semaphore(%run_scoped3A : memref<!tpu.dma_semaphore, #tpu.memory_space<semaphore_mem>>)
        %dma_wait3A = arith.constant 0 : i32
        %dma_wait3A_31 = tpu.memref_slice %arg7[%add3A_24, %dma_wait3A] : memref<100096x16xf32, #tpu.memory_space<vmem_shared>> -> memref<782x16xf32, #tpu.memory_space<vmem_shared>>
        %dma_wait3A_32 = arith.constant 0 : i32
        %dma_wait3A_33 = tpu.memref_slice %arg7[%add3A_24, %dma_wait3A_32] : memref<100096x16xf32, #tpu.memory_space<vmem_shared>> -> memref<782x16xf32, #tpu.memory_space<vmem_shared>>
        tpu.wait_dma2 semaphore(%run_scoped3A : memref<!tpu.dma_semaphore, #tpu.memory_space<semaphore_mem>>) src(%dma_wait3A_33 : memref<782x16xf32, #tpu.memory_space<vmem_shared>>) dst(%arg11 : memref<782x16xf32, #tpu.memory_space<vmem>>)
        tpu.yield
      }) : () -> ()
      %mul3A_25 = arith.constant 782 : i32
      %mul3A_26 = arith.muli %scan3A_21, %mul3A_25 : i32
      %add3A_27 = arith.addi %mul3A_2, %mul3A_26 : i32
      "tpu.region"() ({
        %run_scoped3A = tpu.sem_alloc : memref<!tpu.dma_semaphore, #tpu.memory_space<semaphore_mem>>
        %dma_start3A = arith.constant 0 : i32
        %dma_start3A_28 = tpu.memref_slice %arg6[%arg0, %add3A_27, %dma_start3A] : memref<2x100096x16xf32, #tpu.memory_space<hbm>> -> memref<1x782x16xf32, #tpu.memory_space<hbm>>
        %dma_start3A_29 = tpu.memref_squeeze %dma_start3A_28 : memref<1x782x16xf32, #tpu.memory_space<hbm>> -> memref<782x16xf32, #tpu.memory_space<hbm>>
        %dma_start3A_30 = arith.constant 0 : i32
        %dma_start3A_31 = tpu.memref_slice %arg6[%arg0, %add3A_27, %dma_start3A_30] : memref<2x100096x16xf32, #tpu.memory_space<hbm>> -> memref<1x782x16xf32, #tpu.memory_space<hbm>>
        %dma_start3A_32 = tpu.memref_squeeze %dma_start3A_31 : memref<1x782x16xf32, #tpu.memory_space<hbm>> -> memref<782x16xf32, #tpu.memory_space<hbm>>
        tpu.enqueue_dma source(%arg11 : memref<782x16xf32, #tpu.memory_space<vmem>>) target(%dma_start3A_32 : memref<782x16xf32, #tpu.memory_space<hbm>>) target_semaphore(%run_scoped3A : memref<!tpu.dma_semaphore, #tpu.memory_space<semaphore_mem>>)
        %dma_wait3A = arith.constant 0 : i32
        %dma_wait3A_33 = tpu.memref_slice %arg6[%arg0, %add3A_27, %dma_wait3A] : memref<2x100096x16xf32, #tpu.memory_space<hbm>> -> memref<1x782x16xf32, #tpu.memory_space<hbm>>
        %dma_wait3A_34 = tpu.memref_squeeze %dma_wait3A_33 : memref<1x782x16xf32, #tpu.memory_space<hbm>> -> memref<782x16xf32, #tpu.memory_space<hbm>>
        %dma_wait3A_35 = arith.constant 0 : i32
        %dma_wait3A_36 = tpu.memref_slice %arg6[%arg0, %add3A_27, %dma_wait3A_35] : memref<2x100096x16xf32, #tpu.memory_space<hbm>> -> memref<1x782x16xf32, #tpu.memory_space<hbm>>
        %dma_wait3A_37 = tpu.memref_squeeze %dma_wait3A_36 : memref<1x782x16xf32, #tpu.memory_space<hbm>> -> memref<782x16xf32, #tpu.memory_space<hbm>>
        tpu.wait_dma2 semaphore(%run_scoped3A : memref<!tpu.dma_semaphore, #tpu.memory_space<semaphore_mem>>) src(%arg11 : memref<782x16xf32, #tpu.memory_space<vmem>>) dst(%dma_wait3A_37 : memref<782x16xf32, #tpu.memory_space<hbm>>)
        tpu.yield
      }) : () -> ()
    }
    %scan3A_20 = arith.constant 8 : i32
    return
  }
}

#map = affine_map<(d0, d1) -> (0, 0)>
#map1 = affine_map<(d0, d1) -> (0, 0, 0, 0)>
#map2 = affine_map<(d0, d1) -> (0, 0, 0)>
module attributes {stable_mosaic.version = 14 : i64} {
  func.func @agg(%arg0: i32, %arg1: i32, %arg2: memref<100096x16xf32, #tpu.memory_space<hbm>>, %arg3: memref<32x14x28x128xi32, #tpu.memory_space<hbm>>, %arg4: memref<32x14x28x128xi32, #tpu.memory_space<hbm>>, %arg5: memref<782x16xf32, #tpu.memory_space<hbm>>, %arg6: memref<2x100096x16xf32, #tpu.memory_space<hbm>>, %arg7: memref<100096x16xf32, #tpu.memory_space<vmem_shared>>, %arg8: memref<28x128xi32, #tpu.memory_space<vmem>>, %arg9: memref<28x128xi32, #tpu.memory_space<vmem>>, %arg10: memref<4x128x16xf32, #tpu.memory_space<vmem>>, %arg11: memref<782x16xf32, #tpu.memory_space<vmem>>, %arg12: memref<!tpu.dma_semaphore, #tpu.memory_space<semaphore_mem>>, %arg13: memref<!tpu.dma_semaphore, #tpu.memory_space<semaphore_mem>>) attributes {dimension_semantics = [#tpu.dimension_semantics<core_parallel>, #tpu.dimension_semantics<subcore_parallel>], iteration_bounds = array<i64: 2, 16>, scalar_prefetch = 0 : i64, scratch_operands = 7 : i64, tpu.core_type = #tpu.core_type<sc_vector_subcore>, window_params = [{transform_indices = #map}, {transform_indices = #map1}, {transform_indices = #map1}, {transform_indices = #map}, {transform_indices = #map2}]} {
    %mul3A = arith.constant 2 : i32
    %mul3A_0 = arith.muli %arg1, %mul3A : i32
    %add3A = arith.addi %mul3A_0, %arg0 : i32
    "tpu.region"() ({
      %run_scoped3A = tpu.sem_alloc : memref<!tpu.dma_semaphore, #tpu.memory_space<semaphore_mem>>
      tpu.enqueue_dma source(%arg5 : memref<782x16xf32, #tpu.memory_space<hbm>>) target(%arg11 : memref<782x16xf32, #tpu.memory_space<vmem>>) target_semaphore(%run_scoped3A : memref<!tpu.dma_semaphore, #tpu.memory_space<semaphore_mem>>)
      tpu.wait_dma2 semaphore(%run_scoped3A : memref<!tpu.dma_semaphore, #tpu.memory_space<semaphore_mem>>) src(%arg5 : memref<782x16xf32, #tpu.memory_space<hbm>>) dst(%arg11 : memref<782x16xf32, #tpu.memory_space<vmem>>)
      tpu.yield
    }) : () -> ()
    %mul3A_1 = arith.constant 6256 : i32
    %mul3A_2 = arith.muli %arg1, %mul3A_1 : i32
    %scan3A = arith.constant 0 : i32
    %scan3A_3 = arith.constant 0 : i32
    %scan3A_4 = arith.constant 8 : i32
    %scan3A_5 = arith.addi %scan3A_3, %scan3A_4 : i32
    %scan3A_6 = arith.constant 1 : i32
    scf.for %scan3A_21 = %scan3A_3 to %scan3A_5 step %scan3A_6  : i32 {
      %mul3A_22 = arith.constant 782 : i32
      %mul3A_23 = arith.muli %scan3A_21, %mul3A_22 : i32
      %add3A_24 = arith.addi %mul3A_2, %mul3A_23 : i32
      "tpu.region"() ({
        %run_scoped3A = tpu.sem_alloc : memref<!tpu.dma_semaphore, #tpu.memory_space<semaphore_mem>>
        %dma_start3A = arith.constant 0 : i32
        %dma_start3A_25 = tpu.memref_slice %arg7[%add3A_24, %dma_start3A] : memref<100096x16xf32, #tpu.memory_space<vmem_shared>> -> memref<782x16xf32, #tpu.memory_space<vmem_shared>>
        %dma_start3A_26 = arith.constant 0 : i32
        %dma_start3A_27 = tpu.memref_slice %arg7[%add3A_24, %dma_start3A_26] : memref<100096x16xf32, #tpu.memory_space<vmem_shared>> -> memref<782x16xf32, #tpu.memory_space<vmem_shared>>
        tpu.enqueue_dma source(%arg11 : memref<782x16xf32, #tpu.memory_space<vmem>>) target(%dma_start3A_27 : memref<782x16xf32, #tpu.memory_space<vmem_shared>>) target_semaphore(%run_scoped3A : memref<!tpu.dma_semaphore, #tpu.memory_space<semaphore_mem>>)
        %dma_wait3A = arith.constant 0 : i32
        %dma_wait3A_28 = tpu.memref_slice %arg7[%add3A_24, %dma_wait3A] : memref<100096x16xf32, #tpu.memory_space<vmem_shared>> -> memref<782x16xf32, #tpu.memory_space<vmem_shared>>
        %dma_wait3A_29 = arith.constant 0 : i32
        %dma_wait3A_30 = tpu.memref_slice %arg7[%add3A_24, %dma_wait3A_29] : memref<100096x16xf32, #tpu.memory_space<vmem_shared>> -> memref<782x16xf32, #tpu.memory_space<vmem_shared>>
        tpu.wait_dma2 semaphore(%run_scoped3A : memref<!tpu.dma_semaphore, #tpu.memory_space<semaphore_mem>>) src(%arg11 : memref<782x16xf32, #tpu.memory_space<vmem>>) dst(%dma_wait3A_30 : memref<782x16xf32, #tpu.memory_space<vmem_shared>>)
        tpu.yield
      }) : () -> ()
    }
    %scan3A_7 = arith.constant 8 : i32
    %barrier3A = arith.constant 0 : index
    tpu.barrier barrier_id(%barrier3A)
    %scan3A_8 = arith.constant 0 : i32
    %scan3A_9 = arith.constant 0 : i32
    %scan3A_10 = arith.constant 14 : i32
    %scan3A_11 = arith.addi %scan3A_9, %scan3A_10 : i32
    %scan3A_12 = arith.constant 1 : i32
    scf.for %scan3A_21 = %scan3A_9 to %scan3A_11 step %scan3A_12  : i32 {
      "tpu.region"() ({
        %run_scoped3A = tpu.sem_alloc : memref<!tpu.dma_semaphore, #tpu.memory_space<semaphore_mem>>
        %dma_start3A = arith.constant 0 : i32
        %dma_start3A_28 = arith.constant 0 : i32
        %dma_start3A_29 = tpu.memref_slice %arg3[%add3A, %scan3A_21, %dma_start3A, %dma_start3A_28] : memref<32x14x28x128xi32, #tpu.memory_space<hbm>> -> memref<1x1x28x128xi32, #tpu.memory_space<hbm>>
        %dma_start3A_30 = tpu.memref_squeeze %dma_start3A_29 : memref<1x1x28x128xi32, #tpu.memory_space<hbm>> -> memref<28x128xi32, #tpu.memory_space<hbm>>
        %dma_start3A_31 = arith.constant 0 : i32
        %dma_start3A_32 = arith.constant 0 : i32
        %dma_start3A_33 = tpu.memref_slice %arg3[%add3A, %scan3A_21, %dma_start3A_31, %dma_start3A_32] : memref<32x14x28x128xi32, #tpu.memory_space<hbm>> -> memref<1x1x28x128xi32, #tpu.memory_space<hbm>>
        %dma_start3A_34 = tpu.memref_squeeze %dma_start3A_33 : memref<1x1x28x128xi32, #tpu.memory_space<hbm>> -> memref<28x128xi32, #tpu.memory_space<hbm>>
        tpu.enqueue_dma source(%dma_start3A_34 : memref<28x128xi32, #tpu.memory_space<hbm>>) target(%arg8 : memref<28x128xi32, #tpu.memory_space<vmem>>) target_semaphore(%run_scoped3A : memref<!tpu.dma_semaphore, #tpu.memory_space<semaphore_mem>>)
        %dma_wait3A = arith.constant 0 : i32
        %dma_wait3A_35 = arith.constant 0 : i32
        %dma_wait3A_36 = tpu.memref_slice %arg3[%add3A, %scan3A_21, %dma_wait3A, %dma_wait3A_35] : memref<32x14x28x128xi32, #tpu.memory_space<hbm>> -> memref<1x1x28x128xi32, #tpu.memory_space<hbm>>
        %dma_wait3A_37 = tpu.memref_squeeze %dma_wait3A_36 : memref<1x1x28x128xi32, #tpu.memory_space<hbm>> -> memref<28x128xi32, #tpu.memory_space<hbm>>
        %dma_wait3A_38 = arith.constant 0 : i32
        %dma_wait3A_39 = arith.constant 0 : i32
        %dma_wait3A_40 = tpu.memref_slice %arg3[%add3A, %scan3A_21, %dma_wait3A_38, %dma_wait3A_39] : memref<32x14x28x128xi32, #tpu.memory_space<hbm>> -> memref<1x1x28x128xi32, #tpu.memory_space<hbm>>
        %dma_wait3A_41 = tpu.memref_squeeze %dma_wait3A_40 : memref<1x1x28x128xi32, #tpu.memory_space<hbm>> -> memref<28x128xi32, #tpu.memory_space<hbm>>
        tpu.wait_dma2 semaphore(%run_scoped3A : memref<!tpu.dma_semaphore, #tpu.memory_space<semaphore_mem>>) src(%dma_wait3A_41 : memref<28x128xi32, #tpu.memory_space<hbm>>) dst(%arg8 : memref<28x128xi32, #tpu.memory_space<vmem>>)
        tpu.yield
      }) : () -> ()
      "tpu.region"() ({
        %run_scoped3A = tpu.sem_alloc : memref<!tpu.dma_semaphore, #tpu.memory_space<semaphore_mem>>
        %dma_start3A = arith.constant 0 : i32
        %dma_start3A_28 = arith.constant 0 : i32
        %dma_start3A_29 = tpu.memref_slice %arg4[%add3A, %scan3A_21, %dma_start3A, %dma_start3A_28] : memref<32x14x28x128xi32, #tpu.memory_space<hbm>> -> memref<1x1x28x128xi32, #tpu.memory_space<hbm>>
        %dma_start3A_30 = tpu.memref_squeeze %dma_start3A_29 : memref<1x1x28x128xi32, #tpu.memory_space<hbm>> -> memref<28x128xi32, #tpu.memory_space<hbm>>
        %dma_start3A_31 = arith.constant 0 : i32
        %dma_start3A_32 = arith.constant 0 : i32
        %dma_start3A_33 = tpu.memref_slice %arg4[%add3A, %scan3A_21, %dma_start3A_31, %dma_start3A_32] : memref<32x14x28x128xi32, #tpu.memory_space<hbm>> -> memref<1x1x28x128xi32, #tpu.memory_space<hbm>>
        %dma_start3A_34 = tpu.memref_squeeze %dma_start3A_33 : memref<1x1x28x128xi32, #tpu.memory_space<hbm>> -> memref<28x128xi32, #tpu.memory_space<hbm>>
        tpu.enqueue_dma source(%dma_start3A_34 : memref<28x128xi32, #tpu.memory_space<hbm>>) target(%arg9 : memref<28x128xi32, #tpu.memory_space<vmem>>) target_semaphore(%run_scoped3A : memref<!tpu.dma_semaphore, #tpu.memory_space<semaphore_mem>>)
        %dma_wait3A = arith.constant 0 : i32
        %dma_wait3A_35 = arith.constant 0 : i32
        %dma_wait3A_36 = tpu.memref_slice %arg4[%add3A, %scan3A_21, %dma_wait3A, %dma_wait3A_35] : memref<32x14x28x128xi32, #tpu.memory_space<hbm>> -> memref<1x1x28x128xi32, #tpu.memory_space<hbm>>
        %dma_wait3A_37 = tpu.memref_squeeze %dma_wait3A_36 : memref<1x1x28x128xi32, #tpu.memory_space<hbm>> -> memref<28x128xi32, #tpu.memory_space<hbm>>
        %dma_wait3A_38 = arith.constant 0 : i32
        %dma_wait3A_39 = arith.constant 0 : i32
        %dma_wait3A_40 = tpu.memref_slice %arg4[%add3A, %scan3A_21, %dma_wait3A_38, %dma_wait3A_39] : memref<32x14x28x128xi32, #tpu.memory_space<hbm>> -> memref<1x1x28x128xi32, #tpu.memory_space<hbm>>
        %dma_wait3A_41 = tpu.memref_squeeze %dma_wait3A_40 : memref<1x1x28x128xi32, #tpu.memory_space<hbm>> -> memref<28x128xi32, #tpu.memory_space<hbm>>
        tpu.wait_dma2 semaphore(%run_scoped3A : memref<!tpu.dma_semaphore, #tpu.memory_space<semaphore_mem>>) src(%dma_wait3A_41 : memref<28x128xi32, #tpu.memory_space<hbm>>) dst(%arg9 : memref<28x128xi32, #tpu.memory_space<vmem>>)
        tpu.yield
      }) : () -> ()
      %scan3A_22 = arith.constant 0 : i32
      %scan3A_23 = arith.constant 0 : i32
      %scan3A_24 = arith.constant 7 : i32
      %scan3A_25 = arith.addi %scan3A_23, %scan3A_24 : i32
      %scan3A_26 = arith.constant 1 : i32
      scf.for %scan3A_28 = %scan3A_23 to %scan3A_25 step %scan3A_26  : i32 {
        %mul3A_29 = arith.constant 4 : i32
        %mul3A_30 = arith.muli %scan3A_28, %mul3A_29 : i32
        %add3A_31 = arith.constant 0 : i32
        %add3A_32 = arith.addi %mul3A_30, %add3A_31 : i32
        %dma_start3A = arith.constant 0 : i32
        %dma_start3A_33 = arith.constant 0 : i32
        %dma_start3A_34 = arith.constant 0 : i32
        %dma_start3A_35 = tpu.memref_slice %arg10[%dma_start3A, %dma_start3A_33, %dma_start3A_34] : memref<4x128x16xf32, #tpu.memory_space<vmem>> -> memref<1x128x16xf32, #tpu.memory_space<vmem>>
        %dma_start3A_36 = tpu.memref_squeeze %dma_start3A_35 : memref<1x128x16xf32, #tpu.memory_space<vmem>> -> memref<128x16xf32, #tpu.memory_space<vmem>>
        %dma_start3A_37 = arith.constant 0 : i32
        %dma_start3A_38 = tpu.memref_slice %arg8[%add3A_32, %dma_start3A_37] : memref<28x128xi32, #tpu.memory_space<vmem>> -> memref<1x128xi32, #tpu.memory_space<vmem>>
        %dma_start3A_39 = tpu.memref_squeeze %dma_start3A_38 : memref<1x128xi32, #tpu.memory_space<vmem>> -> memref<128xi32, #tpu.memory_space<vmem>>
        %dma_start3A_40 = arith.constant 0 : i32
        %dma_start3A_41 = arith.constant 0 : i32
        %dma_start3A_42 = tpu.memref_slice %arg2[%dma_start3A_40, %dma_start3A_41] : memref<100096x16xf32, #tpu.memory_space<hbm>> -> memref<100096x16xf32, #tpu.memory_space<hbm>>
        tpu.enqueue_indirect_dma source(%dma_start3A_42 : memref<100096x16xf32, #tpu.memory_space<hbm>>) target(%dma_start3A_36 : memref<128x16xf32, #tpu.memory_space<vmem>>) offsets(%dma_start3A_39 : memref<128xi32, #tpu.memory_space<vmem>>) semaphore(%arg12 : memref<!tpu.dma_semaphore, #tpu.memory_space<semaphore_mem>>)
        %add3A_43 = arith.constant 1 : i32
        %add3A_44 = arith.addi %mul3A_30, %add3A_43 : i32
        %dma_start3A_45 = arith.constant 1 : i32
        %dma_start3A_46 = arith.constant 0 : i32
        %dma_start3A_47 = arith.constant 0 : i32
        %dma_start3A_48 = tpu.memref_slice %arg10[%dma_start3A_45, %dma_start3A_46, %dma_start3A_47] : memref<4x128x16xf32, #tpu.memory_space<vmem>> -> memref<1x128x16xf32, #tpu.memory_space<vmem>>
        %dma_start3A_49 = tpu.memref_squeeze %dma_start3A_48 : memref<1x128x16xf32, #tpu.memory_space<vmem>> -> memref<128x16xf32, #tpu.memory_space<vmem>>
        %dma_start3A_50 = arith.constant 0 : i32
        %dma_start3A_51 = tpu.memref_slice %arg8[%add3A_44, %dma_start3A_50] : memref<28x128xi32, #tpu.memory_space<vmem>> -> memref<1x128xi32, #tpu.memory_space<vmem>>
        %dma_start3A_52 = tpu.memref_squeeze %dma_start3A_51 : memref<1x128xi32, #tpu.memory_space<vmem>> -> memref<128xi32, #tpu.memory_space<vmem>>
        %dma_start3A_53 = arith.constant 0 : i32
        %dma_start3A_54 = arith.constant 0 : i32
        %dma_start3A_55 = tpu.memref_slice %arg2[%dma_start3A_53, %dma_start3A_54] : memref<100096x16xf32, #tpu.memory_space<hbm>> -> memref<100096x16xf32, #tpu.memory_space<hbm>>
        tpu.enqueue_indirect_dma source(%dma_start3A_55 : memref<100096x16xf32, #tpu.memory_space<hbm>>) target(%dma_start3A_49 : memref<128x16xf32, #tpu.memory_space<vmem>>) offsets(%dma_start3A_52 : memref<128xi32, #tpu.memory_space<vmem>>) semaphore(%arg12 : memref<!tpu.dma_semaphore, #tpu.memory_space<semaphore_mem>>)
        %add3A_56 = arith.constant 2 : i32
        %add3A_57 = arith.addi %mul3A_30, %add3A_56 : i32
        %dma_start3A_58 = arith.constant 2 : i32
        %dma_start3A_59 = arith.constant 0 : i32
        %dma_start3A_60 = arith.constant 0 : i32
        %dma_start3A_61 = tpu.memref_slice %arg10[%dma_start3A_58, %dma_start3A_59, %dma_start3A_60] : memref<4x128x16xf32, #tpu.memory_space<vmem>> -> memref<1x128x16xf32, #tpu.memory_space<vmem>>
        %dma_start3A_62 = tpu.memref_squeeze %dma_start3A_61 : memref<1x128x16xf32, #tpu.memory_space<vmem>> -> memref<128x16xf32, #tpu.memory_space<vmem>>
        %dma_start3A_63 = arith.constant 0 : i32
        %dma_start3A_64 = tpu.memref_slice %arg8[%add3A_57, %dma_start3A_63] : memref<28x128xi32, #tpu.memory_space<vmem>> -> memref<1x128xi32, #tpu.memory_space<vmem>>
        %dma_start3A_65 = tpu.memref_squeeze %dma_start3A_64 : memref<1x128xi32, #tpu.memory_space<vmem>> -> memref<128xi32, #tpu.memory_space<vmem>>
        %dma_start3A_66 = arith.constant 0 : i32
        %dma_start3A_67 = arith.constant 0 : i32
        %dma_start3A_68 = tpu.memref_slice %arg2[%dma_start3A_66, %dma_start3A_67] : memref<100096x16xf32, #tpu.memory_space<hbm>> -> memref<100096x16xf32, #tpu.memory_space<hbm>>
        tpu.enqueue_indirect_dma source(%dma_start3A_68 : memref<100096x16xf32, #tpu.memory_space<hbm>>) target(%dma_start3A_62 : memref<128x16xf32, #tpu.memory_space<vmem>>) offsets(%dma_start3A_65 : memref<128xi32, #tpu.memory_space<vmem>>) semaphore(%arg12 : memref<!tpu.dma_semaphore, #tpu.memory_space<semaphore_mem>>)
        %add3A_69 = arith.constant 3 : i32
        %add3A_70 = arith.addi %mul3A_30, %add3A_69 : i32
        %dma_start3A_71 = arith.constant 3 : i32
        %dma_start3A_72 = arith.constant 0 : i32
        %dma_start3A_73 = arith.constant 0 : i32
        %dma_start3A_74 = tpu.memref_slice %arg10[%dma_start3A_71, %dma_start3A_72, %dma_start3A_73] : memref<4x128x16xf32, #tpu.memory_space<vmem>> -> memref<1x128x16xf32, #tpu.memory_space<vmem>>
        %dma_start3A_75 = tpu.memref_squeeze %dma_start3A_74 : memref<1x128x16xf32, #tpu.memory_space<vmem>> -> memref<128x16xf32, #tpu.memory_space<vmem>>
        %dma_start3A_76 = arith.constant 0 : i32
        %dma_start3A_77 = tpu.memref_slice %arg8[%add3A_70, %dma_start3A_76] : memref<28x128xi32, #tpu.memory_space<vmem>> -> memref<1x128xi32, #tpu.memory_space<vmem>>
        %dma_start3A_78 = tpu.memref_squeeze %dma_start3A_77 : memref<1x128xi32, #tpu.memory_space<vmem>> -> memref<128xi32, #tpu.memory_space<vmem>>
        %dma_start3A_79 = arith.constant 0 : i32
        %dma_start3A_80 = arith.constant 0 : i32
        %dma_start3A_81 = tpu.memref_slice %arg2[%dma_start3A_79, %dma_start3A_80] : memref<100096x16xf32, #tpu.memory_space<hbm>> -> memref<100096x16xf32, #tpu.memory_space<hbm>>
        tpu.enqueue_indirect_dma source(%dma_start3A_81 : memref<100096x16xf32, #tpu.memory_space<hbm>>) target(%dma_start3A_75 : memref<128x16xf32, #tpu.memory_space<vmem>>) offsets(%dma_start3A_78 : memref<128xi32, #tpu.memory_space<vmem>>) semaphore(%arg12 : memref<!tpu.dma_semaphore, #tpu.memory_space<semaphore_mem>>)
        %dma_wait3A = arith.constant 0 : i32
        %dma_wait3A_82 = arith.constant 0 : i32
        %dma_wait3A_83 = arith.constant 0 : i32
        %dma_wait3A_84 = tpu.memref_slice %arg10[%dma_wait3A, %dma_wait3A_82, %dma_wait3A_83] : memref<4x128x16xf32, #tpu.memory_space<vmem>> -> memref<1x128x16xf32, #tpu.memory_space<vmem>>
        %dma_wait3A_85 = tpu.memref_squeeze %dma_wait3A_84 : memref<1x128x16xf32, #tpu.memory_space<vmem>> -> memref<128x16xf32, #tpu.memory_space<vmem>>
        %dma_wait3A_86 = arith.constant 0 : i32
        %dma_wait3A_87 = tpu.memref_slice %arg8[%add3A_32, %dma_wait3A_86] : memref<28x128xi32, #tpu.memory_space<vmem>> -> memref<1x128xi32, #tpu.memory_space<vmem>>
        %dma_wait3A_88 = tpu.memref_squeeze %dma_wait3A_87 : memref<1x128xi32, #tpu.memory_space<vmem>> -> memref<128xi32, #tpu.memory_space<vmem>>
        %dma_wait3A_89 = arith.constant 0 : i32
        %dma_wait3A_90 = arith.constant 0 : i32
        %dma_wait3A_91 = tpu.memref_slice %arg2[%dma_wait3A_89, %dma_wait3A_90] : memref<100096x16xf32, #tpu.memory_space<hbm>> -> memref<100096x16xf32, #tpu.memory_space<hbm>>
        tpu.wait_indirect_dma semaphore(%arg12 : memref<!tpu.dma_semaphore, #tpu.memory_space<semaphore_mem>>) src(%dma_wait3A_91 : memref<100096x16xf32, #tpu.memory_space<hbm>>) dst(%dma_wait3A_85 : memref<128x16xf32, #tpu.memory_space<vmem>>)
        %add3A_92 = arith.constant 0 : i32
        %add3A_93 = arith.addi %mul3A_30, %add3A_92 : i32
        %run_scoped3A = arith.constant 0 : i32
        "tpu.region"() ({
          %run_scoped3A_136 = tpu.sem_alloc : memref<!tpu.dma_semaphore, #tpu.memory_space<semaphore_mem>>
          %dma_start3A_137 = arith.constant 0 : i32
          %dma_start3A_138 = arith.constant 0 : i32
          %dma_start3A_139 = tpu.memref_slice %arg10[%run_scoped3A, %dma_start3A_137, %dma_start3A_138] : memref<4x128x16xf32, #tpu.memory_space<vmem>> -> memref<1x128x16xf32, #tpu.memory_space<vmem>>
          %dma_start3A_140 = tpu.memref_squeeze %dma_start3A_139 : memref<1x128x16xf32, #tpu.memory_space<vmem>> -> memref<128x16xf32, #tpu.memory_space<vmem>>
          %dma_start3A_141 = arith.constant 0 : i32
          %dma_start3A_142 = tpu.memref_slice %arg9[%add3A_93, %dma_start3A_141] : memref<28x128xi32, #tpu.memory_space<vmem>> -> memref<1x128xi32, #tpu.memory_space<vmem>>
          %dma_start3A_143 = tpu.memref_squeeze %dma_start3A_142 : memref<1x128xi32, #tpu.memory_space<vmem>> -> memref<128xi32, #tpu.memory_space<vmem>>
          %dma_start3A_144 = arith.constant 0 : i32
          %dma_start3A_145 = arith.constant 0 : i32
          %dma_start3A_146 = tpu.memref_slice %arg7[%dma_start3A_144, %dma_start3A_145] : memref<100096x16xf32, #tpu.memory_space<vmem_shared>> -> memref<100096x16xf32, #tpu.memory_space<vmem_shared>>
          tpu.enqueue_indirect_dma source(%dma_start3A_140 : memref<128x16xf32, #tpu.memory_space<vmem>>) target(%dma_start3A_146 : memref<100096x16xf32, #tpu.memory_space<vmem_shared>>) offsets(%dma_start3A_143 : memref<128xi32, #tpu.memory_space<vmem>>) semaphore(%run_scoped3A_136 : memref<!tpu.dma_semaphore, #tpu.memory_space<semaphore_mem>>) {add = true}
          %dma_wait3A_147 = arith.constant 0 : i32
          %dma_wait3A_148 = arith.constant 0 : i32
          %dma_wait3A_149 = tpu.memref_slice %arg10[%run_scoped3A, %dma_wait3A_147, %dma_wait3A_148] : memref<4x128x16xf32, #tpu.memory_space<vmem>> -> memref<1x128x16xf32, #tpu.memory_space<vmem>>
          %dma_wait3A_150 = tpu.memref_squeeze %dma_wait3A_149 : memref<1x128x16xf32, #tpu.memory_space<vmem>> -> memref<128x16xf32, #tpu.memory_space<vmem>>
          %dma_wait3A_151 = arith.constant 0 : i32
          %dma_wait3A_152 = tpu.memref_slice %arg9[%add3A_93, %dma_wait3A_151] : memref<28x128xi32, #tpu.memory_space<vmem>> -> memref<1x128xi32, #tpu.memory_space<vmem>>
          %dma_wait3A_153 = tpu.memref_squeeze %dma_wait3A_152 : memref<1x128xi32, #tpu.memory_space<vmem>> -> memref<128xi32, #tpu.memory_space<vmem>>
          %dma_wait3A_154 = arith.constant 0 : i32
          %dma_wait3A_155 = arith.constant 0 : i32
          %dma_wait3A_156 = tpu.memref_slice %arg7[%dma_wait3A_154, %dma_wait3A_155] : memref<100096x16xf32, #tpu.memory_space<vmem_shared>> -> memref<100096x16xf32, #tpu.memory_space<vmem_shared>>
          tpu.wait_indirect_dma semaphore(%run_scoped3A_136 : memref<!tpu.dma_semaphore, #tpu.memory_space<semaphore_mem>>) src(%dma_wait3A_150 : memref<128x16xf32, #tpu.memory_space<vmem>>) dst(%dma_wait3A_156 : memref<100096x16xf32, #tpu.memory_space<vmem_shared>>)
          tpu.yield
        }) : () -> ()
        %dma_wait3A_94 = arith.constant 1 : i32
        %dma_wait3A_95 = arith.constant 0 : i32
        %dma_wait3A_96 = arith.constant 0 : i32
        %dma_wait3A_97 = tpu.memref_slice %arg10[%dma_wait3A_94, %dma_wait3A_95, %dma_wait3A_96] : memref<4x128x16xf32, #tpu.memory_space<vmem>> -> memref<1x128x16xf32, #tpu.memory_space<vmem>>
        %dma_wait3A_98 = tpu.memref_squeeze %dma_wait3A_97 : memref<1x128x16xf32, #tpu.memory_space<vmem>> -> memref<128x16xf32, #tpu.memory_space<vmem>>
        %dma_wait3A_99 = arith.constant 0 : i32
        %dma_wait3A_100 = tpu.memref_slice %arg8[%add3A_44, %dma_wait3A_99] : memref<28x128xi32, #tpu.memory_space<vmem>> -> memref<1x128xi32, #tpu.memory_space<vmem>>
        %dma_wait3A_101 = tpu.memref_squeeze %dma_wait3A_100 : memref<1x128xi32, #tpu.memory_space<vmem>> -> memref<128xi32, #tpu.memory_space<vmem>>
        %dma_wait3A_102 = arith.constant 0 : i32
        %dma_wait3A_103 = arith.constant 0 : i32
        %dma_wait3A_104 = tpu.memref_slice %arg2[%dma_wait3A_102, %dma_wait3A_103] : memref<100096x16xf32, #tpu.memory_space<hbm>> -> memref<100096x16xf32, #tpu.memory_space<hbm>>
        tpu.wait_indirect_dma semaphore(%arg12 : memref<!tpu.dma_semaphore, #tpu.memory_space<semaphore_mem>>) src(%dma_wait3A_104 : memref<100096x16xf32, #tpu.memory_space<hbm>>) dst(%dma_wait3A_98 : memref<128x16xf32, #tpu.memory_space<vmem>>)
        %add3A_105 = arith.constant 1 : i32
        %add3A_106 = arith.addi %mul3A_30, %add3A_105 : i32
        %run_scoped3A_107 = arith.constant 1 : i32
        "tpu.region"() ({
          %run_scoped3A_136 = tpu.sem_alloc : memref<!tpu.dma_semaphore, #tpu.memory_space<semaphore_mem>>
          %dma_start3A_137 = arith.constant 0 : i32
          %dma_start3A_138 = arith.constant 0 : i32
          %dma_start3A_139 = tpu.memref_slice %arg10[%run_scoped3A_107, %dma_start3A_137, %dma_start3A_138] : memref<4x128x16xf32, #tpu.memory_space<vmem>> -> memref<1x128x16xf32, #tpu.memory_space<vmem>>
          %dma_start3A_140 = tpu.memref_squeeze %dma_start3A_139 : memref<1x128x16xf32, #tpu.memory_space<vmem>> -> memref<128x16xf32, #tpu.memory_space<vmem>>
          %dma_start3A_141 = arith.constant 0 : i32
          %dma_start3A_142 = tpu.memref_slice %arg9[%add3A_106, %dma_start3A_141] : memref<28x128xi32, #tpu.memory_space<vmem>> -> memref<1x128xi32, #tpu.memory_space<vmem>>
          %dma_start3A_143 = tpu.memref_squeeze %dma_start3A_142 : memref<1x128xi32, #tpu.memory_space<vmem>> -> memref<128xi32, #tpu.memory_space<vmem>>
          %dma_start3A_144 = arith.constant 0 : i32
          %dma_start3A_145 = arith.constant 0 : i32
          %dma_start3A_146 = tpu.memref_slice %arg7[%dma_start3A_144, %dma_start3A_145] : memref<100096x16xf32, #tpu.memory_space<vmem_shared>> -> memref<100096x16xf32, #tpu.memory_space<vmem_shared>>
          tpu.enqueue_indirect_dma source(%dma_start3A_140 : memref<128x16xf32, #tpu.memory_space<vmem>>) target(%dma_start3A_146 : memref<100096x16xf32, #tpu.memory_space<vmem_shared>>) offsets(%dma_start3A_143 : memref<128xi32, #tpu.memory_space<vmem>>) semaphore(%run_scoped3A_136 : memref<!tpu.dma_semaphore, #tpu.memory_space<semaphore_mem>>) {add = true}
          %dma_wait3A_147 = arith.constant 0 : i32
          %dma_wait3A_148 = arith.constant 0 : i32
          %dma_wait3A_149 = tpu.memref_slice %arg10[%run_scoped3A_107, %dma_wait3A_147, %dma_wait3A_148] : memref<4x128x16xf32, #tpu.memory_space<vmem>> -> memref<1x128x16xf32, #tpu.memory_space<vmem>>
          %dma_wait3A_150 = tpu.memref_squeeze %dma_wait3A_149 : memref<1x128x16xf32, #tpu.memory_space<vmem>> -> memref<128x16xf32, #tpu.memory_space<vmem>>
          %dma_wait3A_151 = arith.constant 0 : i32
          %dma_wait3A_152 = tpu.memref_slice %arg9[%add3A_106, %dma_wait3A_151] : memref<28x128xi32, #tpu.memory_space<vmem>> -> memref<1x128xi32, #tpu.memory_space<vmem>>
          %dma_wait3A_153 = tpu.memref_squeeze %dma_wait3A_152 : memref<1x128xi32, #tpu.memory_space<vmem>> -> memref<128xi32, #tpu.memory_space<vmem>>
          %dma_wait3A_154 = arith.constant 0 : i32
          %dma_wait3A_155 = arith.constant 0 : i32
          %dma_wait3A_156 = tpu.memref_slice %arg7[%dma_wait3A_154, %dma_wait3A_155] : memref<100096x16xf32, #tpu.memory_space<vmem_shared>> -> memref<100096x16xf32, #tpu.memory_space<vmem_shared>>
          tpu.wait_indirect_dma semaphore(%run_scoped3A_136 : memref<!tpu.dma_semaphore, #tpu.memory_space<semaphore_mem>>) src(%dma_wait3A_150 : memref<128x16xf32, #tpu.memory_space<vmem>>) dst(%dma_wait3A_156 : memref<100096x16xf32, #tpu.memory_space<vmem_shared>>)
          tpu.yield
        }) : () -> ()
        %dma_wait3A_108 = arith.constant 2 : i32
        %dma_wait3A_109 = arith.constant 0 : i32
        %dma_wait3A_110 = arith.constant 0 : i32
        %dma_wait3A_111 = tpu.memref_slice %arg10[%dma_wait3A_108, %dma_wait3A_109, %dma_wait3A_110] : memref<4x128x16xf32, #tpu.memory_space<vmem>> -> memref<1x128x16xf32, #tpu.memory_space<vmem>>
        %dma_wait3A_112 = tpu.memref_squeeze %dma_wait3A_111 : memref<1x128x16xf32, #tpu.memory_space<vmem>> -> memref<128x16xf32, #tpu.memory_space<vmem>>
        %dma_wait3A_113 = arith.constant 0 : i32
        %dma_wait3A_114 = tpu.memref_slice %arg8[%add3A_57, %dma_wait3A_113] : memref<28x128xi32, #tpu.memory_space<vmem>> -> memref<1x128xi32, #tpu.memory_space<vmem>>
        %dma_wait3A_115 = tpu.memref_squeeze %dma_wait3A_114 : memref<1x128xi32, #tpu.memory_space<vmem>> -> memref<128xi32, #tpu.memory_space<vmem>>
        %dma_wait3A_116 = arith.constant 0 : i32
        %dma_wait3A_117 = arith.constant 0 : i32
        %dma_wait3A_118 = tpu.memref_slice %arg2[%dma_wait3A_116, %dma_wait3A_117] : memref<100096x16xf32, #tpu.memory_space<hbm>> -> memref<100096x16xf32, #tpu.memory_space<hbm>>
        tpu.wait_indirect_dma semaphore(%arg12 : memref<!tpu.dma_semaphore, #tpu.memory_space<semaphore_mem>>) src(%dma_wait3A_118 : memref<100096x16xf32, #tpu.memory_space<hbm>>) dst(%dma_wait3A_112 : memref<128x16xf32, #tpu.memory_space<vmem>>)
        %add3A_119 = arith.constant 2 : i32
        %add3A_120 = arith.addi %mul3A_30, %add3A_119 : i32
        %run_scoped3A_121 = arith.constant 2 : i32
        "tpu.region"() ({
          %run_scoped3A_136 = tpu.sem_alloc : memref<!tpu.dma_semaphore, #tpu.memory_space<semaphore_mem>>
          %dma_start3A_137 = arith.constant 0 : i32
          %dma_start3A_138 = arith.constant 0 : i32
          %dma_start3A_139 = tpu.memref_slice %arg10[%run_scoped3A_121, %dma_start3A_137, %dma_start3A_138] : memref<4x128x16xf32, #tpu.memory_space<vmem>> -> memref<1x128x16xf32, #tpu.memory_space<vmem>>
          %dma_start3A_140 = tpu.memref_squeeze %dma_start3A_139 : memref<1x128x16xf32, #tpu.memory_space<vmem>> -> memref<128x16xf32, #tpu.memory_space<vmem>>
          %dma_start3A_141 = arith.constant 0 : i32
          %dma_start3A_142 = tpu.memref_slice %arg9[%add3A_120, %dma_start3A_141] : memref<28x128xi32, #tpu.memory_space<vmem>> -> memref<1x128xi32, #tpu.memory_space<vmem>>
          %dma_start3A_143 = tpu.memref_squeeze %dma_start3A_142 : memref<1x128xi32, #tpu.memory_space<vmem>> -> memref<128xi32, #tpu.memory_space<vmem>>
          %dma_start3A_144 = arith.constant 0 : i32
          %dma_start3A_145 = arith.constant 0 : i32
          %dma_start3A_146 = tpu.memref_slice %arg7[%dma_start3A_144, %dma_start3A_145] : memref<100096x16xf32, #tpu.memory_space<vmem_shared>> -> memref<100096x16xf32, #tpu.memory_space<vmem_shared>>
          tpu.enqueue_indirect_dma source(%dma_start3A_140 : memref<128x16xf32, #tpu.memory_space<vmem>>) target(%dma_start3A_146 : memref<100096x16xf32, #tpu.memory_space<vmem_shared>>) offsets(%dma_start3A_143 : memref<128xi32, #tpu.memory_space<vmem>>) semaphore(%run_scoped3A_136 : memref<!tpu.dma_semaphore, #tpu.memory_space<semaphore_mem>>) {add = true}
          %dma_wait3A_147 = arith.constant 0 : i32
          %dma_wait3A_148 = arith.constant 0 : i32
          %dma_wait3A_149 = tpu.memref_slice %arg10[%run_scoped3A_121, %dma_wait3A_147, %dma_wait3A_148] : memref<4x128x16xf32, #tpu.memory_space<vmem>> -> memref<1x128x16xf32, #tpu.memory_space<vmem>>
          %dma_wait3A_150 = tpu.memref_squeeze %dma_wait3A_149 : memref<1x128x16xf32, #tpu.memory_space<vmem>> -> memref<128x16xf32, #tpu.memory_space<vmem>>
          %dma_wait3A_151 = arith.constant 0 : i32
          %dma_wait3A_152 = tpu.memref_slice %arg9[%add3A_120, %dma_wait3A_151] : memref<28x128xi32, #tpu.memory_space<vmem>> -> memref<1x128xi32, #tpu.memory_space<vmem>>
          %dma_wait3A_153 = tpu.memref_squeeze %dma_wait3A_152 : memref<1x128xi32, #tpu.memory_space<vmem>> -> memref<128xi32, #tpu.memory_space<vmem>>
          %dma_wait3A_154 = arith.constant 0 : i32
          %dma_wait3A_155 = arith.constant 0 : i32
          %dma_wait3A_156 = tpu.memref_slice %arg7[%dma_wait3A_154, %dma_wait3A_155] : memref<100096x16xf32, #tpu.memory_space<vmem_shared>> -> memref<100096x16xf32, #tpu.memory_space<vmem_shared>>
          tpu.wait_indirect_dma semaphore(%run_scoped3A_136 : memref<!tpu.dma_semaphore, #tpu.memory_space<semaphore_mem>>) src(%dma_wait3A_150 : memref<128x16xf32, #tpu.memory_space<vmem>>) dst(%dma_wait3A_156 : memref<100096x16xf32, #tpu.memory_space<vmem_shared>>)
          tpu.yield
        }) : () -> ()
        %dma_wait3A_122 = arith.constant 3 : i32
        %dma_wait3A_123 = arith.constant 0 : i32
        %dma_wait3A_124 = arith.constant 0 : i32
        %dma_wait3A_125 = tpu.memref_slice %arg10[%dma_wait3A_122, %dma_wait3A_123, %dma_wait3A_124] : memref<4x128x16xf32, #tpu.memory_space<vmem>> -> memref<1x128x16xf32, #tpu.memory_space<vmem>>
        %dma_wait3A_126 = tpu.memref_squeeze %dma_wait3A_125 : memref<1x128x16xf32, #tpu.memory_space<vmem>> -> memref<128x16xf32, #tpu.memory_space<vmem>>
        %dma_wait3A_127 = arith.constant 0 : i32
        %dma_wait3A_128 = tpu.memref_slice %arg8[%add3A_70, %dma_wait3A_127] : memref<28x128xi32, #tpu.memory_space<vmem>> -> memref<1x128xi32, #tpu.memory_space<vmem>>
        %dma_wait3A_129 = tpu.memref_squeeze %dma_wait3A_128 : memref<1x128xi32, #tpu.memory_space<vmem>> -> memref<128xi32, #tpu.memory_space<vmem>>
        %dma_wait3A_130 = arith.constant 0 : i32
        %dma_wait3A_131 = arith.constant 0 : i32
        %dma_wait3A_132 = tpu.memref_slice %arg2[%dma_wait3A_130, %dma_wait3A_131] : memref<100096x16xf32, #tpu.memory_space<hbm>> -> memref<100096x16xf32, #tpu.memory_space<hbm>>
        tpu.wait_indirect_dma semaphore(%arg12 : memref<!tpu.dma_semaphore, #tpu.memory_space<semaphore_mem>>) src(%dma_wait3A_132 : memref<100096x16xf32, #tpu.memory_space<hbm>>) dst(%dma_wait3A_126 : memref<128x16xf32, #tpu.memory_space<vmem>>)
        %add3A_133 = arith.constant 3 : i32
        %add3A_134 = arith.addi %mul3A_30, %add3A_133 : i32
        %run_scoped3A_135 = arith.constant 3 : i32
        "tpu.region"() ({
          %run_scoped3A_136 = tpu.sem_alloc : memref<!tpu.dma_semaphore, #tpu.memory_space<semaphore_mem>>
          %dma_start3A_137 = arith.constant 0 : i32
          %dma_start3A_138 = arith.constant 0 : i32
          %dma_start3A_139 = tpu.memref_slice %arg10[%run_scoped3A_135, %dma_start3A_137, %dma_start3A_138] : memref<4x128x16xf32, #tpu.memory_space<vmem>> -> memref<1x128x16xf32, #tpu.memory_space<vmem>>
          %dma_start3A_140 = tpu.memref_squeeze %dma_start3A_139 : memref<1x128x16xf32, #tpu.memory_space<vmem>> -> memref<128x16xf32, #tpu.memory_space<vmem>>
          %dma_start3A_141 = arith.constant 0 : i32
          %dma_start3A_142 = tpu.memref_slice %arg9[%add3A_134, %dma_start3A_141] : memref<28x128xi32, #tpu.memory_space<vmem>> -> memref<1x128xi32, #tpu.memory_space<vmem>>
          %dma_start3A_143 = tpu.memref_squeeze %dma_start3A_142 : memref<1x128xi32, #tpu.memory_space<vmem>> -> memref<128xi32, #tpu.memory_space<vmem>>
          %dma_start3A_144 = arith.constant 0 : i32
          %dma_start3A_145 = arith.constant 0 : i32
          %dma_start3A_146 = tpu.memref_slice %arg7[%dma_start3A_144, %dma_start3A_145] : memref<100096x16xf32, #tpu.memory_space<vmem_shared>> -> memref<100096x16xf32, #tpu.memory_space<vmem_shared>>
          tpu.enqueue_indirect_dma source(%dma_start3A_140 : memref<128x16xf32, #tpu.memory_space<vmem>>) target(%dma_start3A_146 : memref<100096x16xf32, #tpu.memory_space<vmem_shared>>) offsets(%dma_start3A_143 : memref<128xi32, #tpu.memory_space<vmem>>) semaphore(%run_scoped3A_136 : memref<!tpu.dma_semaphore, #tpu.memory_space<semaphore_mem>>) {add = true}
          %dma_wait3A_147 = arith.constant 0 : i32
          %dma_wait3A_148 = arith.constant 0 : i32
          %dma_wait3A_149 = tpu.memref_slice %arg10[%run_scoped3A_135, %dma_wait3A_147, %dma_wait3A_148] : memref<4x128x16xf32, #tpu.memory_space<vmem>> -> memref<1x128x16xf32, #tpu.memory_space<vmem>>
          %dma_wait3A_150 = tpu.memref_squeeze %dma_wait3A_149 : memref<1x128x16xf32, #tpu.memory_space<vmem>> -> memref<128x16xf32, #tpu.memory_space<vmem>>
          %dma_wait3A_151 = arith.constant 0 : i32
          %dma_wait3A_152 = tpu.memref_slice %arg9[%add3A_134, %dma_wait3A_151] : memref<28x128xi32, #tpu.memory_space<vmem>> -> memref<1x128xi32, #tpu.memory_space<vmem>>
          %dma_wait3A_153 = tpu.memref_squeeze %dma_wait3A_152 : memref<1x128xi32, #tpu.memory_space<vmem>> -> memref<128xi32, #tpu.memory_space<vmem>>
          %dma_wait3A_154 = arith.constant 0 : i32
          %dma_wait3A_155 = arith.constant 0 : i32
          %dma_wait3A_156 = tpu.memref_slice %arg7[%dma_wait3A_154, %dma_wait3A_155] : memref<100096x16xf32, #tpu.memory_space<vmem_shared>> -> memref<100096x16xf32, #tpu.memory_space<vmem_shared>>
          tpu.wait_indirect_dma semaphore(%run_scoped3A_136 : memref<!tpu.dma_semaphore, #tpu.memory_space<semaphore_mem>>) src(%dma_wait3A_150 : memref<128x16xf32, #tpu.memory_space<vmem>>) dst(%dma_wait3A_156 : memref<100096x16xf32, #tpu.memory_space<vmem_shared>>)
          tpu.yield
        }) : () -> ()
      }
      %scan3A_27 = arith.constant 7 : i32
    }
    %scan3A_13 = arith.constant 14 : i32
    %barrier3A_14 = arith.constant 0 : index
    tpu.barrier barrier_id(%barrier3A_14)
    %scan3A_15 = arith.constant 0 : i32
    %scan3A_16 = arith.constant 0 : i32
    %scan3A_17 = arith.constant 8 : i32
    %scan3A_18 = arith.addi %scan3A_16, %scan3A_17 : i32
    %scan3A_19 = arith.constant 1 : i32
    scf.for %scan3A_21 = %scan3A_16 to %scan3A_18 step %scan3A_19  : i32 {
      %mul3A_22 = arith.constant 782 : i32
      %mul3A_23 = arith.muli %scan3A_21, %mul3A_22 : i32
      %add3A_24 = arith.addi %mul3A_2, %mul3A_23 : i32
      "tpu.region"() ({
        %run_scoped3A = tpu.sem_alloc : memref<!tpu.dma_semaphore, #tpu.memory_space<semaphore_mem>>
        %dma_start3A = arith.constant 0 : i32
        %dma_start3A_28 = tpu.memref_slice %arg7[%add3A_24, %dma_start3A] : memref<100096x16xf32, #tpu.memory_space<vmem_shared>> -> memref<782x16xf32, #tpu.memory_space<vmem_shared>>
        %dma_start3A_29 = arith.constant 0 : i32
        %dma_start3A_30 = tpu.memref_slice %arg7[%add3A_24, %dma_start3A_29] : memref<100096x16xf32, #tpu.memory_space<vmem_shared>> -> memref<782x16xf32, #tpu.memory_space<vmem_shared>>
        tpu.enqueue_dma source(%dma_start3A_30 : memref<782x16xf32, #tpu.memory_space<vmem_shared>>) target(%arg11 : memref<782x16xf32, #tpu.memory_space<vmem>>) target_semaphore(%run_scoped3A : memref<!tpu.dma_semaphore, #tpu.memory_space<semaphore_mem>>)
        %dma_wait3A = arith.constant 0 : i32
        %dma_wait3A_31 = tpu.memref_slice %arg7[%add3A_24, %dma_wait3A] : memref<100096x16xf32, #tpu.memory_space<vmem_shared>> -> memref<782x16xf32, #tpu.memory_space<vmem_shared>>
        %dma_wait3A_32 = arith.constant 0 : i32
        %dma_wait3A_33 = tpu.memref_slice %arg7[%add3A_24, %dma_wait3A_32] : memref<100096x16xf32, #tpu.memory_space<vmem_shared>> -> memref<782x16xf32, #tpu.memory_space<vmem_shared>>
        tpu.wait_dma2 semaphore(%run_scoped3A : memref<!tpu.dma_semaphore, #tpu.memory_space<semaphore_mem>>) src(%dma_wait3A_33 : memref<782x16xf32, #tpu.memory_space<vmem_shared>>) dst(%arg11 : memref<782x16xf32, #tpu.memory_space<vmem>>)
        tpu.yield
      }) : () -> ()
      %mul3A_25 = arith.constant 782 : i32
      %mul3A_26 = arith.muli %scan3A_21, %mul3A_25 : i32
      %add3A_27 = arith.addi %mul3A_2, %mul3A_26 : i32
      "tpu.region"() ({
        %run_scoped3A = tpu.sem_alloc : memref<!tpu.dma_semaphore, #tpu.memory_space<semaphore_mem>>
        %dma_start3A = arith.constant 0 : i32
        %dma_start3A_28 = tpu.memref_slice %arg6[%arg0, %add3A_27, %dma_start3A] : memref<2x100096x16xf32, #tpu.memory_space<hbm>> -> memref<1x782x16xf32, #tpu.memory_space<hbm>>
        %dma_start3A_29 = tpu.memref_squeeze %dma_start3A_28 : memref<1x782x16xf32, #tpu.memory_space<hbm>> -> memref<782x16xf32, #tpu.memory_space<hbm>>
        %dma_start3A_30 = arith.constant 0 : i32
        %dma_start3A_31 = tpu.memref_slice %arg6[%arg0, %add3A_27, %dma_start3A_30] : memref<2x100096x16xf32, #tpu.memory_space<hbm>> -> memref<1x782x16xf32, #tpu.memory_space<hbm>>
        %dma_start3A_32 = tpu.memref_squeeze %dma_start3A_31 : memref<1x782x16xf32, #tpu.memory_space<hbm>> -> memref<782x16xf32, #tpu.memory_space<hbm>>
        tpu.enqueue_dma source(%arg11 : memref<782x16xf32, #tpu.memory_space<vmem>>) target(%dma_start3A_32 : memref<782x16xf32, #tpu.memory_space<hbm>>) target_semaphore(%run_scoped3A : memref<!tpu.dma_semaphore, #tpu.memory_space<semaphore_mem>>)
        %dma_wait3A = arith.constant 0 : i32
        %dma_wait3A_33 = tpu.memref_slice %arg6[%arg0, %add3A_27, %dma_wait3A] : memref<2x100096x16xf32, #tpu.memory_space<hbm>> -> memref<1x782x16xf32, #tpu.memory_space<hbm>>
        %dma_wait3A_34 = tpu.memref_squeeze %dma_wait3A_33 : memref<1x782x16xf32, #tpu.memory_space<hbm>> -> memref<782x16xf32, #tpu.memory_space<hbm>>
        %dma_wait3A_35 = arith.constant 0 : i32
        %dma_wait3A_36 = tpu.memref_slice %arg6[%arg0, %add3A_27, %dma_wait3A_35] : memref<2x100096x16xf32, #tpu.memory_space<hbm>> -> memref<1x782x16xf32, #tpu.memory_space<hbm>>
        %dma_wait3A_37 = tpu.memref_squeeze %dma_wait3A_36 : memref<1x782x16xf32, #tpu.memory_space<hbm>> -> memref<782x16xf32, #tpu.memory_space<hbm>>
        tpu.wait_dma2 semaphore(%run_scoped3A : memref<!tpu.dma_semaphore, #tpu.memory_space<semaphore_mem>>) src(%arg11 : memref<782x16xf32, #tpu.memory_space<vmem>>) dst(%dma_wait3A_37 : memref<782x16xf32, #tpu.memory_space<hbm>>)
        tpu.yield
      }) : () -> ()
    }
    %scan3A_20 = arith.constant 8 : i32
    return
  }
}

#map = affine_map<(d0, d1) -> (0, 0)>
#map1 = affine_map<(d0, d1) -> (0, 0, 0, 0)>
#map2 = affine_map<(d0, d1) -> (0, 0, 0)>
module attributes {stable_mosaic.version = 14 : i64} {
  func.func @agg(%arg0: i32, %arg1: i32, %arg2: memref<100096x16xf32, #tpu.memory_space<hbm>>, %arg3: memref<32x14x28x128xi32, #tpu.memory_space<hbm>>, %arg4: memref<32x14x28x128xi32, #tpu.memory_space<hbm>>, %arg5: memref<782x16xf32, #tpu.memory_space<hbm>>, %arg6: memref<2x100096x16xf32, #tpu.memory_space<hbm>>, %arg7: memref<100096x16xf32, #tpu.memory_space<vmem_shared>>, %arg8: memref<28x128xi32, #tpu.memory_space<vmem>>, %arg9: memref<28x128xi32, #tpu.memory_space<vmem>>, %arg10: memref<4x128x16xf32, #tpu.memory_space<vmem>>, %arg11: memref<782x16xf32, #tpu.memory_space<vmem>>, %arg12: memref<!tpu.dma_semaphore, #tpu.memory_space<semaphore_mem>>, %arg13: memref<!tpu.dma_semaphore, #tpu.memory_space<semaphore_mem>>) attributes {dimension_semantics = [#tpu.dimension_semantics<core_parallel>, #tpu.dimension_semantics<subcore_parallel>], iteration_bounds = array<i64: 2, 16>, scalar_prefetch = 0 : i64, scratch_operands = 7 : i64, tpu.core_type = #tpu.core_type<sc_vector_subcore>, window_params = [{transform_indices = #map}, {transform_indices = #map1}, {transform_indices = #map1}, {transform_indices = #map}, {transform_indices = #map2}]} {
    %mul3A = arith.constant 2 : i32
    %mul3A_0 = arith.muli %arg1, %mul3A : i32
    %add3A = arith.addi %mul3A_0, %arg0 : i32
    "tpu.region"() ({
      %run_scoped3A = tpu.sem_alloc : memref<!tpu.dma_semaphore, #tpu.memory_space<semaphore_mem>>
      tpu.enqueue_dma source(%arg5 : memref<782x16xf32, #tpu.memory_space<hbm>>) target(%arg11 : memref<782x16xf32, #tpu.memory_space<vmem>>) target_semaphore(%run_scoped3A : memref<!tpu.dma_semaphore, #tpu.memory_space<semaphore_mem>>)
      tpu.wait_dma2 semaphore(%run_scoped3A : memref<!tpu.dma_semaphore, #tpu.memory_space<semaphore_mem>>) src(%arg5 : memref<782x16xf32, #tpu.memory_space<hbm>>) dst(%arg11 : memref<782x16xf32, #tpu.memory_space<vmem>>)
      tpu.yield
    }) : () -> ()
    %mul3A_1 = arith.constant 6256 : i32
    %mul3A_2 = arith.muli %arg1, %mul3A_1 : i32
    %scan3A = arith.constant 0 : i32
    %scan3A_3 = arith.constant 0 : i32
    %scan3A_4 = arith.constant 8 : i32
    %scan3A_5 = arith.addi %scan3A_3, %scan3A_4 : i32
    %scan3A_6 = arith.constant 1 : i32
    scf.for %scan3A_21 = %scan3A_3 to %scan3A_5 step %scan3A_6  : i32 {
      %mul3A_22 = arith.constant 782 : i32
      %mul3A_23 = arith.muli %scan3A_21, %mul3A_22 : i32
      %add3A_24 = arith.addi %mul3A_2, %mul3A_23 : i32
      "tpu.region"() ({
        %run_scoped3A = tpu.sem_alloc : memref<!tpu.dma_semaphore, #tpu.memory_space<semaphore_mem>>
        %dma_start3A = arith.constant 0 : i32
        %dma_start3A_25 = tpu.memref_slice %arg7[%add3A_24, %dma_start3A] : memref<100096x16xf32, #tpu.memory_space<vmem_shared>> -> memref<782x16xf32, #tpu.memory_space<vmem_shared>>
        %dma_start3A_26 = arith.constant 0 : i32
        %dma_start3A_27 = tpu.memref_slice %arg7[%add3A_24, %dma_start3A_26] : memref<100096x16xf32, #tpu.memory_space<vmem_shared>> -> memref<782x16xf32, #tpu.memory_space<vmem_shared>>
        tpu.enqueue_dma source(%arg11 : memref<782x16xf32, #tpu.memory_space<vmem>>) target(%dma_start3A_27 : memref<782x16xf32, #tpu.memory_space<vmem_shared>>) target_semaphore(%run_scoped3A : memref<!tpu.dma_semaphore, #tpu.memory_space<semaphore_mem>>)
        %dma_wait3A = arith.constant 0 : i32
        %dma_wait3A_28 = tpu.memref_slice %arg7[%add3A_24, %dma_wait3A] : memref<100096x16xf32, #tpu.memory_space<vmem_shared>> -> memref<782x16xf32, #tpu.memory_space<vmem_shared>>
        %dma_wait3A_29 = arith.constant 0 : i32
        %dma_wait3A_30 = tpu.memref_slice %arg7[%add3A_24, %dma_wait3A_29] : memref<100096x16xf32, #tpu.memory_space<vmem_shared>> -> memref<782x16xf32, #tpu.memory_space<vmem_shared>>
        tpu.wait_dma2 semaphore(%run_scoped3A : memref<!tpu.dma_semaphore, #tpu.memory_space<semaphore_mem>>) src(%arg11 : memref<782x16xf32, #tpu.memory_space<vmem>>) dst(%dma_wait3A_30 : memref<782x16xf32, #tpu.memory_space<vmem_shared>>)
        tpu.yield
      }) : () -> ()
    }
    %scan3A_7 = arith.constant 8 : i32
    %barrier3A = arith.constant 0 : index
    tpu.barrier barrier_id(%barrier3A)
    %scan3A_8 = arith.constant 0 : i32
    %scan3A_9 = arith.constant 0 : i32
    %scan3A_10 = arith.constant 14 : i32
    %scan3A_11 = arith.addi %scan3A_9, %scan3A_10 : i32
    %scan3A_12 = arith.constant 1 : i32
    scf.for %scan3A_21 = %scan3A_9 to %scan3A_11 step %scan3A_12  : i32 {
      "tpu.region"() ({
        %run_scoped3A = tpu.sem_alloc : memref<!tpu.dma_semaphore, #tpu.memory_space<semaphore_mem>>
        %dma_start3A = arith.constant 0 : i32
        %dma_start3A_28 = arith.constant 0 : i32
        %dma_start3A_29 = tpu.memref_slice %arg3[%add3A, %scan3A_21, %dma_start3A, %dma_start3A_28] : memref<32x14x28x128xi32, #tpu.memory_space<hbm>> -> memref<1x1x28x128xi32, #tpu.memory_space<hbm>>
        %dma_start3A_30 = tpu.memref_squeeze %dma_start3A_29 : memref<1x1x28x128xi32, #tpu.memory_space<hbm>> -> memref<28x128xi32, #tpu.memory_space<hbm>>
        %dma_start3A_31 = arith.constant 0 : i32
        %dma_start3A_32 = arith.constant 0 : i32
        %dma_start3A_33 = tpu.memref_slice %arg3[%add3A, %scan3A_21, %dma_start3A_31, %dma_start3A_32] : memref<32x14x28x128xi32, #tpu.memory_space<hbm>> -> memref<1x1x28x128xi32, #tpu.memory_space<hbm>>
        %dma_start3A_34 = tpu.memref_squeeze %dma_start3A_33 : memref<1x1x28x128xi32, #tpu.memory_space<hbm>> -> memref<28x128xi32, #tpu.memory_space<hbm>>
        tpu.enqueue_dma source(%dma_start3A_34 : memref<28x128xi32, #tpu.memory_space<hbm>>) target(%arg8 : memref<28x128xi32, #tpu.memory_space<vmem>>) target_semaphore(%run_scoped3A : memref<!tpu.dma_semaphore, #tpu.memory_space<semaphore_mem>>)
        %dma_wait3A = arith.constant 0 : i32
        %dma_wait3A_35 = arith.constant 0 : i32
        %dma_wait3A_36 = tpu.memref_slice %arg3[%add3A, %scan3A_21, %dma_wait3A, %dma_wait3A_35] : memref<32x14x28x128xi32, #tpu.memory_space<hbm>> -> memref<1x1x28x128xi32, #tpu.memory_space<hbm>>
        %dma_wait3A_37 = tpu.memref_squeeze %dma_wait3A_36 : memref<1x1x28x128xi32, #tpu.memory_space<hbm>> -> memref<28x128xi32, #tpu.memory_space<hbm>>
        %dma_wait3A_38 = arith.constant 0 : i32
        %dma_wait3A_39 = arith.constant 0 : i32
        %dma_wait3A_40 = tpu.memref_slice %arg3[%add3A, %scan3A_21, %dma_wait3A_38, %dma_wait3A_39] : memref<32x14x28x128xi32, #tpu.memory_space<hbm>> -> memref<1x1x28x128xi32, #tpu.memory_space<hbm>>
        %dma_wait3A_41 = tpu.memref_squeeze %dma_wait3A_40 : memref<1x1x28x128xi32, #tpu.memory_space<hbm>> -> memref<28x128xi32, #tpu.memory_space<hbm>>
        tpu.wait_dma2 semaphore(%run_scoped3A : memref<!tpu.dma_semaphore, #tpu.memory_space<semaphore_mem>>) src(%dma_wait3A_41 : memref<28x128xi32, #tpu.memory_space<hbm>>) dst(%arg8 : memref<28x128xi32, #tpu.memory_space<vmem>>)
        tpu.yield
      }) : () -> ()
      "tpu.region"() ({
        %run_scoped3A = tpu.sem_alloc : memref<!tpu.dma_semaphore, #tpu.memory_space<semaphore_mem>>
        %dma_start3A = arith.constant 0 : i32
        %dma_start3A_28 = arith.constant 0 : i32
        %dma_start3A_29 = tpu.memref_slice %arg4[%add3A, %scan3A_21, %dma_start3A, %dma_start3A_28] : memref<32x14x28x128xi32, #tpu.memory_space<hbm>> -> memref<1x1x28x128xi32, #tpu.memory_space<hbm>>
        %dma_start3A_30 = tpu.memref_squeeze %dma_start3A_29 : memref<1x1x28x128xi32, #tpu.memory_space<hbm>> -> memref<28x128xi32, #tpu.memory_space<hbm>>
        %dma_start3A_31 = arith.constant 0 : i32
        %dma_start3A_32 = arith.constant 0 : i32
        %dma_start3A_33 = tpu.memref_slice %arg4[%add3A, %scan3A_21, %dma_start3A_31, %dma_start3A_32] : memref<32x14x28x128xi32, #tpu.memory_space<hbm>> -> memref<1x1x28x128xi32, #tpu.memory_space<hbm>>
        %dma_start3A_34 = tpu.memref_squeeze %dma_start3A_33 : memref<1x1x28x128xi32, #tpu.memory_space<hbm>> -> memref<28x128xi32, #tpu.memory_space<hbm>>
        tpu.enqueue_dma source(%dma_start3A_34 : memref<28x128xi32, #tpu.memory_space<hbm>>) target(%arg9 : memref<28x128xi32, #tpu.memory_space<vmem>>) target_semaphore(%run_scoped3A : memref<!tpu.dma_semaphore, #tpu.memory_space<semaphore_mem>>)
        %dma_wait3A = arith.constant 0 : i32
        %dma_wait3A_35 = arith.constant 0 : i32
        %dma_wait3A_36 = tpu.memref_slice %arg4[%add3A, %scan3A_21, %dma_wait3A, %dma_wait3A_35] : memref<32x14x28x128xi32, #tpu.memory_space<hbm>> -> memref<1x1x28x128xi32, #tpu.memory_space<hbm>>
        %dma_wait3A_37 = tpu.memref_squeeze %dma_wait3A_36 : memref<1x1x28x128xi32, #tpu.memory_space<hbm>> -> memref<28x128xi32, #tpu.memory_space<hbm>>
        %dma_wait3A_38 = arith.constant 0 : i32
        %dma_wait3A_39 = arith.constant 0 : i32
        %dma_wait3A_40 = tpu.memref_slice %arg4[%add3A, %scan3A_21, %dma_wait3A_38, %dma_wait3A_39] : memref<32x14x28x128xi32, #tpu.memory_space<hbm>> -> memref<1x1x28x128xi32, #tpu.memory_space<hbm>>
        %dma_wait3A_41 = tpu.memref_squeeze %dma_wait3A_40 : memref<1x1x28x128xi32, #tpu.memory_space<hbm>> -> memref<28x128xi32, #tpu.memory_space<hbm>>
        tpu.wait_dma2 semaphore(%run_scoped3A : memref<!tpu.dma_semaphore, #tpu.memory_space<semaphore_mem>>) src(%dma_wait3A_41 : memref<28x128xi32, #tpu.memory_space<hbm>>) dst(%arg9 : memref<28x128xi32, #tpu.memory_space<vmem>>)
        tpu.yield
      }) : () -> ()
      %scan3A_22 = arith.constant 0 : i32
      %scan3A_23 = arith.constant 0 : i32
      %scan3A_24 = arith.constant 7 : i32
      %scan3A_25 = arith.addi %scan3A_23, %scan3A_24 : i32
      %scan3A_26 = arith.constant 1 : i32
      scf.for %scan3A_28 = %scan3A_23 to %scan3A_25 step %scan3A_26  : i32 {
        %mul3A_29 = arith.constant 4 : i32
        %mul3A_30 = arith.muli %scan3A_28, %mul3A_29 : i32
        %add3A_31 = arith.constant 0 : i32
        %add3A_32 = arith.addi %mul3A_30, %add3A_31 : i32
        %dma_start3A = arith.constant 0 : i32
        %dma_start3A_33 = arith.constant 0 : i32
        %dma_start3A_34 = arith.constant 0 : i32
        %dma_start3A_35 = tpu.memref_slice %arg10[%dma_start3A, %dma_start3A_33, %dma_start3A_34] : memref<4x128x16xf32, #tpu.memory_space<vmem>> -> memref<1x128x16xf32, #tpu.memory_space<vmem>>
        %dma_start3A_36 = tpu.memref_squeeze %dma_start3A_35 : memref<1x128x16xf32, #tpu.memory_space<vmem>> -> memref<128x16xf32, #tpu.memory_space<vmem>>
        %dma_start3A_37 = arith.constant 0 : i32
        %dma_start3A_38 = tpu.memref_slice %arg8[%add3A_32, %dma_start3A_37] : memref<28x128xi32, #tpu.memory_space<vmem>> -> memref<1x128xi32, #tpu.memory_space<vmem>>
        %dma_start3A_39 = tpu.memref_squeeze %dma_start3A_38 : memref<1x128xi32, #tpu.memory_space<vmem>> -> memref<128xi32, #tpu.memory_space<vmem>>
        %dma_start3A_40 = arith.constant 0 : i32
        %dma_start3A_41 = arith.constant 0 : i32
        %dma_start3A_42 = tpu.memref_slice %arg2[%dma_start3A_40, %dma_start3A_41] : memref<100096x16xf32, #tpu.memory_space<hbm>> -> memref<100096x16xf32, #tpu.memory_space<hbm>>
        tpu.enqueue_indirect_dma source(%dma_start3A_42 : memref<100096x16xf32, #tpu.memory_space<hbm>>) target(%dma_start3A_36 : memref<128x16xf32, #tpu.memory_space<vmem>>) offsets(%dma_start3A_39 : memref<128xi32, #tpu.memory_space<vmem>>) semaphore(%arg12 : memref<!tpu.dma_semaphore, #tpu.memory_space<semaphore_mem>>)
        %add3A_43 = arith.constant 1 : i32
        %add3A_44 = arith.addi %mul3A_30, %add3A_43 : i32
        %dma_start3A_45 = arith.constant 1 : i32
        %dma_start3A_46 = arith.constant 0 : i32
        %dma_start3A_47 = arith.constant 0 : i32
        %dma_start3A_48 = tpu.memref_slice %arg10[%dma_start3A_45, %dma_start3A_46, %dma_start3A_47] : memref<4x128x16xf32, #tpu.memory_space<vmem>> -> memref<1x128x16xf32, #tpu.memory_space<vmem>>
        %dma_start3A_49 = tpu.memref_squeeze %dma_start3A_48 : memref<1x128x16xf32, #tpu.memory_space<vmem>> -> memref<128x16xf32, #tpu.memory_space<vmem>>
        %dma_start3A_50 = arith.constant 0 : i32
        %dma_start3A_51 = tpu.memref_slice %arg8[%add3A_44, %dma_start3A_50] : memref<28x128xi32, #tpu.memory_space<vmem>> -> memref<1x128xi32, #tpu.memory_space<vmem>>
        %dma_start3A_52 = tpu.memref_squeeze %dma_start3A_51 : memref<1x128xi32, #tpu.memory_space<vmem>> -> memref<128xi32, #tpu.memory_space<vmem>>
        %dma_start3A_53 = arith.constant 0 : i32
        %dma_start3A_54 = arith.constant 0 : i32
        %dma_start3A_55 = tpu.memref_slice %arg2[%dma_start3A_53, %dma_start3A_54] : memref<100096x16xf32, #tpu.memory_space<hbm>> -> memref<100096x16xf32, #tpu.memory_space<hbm>>
        tpu.enqueue_indirect_dma source(%dma_start3A_55 : memref<100096x16xf32, #tpu.memory_space<hbm>>) target(%dma_start3A_49 : memref<128x16xf32, #tpu.memory_space<vmem>>) offsets(%dma_start3A_52 : memref<128xi32, #tpu.memory_space<vmem>>) semaphore(%arg12 : memref<!tpu.dma_semaphore, #tpu.memory_space<semaphore_mem>>)
        %add3A_56 = arith.constant 2 : i32
        %add3A_57 = arith.addi %mul3A_30, %add3A_56 : i32
        %dma_start3A_58 = arith.constant 2 : i32
        %dma_start3A_59 = arith.constant 0 : i32
        %dma_start3A_60 = arith.constant 0 : i32
        %dma_start3A_61 = tpu.memref_slice %arg10[%dma_start3A_58, %dma_start3A_59, %dma_start3A_60] : memref<4x128x16xf32, #tpu.memory_space<vmem>> -> memref<1x128x16xf32, #tpu.memory_space<vmem>>
        %dma_start3A_62 = tpu.memref_squeeze %dma_start3A_61 : memref<1x128x16xf32, #tpu.memory_space<vmem>> -> memref<128x16xf32, #tpu.memory_space<vmem>>
        %dma_start3A_63 = arith.constant 0 : i32
        %dma_start3A_64 = tpu.memref_slice %arg8[%add3A_57, %dma_start3A_63] : memref<28x128xi32, #tpu.memory_space<vmem>> -> memref<1x128xi32, #tpu.memory_space<vmem>>
        %dma_start3A_65 = tpu.memref_squeeze %dma_start3A_64 : memref<1x128xi32, #tpu.memory_space<vmem>> -> memref<128xi32, #tpu.memory_space<vmem>>
        %dma_start3A_66 = arith.constant 0 : i32
        %dma_start3A_67 = arith.constant 0 : i32
        %dma_start3A_68 = tpu.memref_slice %arg2[%dma_start3A_66, %dma_start3A_67] : memref<100096x16xf32, #tpu.memory_space<hbm>> -> memref<100096x16xf32, #tpu.memory_space<hbm>>
        tpu.enqueue_indirect_dma source(%dma_start3A_68 : memref<100096x16xf32, #tpu.memory_space<hbm>>) target(%dma_start3A_62 : memref<128x16xf32, #tpu.memory_space<vmem>>) offsets(%dma_start3A_65 : memref<128xi32, #tpu.memory_space<vmem>>) semaphore(%arg12 : memref<!tpu.dma_semaphore, #tpu.memory_space<semaphore_mem>>)
        %add3A_69 = arith.constant 3 : i32
        %add3A_70 = arith.addi %mul3A_30, %add3A_69 : i32
        %dma_start3A_71 = arith.constant 3 : i32
        %dma_start3A_72 = arith.constant 0 : i32
        %dma_start3A_73 = arith.constant 0 : i32
        %dma_start3A_74 = tpu.memref_slice %arg10[%dma_start3A_71, %dma_start3A_72, %dma_start3A_73] : memref<4x128x16xf32, #tpu.memory_space<vmem>> -> memref<1x128x16xf32, #tpu.memory_space<vmem>>
        %dma_start3A_75 = tpu.memref_squeeze %dma_start3A_74 : memref<1x128x16xf32, #tpu.memory_space<vmem>> -> memref<128x16xf32, #tpu.memory_space<vmem>>
        %dma_start3A_76 = arith.constant 0 : i32
        %dma_start3A_77 = tpu.memref_slice %arg8[%add3A_70, %dma_start3A_76] : memref<28x128xi32, #tpu.memory_space<vmem>> -> memref<1x128xi32, #tpu.memory_space<vmem>>
        %dma_start3A_78 = tpu.memref_squeeze %dma_start3A_77 : memref<1x128xi32, #tpu.memory_space<vmem>> -> memref<128xi32, #tpu.memory_space<vmem>>
        %dma_start3A_79 = arith.constant 0 : i32
        %dma_start3A_80 = arith.constant 0 : i32
        %dma_start3A_81 = tpu.memref_slice %arg2[%dma_start3A_79, %dma_start3A_80] : memref<100096x16xf32, #tpu.memory_space<hbm>> -> memref<100096x16xf32, #tpu.memory_space<hbm>>
        tpu.enqueue_indirect_dma source(%dma_start3A_81 : memref<100096x16xf32, #tpu.memory_space<hbm>>) target(%dma_start3A_75 : memref<128x16xf32, #tpu.memory_space<vmem>>) offsets(%dma_start3A_78 : memref<128xi32, #tpu.memory_space<vmem>>) semaphore(%arg12 : memref<!tpu.dma_semaphore, #tpu.memory_space<semaphore_mem>>)
        %dma_wait3A = arith.constant 0 : i32
        %dma_wait3A_82 = arith.constant 0 : i32
        %dma_wait3A_83 = arith.constant 0 : i32
        %dma_wait3A_84 = tpu.memref_slice %arg10[%dma_wait3A, %dma_wait3A_82, %dma_wait3A_83] : memref<4x128x16xf32, #tpu.memory_space<vmem>> -> memref<1x128x16xf32, #tpu.memory_space<vmem>>
        %dma_wait3A_85 = tpu.memref_squeeze %dma_wait3A_84 : memref<1x128x16xf32, #tpu.memory_space<vmem>> -> memref<128x16xf32, #tpu.memory_space<vmem>>
        %dma_wait3A_86 = arith.constant 0 : i32
        %dma_wait3A_87 = tpu.memref_slice %arg8[%add3A_32, %dma_wait3A_86] : memref<28x128xi32, #tpu.memory_space<vmem>> -> memref<1x128xi32, #tpu.memory_space<vmem>>
        %dma_wait3A_88 = tpu.memref_squeeze %dma_wait3A_87 : memref<1x128xi32, #tpu.memory_space<vmem>> -> memref<128xi32, #tpu.memory_space<vmem>>
        %dma_wait3A_89 = arith.constant 0 : i32
        %dma_wait3A_90 = arith.constant 0 : i32
        %dma_wait3A_91 = tpu.memref_slice %arg2[%dma_wait3A_89, %dma_wait3A_90] : memref<100096x16xf32, #tpu.memory_space<hbm>> -> memref<100096x16xf32, #tpu.memory_space<hbm>>
        tpu.wait_indirect_dma semaphore(%arg12 : memref<!tpu.dma_semaphore, #tpu.memory_space<semaphore_mem>>) src(%dma_wait3A_91 : memref<100096x16xf32, #tpu.memory_space<hbm>>) dst(%dma_wait3A_85 : memref<128x16xf32, #tpu.memory_space<vmem>>)
        %add3A_92 = arith.constant 0 : i32
        %add3A_93 = arith.addi %mul3A_30, %add3A_92 : i32
        %run_scoped3A = arith.constant 0 : i32
        "tpu.region"() ({
          %run_scoped3A_136 = tpu.sem_alloc : memref<!tpu.dma_semaphore, #tpu.memory_space<semaphore_mem>>
          %dma_start3A_137 = arith.constant 0 : i32
          %dma_start3A_138 = arith.constant 0 : i32
          %dma_start3A_139 = tpu.memref_slice %arg10[%run_scoped3A, %dma_start3A_137, %dma_start3A_138] : memref<4x128x16xf32, #tpu.memory_space<vmem>> -> memref<1x128x16xf32, #tpu.memory_space<vmem>>
          %dma_start3A_140 = tpu.memref_squeeze %dma_start3A_139 : memref<1x128x16xf32, #tpu.memory_space<vmem>> -> memref<128x16xf32, #tpu.memory_space<vmem>>
          %dma_start3A_141 = arith.constant 0 : i32
          %dma_start3A_142 = tpu.memref_slice %arg9[%add3A_93, %dma_start3A_141] : memref<28x128xi32, #tpu.memory_space<vmem>> -> memref<1x128xi32, #tpu.memory_space<vmem>>
          %dma_start3A_143 = tpu.memref_squeeze %dma_start3A_142 : memref<1x128xi32, #tpu.memory_space<vmem>> -> memref<128xi32, #tpu.memory_space<vmem>>
          %dma_start3A_144 = arith.constant 0 : i32
          %dma_start3A_145 = arith.constant 0 : i32
          %dma_start3A_146 = tpu.memref_slice %arg7[%dma_start3A_144, %dma_start3A_145] : memref<100096x16xf32, #tpu.memory_space<vmem_shared>> -> memref<100096x16xf32, #tpu.memory_space<vmem_shared>>
          tpu.enqueue_indirect_dma source(%dma_start3A_140 : memref<128x16xf32, #tpu.memory_space<vmem>>) target(%dma_start3A_146 : memref<100096x16xf32, #tpu.memory_space<vmem_shared>>) offsets(%dma_start3A_143 : memref<128xi32, #tpu.memory_space<vmem>>) semaphore(%run_scoped3A_136 : memref<!tpu.dma_semaphore, #tpu.memory_space<semaphore_mem>>) {add = true}
          %dma_wait3A_147 = arith.constant 0 : i32
          %dma_wait3A_148 = arith.constant 0 : i32
          %dma_wait3A_149 = tpu.memref_slice %arg10[%run_scoped3A, %dma_wait3A_147, %dma_wait3A_148] : memref<4x128x16xf32, #tpu.memory_space<vmem>> -> memref<1x128x16xf32, #tpu.memory_space<vmem>>
          %dma_wait3A_150 = tpu.memref_squeeze %dma_wait3A_149 : memref<1x128x16xf32, #tpu.memory_space<vmem>> -> memref<128x16xf32, #tpu.memory_space<vmem>>
          %dma_wait3A_151 = arith.constant 0 : i32
          %dma_wait3A_152 = tpu.memref_slice %arg9[%add3A_93, %dma_wait3A_151] : memref<28x128xi32, #tpu.memory_space<vmem>> -> memref<1x128xi32, #tpu.memory_space<vmem>>
          %dma_wait3A_153 = tpu.memref_squeeze %dma_wait3A_152 : memref<1x128xi32, #tpu.memory_space<vmem>> -> memref<128xi32, #tpu.memory_space<vmem>>
          %dma_wait3A_154 = arith.constant 0 : i32
          %dma_wait3A_155 = arith.constant 0 : i32
          %dma_wait3A_156 = tpu.memref_slice %arg7[%dma_wait3A_154, %dma_wait3A_155] : memref<100096x16xf32, #tpu.memory_space<vmem_shared>> -> memref<100096x16xf32, #tpu.memory_space<vmem_shared>>
          tpu.wait_indirect_dma semaphore(%run_scoped3A_136 : memref<!tpu.dma_semaphore, #tpu.memory_space<semaphore_mem>>) src(%dma_wait3A_150 : memref<128x16xf32, #tpu.memory_space<vmem>>) dst(%dma_wait3A_156 : memref<100096x16xf32, #tpu.memory_space<vmem_shared>>)
          tpu.yield
        }) : () -> ()
        %dma_wait3A_94 = arith.constant 1 : i32
        %dma_wait3A_95 = arith.constant 0 : i32
        %dma_wait3A_96 = arith.constant 0 : i32
        %dma_wait3A_97 = tpu.memref_slice %arg10[%dma_wait3A_94, %dma_wait3A_95, %dma_wait3A_96] : memref<4x128x16xf32, #tpu.memory_space<vmem>> -> memref<1x128x16xf32, #tpu.memory_space<vmem>>
        %dma_wait3A_98 = tpu.memref_squeeze %dma_wait3A_97 : memref<1x128x16xf32, #tpu.memory_space<vmem>> -> memref<128x16xf32, #tpu.memory_space<vmem>>
        %dma_wait3A_99 = arith.constant 0 : i32
        %dma_wait3A_100 = tpu.memref_slice %arg8[%add3A_44, %dma_wait3A_99] : memref<28x128xi32, #tpu.memory_space<vmem>> -> memref<1x128xi32, #tpu.memory_space<vmem>>
        %dma_wait3A_101 = tpu.memref_squeeze %dma_wait3A_100 : memref<1x128xi32, #tpu.memory_space<vmem>> -> memref<128xi32, #tpu.memory_space<vmem>>
        %dma_wait3A_102 = arith.constant 0 : i32
        %dma_wait3A_103 = arith.constant 0 : i32
        %dma_wait3A_104 = tpu.memref_slice %arg2[%dma_wait3A_102, %dma_wait3A_103] : memref<100096x16xf32, #tpu.memory_space<hbm>> -> memref<100096x16xf32, #tpu.memory_space<hbm>>
        tpu.wait_indirect_dma semaphore(%arg12 : memref<!tpu.dma_semaphore, #tpu.memory_space<semaphore_mem>>) src(%dma_wait3A_104 : memref<100096x16xf32, #tpu.memory_space<hbm>>) dst(%dma_wait3A_98 : memref<128x16xf32, #tpu.memory_space<vmem>>)
        %add3A_105 = arith.constant 1 : i32
        %add3A_106 = arith.addi %mul3A_30, %add3A_105 : i32
        %run_scoped3A_107 = arith.constant 1 : i32
        "tpu.region"() ({
          %run_scoped3A_136 = tpu.sem_alloc : memref<!tpu.dma_semaphore, #tpu.memory_space<semaphore_mem>>
          %dma_start3A_137 = arith.constant 0 : i32
          %dma_start3A_138 = arith.constant 0 : i32
          %dma_start3A_139 = tpu.memref_slice %arg10[%run_scoped3A_107, %dma_start3A_137, %dma_start3A_138] : memref<4x128x16xf32, #tpu.memory_space<vmem>> -> memref<1x128x16xf32, #tpu.memory_space<vmem>>
          %dma_start3A_140 = tpu.memref_squeeze %dma_start3A_139 : memref<1x128x16xf32, #tpu.memory_space<vmem>> -> memref<128x16xf32, #tpu.memory_space<vmem>>
          %dma_start3A_141 = arith.constant 0 : i32
          %dma_start3A_142 = tpu.memref_slice %arg9[%add3A_106, %dma_start3A_141] : memref<28x128xi32, #tpu.memory_space<vmem>> -> memref<1x128xi32, #tpu.memory_space<vmem>>
          %dma_start3A_143 = tpu.memref_squeeze %dma_start3A_142 : memref<1x128xi32, #tpu.memory_space<vmem>> -> memref<128xi32, #tpu.memory_space<vmem>>
          %dma_start3A_144 = arith.constant 0 : i32
          %dma_start3A_145 = arith.constant 0 : i32
          %dma_start3A_146 = tpu.memref_slice %arg7[%dma_start3A_144, %dma_start3A_145] : memref<100096x16xf32, #tpu.memory_space<vmem_shared>> -> memref<100096x16xf32, #tpu.memory_space<vmem_shared>>
          tpu.enqueue_indirect_dma source(%dma_start3A_140 : memref<128x16xf32, #tpu.memory_space<vmem>>) target(%dma_start3A_146 : memref<100096x16xf32, #tpu.memory_space<vmem_shared>>) offsets(%dma_start3A_143 : memref<128xi32, #tpu.memory_space<vmem>>) semaphore(%run_scoped3A_136 : memref<!tpu.dma_semaphore, #tpu.memory_space<semaphore_mem>>) {add = true}
          %dma_wait3A_147 = arith.constant 0 : i32
          %dma_wait3A_148 = arith.constant 0 : i32
          %dma_wait3A_149 = tpu.memref_slice %arg10[%run_scoped3A_107, %dma_wait3A_147, %dma_wait3A_148] : memref<4x128x16xf32, #tpu.memory_space<vmem>> -> memref<1x128x16xf32, #tpu.memory_space<vmem>>
          %dma_wait3A_150 = tpu.memref_squeeze %dma_wait3A_149 : memref<1x128x16xf32, #tpu.memory_space<vmem>> -> memref<128x16xf32, #tpu.memory_space<vmem>>
          %dma_wait3A_151 = arith.constant 0 : i32
          %dma_wait3A_152 = tpu.memref_slice %arg9[%add3A_106, %dma_wait3A_151] : memref<28x128xi32, #tpu.memory_space<vmem>> -> memref<1x128xi32, #tpu.memory_space<vmem>>
          %dma_wait3A_153 = tpu.memref_squeeze %dma_wait3A_152 : memref<1x128xi32, #tpu.memory_space<vmem>> -> memref<128xi32, #tpu.memory_space<vmem>>
          %dma_wait3A_154 = arith.constant 0 : i32
          %dma_wait3A_155 = arith.constant 0 : i32
          %dma_wait3A_156 = tpu.memref_slice %arg7[%dma_wait3A_154, %dma_wait3A_155] : memref<100096x16xf32, #tpu.memory_space<vmem_shared>> -> memref<100096x16xf32, #tpu.memory_space<vmem_shared>>
          tpu.wait_indirect_dma semaphore(%run_scoped3A_136 : memref<!tpu.dma_semaphore, #tpu.memory_space<semaphore_mem>>) src(%dma_wait3A_150 : memref<128x16xf32, #tpu.memory_space<vmem>>) dst(%dma_wait3A_156 : memref<100096x16xf32, #tpu.memory_space<vmem_shared>>)
          tpu.yield
        }) : () -> ()
        %dma_wait3A_108 = arith.constant 2 : i32
        %dma_wait3A_109 = arith.constant 0 : i32
        %dma_wait3A_110 = arith.constant 0 : i32
        %dma_wait3A_111 = tpu.memref_slice %arg10[%dma_wait3A_108, %dma_wait3A_109, %dma_wait3A_110] : memref<4x128x16xf32, #tpu.memory_space<vmem>> -> memref<1x128x16xf32, #tpu.memory_space<vmem>>
        %dma_wait3A_112 = tpu.memref_squeeze %dma_wait3A_111 : memref<1x128x16xf32, #tpu.memory_space<vmem>> -> memref<128x16xf32, #tpu.memory_space<vmem>>
        %dma_wait3A_113 = arith.constant 0 : i32
        %dma_wait3A_114 = tpu.memref_slice %arg8[%add3A_57, %dma_wait3A_113] : memref<28x128xi32, #tpu.memory_space<vmem>> -> memref<1x128xi32, #tpu.memory_space<vmem>>
        %dma_wait3A_115 = tpu.memref_squeeze %dma_wait3A_114 : memref<1x128xi32, #tpu.memory_space<vmem>> -> memref<128xi32, #tpu.memory_space<vmem>>
        %dma_wait3A_116 = arith.constant 0 : i32
        %dma_wait3A_117 = arith.constant 0 : i32
        %dma_wait3A_118 = tpu.memref_slice %arg2[%dma_wait3A_116, %dma_wait3A_117] : memref<100096x16xf32, #tpu.memory_space<hbm>> -> memref<100096x16xf32, #tpu.memory_space<hbm>>
        tpu.wait_indirect_dma semaphore(%arg12 : memref<!tpu.dma_semaphore, #tpu.memory_space<semaphore_mem>>) src(%dma_wait3A_118 : memref<100096x16xf32, #tpu.memory_space<hbm>>) dst(%dma_wait3A_112 : memref<128x16xf32, #tpu.memory_space<vmem>>)
        %add3A_119 = arith.constant 2 : i32
        %add3A_120 = arith.addi %mul3A_30, %add3A_119 : i32
        %run_scoped3A_121 = arith.constant 2 : i32
        "tpu.region"() ({
          %run_scoped3A_136 = tpu.sem_alloc : memref<!tpu.dma_semaphore, #tpu.memory_space<semaphore_mem>>
          %dma_start3A_137 = arith.constant 0 : i32
          %dma_start3A_138 = arith.constant 0 : i32
          %dma_start3A_139 = tpu.memref_slice %arg10[%run_scoped3A_121, %dma_start3A_137, %dma_start3A_138] : memref<4x128x16xf32, #tpu.memory_space<vmem>> -> memref<1x128x16xf32, #tpu.memory_space<vmem>>
          %dma_start3A_140 = tpu.memref_squeeze %dma_start3A_139 : memref<1x128x16xf32, #tpu.memory_space<vmem>> -> memref<128x16xf32, #tpu.memory_space<vmem>>
          %dma_start3A_141 = arith.constant 0 : i32
          %dma_start3A_142 = tpu.memref_slice %arg9[%add3A_120, %dma_start3A_141] : memref<28x128xi32, #tpu.memory_space<vmem>> -> memref<1x128xi32, #tpu.memory_space<vmem>>
          %dma_start3A_143 = tpu.memref_squeeze %dma_start3A_142 : memref<1x128xi32, #tpu.memory_space<vmem>> -> memref<128xi32, #tpu.memory_space<vmem>>
          %dma_start3A_144 = arith.constant 0 : i32
          %dma_start3A_145 = arith.constant 0 : i32
          %dma_start3A_146 = tpu.memref_slice %arg7[%dma_start3A_144, %dma_start3A_145] : memref<100096x16xf32, #tpu.memory_space<vmem_shared>> -> memref<100096x16xf32, #tpu.memory_space<vmem_shared>>
          tpu.enqueue_indirect_dma source(%dma_start3A_140 : memref<128x16xf32, #tpu.memory_space<vmem>>) target(%dma_start3A_146 : memref<100096x16xf32, #tpu.memory_space<vmem_shared>>) offsets(%dma_start3A_143 : memref<128xi32, #tpu.memory_space<vmem>>) semaphore(%run_scoped3A_136 : memref<!tpu.dma_semaphore, #tpu.memory_space<semaphore_mem>>) {add = true}
          %dma_wait3A_147 = arith.constant 0 : i32
          %dma_wait3A_148 = arith.constant 0 : i32
          %dma_wait3A_149 = tpu.memref_slice %arg10[%run_scoped3A_121, %dma_wait3A_147, %dma_wait3A_148] : memref<4x128x16xf32, #tpu.memory_space<vmem>> -> memref<1x128x16xf32, #tpu.memory_space<vmem>>
          %dma_wait3A_150 = tpu.memref_squeeze %dma_wait3A_149 : memref<1x128x16xf32, #tpu.memory_space<vmem>> -> memref<128x16xf32, #tpu.memory_space<vmem>>
          %dma_wait3A_151 = arith.constant 0 : i32
          %dma_wait3A_152 = tpu.memref_slice %arg9[%add3A_120, %dma_wait3A_151] : memref<28x128xi32, #tpu.memory_space<vmem>> -> memref<1x128xi32, #tpu.memory_space<vmem>>
          %dma_wait3A_153 = tpu.memref_squeeze %dma_wait3A_152 : memref<1x128xi32, #tpu.memory_space<vmem>> -> memref<128xi32, #tpu.memory_space<vmem>>
          %dma_wait3A_154 = arith.constant 0 : i32
          %dma_wait3A_155 = arith.constant 0 : i32
          %dma_wait3A_156 = tpu.memref_slice %arg7[%dma_wait3A_154, %dma_wait3A_155] : memref<100096x16xf32, #tpu.memory_space<vmem_shared>> -> memref<100096x16xf32, #tpu.memory_space<vmem_shared>>
          tpu.wait_indirect_dma semaphore(%run_scoped3A_136 : memref<!tpu.dma_semaphore, #tpu.memory_space<semaphore_mem>>) src(%dma_wait3A_150 : memref<128x16xf32, #tpu.memory_space<vmem>>) dst(%dma_wait3A_156 : memref<100096x16xf32, #tpu.memory_space<vmem_shared>>)
          tpu.yield
        }) : () -> ()
        %dma_wait3A_122 = arith.constant 3 : i32
        %dma_wait3A_123 = arith.constant 0 : i32
        %dma_wait3A_124 = arith.constant 0 : i32
        %dma_wait3A_125 = tpu.memref_slice %arg10[%dma_wait3A_122, %dma_wait3A_123, %dma_wait3A_124] : memref<4x128x16xf32, #tpu.memory_space<vmem>> -> memref<1x128x16xf32, #tpu.memory_space<vmem>>
        %dma_wait3A_126 = tpu.memref_squeeze %dma_wait3A_125 : memref<1x128x16xf32, #tpu.memory_space<vmem>> -> memref<128x16xf32, #tpu.memory_space<vmem>>
        %dma_wait3A_127 = arith.constant 0 : i32
        %dma_wait3A_128 = tpu.memref_slice %arg8[%add3A_70, %dma_wait3A_127] : memref<28x128xi32, #tpu.memory_space<vmem>> -> memref<1x128xi32, #tpu.memory_space<vmem>>
        %dma_wait3A_129 = tpu.memref_squeeze %dma_wait3A_128 : memref<1x128xi32, #tpu.memory_space<vmem>> -> memref<128xi32, #tpu.memory_space<vmem>>
        %dma_wait3A_130 = arith.constant 0 : i32
        %dma_wait3A_131 = arith.constant 0 : i32
        %dma_wait3A_132 = tpu.memref_slice %arg2[%dma_wait3A_130, %dma_wait3A_131] : memref<100096x16xf32, #tpu.memory_space<hbm>> -> memref<100096x16xf32, #tpu.memory_space<hbm>>
        tpu.wait_indirect_dma semaphore(%arg12 : memref<!tpu.dma_semaphore, #tpu.memory_space<semaphore_mem>>) src(%dma_wait3A_132 : memref<100096x16xf32, #tpu.memory_space<hbm>>) dst(%dma_wait3A_126 : memref<128x16xf32, #tpu.memory_space<vmem>>)
        %add3A_133 = arith.constant 3 : i32
        %add3A_134 = arith.addi %mul3A_30, %add3A_133 : i32
        %run_scoped3A_135 = arith.constant 3 : i32
        "tpu.region"() ({
          %run_scoped3A_136 = tpu.sem_alloc : memref<!tpu.dma_semaphore, #tpu.memory_space<semaphore_mem>>
          %dma_start3A_137 = arith.constant 0 : i32
          %dma_start3A_138 = arith.constant 0 : i32
          %dma_start3A_139 = tpu.memref_slice %arg10[%run_scoped3A_135, %dma_start3A_137, %dma_start3A_138] : memref<4x128x16xf32, #tpu.memory_space<vmem>> -> memref<1x128x16xf32, #tpu.memory_space<vmem>>
          %dma_start3A_140 = tpu.memref_squeeze %dma_start3A_139 : memref<1x128x16xf32, #tpu.memory_space<vmem>> -> memref<128x16xf32, #tpu.memory_space<vmem>>
          %dma_start3A_141 = arith.constant 0 : i32
          %dma_start3A_142 = tpu.memref_slice %arg9[%add3A_134, %dma_start3A_141] : memref<28x128xi32, #tpu.memory_space<vmem>> -> memref<1x128xi32, #tpu.memory_space<vmem>>
          %dma_start3A_143 = tpu.memref_squeeze %dma_start3A_142 : memref<1x128xi32, #tpu.memory_space<vmem>> -> memref<128xi32, #tpu.memory_space<vmem>>
          %dma_start3A_144 = arith.constant 0 : i32
          %dma_start3A_145 = arith.constant 0 : i32
          %dma_start3A_146 = tpu.memref_slice %arg7[%dma_start3A_144, %dma_start3A_145] : memref<100096x16xf32, #tpu.memory_space<vmem_shared>> -> memref<100096x16xf32, #tpu.memory_space<vmem_shared>>
          tpu.enqueue_indirect_dma source(%dma_start3A_140 : memref<128x16xf32, #tpu.memory_space<vmem>>) target(%dma_start3A_146 : memref<100096x16xf32, #tpu.memory_space<vmem_shared>>) offsets(%dma_start3A_143 : memref<128xi32, #tpu.memory_space<vmem>>) semaphore(%run_scoped3A_136 : memref<!tpu.dma_semaphore, #tpu.memory_space<semaphore_mem>>) {add = true}
          %dma_wait3A_147 = arith.constant 0 : i32
          %dma_wait3A_148 = arith.constant 0 : i32
          %dma_wait3A_149 = tpu.memref_slice %arg10[%run_scoped3A_135, %dma_wait3A_147, %dma_wait3A_148] : memref<4x128x16xf32, #tpu.memory_space<vmem>> -> memref<1x128x16xf32, #tpu.memory_space<vmem>>
          %dma_wait3A_150 = tpu.memref_squeeze %dma_wait3A_149 : memref<1x128x16xf32, #tpu.memory_space<vmem>> -> memref<128x16xf32, #tpu.memory_space<vmem>>
          %dma_wait3A_151 = arith.constant 0 : i32
          %dma_wait3A_152 = tpu.memref_slice %arg9[%add3A_134, %dma_wait3A_151] : memref<28x128xi32, #tpu.memory_space<vmem>> -> memref<1x128xi32, #tpu.memory_space<vmem>>
          %dma_wait3A_153 = tpu.memref_squeeze %dma_wait3A_152 : memref<1x128xi32, #tpu.memory_space<vmem>> -> memref<128xi32, #tpu.memory_space<vmem>>
          %dma_wait3A_154 = arith.constant 0 : i32
          %dma_wait3A_155 = arith.constant 0 : i32
          %dma_wait3A_156 = tpu.memref_slice %arg7[%dma_wait3A_154, %dma_wait3A_155] : memref<100096x16xf32, #tpu.memory_space<vmem_shared>> -> memref<100096x16xf32, #tpu.memory_space<vmem_shared>>
          tpu.wait_indirect_dma semaphore(%run_scoped3A_136 : memref<!tpu.dma_semaphore, #tpu.memory_space<semaphore_mem>>) src(%dma_wait3A_150 : memref<128x16xf32, #tpu.memory_space<vmem>>) dst(%dma_wait3A_156 : memref<100096x16xf32, #tpu.memory_space<vmem_shared>>)
          tpu.yield
        }) : () -> ()
      }
      %scan3A_27 = arith.constant 7 : i32
    }
    %scan3A_13 = arith.constant 14 : i32
    %barrier3A_14 = arith.constant 0 : index
    tpu.barrier barrier_id(%barrier3A_14)
    %scan3A_15 = arith.constant 0 : i32
    %scan3A_16 = arith.constant 0 : i32
    %scan3A_17 = arith.constant 8 : i32
    %scan3A_18 = arith.addi %scan3A_16, %scan3A_17 : i32
    %scan3A_19 = arith.constant 1 : i32
    scf.for %scan3A_21 = %scan3A_16 to %scan3A_18 step %scan3A_19  : i32 {
      %mul3A_22 = arith.constant 782 : i32
      %mul3A_23 = arith.muli %scan3A_21, %mul3A_22 : i32
      %add3A_24 = arith.addi %mul3A_2, %mul3A_23 : i32
      "tpu.region"() ({
        %run_scoped3A = tpu.sem_alloc : memref<!tpu.dma_semaphore, #tpu.memory_space<semaphore_mem>>
        %dma_start3A = arith.constant 0 : i32
        %dma_start3A_28 = tpu.memref_slice %arg7[%add3A_24, %dma_start3A] : memref<100096x16xf32, #tpu.memory_space<vmem_shared>> -> memref<782x16xf32, #tpu.memory_space<vmem_shared>>
        %dma_start3A_29 = arith.constant 0 : i32
        %dma_start3A_30 = tpu.memref_slice %arg7[%add3A_24, %dma_start3A_29] : memref<100096x16xf32, #tpu.memory_space<vmem_shared>> -> memref<782x16xf32, #tpu.memory_space<vmem_shared>>
        tpu.enqueue_dma source(%dma_start3A_30 : memref<782x16xf32, #tpu.memory_space<vmem_shared>>) target(%arg11 : memref<782x16xf32, #tpu.memory_space<vmem>>) target_semaphore(%run_scoped3A : memref<!tpu.dma_semaphore, #tpu.memory_space<semaphore_mem>>)
        %dma_wait3A = arith.constant 0 : i32
        %dma_wait3A_31 = tpu.memref_slice %arg7[%add3A_24, %dma_wait3A] : memref<100096x16xf32, #tpu.memory_space<vmem_shared>> -> memref<782x16xf32, #tpu.memory_space<vmem_shared>>
        %dma_wait3A_32 = arith.constant 0 : i32
        %dma_wait3A_33 = tpu.memref_slice %arg7[%add3A_24, %dma_wait3A_32] : memref<100096x16xf32, #tpu.memory_space<vmem_shared>> -> memref<782x16xf32, #tpu.memory_space<vmem_shared>>
        tpu.wait_dma2 semaphore(%run_scoped3A : memref<!tpu.dma_semaphore, #tpu.memory_space<semaphore_mem>>) src(%dma_wait3A_33 : memref<782x16xf32, #tpu.memory_space<vmem_shared>>) dst(%arg11 : memref<782x16xf32, #tpu.memory_space<vmem>>)
        tpu.yield
      }) : () -> ()
      %mul3A_25 = arith.constant 782 : i32
      %mul3A_26 = arith.muli %scan3A_21, %mul3A_25 : i32
      %add3A_27 = arith.addi %mul3A_2, %mul3A_26 : i32
      "tpu.region"() ({
        %run_scoped3A = tpu.sem_alloc : memref<!tpu.dma_semaphore, #tpu.memory_space<semaphore_mem>>
        %dma_start3A = arith.constant 0 : i32
        %dma_start3A_28 = tpu.memref_slice %arg6[%arg0, %add3A_27, %dma_start3A] : memref<2x100096x16xf32, #tpu.memory_space<hbm>> -> memref<1x782x16xf32, #tpu.memory_space<hbm>>
        %dma_start3A_29 = tpu.memref_squeeze %dma_start3A_28 : memref<1x782x16xf32, #tpu.memory_space<hbm>> -> memref<782x16xf32, #tpu.memory_space<hbm>>
        %dma_start3A_30 = arith.constant 0 : i32
        %dma_start3A_31 = tpu.memref_slice %arg6[%arg0, %add3A_27, %dma_start3A_30] : memref<2x100096x16xf32, #tpu.memory_space<hbm>> -> memref<1x782x16xf32, #tpu.memory_space<hbm>>
        %dma_start3A_32 = tpu.memref_squeeze %dma_start3A_31 : memref<1x782x16xf32, #tpu.memory_space<hbm>> -> memref<782x16xf32, #tpu.memory_space<hbm>>
        tpu.enqueue_dma source(%arg11 : memref<782x16xf32, #tpu.memory_space<vmem>>) target(%dma_start3A_32 : memref<782x16xf32, #tpu.memory_space<hbm>>) target_semaphore(%run_scoped3A : memref<!tpu.dma_semaphore, #tpu.memory_space<semaphore_mem>>)
        %dma_wait3A = arith.constant 0 : i32
        %dma_wait3A_33 = tpu.memref_slice %arg6[%arg0, %add3A_27, %dma_wait3A] : memref<2x100096x16xf32, #tpu.memory_space<hbm>> -> memref<1x782x16xf32, #tpu.memory_space<hbm>>
        %dma_wait3A_34 = tpu.memref_squeeze %dma_wait3A_33 : memref<1x782x16xf32, #tpu.memory_space<hbm>> -> memref<782x16xf32, #tpu.memory_space<hbm>>
        %dma_wait3A_35 = arith.constant 0 : i32
        %dma_wait3A_36 = tpu.memref_slice %arg6[%arg0, %add3A_27, %dma_wait3A_35] : memref<2x100096x16xf32, #tpu.memory_space<hbm>> -> memref<1x782x16xf32, #tpu.memory_space<hbm>>
        %dma_wait3A_37 = tpu.memref_squeeze %dma_wait3A_36 : memref<1x782x16xf32, #tpu.memory_space<hbm>> -> memref<782x16xf32, #tpu.memory_space<hbm>>
        tpu.wait_dma2 semaphore(%run_scoped3A : memref<!tpu.dma_semaphore, #tpu.memory_space<semaphore_mem>>) src(%arg11 : memref<782x16xf32, #tpu.memory_space<vmem>>) dst(%dma_wait3A_37 : memref<782x16xf32, #tpu.memory_space<hbm>>)
        tpu.yield
      }) : () -> ()
    }
    %scan3A_20 = arith.constant 8 : i32
    return
  }
}

module attributes {stable_mosaic.version = 14 : i64} {
  func.func @_tck0(%arg0: i32, %arg1: memref<2x3128x128xf32, #tpu.memory_space<vmem>>, %arg2: memref<3128x128xf32, #tpu.memory_space<vmem>>, %arg3: memref<3128x128xf32, #tpu.memory_space<vmem>>, %arg4: memref<3128x128xf32, #tpu.memory_space<vmem>>) attributes {dimension_semantics = [#tpu.dimension_semantics<arbitrary>], iteration_bounds = array<i64: 4>, scalar_prefetch = 0 : i64, scratch_operands = 0 : i64, tpu.core_type = #tpu.core_type<tc>, window_params = [{transform_indices = @transform_0, window_bounds = array<i64: 2, 3128, 128>}, {transform_indices = @transform_1, window_bounds = array<i64: 3128, 128>}, {transform_indices = @transform_2, window_bounds = array<i64: 3128, 128>}, {transform_indices = @transform_3, window_bounds = array<i64: 3128, 128>}]} {
    %get3A = arith.constant 0 : index
    %get3A_0 = arith.constant 0 : index
    %get3A_1 = arith.constant 0 : index
    %get3A_2 = vector.load %arg1[%get3A, %get3A_0, %get3A_1] : memref<2x3128x128xf32, #tpu.memory_space<vmem>>, vector<1x3128x128xf32>
    %get3A_3 = vector.shape_cast %get3A_2 : vector<1x3128x128xf32> to vector<3128x128xf32>
    %get3A_4 = arith.constant 1 : index
    %get3A_5 = arith.constant 0 : index
    %get3A_6 = arith.constant 0 : index
    %get3A_7 = vector.load %arg1[%get3A_4, %get3A_5, %get3A_6] : memref<2x3128x128xf32, #tpu.memory_space<vmem>>, vector<1x3128x128xf32>
    %get3A_8 = vector.shape_cast %get3A_7 : vector<1x3128x128xf32> to vector<3128x128xf32>
    %add3A = arith.addf %get3A_3, %get3A_8 : vector<3128x128xf32>
    %add3A_9 = arith.constant 1.000000e+00 : f32
    %add3A_10 = vector.broadcast %add3A_9 : f32 to vector<3128x128xf32>
    %add3A_11 = arith.addf %add3A, %add3A_10 : vector<3128x128xf32>
    %rsqrt3A = math.rsqrt %add3A_11 : vector<3128x128xf32>
    %swap3A = arith.constant 0 : index
    %swap3A_12 = arith.constant 0 : index
    %swap3A_13 = vector.load %arg4[%swap3A, %swap3A_12] : memref<3128x128xf32, #tpu.memory_space<vmem>>, vector<3128x128xf32>
    tpu.vector_store %arg4[%swap3A, %swap3A_12], %rsqrt3A {strides = array<i32>} : memref<3128x128xf32, #tpu.memory_space<vmem>>, vector<3128x128xf32>,
    %get3A_14 = arith.constant 0 : index
    %get3A_15 = arith.constant 0 : index
    %get3A_16 = vector.load %arg2[%get3A_14, %get3A_15] : memref<3128x128xf32, #tpu.memory_space<vmem>>, vector<3128x128xf32>
    %mul3A = arith.mulf %get3A_16, %rsqrt3A : vector<3128x128xf32>
    %swap3A_17 = arith.constant 0 : index
    %swap3A_18 = arith.constant 0 : index
    %swap3A_19 = vector.load %arg3[%swap3A_17, %swap3A_18] : memref<3128x128xf32, #tpu.memory_space<vmem>>, vector<3128x128xf32>
    tpu.vector_store %arg3[%swap3A_17, %swap3A_18], %mul3A {strides = array<i32>} : memref<3128x128xf32, #tpu.memory_space<vmem>>, vector<3128x128xf32>,
    return
  }
  func.func @transform_0(%arg0: i32) -> (i32, i32, i32) {
    %c0_i32 = arith.constant 0 : i32
    %c0_i32_0 = arith.constant 0 : i32
    %c0_i32_1 = arith.constant 0 : i32
    return %c0_i32, %arg0, %c0_i32_0 : i32, i32, i32
  }
  func.func @transform_1(%arg0: i32) -> (i32, i32) {
    %c0_i32 = arith.constant 0 : i32
    %c0_i32_0 = arith.constant 0 : i32
    return %arg0, %c0_i32 : i32, i32
  }
  func.func @transform_2(%arg0: i32) -> (i32, i32) {
    %c0_i32 = arith.constant 0 : i32
    %c0_i32_0 = arith.constant 0 : i32
    return %arg0, %c0_i32 : i32, i32
  }
  func.func @transform_3(%arg0: i32) -> (i32, i32) {
    %c0_i32 = arith.constant 0 : i32
    %c0_i32_0 = arith.constant 0 : i32
    return %arg0, %c0_i32 : i32, i32
  }
}

module attributes {stable_mosaic.version = 14 : i64} {
  func.func @_tck1(%arg0: i32, %arg1: memref<2x3128x128xf32, #tpu.memory_space<vmem>>, %arg2: memref<3128x128xf32, #tpu.memory_space<vmem>>, %arg3: memref<3128x128xf32, #tpu.memory_space<vmem>>, %arg4: memref<128x256xf32, #tpu.memory_space<vmem>>, %arg5: memref<1x256xf32, #tpu.memory_space<vmem>>, %arg6: memref<256x128xf32, #tpu.memory_space<vmem>>, %arg7: memref<3128x128xf32, #tpu.memory_space<vmem>>) attributes {dimension_semantics = [#tpu.dimension_semantics<arbitrary>], iteration_bounds = array<i64: 4>, scalar_prefetch = 0 : i64, scratch_operands = 0 : i64, tpu.core_type = #tpu.core_type<tc>, window_params = [{transform_indices = @transform_0, window_bounds = array<i64: 2, 3128, 128>}, {transform_indices = @transform_1, window_bounds = array<i64: 3128, 128>}, {transform_indices = @transform_2, window_bounds = array<i64: 3128, 128>}, {pipeline_mode = #tpu.pipeline_mode<synchronous>, transform_indices = @transform_3, window_bounds = array<i64: 128, 256>}, {pipeline_mode = #tpu.pipeline_mode<synchronous>, transform_indices = @transform_4, window_bounds = array<i64: 1, 256>}, {pipeline_mode = #tpu.pipeline_mode<synchronous>, transform_indices = @transform_5, window_bounds = array<i64: 256, 128>}, {transform_indices = @transform_6, window_bounds = array<i64: 3128, 128>}]} {
    %get3A = arith.constant 0 : index
    %get3A_0 = arith.constant 0 : index
    %get3A_1 = vector.load %arg3[%get3A, %get3A_0] : memref<3128x128xf32, #tpu.memory_space<vmem>>, vector<3128x128xf32>
    %get3A_2 = arith.constant 0 : index
    %get3A_3 = arith.constant 0 : index
    %get3A_4 = arith.constant 0 : index
    %get3A_5 = vector.load %arg1[%get3A_2, %get3A_3, %get3A_4] : memref<2x3128x128xf32, #tpu.memory_space<vmem>>, vector<1x3128x128xf32>
    %get3A_6 = vector.shape_cast %get3A_5 : vector<1x3128x128xf32> to vector<3128x128xf32>
    %get3A_7 = arith.constant 1 : index
    %get3A_8 = arith.constant 0 : index
    %get3A_9 = arith.constant 0 : index
    %get3A_10 = vector.load %arg1[%get3A_7, %get3A_8, %get3A_9] : memref<2x3128x128xf32, #tpu.memory_space<vmem>>, vector<1x3128x128xf32>
    %get3A_11 = vector.shape_cast %get3A_10 : vector<1x3128x128xf32> to vector<3128x128xf32>
    %add3A = arith.addf %get3A_6, %get3A_11 : vector<3128x128xf32>
    %get3A_12 = arith.constant 0 : index
    %get3A_13 = arith.constant 0 : index
    %get3A_14 = vector.load %arg2[%get3A_12, %get3A_13] : memref<3128x128xf32, #tpu.memory_space<vmem>>, vector<3128x128xf32>
    %add3A_15 = arith.addf %add3A, %get3A_14 : vector<3128x128xf32>
    %mul3A = arith.mulf %add3A_15, %get3A_1 : vector<3128x128xf32>
    %get3A_16 = arith.constant 0 : index
    %get3A_17 = arith.constant 0 : index
    %get3A_18 = vector.load %arg4[%get3A_16, %get3A_17] : memref<128x256xf32, #tpu.memory_space<vmem>>, vector<128x256xf32>
    %dot_general3A = arith.constant dense<0.000000e+00> : vector<3128x256xf32>
    %dot_general3A_19 = tpu.matmul %mul3A, %get3A_18, %dot_general3A {dimension_numbers = #tpu.dot_dimension_numbers<[1], [0], [0], [1], [0, 0, 1, 1], [], []>, transpose_lhs_hint = false} : vector<3128x128xf32>, vector<128x256xf32>, vector<3128x256xf32> -> vector<3128x256xf32>
    %get3A_20 = arith.constant 0 : index
    %get3A_21 = arith.constant 0 : index
    %get3A_22 = vector.load %arg5[%get3A_20, %get3A_21] : memref<1x256xf32, #tpu.memory_space<vmem>>, vector<1x256xf32>
    %add3A_23 = vector.broadcast %get3A_22 : vector<1x256xf32> to vector<3128x256xf32>
    %add3A_24 = arith.addf %dot_general3A_19, %add3A_23 : vector<3128x256xf32>
    %max3A = arith.constant 0.000000e+00 : f32
    %max3A_25 = vector.broadcast %max3A : f32 to vector<3128x256xf32>
    %max3A_26 = arith.maximumf %add3A_24, %max3A_25 : vector<3128x256xf32>
    %get3A_27 = arith.constant 0 : index
    %get3A_28 = arith.constant 0 : index
    %get3A_29 = vector.load %arg6[%get3A_27, %get3A_28] : memref<256x128xf32, #tpu.memory_space<vmem>>, vector<256x128xf32>
    %dot_general3A_30 = arith.constant dense<0.000000e+00> : vector<3128x128xf32>
    %dot_general3A_31 = tpu.matmul %max3A_26, %get3A_29, %dot_general3A_30 {dimension_numbers = #tpu.dot_dimension_numbers<[1], [0], [0], [1], [0, 0, 1, 1], [], []>, transpose_lhs_hint = false} : vector<3128x256xf32>, vector<256x128xf32>, vector<3128x128xf32> -> vector<3128x128xf32>
    %mul3A_32 = arith.mulf %dot_general3A_31, %get3A_1 : vector<3128x128xf32>
    %swap3A = arith.constant 0 : index
    %swap3A_33 = arith.constant 0 : index
    %swap3A_34 = vector.load %arg7[%swap3A, %swap3A_33] : memref<3128x128xf32, #tpu.memory_space<vmem>>, vector<3128x128xf32>
    tpu.vector_store %arg7[%swap3A, %swap3A_33], %mul3A_32 {strides = array<i32>} : memref<3128x128xf32, #tpu.memory_space<vmem>>, vector<3128x128xf32>,
    return
  }
  func.func @transform_0(%arg0: i32) -> (i32, i32, i32) {
    %c0_i32 = arith.constant 0 : i32
    %c0_i32_0 = arith.constant 0 : i32
    %c0_i32_1 = arith.constant 0 : i32
    return %c0_i32, %arg0, %c0_i32_0 : i32, i32, i32
  }
  func.func @transform_1(%arg0: i32) -> (i32, i32) {
    %c0_i32 = arith.constant 0 : i32
    %c0_i32_0 = arith.constant 0 : i32
    return %arg0, %c0_i32 : i32, i32
  }
  func.func @transform_2(%arg0: i32) -> (i32, i32) {
    %c0_i32 = arith.constant 0 : i32
    %c0_i32_0 = arith.constant 0 : i32
    return %arg0, %c0_i32 : i32, i32
  }
  func.func @transform_3(%arg0: i32) -> (i32, i32) {
    %c0_i32 = arith.constant 0 : i32
    %c0_i32_0 = arith.constant 0 : i32
    %c0_i32_1 = arith.constant 0 : i32
    return %c0_i32, %c0_i32_0 : i32, i32
  }
  func.func @transform_4(%arg0: i32) -> (i32, i32) {
    %c0_i32 = arith.constant 0 : i32
    %c0_i32_0 = arith.constant 0 : i32
    %c0_i32_1 = arith.constant 0 : i32
    return %c0_i32, %c0_i32_0 : i32, i32
  }
  func.func @transform_5(%arg0: i32) -> (i32, i32) {
    %c0_i32 = arith.constant 0 : i32
    %c0_i32_0 = arith.constant 0 : i32
    %c0_i32_1 = arith.constant 0 : i32
    return %c0_i32, %c0_i32_0 : i32, i32
  }
  func.func @transform_6(%arg0: i32) -> (i32, i32) {
    %c0_i32 = arith.constant 0 : i32
    %c0_i32_0 = arith.constant 0 : i32
    return %arg0, %c0_i32 : i32, i32
  }
}

module attributes {stable_mosaic.version = 14 : i64} {
  func.func @_tck2(%arg0: i32, %arg1: memref<2x3128x128xf32, #tpu.memory_space<vmem>>, %arg2: memref<3128x128xf32, #tpu.memory_space<vmem>>, %arg3: memref<3128x128xf32, #tpu.memory_space<vmem>>, %arg4: memref<1x128xf32, #tpu.memory_space<vmem>>, %arg5: memref<128x128xf32, #tpu.memory_space<vmem>>, %arg6: memref<3128x128xf32, #tpu.memory_space<vmem>>) attributes {dimension_semantics = [#tpu.dimension_semantics<arbitrary>], iteration_bounds = array<i64: 4>, scalar_prefetch = 0 : i64, scratch_operands = 0 : i64, tpu.core_type = #tpu.core_type<tc>, window_params = [{transform_indices = @transform_0, window_bounds = array<i64: 2, 3128, 128>}, {transform_indices = @transform_1, window_bounds = array<i64: 3128, 128>}, {transform_indices = @transform_2, window_bounds = array<i64: 3128, 128>}, {pipeline_mode = #tpu.pipeline_mode<synchronous>, transform_indices = @transform_3, window_bounds = array<i64: 1, 128>}, {pipeline_mode = #tpu.pipeline_mode<synchronous>, transform_indices = @transform_4, window_bounds = array<i64: 128, 128>}, {transform_indices = @transform_5, window_bounds = array<i64: 3128, 128>}]} {
    %get3A = arith.constant 0 : index
    %get3A_0 = arith.constant 0 : index
    %get3A_1 = vector.load %arg3[%get3A, %get3A_0] : memref<3128x128xf32, #tpu.memory_space<vmem>>, vector<3128x128xf32>
    %get3A_2 = arith.constant 0 : index
    %get3A_3 = arith.constant 0 : index
    %get3A_4 = arith.constant 0 : index
    %get3A_5 = vector.load %arg1[%get3A_2, %get3A_3, %get3A_4] : memref<2x3128x128xf32, #tpu.memory_space<vmem>>, vector<1x3128x128xf32>
    %get3A_6 = vector.shape_cast %get3A_5 : vector<1x3128x128xf32> to vector<3128x128xf32>
    %get3A_7 = arith.constant 1 : index
    %get3A_8 = arith.constant 0 : index
    %get3A_9 = arith.constant 0 : index
    %get3A_10 = vector.load %arg1[%get3A_7, %get3A_8, %get3A_9] : memref<2x3128x128xf32, #tpu.memory_space<vmem>>, vector<1x3128x128xf32>
    %get3A_11 = vector.shape_cast %get3A_10 : vector<1x3128x128xf32> to vector<3128x128xf32>
    %add3A = arith.addf %get3A_6, %get3A_11 : vector<3128x128xf32>
    %get3A_12 = arith.constant 0 : index
    %get3A_13 = arith.constant 0 : index
    %get3A_14 = vector.load %arg2[%get3A_12, %get3A_13] : memref<3128x128xf32, #tpu.memory_space<vmem>>, vector<3128x128xf32>
    %add3A_15 = arith.addf %add3A, %get3A_14 : vector<3128x128xf32>
    %mul3A = arith.mulf %add3A_15, %get3A_1 : vector<3128x128xf32>
    %get3A_16 = arith.constant 0 : index
    %get3A_17 = arith.constant 0 : index
    %get3A_18 = vector.load %arg4[%get3A_16, %get3A_17] : memref<1x128xf32, #tpu.memory_space<vmem>>, vector<1x128xf32>
    %add3A_19 = vector.broadcast %get3A_18 : vector<1x128xf32> to vector<3128x128xf32>
    %add3A_20 = arith.addf %mul3A, %add3A_19 : vector<3128x128xf32>
    %max3A = arith.constant 0.000000e+00 : f32
    %max3A_21 = vector.broadcast %max3A : f32 to vector<3128x128xf32>
    %max3A_22 = arith.maximumf %add3A_20, %max3A_21 : vector<3128x128xf32>
    %get3A_23 = arith.constant 0 : index
    %get3A_24 = arith.constant 0 : index
    %get3A_25 = vector.load %arg5[%get3A_23, %get3A_24] : memref<128x128xf32, #tpu.memory_space<vmem>>, vector<128x128xf32>
    %dot_general3A = arith.constant dense<0.000000e+00> : vector<3128x128xf32>
    %dot_general3A_26 = tpu.matmul %max3A_22, %get3A_25, %dot_general3A {dimension_numbers = #tpu.dot_dimension_numbers<[1], [0], [0], [1], [0, 0, 1, 1], [], []>, transpose_lhs_hint = false} : vector<3128x128xf32>, vector<128x128xf32>, vector<3128x128xf32> -> vector<3128x128xf32>
    %mul3A_27 = arith.mulf %dot_general3A_26, %get3A_1 : vector<3128x128xf32>
    %swap3A = arith.constant 0 : index
    %swap3A_28 = arith.constant 0 : index
    %swap3A_29 = vector.load %arg6[%swap3A, %swap3A_28] : memref<3128x128xf32, #tpu.memory_space<vmem>>, vector<3128x128xf32>
    tpu.vector_store %arg6[%swap3A, %swap3A_28], %mul3A_27 {strides = array<i32>} : memref<3128x128xf32, #tpu.memory_space<vmem>>, vector<3128x128xf32>,
    return
  }
  func.func @transform_0(%arg0: i32) -> (i32, i32, i32) {
    %c0_i32 = arith.constant 0 : i32
    %c0_i32_0 = arith.constant 0 : i32
    %c0_i32_1 = arith.constant 0 : i32
    return %c0_i32, %arg0, %c0_i32_0 : i32, i32, i32
  }
  func.func @transform_1(%arg0: i32) -> (i32, i32) {
    %c0_i32 = arith.constant 0 : i32
    %c0_i32_0 = arith.constant 0 : i32
    return %arg0, %c0_i32 : i32, i32
  }
  func.func @transform_2(%arg0: i32) -> (i32, i32) {
    %c0_i32 = arith.constant 0 : i32
    %c0_i32_0 = arith.constant 0 : i32
    return %arg0, %c0_i32 : i32, i32
  }
  func.func @transform_3(%arg0: i32) -> (i32, i32) {
    %c0_i32 = arith.constant 0 : i32
    %c0_i32_0 = arith.constant 0 : i32
    %c0_i32_1 = arith.constant 0 : i32
    return %c0_i32, %c0_i32_0 : i32, i32
  }
  func.func @transform_4(%arg0: i32) -> (i32, i32) {
    %c0_i32 = arith.constant 0 : i32
    %c0_i32_0 = arith.constant 0 : i32
    %c0_i32_1 = arith.constant 0 : i32
    return %c0_i32, %c0_i32_0 : i32, i32
  }
  func.func @transform_5(%arg0: i32) -> (i32, i32) {
    %c0_i32 = arith.constant 0 : i32
    %c0_i32_0 = arith.constant 0 : i32
    return %arg0, %c0_i32 : i32, i32
  }
}

module attributes {stable_mosaic.version = 14 : i64} {
  func.func @_tck3(%arg0: i32, %arg1: memref<2x3128x128xf32, #tpu.memory_space<vmem>>, %arg2: memref<3128x128xf32, #tpu.memory_space<vmem>>, %arg3: memref<3128x128xf32, #tpu.memory_space<vmem>>, %arg4: memref<1x128xf32, #tpu.memory_space<vmem>>, %arg5: memref<128x8xf32, #tpu.memory_space<vmem>>, %arg6: memref<1x8xf32, #tpu.memory_space<vmem>>, %arg7: memref<3128x8xf32, #tpu.memory_space<vmem>>) attributes {dimension_semantics = [#tpu.dimension_semantics<arbitrary>], iteration_bounds = array<i64: 4>, scalar_prefetch = 0 : i64, scratch_operands = 0 : i64, tpu.core_type = #tpu.core_type<tc>, window_params = [{transform_indices = @transform_0, window_bounds = array<i64: 2, 3128, 128>}, {transform_indices = @transform_1, window_bounds = array<i64: 3128, 128>}, {transform_indices = @transform_2, window_bounds = array<i64: 3128, 128>}, {pipeline_mode = #tpu.pipeline_mode<synchronous>, transform_indices = @transform_3, window_bounds = array<i64: 1, 128>}, {pipeline_mode = #tpu.pipeline_mode<synchronous>, transform_indices = @transform_4, window_bounds = array<i64: 128, 8>}, {pipeline_mode = #tpu.pipeline_mode<synchronous>, transform_indices = @transform_5, window_bounds = array<i64: 1, 8>}, {transform_indices = @transform_6, window_bounds = array<i64: 3128, 8>}]} {
    %get3A = arith.constant 0 : index
    %get3A_0 = arith.constant 0 : index
    %get3A_1 = vector.load %arg3[%get3A, %get3A_0] : memref<3128x128xf32, #tpu.memory_space<vmem>>, vector<3128x128xf32>
    %get3A_2 = arith.constant 0 : index
    %get3A_3 = arith.constant 0 : index
    %get3A_4 = arith.constant 0 : index
    %get3A_5 = vector.load %arg1[%get3A_2, %get3A_3, %get3A_4] : memref<2x3128x128xf32, #tpu.memory_space<vmem>>, vector<1x3128x128xf32>
    %get3A_6 = vector.shape_cast %get3A_5 : vector<1x3128x128xf32> to vector<3128x128xf32>
    %get3A_7 = arith.constant 1 : index
    %get3A_8 = arith.constant 0 : index
    %get3A_9 = arith.constant 0 : index
    %get3A_10 = vector.load %arg1[%get3A_7, %get3A_8, %get3A_9] : memref<2x3128x128xf32, #tpu.memory_space<vmem>>, vector<1x3128x128xf32>
    %get3A_11 = vector.shape_cast %get3A_10 : vector<1x3128x128xf32> to vector<3128x128xf32>
    %add3A = arith.addf %get3A_6, %get3A_11 : vector<3128x128xf32>
    %get3A_12 = arith.constant 0 : index
    %get3A_13 = arith.constant 0 : index
    %get3A_14 = vector.load %arg2[%get3A_12, %get3A_13] : memref<3128x128xf32, #tpu.memory_space<vmem>>, vector<3128x128xf32>
    %add3A_15 = arith.addf %add3A, %get3A_14 : vector<3128x128xf32>
    %mul3A = arith.mulf %add3A_15, %get3A_1 : vector<3128x128xf32>
    %get3A_16 = arith.constant 0 : index
    %get3A_17 = arith.constant 0 : index
    %get3A_18 = vector.load %arg4[%get3A_16, %get3A_17] : memref<1x128xf32, #tpu.memory_space<vmem>>, vector<1x128xf32>
    %add3A_19 = vector.broadcast %get3A_18 : vector<1x128xf32> to vector<3128x128xf32>
    %add3A_20 = arith.addf %mul3A, %add3A_19 : vector<3128x128xf32>
    %max3A = arith.constant 0.000000e+00 : f32
    %max3A_21 = vector.broadcast %max3A : f32 to vector<3128x128xf32>
    %max3A_22 = arith.maximumf %add3A_20, %max3A_21 : vector<3128x128xf32>
    %get3A_23 = arith.constant 0 : index
    %get3A_24 = arith.constant 0 : index
    %get3A_25 = vector.load %arg5[%get3A_23, %get3A_24] : memref<128x8xf32, #tpu.memory_space<vmem>>, vector<128x8xf32>
    %dot_general3A = arith.constant dense<0.000000e+00> : vector<3128x8xf32>
    %dot_general3A_26 = tpu.matmul %max3A_22, %get3A_25, %dot_general3A {dimension_numbers = #tpu.dot_dimension_numbers<[1], [0], [0], [1], [0, 0, 1, 1], [], []>, transpose_lhs_hint = false} : vector<3128x128xf32>, vector<128x8xf32>, vector<3128x8xf32> -> vector<3128x8xf32>
    %get3A_27 = arith.constant 0 : index
    %get3A_28 = arith.constant 0 : index
    %get3A_29 = vector.load %arg6[%get3A_27, %get3A_28] : memref<1x8xf32, #tpu.memory_space<vmem>>, vector<1x8xf32>
    %add3A_30 = vector.broadcast %get3A_29 : vector<1x8xf32> to vector<3128x8xf32>
    %add3A_31 = arith.addf %dot_general3A_26, %add3A_30 : vector<3128x8xf32>
    %swap3A = arith.constant 0 : index
    %swap3A_32 = arith.constant 0 : index
    %swap3A_33 = vector.load %arg7[%swap3A, %swap3A_32] : memref<3128x8xf32, #tpu.memory_space<vmem>>, vector<3128x8xf32>
    tpu.vector_store %arg7[%swap3A, %swap3A_32], %add3A_31 {strides = array<i32>} : memref<3128x8xf32, #tpu.memory_space<vmem>>, vector<3128x8xf32>,
    return
  }
  func.func @transform_0(%arg0: i32) -> (i32, i32, i32) {
    %c0_i32 = arith.constant 0 : i32
    %c0_i32_0 = arith.constant 0 : i32
    %c0_i32_1 = arith.constant 0 : i32
    return %c0_i32, %arg0, %c0_i32_0 : i32, i32, i32
  }
  func.func @transform_1(%arg0: i32) -> (i32, i32) {
    %c0_i32 = arith.constant 0 : i32
    %c0_i32_0 = arith.constant 0 : i32
    return %arg0, %c0_i32 : i32, i32
  }
  func.func @transform_2(%arg0: i32) -> (i32, i32) {
    %c0_i32 = arith.constant 0 : i32
    %c0_i32_0 = arith.constant 0 : i32
    return %arg0, %c0_i32 : i32, i32
  }
  func.func @transform_3(%arg0: i32) -> (i32, i32) {
    %c0_i32 = arith.constant 0 : i32
    %c0_i32_0 = arith.constant 0 : i32
    %c0_i32_1 = arith.constant 0 : i32
    return %c0_i32, %c0_i32_0 : i32, i32
  }
  func.func @transform_4(%arg0: i32) -> (i32, i32) {
    %c0_i32 = arith.constant 0 : i32
    %c0_i32_0 = arith.constant 0 : i32
    %c0_i32_1 = arith.constant 0 : i32
    return %c0_i32, %c0_i32_0 : i32, i32
  }
  func.func @transform_5(%arg0: i32) -> (i32, i32) {
    %c0_i32 = arith.constant 0 : i32
    %c0_i32_0 = arith.constant 0 : i32
    %c0_i32_1 = arith.constant 0 : i32
    return %c0_i32, %c0_i32_0 : i32, i32
  }
  func.func @transform_6(%arg0: i32) -> (i32, i32) {
    %c0_i32 = arith.constant 0 : i32
    %c0_i32_0 = arith.constant 0 : i32
    return %arg0, %c0_i32 : i32, i32
  }
}

</mosaic_0001>

<sc_bundles>
// kernel: kernel.10.cloned.1.call-start
scs
__scs_entry_jumppad:
0x0: {  	(pc) =	sbr.rel $0x88, $3  }
0x1: {  	(tag) =	ssettag $0x0;
	lr =	simm.s32 $0x1  }
0x2: {  	[smem:$0x3F97] =	sst lr;
	_ =	strace $0xD0000000  }
0x3: {  	_ = 	snop  }
0x4: {  	_ = 	snop  }
0x5: {  	_ = 	snop  }
0x6: {  	_ = 	snop  }
0x7: {  	_ = 	snop  }
__scs_overlays_trampoline_lowered:
0x8: {  	[smem:$0x3FA6] =	sst s0  }
0x9: {  	[smem:$0x3FA7] =	sst s1  }
0xa: {  	[smem:$0x3FA8] =	sst s2  }
0xb: {  	[smem:$0x3FA9] =	sst s3  }
0xc: {  	[smem:$0x3FAA] =	sst s4  }
0xd: {  	[smem:$0x3FAB] =	sst s5  }
0xe: {  	[smem:$0x3FAC] =	sst s6  }
0xf: {  	[smem:$0x3FAD] =	sst s7  }
0x10: {  	[smem:$0x3FAE] =	sst s8  }
0x11: {  	[smem:$0x3FAF] =	sst s9;
	s0 =	simm.s32 @!p0 $0x0  }
0x12: {  	s1 =	sld [smem:$0x3F95];
	s0 =	simm.s32 @p0 $0x1  }
0x13: {  	[smem:$0x3FB0] =	sst s0;
	s0 =	simm.s32 @!p1 $0x0  }
0x14: {  	s2 =	sld [smem:$0x3F94];
	s0 =	simm.s32 @p1 $0x1  }
0x15: {  	[smem:$0x3FB1] =	sst s0;
	s0 =	simm.s32 @!p2 $0x0  }
0x16: {  	s3 =	sld [smem:$0x3FDB];
	s0 =	simm.s32 @p2 $0x1  }
0x17: {  	s4 =	simm.s32 $0x1BF5;
	[smem:$0x3FB3] =	sst s0  }
0x18: {  	s0 =	sld [smem:$0x3F96];
	_ =	swait.ge [sflag:s4], $0x0  }
0x19: {  	s7 =	sld [smem:$0x3F97]  }
0x1a: {  	s8 =	sadd.s32 $0xFFFFE003, lr  }
0x1b: {  	s9 =	sadd.s32 $0xFFFFFEF7, lr;
	s5 =	simm.s32 $0xFFFFFFFF;
	p2 =	slt.u32 s8, $0xFFFFF086  }
0x1c: {  	p1 =	slt.u32 s9, $0xF7A;
	s5 =	simm.s32 @!p2 $0x0  }
0x1d: {  	s5 =	simm.s32 @p1 $0x1;
	p0 =	seq.s32 s7, s2  }
0x1e: {  	s7 =	smul.u32 @!p0 $0xF7A, s2;
	p2 =	seq.s32 @!p0 s5, $0x0  }
0x1f: {  	s9 =	smul.u32 $0xF7A, s1;
	s8 =	simm.s32 @!p0 $0x1BF5;
	p2 =	por !p2, p0  }
0x20: {  	[sflag:s8] =	ssyncset.s32 @!p0 $0xFFFFF086;
	s6 =	sadd.s32 @!p0 s3, s7;
	s7 =	simm.s32 @!p0 $0x108  }
0x21: {  	s3 =	sadd.s32 s3, s9;
	s6 =	sadd.s32 @!p0 $0x88, s6;
	s7 =	simm.s32 @p2 $0x1082  }
0x22: {  	[simem:s7], [sflag:s8] =	dma.local @!p0 [hbm:s6], $0xF7A  }
0x23: {  	s9 =	sor.u32 $0xD0000000, s2;
	s6 =	simm.s32 $0x108;
	_ =	swait.ge @!p0 [sflag:s8], $0x0  }
0x24: {  	s3 =	sadd.s32 $0x88, s3;
	s6 =	simm.s32 @!p1 $0x1082;
	[sflag:s4] =	ssyncset.s32 $0xFFFFF086  }
0x25: {  	[simem:s6], [sflag:s4] =	dma.local [hbm:s3], $0xF7A  }
0x26: {  	[smem:$0x3F97] =	sst s1;
	(tag) =	ssettag s2;
	_ =	strace s9  }
0x27: {  	s1 =	sld [smem:$0x3FA7]  }
0x28: {  	s2 =	sld [smem:$0x3FA8]  }
0x29: {  	s4 =	sld [smem:$0x3FAA]  }
0x2a: {  	p0 =	seq.s32 s5, $0x0;
	s5 =	sld [smem:$0x3FAB]  }
0x2b: {  	s6 =	sld [smem:$0x3FAC]  }
0x2c: {  	s7 =	sld [smem:$0x3FAD]  }
0x2d: {  	s3 =	simm.s32 $0x108;
	s8 =	sld [smem:$0x3FAE]  }
0x2e: {  	s3 =	simm.s32 @!p0 $0x1082;
	s9 =	sld [smem:$0x3FAF]  }
0x2f: {  	lr =	sadd.s32 s0, s3;
	s0 =	sld [smem:$0x3FA6]  }
0x30: {  	s3 =	sld [smem:$0x3FA9]  }
0x31: {  	[smem:$0x3FB2] =	sst s10  }
0x32: {  	s10 =	sld [smem:$0x3FB0];
	_ =	sdelay $0x3  }
0x33: {  	p0 =	seq.s32 s10, $0x1;
	s10 =	sld [smem:$0x3FB2];
	_ =	sdelay $0x3  }
0x34: {  	[smem:$0x3FB2] =	sst s10  }
0x35: {  	s10 =	sld [smem:$0x3FB1];
	_ =	sdelay $0x3  }
0x36: {  	p1 =	seq.s32 s10, $0x1;
	s10 =	sld [smem:$0x3FB2];
	_ =	sdelay $0x3  }
0x37: {  	[smem:$0x3FB2] =	sst s10  }
0x38: {  	s10 =	sld [smem:$0x3FB3]  }
0x39: {  	_ = 	snop;
	(pc) =	sbr.ind lr, $3  }
0x3a: {  	_ = 	snop  }
0x3b: {  	_ = 	snop  }
0x3c: {  	p2 =	seq.s32 s10, $0x1;
	s10 =	sld [smem:$0x3FB2]  }
0x3d: {  	_ =	shalt  }
0x3e: {  	_ =	shalt  }
0x3f: {  	_ =	shalt  }
0x40: {  	_ =	shalt  }
0x41: {  	_ =	shalt  }
0x42: {  	_ =	shalt  }
0x43: {  	_ =	shalt  }
0x44: {  	_ =	shalt  }
0x45: {  	_ =	shalt  }
0x46: {  	_ =	shalt  }
0x47: {  	_ =	shalt  }
0x48: {  	_ =	shalt  }
0x49: {  	_ =	shalt  }
0x4a: {  	_ =	shalt  }
0x4b: {  	_ =	shalt  }
0x4c: {  	_ =	shalt  }
0x4d: {  	_ =	shalt  }
0x4e: {  	_ =	shalt  }
0x4f: {  	_ =	shalt  }
0x50: {  	_ =	shalt  }
0x51: {  	_ =	shalt  }
0x52: {  	_ =	shalt  }
0x53: {  	_ =	shalt  }
0x54: {  	_ =	shalt  }
0x55: {  	_ =	shalt  }
0x56: {  	_ =	shalt  }
0x57: {  	_ =	shalt  }
0x58: {  	_ =	shalt  }
0x59: {  	_ =	shalt  }
0x5a: {  	_ =	shalt  }
0x5b: {  	_ =	shalt  }
0x5c: {  	_ =	shalt  }
0x5d: {  	_ =	shalt  }
0x5e: {  	_ =	shalt  }
0x5f: {  	_ =	shalt  }
0x60: {  	_ =	shalt  }
0x61: {  	_ =	shalt  }
0x62: {  	_ =	shalt  }
0x63: {  	_ =	shalt  }
0x64: {  	_ =	shalt  }
0x65: {  	_ =	shalt  }
0x66: {  	_ =	shalt  }
0x67: {  	_ =	shalt  }
0x68: {  	_ =	shalt  }
0x69: {  	_ =	shalt  }
0x6a: {  	_ =	shalt  }
0x6b: {  	_ =	shalt  }
0x6c: {  	_ =	shalt  }
0x6d: {  	_ =	shalt  }
0x6e: {  	_ =	shalt  }
0x6f: {  	_ =	shalt  }
0x70: {  	_ =	shalt  }
0x71: {  	_ =	shalt  }
0x72: {  	_ =	shalt  }
0x73: {  	_ =	shalt  }
0x74: {  	_ =	shalt  }
0x75: {  	_ =	shalt  }
0x76: {  	_ =	shalt  }
0x77: {  	_ =	shalt  }
0x78: {  	_ =	shalt  }
0x79: {  	_ =	shalt  }
0x7a: {  	_ =	shalt  }
0x7b: {  	_ =	shalt  }
0x7c: {  	_ =	shalt  }
0x7d: {  	_ =	shalt  }
0x7e: {  	_ =	shalt  }
0x7f: {  	_ =	shalt  }
0x80: {  	_ =	shalt  }
0x81: {  	_ =	shalt  }
0x82: {  	_ =	shalt  }
0x83: {  	_ =	shalt  }
0x84: {  	_ =	shalt  }
0x85: {  	_ =	shalt  }
0x86: {  	_ =	shalt  }
0x87: {  	_ =	shalt  }
.Lfunc_end0:
.L_simem_size_0:
called_computation_lowered:
.L_overlay_start_0:
0x88: {  	s2 =	sld [smem:$0x3FD9]  }
0x89: {  	s3 =	sld [smem:$0x3FFE];
	_ =	sdelay $0x1  }
0x8a: {  	s1 =	srdreg.scid  }
0x8b: {  	s0 =	sand.u32 $0x1, s1  }
0x8c: {  	s17 =	sshll.u32 s0, $0xA;
	s2 =	sadd.s32 s3, s2  }
0x8d: {  	s2 =	sadd.s32 s2, s17  }
0x8e: {  	[smem:$0x3FBE] =	sst s2  }
0x8f: {  	_ = 	snop  }
0x90: {  	s2 =	sld [smem:$0x3FD0];
	(tm) =	ssettm $0x1  }
0x91: {  	s18 =	sld [smem:$0x3FFB];
	_ =	sdelay $0x3  }
0x92: {  	_ =	strace s18  }
0x93: {  	s3 =	sld [smem:$0x3FFC];
	_ =	sdelay $0x3  }
0x94: {  	_ =	strace s3  }
0x95: {  	s3 =	sld [smem:$0x3FFD];
	_ =	sdelay $0x3  }
0x96: {  	_ =	strace s3  }
0x97: {  	_ =	strace $0x8FFFFFFF  }
0x98: {  	s19 =	sld [smem:$0x3FDB];
	_ =	sdelay $0x1  }
0x99: {  	s4 =	simm.s32 $_scs_section_size  }
0x9a: {  	s5 =	simm.s32 $_size__tile_overlayer_lowered;
	s6 =	simm.s32 $_tile_overlayer_lowered  }
0x9b: {  	s22 =	simm.s32 $0x1BFF;
	s21 =	sshll.u32 s6, $0x1;
	s3 =	sadd.s32 s4, s19  }
0x9c: {  	s7 =	simm.s32 $0x0;
	s20 =	sshll.u32 s5, $0x1;
	s5 =	sadd.s32 s21, s3  }
0x9d: {  	[timem:s7], [sflag:s22] =	dma.local [hbm:s5], s20  }
0x9e: {  	_ =	swait.ge [sflag:s22], s20  }
0x9f: {  	s4 =	ssub.s32 $0x0, s20;
	[sflag:s22] =	ssyncset.done $0x0  }
0xa0: {  	[sflag:s22] =	ssyncadd.s32 s4;
	_ =	sdelay $0x1  }
0xa1: {  	s23 =	simm.s32 $0x1B8B  }
0xa2: {  	_ =	swait.ge [sflag:s23], $0x1  }
0xa3: {  	[sflag:s23] =	ssyncset.done $0x0  }
0xa4: {  	s25 =	simm.s32 $0x1B8E;
	s24 =	sld [smem:$0x3FFE];
	[sflag:s23] =	ssyncadd.s32 $0xFFFFFFFF  }
0xa5: {  	s26 =	simm.s32 $execute0_lowered;
	[smem:$0x3FD2] =	sst s25  }
0xa6: {  	s5 =	sshll.u32 s26, $0x1;
	_ =	strace $0x80000046;
	[dreg:$0x1] =	wrdreg $0xFFFFFFFF  }
0xa7: {  	s28 =	simm.s32 $_size_execute0_lowered;
	s3 =	sadd.s32 s3, s5;
	[dreg:$0x0] =	wrdreg $0x0  }
0xa8: {  	s5 =	sshll.u32 s28, $0x1;
	[dreg:$0x2] =	wrdreg s3  }
0xa9: {  	[dreg:$0x3] =	wrdreg s5  }
0xaa: {  	[dreg:$0x4] =	wrdreg $0xC0  }
0xab: {  	_ =	task [dreg:s7], $0x5FFFF  }
0xac: {  	[dreg:$0x1] =	wrdreg $0xFFFFFFFF  }
0xad: {  	[dreg:$0x0] =	wrdreg $0x60  }
0xae: {  	[dreg:$0x2] =	wrdreg s24  }
0xaf: {  	[dreg:$0x3] =	wrdreg s2  }
0xb0: {  	[dreg:$0x4] =	wrdreg $0x0  }
0xb1: {  	[dreg:$0x5] =	wrdreg $0x9  }
0xb2: {  	_ =	task.clear_ibuf [dreg:s7], $0x6FFFF;
	_ =	strace $0x90000046  }
0xb3: {  	s29 =	simm.s32 $0x9;
	_ =	strace $0x80000048  }
0xb4: {  	_ =	swait.ge [sflag:s29], $0x1  }
0xb5: {  	[sflag:s29] =	ssyncadd.s32 $0xFFFFFFFF  }
0xb6: {  	_ =	strace $0x90000048  }
0xb7: {  	_ =	sfence  }
0xb8: {  	s30 =	sld [smem:$0x0];
	_ =	sdelay $0x2  }
0xb9: {  	s31 =	sshll.u32 s1, $0xD;
	s1 =	sshrl.u32 s1, $0x2  }
0xba: {  	s3 =	sand.u32 $0x4000, s31;
	s1 =	sadd.s32 s1, s30  }
0xbb: {  	s0 =	sor.u32 s3, s0;
	s1 =	sshll.u32 s1, $0x11  }
0xbc: {  	s0 =	sor.u32 s1, s0  }
0xbd: {  	s0 =	sadd.s32 $0x8F2B, s0  }
0xbe: {  	[sflag:s0] =	ssyncadd.remote.s32 $0x1  }
0xbf: {  	_ =	sfence.sel $0xFFFF  }
0xc0: {  	[dreg:$0x0] =	wrdreg $0xFFFFFFFF;
	(pc) =	sbr.abs _section_cstart, $3  }
0xc1: {  	[dreg:$0x1] =	wrdreg $0xFFFFFFFF  }
0xc2: {  	_ =	task.clear_ibuf [dreg:s7], $0x2FFFF;
	_ =	strace $0x9FFFFFFF  }
0xc3: {  	(tm) =	ssettm $0x7FFFFFFF  }
tec
execute0_lowered:
.L_overlay_start_1:
0x0: {  	(tag) =	ssettag $0x1  }
0x1: {  	s0 =	rddreg [dreg:$0x0]  }
0x2: {  	s1 =	srdreg.scid;
	s8 =	stileid.u32  }
0x3: {  	s3 =	rddreg [dreg:$0x2];
	s4 =	simm.s32 $0x0;
	s28 =	simm.s32 $0x18700  }
0x4: {  	s29 =	simm.s32 $0x80;
	s30 =	simm.s32 $0x18A00;
	s2 =	smul.u32 $0x18800, s8  }
0x5: {  	s31 =	simm.s32 $0x18A80;
	s1 =	sand.u32 $0x1, s1;
	s6 =	smul.u32 $0x61C00, s8  }
0x6: {  	[smem:$0x7FF] =	sst s4;
	s17 =	sadd.s32 $0x33C00, s0;
	s8 =	smul.u32 $0x18700, s8  }
0x7: {  	s5 =	smul.u32 $0xC400, s1;
	_ =	strace $0x80000047;
	s18 =	ssub.s32 $0x2, s1  }
0x8: {  	[dreg:$0xa] =	wrdreg s17;
	s1 =	smul.u32 $0x187000, s1;
	s7 =	sshrl.u32 s18, $0x1  }
0x9: {  	s6 =	sshrl.u32 s6, $0x2;
	s19 =	sadd.s32 s8, s3;
	s21 =	sadd.s32 $0x30E0, s8  }
0xa: {  	s22 =	sadd.s32 $0x61C0, s8;
	s23 =	sadd.s32 $0x92A0, s8;
	s25 =	sadd.s32 $0xC380, s8  }
0xb: {  	s10 =	sadd.s32 $0xF460, s8;
	s11 =	sadd.s32 $0x12540, s8;
	s14 =	sadd.s32 $0x15620, s8  }
0xc: {  	s2 =	sadd.s32 s5, s2;
	s5 =	ssub.s32 s18, s7;
	[dreg:$0xb] =	wrdreg s19  }
0xd: {  	s20 =	sadd.s32 s6, s3;
	s15 =	sadd.s32 s21, s3;
	s9 =	sadd.s32 s22, s3  }
0xe: {  	s24 =	sadd.s32 s23, s3;
	s12 =	sadd.s32 s25, s3;
	[dreg:$0xd] =	wrdreg s20  }
0xf: {  	s26 =	sadd.s32 s10, s3;
	s13 =	sadd.s32 s11, s3;
	[dreg:$0xf] =	wrdreg s9  }
0x10: {  	s8 =	sadd.s32 s1, s8;
	s6 =	sadd.s32 s1, s22;
	[dreg:$0x10] =	wrdreg s24  }
0x11: {  	s7 =	sadd.s32 s1, s23;
	s10 =	sadd.s32 s1, s10;
	[dreg:$0x11] =	wrdreg s12  }
0x12: {  	s11 =	sadd.s32 s1, s11;
	s22 =	simm.s32 $0x18800;
	[dreg:$0x12] =	wrdreg s26  }
0x13: {  	s2 =	sshrl.u32 s2, $0x3;
	s5 =	smax.u32 s5, $0x1;
	[dreg:$0x13] =	wrdreg s13  }
0x14: {  	s9 =	sadd.s32 s1, s25;
	s12 =	sadd.s32 s14, s3;
	s8 =	sshrl.u32 s8, $0x3  }
0x15: {  	s16 =	sshrl.u32 s6, $0x3;
	s17 =	sshrl.u32 s7, $0x3;
	s20 =	sshrl.u32 s10, $0x3  }
0x16: {  	s23 =	sshrl.u32 s11, $0x3;
	[dreg:$0x6] =	wrdreg s22;
	s24 =	simm.s32 $0x18880  }
0x17: {  	s25 =	simm.s32 $0x18900;
	s26 =	simm.s32 $0x18980;
	s6 =	simm.s32 $0x18D00  }
0x18: {  	s7 =	simm.s32 $0x18D80;
	s22 =	simm.s32 $0x19180;
	[dreg:$0xe] =	wrdreg s15  }
0x19: {  	s10 =	simm.s32 $0x19300;
	s11 =	simm.s32 $0x19380;
	[dreg:$0xc] =	wrdreg s5  }
0x1a: {  	s13 =	simm.s32 $0x19480;
	s2 =	sadd.s32 s2, s0;
	[dreg:$0x14] =	wrdreg s12  }
0x1b: {  	s0 =	sadd.s32 $0x33E00, s0;
	s5 =	sadd.s32 s1, s21;
	[dreg:$0x7] =	wrdreg s24  }
0x1c: {  	s1 =	sadd.s32 s1, s14;
	s18 =	sshrl.u32 s9, $0x3;
	[dreg:$0x8] =	wrdreg s25  }
0x1d: {  	s21 =	simm.s32 $0x18780;
	s24 =	simm.s32 $0x1B500;
	[dreg:$0x9] =	wrdreg s26  }
0x1e: {  	s25 =	simm.s32 $0x1;
	s26 =	simm.s32 $0x19500;
	s9 =	simm.s32 $0x19280  }
0x1f: {  	s12 =	simm.s32 $0x19400;
	s14 =	simm.s32 $0x0;
	[dreg:$0x5] =	wrdreg s21  }
0x20: {  	s5 =	sshrl.u32 s5, $0x3;
	s8 =	sadd.s32 s0, s8;
	[dreg:$0x1d] =	wrdreg s14  }
0x21: {  	s19 =	sadd.s32 s0, s18;
	s2 =	sadd.s32 $0x2C00, s2;
	[dreg:$0x15] =	wrdreg s8  }
0x22: {  	s1 =	sshrl.u32 s1, $0x3;
	s18 =	simm.s32 $0x18F80;
	[dreg:$0x19] =	wrdreg s19  }
0x23: {  	s21 =	simm.s32 $0x19100;
	s5 =	sadd.s32 s0, s5;
	[dreg:$0x4] =	wrdreg s2  }
0x24: {  	s2 =	simm.s32 $0x18C00;
	s8 =	simm.s32 $0x18E00;
	s19 =	simm.s32 $0x19000  }
0x25: {  	[dreg:$0x16] =	wrdreg s5;
	s5 =	sadd.s32 s0, s16;
	s16 =	simm.s32 $0x18E80  }
0x26: {  	[dreg:$0x17] =	wrdreg s5;
	s5 =	sadd.s32 s0, s17;
	s17 =	simm.s32 $0x18F00  }
0x27: {  	[dreg:$0x18] =	wrdreg s5;
	s5 =	sadd.s32 s0, s20;
	s20 =	simm.s32 $0x19080  }
0x28: {  	[dreg:$0x1a] =	wrdreg s5;
	s5 =	sadd.s32 s0, s23;
	s0 =	sadd.s32 s0, s1  }
0x29: {  	s1 =	simm.s32 $0x18B00;
	s23 =	simm.s32 $0x19200;
	[dreg:$0x1b] =	wrdreg s5  }
0x2a: {  	[dreg:$0x1c] =	wrdreg s0;
	s0 =	simm.s32 $0x18B80;
	s5 =	simm.s32 $0x18C80  }
.LBB2_1:
0x2b: {  	s14 =	rddreg [dreg:$0x1]  }
0x2c: {  	[tilespmem:s24], [sflag:$0x1] =	stream.linear.gather [hbm4b:s14+s4], $0x30E0, $0x38;
	[tilespmem:$0x1E5E0] =	vst v63  }
0x2d: {  	_ =	swait.ge [sflag:s25], $0x30E0  }
0x2e: {  	[sflag:s25] =	ssyncset.done $0x0  }
0x2f: {  	s14 =	rddreg [dreg:$0xd];
	[sflag:s25] =	ssyncadd.s32 $0xFFFFCF20  }
0x30: {  	[spmem:s14] =	stream.linear.scatter [tilespmem:s24], [sflag:$0x1], $0x30E0, $0x38;
	[tilespmem:$0x1E5E0] =	vst v63  }
0x31: {  	_ =	swait.ge [sflag:s25], $0x30E0  }
0x32: {  	[sflag:s25] =	ssyncset.done $0x0  }
0x33: {  	[sflag:s25] =	ssyncadd.s32 $0xFFFFCF20  }
0x34: {  	[spmem:s15] =	stream.linear.scatter [tilespmem:s24], [sflag:$0x1], $0x30E0, $0x38;
	[tilespmem:$0x1E5E0] =	vst v63  }
0x35: {  	_ =	swait.ge [sflag:s25], $0x30E0  }
0x36: {  	[sflag:s25] =	ssyncset.done $0x0  }
0x37: {  	s15 =	rddreg [dreg:$0xf];
	[sflag:s25] =	ssyncadd.s32 $0xFFFFCF20  }
0x38: {  	[spmem:s15] =	stream.linear.scatter [tilespmem:s24], [sflag:$0x1], $0x30E0, $0x38;
	[tilespmem:$0x1E5E0] =	vst v63  }
0x39: {  	_ =	swait.ge [sflag:s25], $0x30E0  }
0x3a: {  	[sflag:s25] =	ssyncset.done $0x0  }
0x3b: {  	s15 =	rddreg [dreg:$0x10];
	[sflag:s25] =	ssyncadd.s32 $0xFFFFCF20  }
0x3c: {  	[spmem:s15] =	stream.linear.scatter [tilespmem:s24], [sflag:$0x1], $0x30E0, $0x38;
	[tilespmem:$0x1E5E0] =	vst v63  }
0x3d: {  	_ =	swait.ge [sflag:s25], $0x30E0  }
0x3e: {  	[sflag:s25] =	ssyncset.done $0x0  }
0x3f: {  	s15 =	rddreg [dreg:$0x11];
	[sflag:s25] =	ssyncadd.s32 $0xFFFFCF20  }
0x40: {  	[spmem:s15] =	stream.linear.scatter [tilespmem:s24], [sflag:$0x1], $0x30E0, $0x38;
	[tilespmem:$0x1E5E0] =	vst v63  }
0x41: {  	_ =	swait.ge [sflag:s25], $0x30E0  }
0x42: {  	[sflag:s25] =	ssyncset.done $0x0  }
0x43: {  	s15 =	rddreg [dreg:$0x12];
	[sflag:s25] =	ssyncadd.s32 $0xFFFFCF20  }
0x44: {  	[spmem:s15] =	stream.linear.scatter [tilespmem:s24], [sflag:$0x1], $0x30E0, $0x38;
	[tilespmem:$0x1E5E0] =	vst v63  }
0x45: {  	_ =	swait.ge [sflag:s25], $0x30E0  }
0x46: {  	[sflag:s25] =	ssyncset.done $0x0  }
0x47: {  	s15 =	rddreg [dreg:$0x13];
	[sflag:s25] =	ssyncadd.s32 $0xFFFFCF20  }
0x48: {  	[spmem:s15] =	stream.linear.scatter [tilespmem:s24], [sflag:$0x1], $0x30E0, $0x38;
	[tilespmem:$0x1E5E0] =	vst v63  }
0x49: {  	_ =	swait.ge [sflag:s25], $0x30E0  }
0x4a: {  	[sflag:s25] =	ssyncset.done $0x0  }
0x4b: {  	s15 =	rddreg [dreg:$0x14];
	[sflag:s25] =	ssyncadd.s32 $0xFFFFCF20  }
0x4c: {  	[spmem:s15] =	stream.linear.scatter [tilespmem:s24], [sflag:$0x1], $0x30E0, $0x38;
	[tilespmem:$0x1E5E0] =	vst v63  }
0x4d: {  	_ =	swait.ge [sflag:s25], $0x30E0  }
0x4e: {  	[sflag:s25] =	ssyncset.done $0x0  }
0x4f: {  	s24 =	rddreg [dreg:$0xa];
	[sflag:s25] =	ssyncadd.s32 $0xFFFFCF20  }
0x50: {  	[tilespmem:s26], [sflag:$0x1] =	stream.linear.gather [hbm4b:s24+s4], $0x800, $0x38;
	[tilespmem:$0x1E5E0] =	vst v63  }
0x51: {  	_ =	swait.ge [sflag:s25], $0x800  }
0x52: {  	[sflag:s25] =	ssyncset.done $0x0  }
0x53: {  	[sflag:s25] =	ssyncadd.s32 $0xFFFFF800  }
0x54: {  	[bflag:$0x0] =	sbarrier.arrive $0xFFFF  }
0x55: {  	s14 =	rddreg [dreg:$0x4]  }
0x56: {  	s15 =	sadd.s32 $0x0, s14  }
0x57: {  	[tilespmem:s28], [sflag:$0x1] =	stream.linear.gather [hbm4b:s15+s4], $0xE00, $0x38;
	[tilespmem:$0x1E5E0] =	vst v63  }
0x58: {  	_ =	swait.ge [sflag:s25], $0xE00  }
0x59: {  	[sflag:s25] =	ssyncset.done $0x0  }
0x5a: {  	[sflag:s25] =	ssyncadd.s32 $0xFFFFF200  }
0x5b: {  	[spmem:s3] =	stream.indirect.scatter.add.f32 [tilespmem:s26], [sflag:$0x1], $0x10, s28, s29, $0xb8;
	[tilespmem:$0x1E5E0] =	vst v63  }
0x5c: {  	_ =	swait.ge [sflag:s25], $0x800  }
0x5d: {  	[sflag:s25] =	ssyncset.done $0x0  }
0x5e: {  	s24 =	rddreg [dreg:$0x5];
	[sflag:s25] =	ssyncadd.s32 $0xFFFFF800  }
0x5f: {  	[spmem:s3] =	stream.indirect.scatter.add.f32 [tilespmem:s26], [sflag:$0x1], $0x10, s24, s29, $0xb8;
	[tilespmem:$0x1E5E0] =	vst v63  }
0x60: {  	_ =	swait.ge [sflag:s25], $0x800  }
0x61: {  	[sflag:s25] =	ssyncset.done $0x0  }
0x62: {  	s14 =	rddreg [dreg:$0x6];
	[sflag:s25] =	ssyncadd.s32 $0xFFFFF800  }
0x63: {  	[spmem:s3] =	stream.indirect.scatter.add.f32 [tilespmem:s26], [sflag:$0x1], $0x10, s14, s29, $0xb8;
	[tilespmem:$0x1E5E0] =	vst v63  }
0x64: {  	_ =	swait.ge [sflag:s25], $0x800  }
0x65: {  	[sflag:s25] =	ssyncset.done $0x0  }
0x66: {  	s24 =	rddreg [dreg:$0x7];
	[sflag:s25] =	ssyncadd.s32 $0xFFFFF800  }
0x67: {  	[spmem:s3] =	stream.indirect.scatter.add.f32 [tilespmem:s26], [sflag:$0x1], $0x10, s24, s29, $0xb8;
	[tilespmem:$0x1E5E0] =	vst v63  }
0x68: {  	_ =	swait.ge [sflag:s25], $0x800  }
0x69: {  	[sflag:s25] =	ssyncset.done $0x0  }
0x6a: {  	s14 =	rddreg [dreg:$0x8];
	[sflag:s25] =	ssyncadd.s32 $0xFFFFF800  }
0x6b: {  	[spmem:s3] =	stream.indirect.scatter.add.f32 [tilespmem:s26], [sflag:$0x1], $0x10, s14, s29, $0xb8;
	[tilespmem:$0x1E5E0] =	vst v63  }
0x6c: {  	_ =	swait.ge [sflag:s25], $0x800  }
0x6d: {  	[sflag:s25] =	ssyncset.done $0x0  }
0x6e: {  	s24 =	rddreg [dreg:$0x9];
	[sflag:s25] =	ssyncadd.s32 $0xFFFFF800  }
0x6f: {  	[spmem:s3] =	stream.indirect.scatter.add.f32 [tilespmem:s26], [sflag:$0x1], $0x10, s24, s29, $0xb8;
	[tilespmem:$0x1E5E0] =	vst v63  }
0x70: {  	_ =	swait.ge [sflag:s25], $0x800  }
0x71: {  	[sflag:s25] =	ssyncset.done $0x0  }
0x72: {  	[sflag:s25] =	ssyncadd.s32 $0xFFFFF800  }
0x73: {  	[spmem:s3] =	stream.indirect.scatter.add.f32 [tilespmem:s26], [sflag:$0x1], $0x10, s30, s29, $0xb8;
	[tilespmem:$0x1E5E0] =	vst v63  }
0x74: {  	_ =	swait.ge [sflag:s25], $0x800  }
0x75: {  	[sflag:s25] =	ssyncset.done $0x0  }
0x76: {  	[sflag:s25] =	ssyncadd.s32 $0xFFFFF800  }
0x77: {  	[spmem:s3] =	stream.indirect.scatter.add.f32 [tilespmem:s26], [sflag:$0x1], $0x10, s31, s29, $0xb8;
	[tilespmem:$0x1E5E0] =	vst v63  }
0x78: {  	_ =	swait.ge [sflag:s25], $0x800  }
0x79: {  	[sflag:s25] =	ssyncset.done $0x0  }
0x7a: {  	[sflag:s25] =	ssyncadd.s32 $0xFFFFF800  }
0x7b: {  	[spmem:s3] =	stream.indirect.scatter.add.f32 [tilespmem:s26], [sflag:$0x1], $0x10, s1, s29, $0xb8;
	[tilespmem:$0x1E5E0] =	vst v63  }
0x7c: {  	_ =	swait.ge [sflag:s25], $0x800  }
0x7d: {  	[sflag:s25] =	ssyncset.done $0x0  }
0x7e: {  	[sflag:s25] =	ssyncadd.s32 $0xFFFFF800  }
0x7f: {  	[spmem:s3] =	stream.indirect.scatter.add.f32 [tilespmem:s26], [sflag:$0x1], $0x10, s0, s29, $0xb8;
	[tilespmem:$0x1E5E0] =	vst v63  }
0x80: {  	_ =	swait.ge [sflag:s25], $0x800  }
0x81: {  	[sflag:s25] =	ssyncset.done $0x0  }
0x82: {  	[sflag:s25] =	ssyncadd.s32 $0xFFFFF800  }
0x83: {  	[spmem:s3] =	stream.indirect.scatter.add.f32 [tilespmem:s26], [sflag:$0x1], $0x10, s2, s29, $0xb8;
	[tilespmem:$0x1E5E0] =	vst v63  }
0x84: {  	_ =	swait.ge [sflag:s25], $0x800  }
0x85: {  	[sflag:s25] =	ssyncset.done $0x0  }
0x86: {  	[sflag:s25] =	ssyncadd.s32 $0xFFFFF800  }
0x87: {  	[spmem:s3] =	stream.indirect.scatter.add.f32 [tilespmem:s26], [sflag:$0x1], $0x10, s5, s29, $0xb8;
	[tilespmem:$0x1E5E0] =	vst v63  }
0x88: {  	_ =	swait.ge [sflag:s25], $0x800  }
0x89: {  	[sflag:s25] =	ssyncset.done $0x0  }
0x8a: {  	[sflag:s25] =	ssyncadd.s32 $0xFFFFF800  }
0x8b: {  	[spmem:s3] =	stream.indirect.scatter.add.f32 [tilespmem:s26], [sflag:$0x1], $0x10, s6, s29, $0xb8;
	[tilespmem:$0x1E5E0] =	vst v63  }
0x8c: {  	_ =	swait.ge [sflag:s25], $0x800  }
0x8d: {  	[sflag:s25] =	ssyncset.done $0x0  }
0x8e: {  	[sflag:s25] =	ssyncadd.s32 $0xFFFFF800  }
0x8f: {  	[spmem:s3] =	stream.indirect.scatter.add.f32 [tilespmem:s26], [sflag:$0x1], $0x10, s7, s29, $0xb8;
	[tilespmem:$0x1E5E0] =	vst v63  }
0x90: {  	_ =	swait.ge [sflag:s25], $0x800  }
0x91: {  	[sflag:s25] =	ssyncset.done $0x0  }
0x92: {  	[sflag:s25] =	ssyncadd.s32 $0xFFFFF800  }
0x93: {  	[spmem:s3] =	stream.indirect.scatter.add.f32 [tilespmem:s26], [sflag:$0x1], $0x10, s8, s29, $0xb8;
	[tilespmem:$0x1E5E0] =	vst v63  }
0x94: {  	_ =	swait.ge [sflag:s25], $0x800  }
0x95: {  	[sflag:s25] =	ssyncset.done $0x0  }
0x96: {  	[sflag:s25] =	ssyncadd.s32 $0xFFFFF800  }
0x97: {  	[spmem:s3] =	stream.indirect.scatter.add.f32 [tilespmem:s26], [sflag:$0x1], $0x10, s16, s29, $0xb8;
	[tilespmem:$0x1E5E0] =	vst v63  }
0x98: {  	_ =	swait.ge [sflag:s25], $0x800  }
0x99: {  	[sflag:s25] =	ssyncset.done $0x0  }
0x9a: {  	[sflag:s25] =	ssyncadd.s32 $0xFFFFF800  }
0x9b: {  	[spmem:s3] =	stream.indirect.scatter.add.f32 [tilespmem:s26], [sflag:$0x1], $0x10, s17, s29, $0xb8;
	[tilespmem:$0x1E5E0] =	vst v63  }
0x9c: {  	_ =	swait.ge [sflag:s25], $0x800  }
0x9d: {  	[sflag:s25] =	ssyncset.done $0x0  }
0x9e: {  	[sflag:s25] =	ssyncadd.s32 $0xFFFFF800  }
0x9f: {  	[spmem:s3] =	stream.indirect.scatter.add.f32 [tilespmem:s26], [sflag:$0x1], $0x10, s18, s29, $0xb8;
	[tilespmem:$0x1E5E0] =	vst v63  }
0xa0: {  	_ =	swait.ge [sflag:s25], $0x800  }
0xa1: {  	[sflag:s25] =	ssyncset.done $0x0  }
0xa2: {  	[sflag:s25] =	ssyncadd.s32 $0xFFFFF800  }
0xa3: {  	[spmem:s3] =	stream.indirect.scatter.add.f32 [tilespmem:s26], [sflag:$0x1], $0x10, s19, s29, $0xb8;
	[tilespmem:$0x1E5E0] =	vst v63  }
0xa4: {  	_ =	swait.ge [sflag:s25], $0x800  }
0xa5: {  	[sflag:s25] =	ssyncset.done $0x0  }
0xa6: {  	[sflag:s25] =	ssyncadd.s32 $0xFFFFF800  }
0xa7: {  	[spmem:s3] =	stream.indirect.scatter.add.f32 [tilespmem:s26], [sflag:$0x1], $0x10, s20, s29, $0xb8;
	[tilespmem:$0x1E5E0] =	vst v63  }
0xa8: {  	_ =	swait.ge [sflag:s25], $0x800  }
0xa9: {  	[sflag:s25] =	ssyncset.done $0x0  }
0xaa: {  	[sflag:s25] =	ssyncadd.s32 $0xFFFFF800  }
0xab: {  	[spmem:s3] =	stream.indirect.scatter.add.f32 [tilespmem:s26], [sflag:$0x1], $0x10, s21, s29, $0xb8;
	[tilespmem:$0x1E5E0] =	vst v63  }
0xac: {  	_ =	swait.ge [sflag:s25], $0x800  }
0xad: {  	[sflag:s25] =	ssyncset.done $0x0  }
0xae: {  	[sflag:s25] =	ssyncadd.s32 $0xFFFFF800  }
0xaf: {  	[spmem:s3] =	stream.indirect.scatter.add.f32 [tilespmem:s26], [sflag:$0x1], $0x10, s22, s29, $0xb8;
	[tilespmem:$0x1E5E0] =	vst v63  }
0xb0: {  	_ =	swait.ge [sflag:s25], $0x800  }
0xb1: {  	[sflag:s25] =	ssyncset.done $0x0  }
0xb2: {  	[sflag:s25] =	ssyncadd.s32 $0xFFFFF800  }
0xb3: {  	[spmem:s3] =	stream.indirect.scatter.add.f32 [tilespmem:s26], [sflag:$0x1], $0x10, s23, s29, $0xb8;
	[tilespmem:$0x1E5E0] =	vst v63  }
0xb4: {  	_ =	swait.ge [sflag:s25], $0x800  }
0xb5: {  	[sflag:s25] =	ssyncset.done $0x0  }
0xb6: {  	[sflag:s25] =	ssyncadd.s32 $0xFFFFF800  }
0xb7: {  	[spmem:s3] =	stream.indirect.scatter.add.f32 [tilespmem:s26], [sflag:$0x1], $0x10, s9, s29, $0xb8;
	[tilespmem:$0x1E5E0] =	vst v63  }
0xb8: {  	_ =	swait.ge [sflag:s25], $0x800  }
0xb9: {  	[sflag:s25] =	ssyncset.done $0x0  }
0xba: {  	[sflag:s25] =	ssyncadd.s32 $0xFFFFF800  }
0xbb: {  	[spmem:s3] =	stream.indirect.scatter.add.f32 [tilespmem:s26], [sflag:$0x1], $0x10, s10, s29, $0xb8;
	[tilespmem:$0x1E5E0] =	vst v63  }
0xbc: {  	_ =	swait.ge [sflag:s25], $0x800  }
0xbd: {  	[sflag:s25] =	ssyncset.done $0x0  }
0xbe: {  	[sflag:s25] =	ssyncadd.s32 $0xFFFFF800  }
0xbf: {  	[spmem:s3] =	stream.indirect.scatter.add.f32 [tilespmem:s26], [sflag:$0x1], $0x10, s11, s29, $0xb8;
	[tilespmem:$0x1E5E0] =	vst v63  }
0xc0: {  	_ =	swait.ge [sflag:s25], $0x800  }
0xc1: {  	[sflag:s25] =	ssyncset.done $0x0  }
0xc2: {  	[sflag:s25] =	ssyncadd.s32 $0xFFFFF800  }
0xc3: {  	[spmem:s3] =	stream.indirect.scatter.add.f32 [tilespmem:s26], [sflag:$0x1], $0x10, s12, s29, $0xb8;
	[tilespmem:$0x1E5E0] =	vst v63  }
0xc4: {  	_ =	swait.ge [sflag:s25], $0x800  }
0xc5: {  	[sflag:s25] =	ssyncset.done $0x0  }
0xc6: {  	[sflag:s25] =	ssyncadd.s32 $0xFFFFF800  }
0xc7: {  	[spmem:s3] =	stream.indirect.scatter.add.f32 [tilespmem:s26], [sflag:$0x1], $0x10, s13, s29, $0xb8;
	[tilespmem:$0x1E5E0] =	vst v63  }
0xc8: {  	s15 =	simm.s32 $0x1C0;
	_ =	swait.ge [sflag:s25], $0x800  }
.LBB2_2:
0xc9: {  	s14 =	rddreg [dreg:$0x4];
	s24 =	smov.u32 s15;
	[sflag:s25] =	ssyncset.done $0x0  }
0xca: {  	s14 =	sadd.s32 s24, s14;
	[sflag:s25] =	ssyncadd.s32 $0xFFFFF800  }
0xcb: {  	[tilespmem:s28], [sflag:$0x1] =	stream.linear.gather [hbm4b:s14+s4], $0xE00, $0x38;
	[tilespmem:$0x1E5E0] =	vst v63  }
0xcc: {  	_ =	swait.ge [sflag:s25], $0xE00  }
0xcd: {  	[sflag:s25] =	ssyncset.done $0x0  }
0xce: {  	[sflag:s25] =	ssyncadd.s32 $0xFFFFF200  }
0xcf: {  	[spmem:s3] =	stream.indirect.scatter.add.f32 [tilespmem:s26], [sflag:$0x1], $0x10, s28, s29, $0xb8;
	[tilespmem:$0x1E5E0] =	vst v63  }
0xd0: {  	_ =	swait.ge [sflag:s25], $0x800  }
0xd1: {  	[sflag:s25] =	ssyncset.done $0x0  }
0xd2: {  	s24 =	rddreg [dreg:$0x5];
	[sflag:s25] =	ssyncadd.s32 $0xFFFFF800  }
0xd3: {  	[spmem:s3] =	stream.indirect.scatter.add.f32 [tilespmem:s26], [sflag:$0x1], $0x10, s24, s29, $0xb8;
	[tilespmem:$0x1E5E0] =	vst v63  }
0xd4: {  	_ =	swait.ge [sflag:s25], $0x800  }
0xd5: {  	[sflag:s25] =	ssyncset.done $0x0  }
0xd6: {  	s24 =	rddreg [dreg:$0x6];
	[sflag:s25] =	ssyncadd.s32 $0xFFFFF800  }
0xd7: {  	[spmem:s3] =	stream.indirect.scatter.add.f32 [tilespmem:s26], [sflag:$0x1], $0x10, s24, s29, $0xb8;
	[tilespmem:$0x1E5E0] =	vst v63  }
0xd8: {  	_ =	swait.ge [sflag:s25], $0x800  }
0xd9: {  	[sflag:s25] =	ssyncset.done $0x0  }
0xda: {  	s24 =	rddreg [dreg:$0x7];
	[sflag:s25] =	ssyncadd.s32 $0xFFFFF800  }
0xdb: {  	[spmem:s3] =	stream.indirect.scatter.add.f32 [tilespmem:s26], [sflag:$0x1], $0x10, s24, s29, $0xb8;
	[tilespmem:$0x1E5E0] =	vst v63  }
0xdc: {  	_ =	swait.ge [sflag:s25], $0x800  }
0xdd: {  	[sflag:s25] =	ssyncset.done $0x0  }
0xde: {  	s24 =	rddreg [dreg:$0x8];
	[sflag:s25] =	ssyncadd.s32 $0xFFFFF800  }
0xdf: {  	[spmem:s3] =	stream.indirect.scatter.add.f32 [tilespmem:s26], [sflag:$0x1], $0x10, s24, s29, $0xb8;
	[tilespmem:$0x1E5E0] =	vst v63  }
0xe0: {  	_ =	swait.ge [sflag:s25], $0x800  }
0xe1: {  	[sflag:s25] =	ssyncset.done $0x0  }
0xe2: {  	s24 =	rddreg [dreg:$0x9];
	[sflag:s25] =	ssyncadd.s32 $0xFFFFF800  }
0xe3: {  	[spmem:s3] =	stream.indirect.scatter.add.f32 [tilespmem:s26], [sflag:$0x1], $0x10, s24, s29, $0xb8;
	[tilespmem:$0x1E5E0] =	vst v63  }
0xe4: {  	_ =	swait.ge [sflag:s25], $0x800  }
0xe5: {  	[sflag:s25] =	ssyncset.done $0x0  }
0xe6: {  	[sflag:s25] =	ssyncadd.s32 $0xFFFFF800  }
0xe7: {  	[spmem:s3] =	stream.indirect.scatter.add.f32 [tilespmem:s26], [sflag:$0x1], $0x10, s30, s29, $0xb8;
	[tilespmem:$0x1E5E0] =	vst v63  }
0xe8: {  	_ =	swait.ge [sflag:s25], $0x800  }
0xe9: {  	[sflag:s25] =	ssyncset.done $0x0  }
0xea: {  	[sflag:s25] =	ssyncadd.s32 $0xFFFFF800  }
0xeb: {  	[spmem:s3] =	stream.indirect.scatter.add.f32 [tilespmem:s26], [sflag:$0x1], $0x10, s31, s29, $0xb8;
	[tilespmem:$0x1E5E0] =	vst v63  }
0xec: {  	_ =	swait.ge [sflag:s25], $0x800  }
0xed: {  	[sflag:s25] =	ssyncset.done $0x0  }
0xee: {  	[sflag:s25] =	ssyncadd.s32 $0xFFFFF800  }
0xef: {  	[spmem:s3] =	stream.indirect.scatter.add.f32 [tilespmem:s26], [sflag:$0x1], $0x10, s1, s29, $0xb8;
	[tilespmem:$0x1E5E0] =	vst v63  }
0xf0: {  	_ =	swait.ge [sflag:s25], $0x800  }
0xf1: {  	[sflag:s25] =	ssyncset.done $0x0  }
0xf2: {  	[sflag:s25] =	ssyncadd.s32 $0xFFFFF800  }
0xf3: {  	[spmem:s3] =	stream.indirect.scatter.add.f32 [tilespmem:s26], [sflag:$0x1], $0x10, s0, s29, $0xb8;
	[tilespmem:$0x1E5E0] =	vst v63  }
0xf4: {  	_ =	swait.ge [sflag:s25], $0x800  }
0xf5: {  	[sflag:s25] =	ssyncset.done $0x0  }
0xf6: {  	[sflag:s25] =	ssyncadd.s32 $0xFFFFF800  }
0xf7: {  	[spmem:s3] =	stream.indirect.scatter.add.f32 [tilespmem:s26], [sflag:$0x1], $0x10, s2, s29, $0xb8;
	[tilespmem:$0x1E5E0] =	vst v63  }
0xf8: {  	_ =	swait.ge [sflag:s25], $0x800  }
0xf9: {  	[sflag:s25] =	ssyncset.done $0x0  }
0xfa: {  	[sflag:s25] =	ssyncadd.s32 $0xFFFFF800  }
0xfb: {  	[spmem:s3] =	stream.indirect.scatter.add.f32 [tilespmem:s26], [sflag:$0x1], $0x10, s5, s29, $0xb8;
	[tilespmem:$0x1E5E0] =	vst v63  }
0xfc: {  	_ =	swait.ge [sflag:s25], $0x800  }
0xfd: {  	[sflag:s25] =	ssyncset.done $0x0  }
0xfe: {  	[sflag:s25] =	ssyncadd.s32 $0xFFFFF800  }
0xff: {  	[spmem:s3] =	stream.indirect.scatter.add.f32 [tilespmem:s26], [sflag:$0x1], $0x10, s6, s29, $0xb8;
	[tilespmem:$0x1E5E0] =	vst v63  }
0x100: {  	_ =	swait.ge [sflag:s25], $0x800  }
0x101: {  	[sflag:s25] =	ssyncset.done $0x0  }
0x102: {  	[sflag:s25] =	ssyncadd.s32 $0xFFFFF800  }
0x103: {  	[spmem:s3] =	stream.indirect.scatter.add.f32 [tilespmem:s26], [sflag:$0x1], $0x10, s7, s29, $0xb8;
	[tilespmem:$0x1E5E0] =	vst v63  }
0x104: {  	_ =	swait.ge [sflag:s25], $0x800  }
0x105: {  	[sflag:s25] =	ssyncset.done $0x0  }
0x106: {  	[sflag:s25] =	ssyncadd.s32 $0xFFFFF800  }
0x107: {  	[spmem:s3] =	stream.indirect.scatter.add.f32 [tilespmem:s26], [sflag:$0x1], $0x10, s8, s29, $0xb8;
	[tilespmem:$0x1E5E0] =	vst v63  }
0x108: {  	_ =	swait.ge [sflag:s25], $0x800  }
0x109: {  	[sflag:s25] =	ssyncset.done $0x0  }
0x10a: {  	[sflag:s25] =	ssyncadd.s32 $0xFFFFF800  }
0x10b: {  	[spmem:s3] =	stream.indirect.scatter.add.f32 [tilespmem:s26], [sflag:$0x1], $0x10, s16, s29, $0xb8;
	[tilespmem:$0x1E5E0] =	vst v63  }
0x10c: {  	_ =	swait.ge [sflag:s25], $0x800  }
0x10d: {  	[sflag:s25] =	ssyncset.done $0x0  }
0x10e: {  	[sflag:s25] =	ssyncadd.s32 $0xFFFFF800  }
0x10f: {  	[spmem:s3] =	stream.indirect.scatter.add.f32 [tilespmem:s26], [sflag:$0x1], $0x10, s17, s29, $0xb8;
	[tilespmem:$0x1E5E0] =	vst v63  }
0x110: {  	_ =	swait.ge [sflag:s25], $0x800  }
0x111: {  	[sflag:s25] =	ssyncset.done $0x0  }
0x112: {  	[sflag:s25] =	ssyncadd.s32 $0xFFFFF800  }
0x113: {  	[spmem:s3] =	stream.indirect.scatter.add.f32 [tilespmem:s26], [sflag:$0x1], $0x10, s18, s29, $0xb8;
	[tilespmem:$0x1E5E0] =	vst v63  }
0x114: {  	_ =	swait.ge [sflag:s25], $0x800  }
0x115: {  	[sflag:s25] =	ssyncset.done $0x0  }
0x116: {  	[sflag:s25] =	ssyncadd.s32 $0xFFFFF800  }
0x117: {  	[spmem:s3] =	stream.indirect.scatter.add.f32 [tilespmem:s26], [sflag:$0x1], $0x10, s19, s29, $0xb8;
	[tilespmem:$0x1E5E0] =	vst v63  }
0x118: {  	_ =	swait.ge [sflag:s25], $0x800  }
0x119: {  	[sflag:s25] =	ssyncset.done $0x0  }
0x11a: {  	[sflag:s25] =	ssyncadd.s32 $0xFFFFF800  }
0x11b: {  	[spmem:s3] =	stream.indirect.scatter.add.f32 [tilespmem:s26], [sflag:$0x1], $0x10, s20, s29, $0xb8;
	[tilespmem:$0x1E5E0] =	vst v63  }
0x11c: {  	_ =	swait.ge [sflag:s25], $0x800  }
0x11d: {  	[sflag:s25] =	ssyncset.done $0x0  }
0x11e: {  	[sflag:s25] =	ssyncadd.s32 $0xFFFFF800  }
0x11f: {  	[spmem:s3] =	stream.indirect.scatter.add.f32 [tilespmem:s26], [sflag:$0x1], $0x10, s21, s29, $0xb8;
	[tilespmem:$0x1E5E0] =	vst v63  }
0x120: {  	_ =	swait.ge [sflag:s25], $0x800  }
0x121: {  	[sflag:s25] =	ssyncset.done $0x0  }
0x122: {  	[sflag:s25] =	ssyncadd.s32 $0xFFFFF800  }
0x123: {  	[spmem:s3] =	stream.indirect.scatter.add.f32 [tilespmem:s26], [sflag:$0x1], $0x10, s22, s29, $0xb8;
	[tilespmem:$0x1E5E0] =	vst v63  }
0x124: {  	_ =	swait.ge [sflag:s25], $0x800  }
0x125: {  	[sflag:s25] =	ssyncset.done $0x0  }
0x126: {  	[sflag:s25] =	ssyncadd.s32 $0xFFFFF800  }
0x127: {  	[spmem:s3] =	stream.indirect.scatter.add.f32 [tilespmem:s26], [sflag:$0x1], $0x10, s23, s29, $0xb8;
	[tilespmem:$0x1E5E0] =	vst v63  }
0x128: {  	_ =	swait.ge [sflag:s25], $0x800  }
0x129: {  	[sflag:s25] =	ssyncset.done $0x0  }
0x12a: {  	[sflag:s25] =	ssyncadd.s32 $0xFFFFF800  }
0x12b: {  	[spmem:s3] =	stream.indirect.scatter.add.f32 [tilespmem:s26], [sflag:$0x1], $0x10, s9, s29, $0xb8;
	[tilespmem:$0x1E5E0] =	vst v63  }
0x12c: {  	_ =	swait.ge [sflag:s25], $0x800  }
0x12d: {  	[sflag:s25] =	ssyncset.done $0x0  }
0x12e: {  	[sflag:s25] =	ssyncadd.s32 $0xFFFFF800  }
0x12f: {  	[spmem:s3] =	stream.indirect.scatter.add.f32 [tilespmem:s26], [sflag:$0x1], $0x10, s10, s29, $0xb8;
	[tilespmem:$0x1E5E0] =	vst v63  }
0x130: {  	_ =	swait.ge [sflag:s25], $0x800  }
0x131: {  	[sflag:s25] =	ssyncset.done $0x0  }
0x132: {  	[sflag:s25] =	ssyncadd.s32 $0xFFFFF800  }
0x133: {  	[spmem:s3] =	stream.indirect.scatter.add.f32 [tilespmem:s26], [sflag:$0x1], $0x10, s11, s29, $0xb8;
	[tilespmem:$0x1E5E0] =	vst v63  }
0x134: {  	_ =	swait.ge [sflag:s25], $0x800  }
0x135: {  	[sflag:s25] =	ssyncset.done $0x0  }
0x136: {  	p0 =	sne.s32 s15, $0x16C0;
	[sflag:s25] =	ssyncadd.s32 $0xFFFFF800  }
0x137: {  	[spmem:s3] =	stream.indirect.scatter.add.f32 [tilespmem:s26], [sflag:$0x1], $0x10, s12, s29, $0xb8;
	[tilespmem:$0x1E5E0] =	vst v63  }
.Ltmp0:
0x138: {  	_ =	swait.ge [sflag:s25], $0x800;
	(pc) =	sbr.rel @p0 .LBB2_2-.Ltmp0, $4  }
0x139: {  	[sflag:s25] =	ssyncset.done $0x0  }
0x13a: {  	[sflag:s25] =	ssyncadd.s32 $0xFFFFF800  }
0x13b: {  	[spmem:s3] =	stream.indirect.scatter.add.f32 [tilespmem:s26], [sflag:$0x1], $0x10, s13, s29, $0xb8;
	[tilespmem:$0x1E5E0] =	vst v63  }
0x13c: {  	s15 =	sadd.s32 $0x1C0, s15;
	_ =	swait.ge [sflag:s25], $0x800  }
0x13d: {  	[sflag:s25] =	ssyncset.done $0x0  }
0x13e: {  	[sflag:s25] =	ssyncadd.s32 $0xFFFFF800  }
0x13f: {  	[bflag:$0x0] =	sbarrier.arrive $0xFFFF  }
0x140: {  	s24 =	simm.s32 $0x1B500;
	s14 =	rddreg [dreg:$0xb]  }
0x141: {  	[tilespmem:s24], [sflag:$0x1] =	stream.linear.gather [spmem:s14], $0x30E0, $0x38;
	[tilespmem:$0x1E5E0] =	vst v63  }
0x142: {  	_ =	swait.ge [sflag:s25], $0x30E0  }
0x143: {  	[sflag:s25] =	ssyncset.done $0x0  }
0x144: {  	s15 =	rddreg [dreg:$0x15];
	[sflag:s25] =	ssyncadd.s32 $0xFFFFCF20  }
0x145: {  	[hbm4b:s15+s4] =	stream.linear.scatter [tilespmem:s24], [sflag:$0x1], $0x30E0, $0x38;
	[tilespmem:$0x1E5E0] =	vst v63  }
0x146: {  	_ =	swait.ge [sflag:s25], $0x30E0  }
0x147: {  	[sflag:s25] =	ssyncset.done $0x0  }
0x148: {  	s15 =	rddreg [dreg:$0xe];
	[sflag:s25] =	ssyncadd.s32 $0xFFFFCF20  }
0x149: {  	[tilespmem:s24], [sflag:$0x1] =	stream.linear.gather [spmem:s15], $0x30E0, $0x38;
	[tilespmem:$0x1E5E0] =	vst v63  }
0x14a: {  	_ =	swait.ge [sflag:s25], $0x30E0  }
0x14b: {  	[sflag:s25] =	ssyncset.done $0x0  }
0x14c: {  	s15 =	rddreg [dreg:$0x16];
	[sflag:s25] =	ssyncadd.s32 $0xFFFFCF20  }
0x14d: {  	[hbm4b:s15+s4] =	stream.linear.scatter [tilespmem:s24], [sflag:$0x1], $0x30E0, $0x38;
	[tilespmem:$0x1E5E0] =	vst v63  }
0x14e: {  	_ =	swait.ge [sflag:s25], $0x30E0  }
0x14f: {  	[sflag:s25] =	ssyncset.done $0x0  }
0x150: {  	s15 =	rddreg [dreg:$0xf];
	[sflag:s25] =	ssyncadd.s32 $0xFFFFCF20  }
0x151: {  	[tilespmem:s24], [sflag:$0x1] =	stream.linear.gather [spmem:s15], $0x30E0, $0x38;
	[tilespmem:$0x1E5E0] =	vst v63  }
0x152: {  	_ =	swait.ge [sflag:s25], $0x30E0  }
0x153: {  	[sflag:s25] =	ssyncset.done $0x0  }
0x154: {  	s15 =	rddreg [dreg:$0x17];
	[sflag:s25] =	ssyncadd.s32 $0xFFFFCF20  }
0x155: {  	[hbm4b:s15+s4] =	stream.linear.scatter [tilespmem:s24], [sflag:$0x1], $0x30E0, $0x38;
	[tilespmem:$0x1E5E0] =	vst v63  }
0x156: {  	_ =	swait.ge [sflag:s25], $0x30E0  }
0x157: {  	[sflag:s25] =	ssyncset.done $0x0  }
0x158: {  	s15 =	rddreg [dreg:$0x10];
	[sflag:s25] =	ssyncadd.s32 $0xFFFFCF20  }
0x159: {  	[tilespmem:s24], [sflag:$0x1] =	stream.linear.gather [spmem:s15], $0x30E0, $0x38;
	[tilespmem:$0x1E5E0] =	vst v63  }
0x15a: {  	_ =	swait.ge [sflag:s25], $0x30E0  }
0x15b: {  	[sflag:s25] =	ssyncset.done $0x0  }
0x15c: {  	s15 =	rddreg [dreg:$0x18];
	[sflag:s25] =	ssyncadd.s32 $0xFFFFCF20  }
0x15d: {  	[hbm4b:s15+s4] =	stream.linear.scatter [tilespmem:s24], [sflag:$0x1], $0x30E0, $0x38;
	[tilespmem:$0x1E5E0] =	vst v63  }
0x15e: {  	_ =	swait.ge [sflag:s25], $0x30E0  }
0x15f: {  	[sflag:s25] =	ssyncset.done $0x0  }
0x160: {  	s15 =	rddreg [dreg:$0x11];
	[sflag:s25] =	ssyncadd.s32 $0xFFFFCF20  }
0x161: {  	[tilespmem:s24], [sflag:$0x1] =	stream.linear.gather [spmem:s15], $0x30E0, $0x38;
	[tilespmem:$0x1E5E0] =	vst v63  }
0x162: {  	_ =	swait.ge [sflag:s25], $0x30E0  }
0x163: {  	[sflag:s25] =	ssyncset.done $0x0  }
0x164: {  	s15 =	rddreg [dreg:$0x19];
	[sflag:s25] =	ssyncadd.s32 $0xFFFFCF20  }
0x165: {  	[hbm4b:s15+s4] =	stream.linear.scatter [tilespmem:s24], [sflag:$0x1], $0x30E0, $0x38;
	[tilespmem:$0x1E5E0] =	vst v63  }
0x166: {  	_ =	swait.ge [sflag:s25], $0x30E0  }
0x167: {  	[sflag:s25] =	ssyncset.done $0x0  }
0x168: {  	s15 =	rddreg [dreg:$0x12];
	[sflag:s25] =	ssyncadd.s32 $0xFFFFCF20  }
0x169: {  	[tilespmem:s24], [sflag:$0x1] =	stream.linear.gather [spmem:s15], $0x30E0, $0x38;
	[tilespmem:$0x1E5E0] =	vst v63  }
0x16a: {  	_ =	swait.ge [sflag:s25], $0x30E0  }
0x16b: {  	[sflag:s25] =	ssyncset.done $0x0  }
0x16c: {  	s15 =	rddreg [dreg:$0x1a];
	[sflag:s25] =	ssyncadd.s32 $0xFFFFCF20  }
0x16d: {  	[hbm4b:s15+s4] =	stream.linear.scatter [tilespmem:s24], [sflag:$0x1], $0x30E0, $0x38;
	[tilespmem:$0x1E5E0] =	vst v63  }
0x16e: {  	_ =	swait.ge [sflag:s25], $0x30E0  }
0x16f: {  	[sflag:s25] =	ssyncset.done $0x0  }
0x170: {  	s15 =	rddreg [dreg:$0x13];
	[sflag:s25] =	ssyncadd.s32 $0xFFFFCF20  }
0x171: {  	[tilespmem:s24], [sflag:$0x1] =	stream.linear.gather [spmem:s15], $0x30E0, $0x38;
	[tilespmem:$0x1E5E0] =	vst v63  }
0x172: {  	_ =	swait.ge [sflag:s25], $0x30E0  }
0x173: {  	[sflag:s25] =	ssyncset.done $0x0  }
0x174: {  	s15 =	rddreg [dreg:$0x1b];
	[sflag:s25] =	ssyncadd.s32 $0xFFFFCF20  }
0x175: {  	[hbm4b:s15+s4] =	stream.linear.scatter [tilespmem:s24], [sflag:$0x1], $0x30E0, $0x38;
	[tilespmem:$0x1E5E0] =	vst v63  }
0x176: {  	_ =	swait.ge [sflag:s25], $0x30E0  }
0x177: {  	[sflag:s25] =	ssyncset.done $0x0  }
0x178: {  	s15 =	rddreg [dreg:$0x14];
	[sflag:s25] =	ssyncadd.s32 $0xFFFFCF20  }
0x179: {  	[tilespmem:s24], [sflag:$0x1] =	stream.linear.gather [spmem:s15], $0x30E0, $0x38;
	[tilespmem:$0x1E5E0] =	vst v63  }
0x17a: {  	_ =	swait.ge [sflag:s25], $0x30E0  }
0x17b: {  	[sflag:s25] =	ssyncset.done $0x0  }
0x17c: {  	s15 =	rddreg [dreg:$0x1c];
	[sflag:s25] =	ssyncadd.s32 $0xFFFFCF20  }
0x17d: {  	[hbm4b:s15+s4] =	stream.linear.scatter [tilespmem:s24], [sflag:$0x1], $0x30E0, $0x38;
	[tilespmem:$0x1E5E0] =	vst v63  }
0x17e: {  	_ =	swait.ge [sflag:s25], $0x30E0  }
0x17f: {  	s15 =	rddreg [dreg:$0x1d]  }
0x180: {  	s14 =	rddreg [dreg:$0xc];
	s15 =	sadd.s32 $0x1, s15  }
0x181: {  	p0 =	sne.s32 s15, s14  }
.Ltmp1:
0x182: {  	_ = 	snop;
	(pc) =	sbr.rel @p0 .LBB2_1-.Ltmp1, $3  }
0x183: {  	_ =	sdelay $0x1  }
0x184: {  	[sflag:s25] =	ssyncset.done $0x0;
	[dreg:$0x1d] =	wrdreg s15  }
0x185: {  	[sflag:s25] =	ssyncadd.s32 $0xFFFFCF20;
	s15 =	rddreg [dreg:$0xe]  }
0x186: {  	_ =	sfence.sel $0x180000  }
0x187: {  	[bflag:$0x0] =	sbarrier.arrive $0xFFFF  }
0x188: {  	_ =	strace $0x90000047  }
0x189: {  	s0 =	stileid.u32;
	[bflag:$0x2] =	sbarrier.arrive $0xFFFF  }
0x18a: {  	p0 =	sne.s32 s0, $0x0;
	s0 =	rddreg [dreg:$0x3]  }
0x18b: {  	s0 =	sadd.s32 @!p0 $0x100000, s0  }
0x18c: {  	[sflag:s0] =	ssyncadd.tile.s32 @!p0 $0x1;
	_ =	shalt  }
.Lfunc_end2:
_tile_overlayer_lowered:
.L_overlay_start_2:
0x18d: {  	(tag) =	ssettag $0x2  }
0x18e: {  	s0 =	rddreg [dreg:$0x0];
	s2 =	stileid.u32  }
0x18f: {  	s1 =	rddreg [dreg:$0x1];
	p0 =	sne.s32 s2, $0x0  }
0x190: {  	s3 =	rddreg [dreg:$0x2];
	[bflag:$0x3] =	sbarrier.arrive $0xFFFF;
	s2 =	simm.s32 @!p0 $0x1C01  }
0x191: {  	[timem:s3], [sflag:s2] =	dma.local @!p0 [hbm:s0], s1  }
0x192: {  	s0 =	simm.s32 @!p0 $0x1  }
0x193: {  	_ =	swait.ge @!p0 [sflag:s0], s1  }
0x194: {  	s1 =	ssub.s32 @!p0 $0x0, s1;
	[sflag:s0] =	ssyncset.done @!p0 $0x0  }
0x195: {  	[sflag:s0] =	ssyncadd.s32 @!p0 s1  }
0x196: {  	[bflag:$0x3] =	sbarrier.arrive $0xFFFF  }
0x197: {  	_ =	shalt  }

// kernel: kernel.13.cloned.1.call-start
scs
__scs_entry_jumppad:
0x0: {  	(pc) =	sbr.rel $0x88, $3  }
0x1: {  	(tag) =	ssettag $0x0;
	lr =	simm.s32 $0x1  }
0x2: {  	[smem:$0x3F97] =	sst lr;
	_ =	strace $0xD0000000  }
0x3: {  	_ = 	snop  }
0x4: {  	_ = 	snop  }
0x5: {  	_ = 	snop  }
0x6: {  	_ = 	snop  }
0x7: {  	_ = 	snop  }
__scs_overlays_trampoline_lowered:
0x8: {  	[smem:$0x3FA6] =	sst s0  }
0x9: {  	[smem:$0x3FA7] =	sst s1  }
0xa: {  	[smem:$0x3FA8] =	sst s2  }
0xb: {  	[smem:$0x3FA9] =	sst s3  }
0xc: {  	[smem:$0x3FAA] =	sst s4  }
0xd: {  	[smem:$0x3FAB] =	sst s5  }
0xe: {  	[smem:$0x3FAC] =	sst s6  }
0xf: {  	[smem:$0x3FAD] =	sst s7  }
0x10: {  	[smem:$0x3FAE] =	sst s8  }
0x11: {  	[smem:$0x3FAF] =	sst s9;
	s0 =	simm.s32 @!p0 $0x0  }
0x12: {  	s1 =	sld [smem:$0x3F95];
	s0 =	simm.s32 @p0 $0x1  }
0x13: {  	[smem:$0x3FB0] =	sst s0;
	s0 =	simm.s32 @!p1 $0x0  }
0x14: {  	s2 =	sld [smem:$0x3F94];
	s0 =	simm.s32 @p1 $0x1  }
0x15: {  	[smem:$0x3FB1] =	sst s0;
	s0 =	simm.s32 @!p2 $0x0  }
0x16: {  	s3 =	sld [smem:$0x3FDB];
	s0 =	simm.s32 @p2 $0x1  }
0x17: {  	s4 =	simm.s32 $0x1BF5;
	[smem:$0x3FB3] =	sst s0  }
0x18: {  	s0 =	sld [smem:$0x3F96];
	_ =	swait.ge [sflag:s4], $0x0  }
0x19: {  	s7 =	sld [smem:$0x3F97]  }
0x1a: {  	s8 =	sadd.s32 $0xFFFFE003, lr  }
0x1b: {  	s9 =	sadd.s32 $0xFFFFFEF7, lr;
	s5 =	simm.s32 $0xFFFFFFFF;
	p2 =	slt.u32 s8, $0xFFFFF086  }
0x1c: {  	p1 =	slt.u32 s9, $0xF7A;
	s5 =	simm.s32 @!p2 $0x0  }
0x1d: {  	s5 =	simm.s32 @p1 $0x1;
	p0 =	seq.s32 s7, s2  }
0x1e: {  	s7 =	smul.u32 @!p0 $0xF7A, s2;
	p2 =	seq.s32 @!p0 s5, $0x0  }
0x1f: {  	s9 =	smul.u32 $0xF7A, s1;
	s8 =	simm.s32 @!p0 $0x1BF5;
	p2 =	por !p2, p0  }
0x20: {  	[sflag:s8] =	ssyncset.s32 @!p0 $0xFFFFF086;
	s6 =	sadd.s32 @!p0 s3, s7;
	s7 =	simm.s32 @!p0 $0x108  }
0x21: {  	s3 =	sadd.s32 s3, s9;
	s6 =	sadd.s32 @!p0 $0x88, s6;
	s7 =	simm.s32 @p2 $0x1082  }
0x22: {  	[simem:s7], [sflag:s8] =	dma.local @!p0 [hbm:s6], $0xF7A  }
0x23: {  	s9 =	sor.u32 $0xD0000000, s2;
	s6 =	simm.s32 $0x108;
	_ =	swait.ge @!p0 [sflag:s8], $0x0  }
0x24: {  	s3 =	sadd.s32 $0x88, s3;
	s6 =	simm.s32 @!p1 $0x1082;
	[sflag:s4] =	ssyncset.s32 $0xFFFFF086  }
0x25: {  	[simem:s6], [sflag:s4] =	dma.local [hbm:s3], $0xF7A  }
0x26: {  	[smem:$0x3F97] =	sst s1;
	(tag) =	ssettag s2;
	_ =	strace s9  }
0x27: {  	s1 =	sld [smem:$0x3FA7]  }
0x28: {  	s2 =	sld [smem:$0x3FA8]  }
0x29: {  	s4 =	sld [smem:$0x3FAA]  }
0x2a: {  	p0 =	seq.s32 s5, $0x0;
	s5 =	sld [smem:$0x3FAB]  }
0x2b: {  	s6 =	sld [smem:$0x3FAC]  }
0x2c: {  	s7 =	sld [smem:$0x3FAD]  }
0x2d: {  	s3 =	simm.s32 $0x108;
	s8 =	sld [smem:$0x3FAE]  }
0x2e: {  	s3 =	simm.s32 @!p0 $0x1082;
	s9 =	sld [smem:$0x3FAF]  }
0x2f: {  	lr =	sadd.s32 s0, s3;
	s0 =	sld [smem:$0x3FA6]  }
0x30: {  	s3 =	sld [smem:$0x3FA9]  }
0x31: {  	[smem:$0x3FB2] =	sst s10  }
0x32: {  	s10 =	sld [smem:$0x3FB0];
	_ =	sdelay $0x3  }
0x33: {  	p0 =	seq.s32 s10, $0x1;
	s10 =	sld [smem:$0x3FB2];
	_ =	sdelay $0x3  }
0x34: {  	[smem:$0x3FB2] =	sst s10  }
0x35: {  	s10 =	sld [smem:$0x3FB1];
	_ =	sdelay $0x3  }
0x36: {  	p1 =	seq.s32 s10, $0x1;
	s10 =	sld [smem:$0x3FB2];
	_ =	sdelay $0x3  }
0x37: {  	[smem:$0x3FB2] =	sst s10  }
0x38: {  	s10 =	sld [smem:$0x3FB3]  }
0x39: {  	_ = 	snop;
	(pc) =	sbr.ind lr, $3  }
0x3a: {  	_ = 	snop  }
0x3b: {  	_ = 	snop  }
0x3c: {  	p2 =	seq.s32 s10, $0x1;
	s10 =	sld [smem:$0x3FB2]  }
0x3d: {  	_ =	shalt  }
0x3e: {  	_ =	shalt  }
0x3f: {  	_ =	shalt  }
0x40: {  	_ =	shalt  }
0x41: {  	_ =	shalt  }
0x42: {  	_ =	shalt  }
0x43: {  	_ =	shalt  }
0x44: {  	_ =	shalt  }
0x45: {  	_ =	shalt  }
0x46: {  	_ =	shalt  }
0x47: {  	_ =	shalt  }
0x48: {  	_ =	shalt  }
0x49: {  	_ =	shalt  }
0x4a: {  	_ =	shalt  }
0x4b: {  	_ =	shalt  }
0x4c: {  	_ =	shalt  }
0x4d: {  	_ =	shalt  }
0x4e: {  	_ =	shalt  }
0x4f: {  	_ =	shalt  }
0x50: {  	_ =	shalt  }
0x51: {  	_ =	shalt  }
0x52: {  	_ =	shalt  }
0x53: {  	_ =	shalt  }
0x54: {  	_ =	shalt  }
0x55: {  	_ =	shalt  }
0x56: {  	_ =	shalt  }
0x57: {  	_ =	shalt  }
0x58: {  	_ =	shalt  }
0x59: {  	_ =	shalt  }
0x5a: {  	_ =	shalt  }
0x5b: {  	_ =	shalt  }
0x5c: {  	_ =	shalt  }
0x5d: {  	_ =	shalt  }
0x5e: {  	_ =	shalt  }
0x5f: {  	_ =	shalt  }
0x60: {  	_ =	shalt  }
0x61: {  	_ =	shalt  }
0x62: {  	_ =	shalt  }
0x63: {  	_ =	shalt  }
0x64: {  	_ =	shalt  }
0x65: {  	_ =	shalt  }
0x66: {  	_ =	shalt  }
0x67: {  	_ =	shalt  }
0x68: {  	_ =	shalt  }
0x69: {  	_ =	shalt  }
0x6a: {  	_ =	shalt  }
0x6b: {  	_ =	shalt  }
0x6c: {  	_ =	shalt  }
0x6d: {  	_ =	shalt  }
0x6e: {  	_ =	shalt  }
0x6f: {  	_ =	shalt  }
0x70: {  	_ =	shalt  }
0x71: {  	_ =	shalt  }
0x72: {  	_ =	shalt  }
0x73: {  	_ =	shalt  }
0x74: {  	_ =	shalt  }
0x75: {  	_ =	shalt  }
0x76: {  	_ =	shalt  }
0x77: {  	_ =	shalt  }
0x78: {  	_ =	shalt  }
0x79: {  	_ =	shalt  }
0x7a: {  	_ =	shalt  }
0x7b: {  	_ =	shalt  }
0x7c: {  	_ =	shalt  }
0x7d: {  	_ =	shalt  }
0x7e: {  	_ =	shalt  }
0x7f: {  	_ =	shalt  }
0x80: {  	_ =	shalt  }
0x81: {  	_ =	shalt  }
0x82: {  	_ =	shalt  }
0x83: {  	_ =	shalt  }
0x84: {  	_ =	shalt  }
0x85: {  	_ =	shalt  }
0x86: {  	_ =	shalt  }
0x87: {  	_ =	shalt  }
.Lfunc_end0:
.L_simem_size_0:
called_computation.1_lowered:
.L_overlay_start_0:
0x88: {  	s2 =	sld [smem:$0x3FD9]  }
0x89: {  	s3 =	sld [smem:$0x3FFE];
	_ =	sdelay $0x1  }
0x8a: {  	s1 =	srdreg.scid  }
0x8b: {  	s0 =	sand.u32 $0x1, s1  }
0x8c: {  	s17 =	sshll.u32 s0, $0xA;
	s2 =	sadd.s32 s3, s2  }
0x8d: {  	s2 =	sadd.s32 s2, s17  }
0x8e: {  	[smem:$0x3FBE] =	sst s2  }
0x8f: {  	_ = 	snop  }
0x90: {  	s2 =	sld [smem:$0x3FD0];
	(tm) =	ssettm $0x1  }
0x91: {  	s18 =	sld [smem:$0x3FFB];
	_ =	sdelay $0x3  }
0x92: {  	_ =	strace s18  }
0x93: {  	s3 =	sld [smem:$0x3FFC];
	_ =	sdelay $0x3  }
0x94: {  	_ =	strace s3  }
0x95: {  	s3 =	sld [smem:$0x3FFD];
	_ =	sdelay $0x3  }
0x96: {  	_ =	strace s3  }
0x97: {  	_ =	strace $0x8FFFFFFF  }
0x98: {  	s19 =	sld [smem:$0x3FDB];
	_ =	sdelay $0x1  }
0x99: {  	s4 =	simm.s32 $_scs_section_size  }
0x9a: {  	s5 =	simm.s32 $_size__tile_overlayer_lowered;
	s6 =	simm.s32 $_tile_overlayer_lowered  }
0x9b: {  	s22 =	simm.s32 $0x1BFF;
	s21 =	sshll.u32 s6, $0x1;
	s3 =	sadd.s32 s4, s19  }
0x9c: {  	s7 =	simm.s32 $0x0;
	s20 =	sshll.u32 s5, $0x1;
	s5 =	sadd.s32 s21, s3  }
0x9d: {  	[timem:s7], [sflag:s22] =	dma.local [hbm:s5], s20  }
0x9e: {  	_ =	swait.ge [sflag:s22], s20  }
0x9f: {  	s4 =	ssub.s32 $0x0, s20;
	[sflag:s22] =	ssyncset.done $0x0  }
0xa0: {  	[sflag:s22] =	ssyncadd.s32 s4;
	_ =	sdelay $0x1  }
0xa1: {  	s23 =	simm.s32 $0x1B8B  }
0xa2: {  	_ =	swait.ge [sflag:s23], $0x1  }
0xa3: {  	[sflag:s23] =	ssyncset.done $0x0  }
0xa4: {  	s25 =	simm.s32 $0x1B8E;
	s24 =	sld [smem:$0x3FFE];
	[sflag:s23] =	ssyncadd.s32 $0xFFFFFFFF  }
0xa5: {  	s26 =	simm.s32 $execute0_lowered;
	[smem:$0x3FD2] =	sst s25  }
0xa6: {  	s5 =	sshll.u32 s26, $0x1;
	_ =	strace $0x80000049;
	[dreg:$0x1] =	wrdreg $0xFFFFFFFF  }
0xa7: {  	s28 =	simm.s32 $_size_execute0_lowered;
	s3 =	sadd.s32 s3, s5;
	[dreg:$0x0] =	wrdreg $0x0  }
0xa8: {  	s5 =	sshll.u32 s28, $0x1;
	[dreg:$0x2] =	wrdreg s3  }
0xa9: {  	[dreg:$0x3] =	wrdreg s5  }
0xaa: {  	[dreg:$0x4] =	wrdreg $0xC0  }
0xab: {  	_ =	task [dreg:s7], $0x5FFFF  }
0xac: {  	[dreg:$0x1] =	wrdreg $0xFFFFFFFF  }
0xad: {  	[dreg:$0x0] =	wrdreg $0x60  }
0xae: {  	[dreg:$0x2] =	wrdreg s24  }
0xaf: {  	[dreg:$0x3] =	wrdreg s2  }
0xb0: {  	[dreg:$0x4] =	wrdreg $0x0  }
0xb1: {  	[dreg:$0x5] =	wrdreg $0x9  }
0xb2: {  	_ =	task.clear_ibuf [dreg:s7], $0x6FFFF;
	_ =	strace $0x90000049  }
0xb3: {  	s29 =	simm.s32 $0x9;
	_ =	strace $0x8000004B  }
0xb4: {  	_ =	swait.ge [sflag:s29], $0x1  }
0xb5: {  	[sflag:s29] =	ssyncadd.s32 $0xFFFFFFFF  }
0xb6: {  	_ =	strace $0x9000004B  }
0xb7: {  	_ =	sfence  }
0xb8: {  	s30 =	sld [smem:$0x0];
	_ =	sdelay $0x2  }
0xb9: {  	s31 =	sshll.u32 s1, $0xD;
	s1 =	sshrl.u32 s1, $0x2  }
0xba: {  	s3 =	sand.u32 $0x4000, s31;
	s1 =	sadd.s32 s1, s30  }
0xbb: {  	s0 =	sor.u32 s3, s0;
	s1 =	sshll.u32 s1, $0x11  }
0xbc: {  	s0 =	sor.u32 s1, s0  }
0xbd: {  	s0 =	sadd.s32 $0x8F2B, s0  }
0xbe: {  	[sflag:s0] =	ssyncadd.remote.s32 $0x1  }
0xbf: {  	_ =	sfence.sel $0xFFFF  }
0xc0: {  	[dreg:$0x0] =	wrdreg $0xFFFFFFFF;
	(pc) =	sbr.abs _section_cstart, $3  }
0xc1: {  	[dreg:$0x1] =	wrdreg $0xFFFFFFFF  }
0xc2: {  	_ =	task.clear_ibuf [dreg:s7], $0x2FFFF;
	_ =	strace $0x9FFFFFFF  }
0xc3: {  	(tm) =	ssettm $0x7FFFFFFF  }
tec
execute0_lowered:
.L_overlay_start_1:
0x0: {  	(tag) =	ssettag $0x1  }
0x1: {  	s0 =	rddreg [dreg:$0x0]  }
0x2: {  	s2 =	rddreg [dreg:$0x2];
	s3 =	simm.s32 $0x0  }
0x3: {  	s1 =	srdreg.scid;
	s10 =	stileid.u32;
	s28 =	simm.s32 $0x1C300  }
0x4: {  	s29 =	simm.s32 $0x2;
	s30 =	simm.s32 $0x18700;
	s31 =	simm.s32 $0x19500  }
0x5: {  	[smem:$0x7FF] =	sst s3;
	s4 =	sadd.s32 $0xC6A00, s0;
	s9 =	smul.u32 $0x18700, s10  }
0x6: {  	s1 =	sand.u32 $0x1, s1;
	s8 =	sshll.u32 s10, $0x1;
	s23 =	smul.u32 $0x61C00, s10  }
0x7: {  	_ =	strace $0x8000004A;
	s5 =	ssub.s32 $0x2, s1;
	s6 =	smul.u32 $0x187000, s1  }
0x8: {  	s1 =	sor.u32 s1, s8;
	s7 =	sshrl.u32 s5, $0x1;
	s8 =	sadd.s32 $0x30E0, s9  }
0x9: {  	s10 =	sadd.s32 $0x61C0, s9;
	s11 =	sadd.s32 $0x92A0, s9;
	s12 =	sadd.s32 $0xC380, s9  }
0xa: {  	s17 =	sadd.s32 $0xF460, s9;
	s25 =	sadd.s32 $0x12540, s9;
	s26 =	sadd.s32 $0x15620, s9  }
0xb: {  	s22 =	sshrl.u32 s23, $0x2;
	s23 =	sadd.s32 s9, s2;
	s5 =	ssub.s32 s5, s7  }
0xc: {  	s13 =	sadd.s32 s6, s9;
	s14 =	sadd.s32 s6, s8;
	s15 =	sadd.s32 s6, s11  }
0xd: {  	s19 =	sadd.s32 s6, s17;
	s20 =	sadd.s32 s6, s25;
	[dreg:$0xc] =	wrdreg s23  }
0xe: {  	s23 =	sadd.s32 s12, s2;
	s25 =	sadd.s32 s25, s2;
	s13 =	sshrl.u32 s13, $0x3  }
0xf: {  	s7 =	simm.s32 $0x1;
	s24 =	sshrl.u32 s14, $0x3;
	s13 =	sadd.s32 s4, s13  }
0x10: {  	s14 =	sadd.s32 s6, s10;
	[dreg:$0x4] =	wrdreg s13;
	s13 =	sadd.s32 s4, s24  }
0x11: {  	s24 =	smax.u32 s5, $0x1;
	s5 =	simm.s32 $0x1B300;
	[dreg:$0x5] =	wrdreg s13  }
0x12: {  	s13 =	sshrl.u32 s14, $0x3;
	s14 =	sshrl.u32 s15, $0x3;
	s15 =	sadd.s32 s6, s12  }
0x13: {  	s6 =	sadd.s32 s6, s26;
	[dreg:$0xd] =	wrdreg s24;
	s24 =	sadd.s32 s17, s2  }
0x14: {  	s26 =	sadd.s32 s26, s2;
	s13 =	sadd.s32 s4, s13;
	s16 =	sadd.s32 s4, s14  }
0x15: {  	s18 =	sshrl.u32 s15, $0x3;
	s14 =	sshrl.u32 s20, $0x3;
	s6 =	sshrl.u32 s6, $0x3  }
0x16: {  	s15 =	sadd.s32 $0x2C00, s0;
	s20 =	sadd.s32 s8, s2;
	[dreg:$0x6] =	wrdreg s13  }
0x17: {  	s8 =	simm.s32 $0x0;
	[dreg:$0x7] =	wrdreg s16;
	s13 =	sadd.s32 s4, s18  }
0x18: {  	s21 =	sadd.s32 s4, s14;
	s14 =	sadd.s32 $0x95A00, s0;
	s16 =	smul.u32 $0xC400, s1  }
0x19: {  	s1 =	simm.s32 $0x1AB00;
	[dreg:$0x8] =	wrdreg s13;
	s13 =	sshrl.u32 s19, $0x3  }
0x1a: {  	[dreg:$0xa] =	wrdreg s21;
	s19 =	sadd.s32 s22, s2;
	s13 =	sadd.s32 s4, s13  }
0x1b: {  	s21 =	sadd.s32 s10, s2;
	s4 =	sadd.s32 s4, s6;
	[dreg:$0x9] =	wrdreg s13  }
0x1c: {  	s22 =	sadd.s32 s11, s2;
	s6 =	simm.s32 $0x1BB00;
	[dreg:$0xb] =	wrdreg s4  }
0x1d: {  	s13 =	sadd.s32 $0x33C00, s0;
	s0 =	simm.s32 $0x80;
	s4 =	simm.s32 $0x1A300  }
.LBB2_1:
0x1e: {  	s9 =	rddreg [dreg:$0x1]  }
0x1f: {  	[tilespmem:s28], [sflag:$0x2] =	stream.linear.gather [hbm4b:s9+s3], $0x30E0, $0x38;
	[tilespmem:$0x1F3E0] =	vst v63  }
0x20: {  	_ =	swait.ge [sflag:s29], $0x30E0  }
0x21: {  	[sflag:s29] =	ssyncset.done $0x0  }
0x22: {  	[sflag:s29] =	ssyncadd.s32 $0xFFFFCF20  }
0x23: {  	[spmem:s19] =	stream.linear.scatter [tilespmem:s28], [sflag:$0x2], $0x30E0, $0x38;
	[tilespmem:$0x1F3E0] =	vst v63  }
0x24: {  	_ =	swait.ge [sflag:s29], $0x30E0  }
0x25: {  	[sflag:s29] =	ssyncset.done $0x0  }
0x26: {  	[sflag:s29] =	ssyncadd.s32 $0xFFFFCF20  }
0x27: {  	[spmem:s20] =	stream.linear.scatter [tilespmem:s28], [sflag:$0x2], $0x30E0, $0x38;
	[tilespmem:$0x1F3E0] =	vst v63  }
0x28: {  	_ =	swait.ge [sflag:s29], $0x30E0  }
0x29: {  	[sflag:s29] =	ssyncset.done $0x0  }
0x2a: {  	[sflag:s29] =	ssyncadd.s32 $0xFFFFCF20  }
0x2b: {  	[spmem:s21] =	stream.linear.scatter [tilespmem:s28], [sflag:$0x2], $0x30E0, $0x38;
	[tilespmem:$0x1F3E0] =	vst v63  }
0x2c: {  	_ =	swait.ge [sflag:s29], $0x30E0  }
0x2d: {  	[sflag:s29] =	ssyncset.done $0x0  }
0x2e: {  	[sflag:s29] =	ssyncadd.s32 $0xFFFFCF20  }
0x2f: {  	[spmem:s22] =	stream.linear.scatter [tilespmem:s28], [sflag:$0x2], $0x30E0, $0x38;
	[tilespmem:$0x1F3E0] =	vst v63  }
0x30: {  	_ =	swait.ge [sflag:s29], $0x30E0  }
0x31: {  	[sflag:s29] =	ssyncset.done $0x0  }
0x32: {  	[sflag:s29] =	ssyncadd.s32 $0xFFFFCF20  }
0x33: {  	[spmem:s23] =	stream.linear.scatter [tilespmem:s28], [sflag:$0x2], $0x30E0, $0x38;
	[tilespmem:$0x1F3E0] =	vst v63  }
0x34: {  	_ =	swait.ge [sflag:s29], $0x30E0  }
0x35: {  	[sflag:s29] =	ssyncset.done $0x0  }
0x36: {  	[sflag:s29] =	ssyncadd.s32 $0xFFFFCF20  }
0x37: {  	[spmem:s24] =	stream.linear.scatter [tilespmem:s28], [sflag:$0x2], $0x30E0, $0x38;
	[tilespmem:$0x1F3E0] =	vst v63  }
0x38: {  	_ =	swait.ge [sflag:s29], $0x30E0  }
0x39: {  	[sflag:s29] =	ssyncset.done $0x0  }
0x3a: {  	[sflag:s29] =	ssyncadd.s32 $0xFFFFCF20  }
0x3b: {  	[spmem:s25] =	stream.linear.scatter [tilespmem:s28], [sflag:$0x2], $0x30E0, $0x38;
	[tilespmem:$0x1F3E0] =	vst v63  }
0x3c: {  	_ =	swait.ge [sflag:s29], $0x30E0  }
0x3d: {  	[sflag:s29] =	ssyncset.done $0x0  }
0x3e: {  	[sflag:s29] =	ssyncadd.s32 $0xFFFFCF20  }
0x3f: {  	[spmem:s26] =	stream.linear.scatter [tilespmem:s28], [sflag:$0x2], $0x30E0, $0x38;
	[tilespmem:$0x1F3E0] =	vst v63  }
0x40: {  	_ =	swait.ge [sflag:s29], $0x30E0  }
0x41: {  	[sflag:s29] =	ssyncset.done $0x0  }
0x42: {  	[sflag:s29] =	ssyncadd.s32 $0xFFFFCF20  }
0x43: {  	s9 =	simm.s32 $0x0;
	[bflag:$0x0] =	sbarrier.arrive $0xFFFF  }
.LBB2_2:
0x44: {  	s10 =	smul.u32 $0xE00, s9;
	_ =	sdelay $0x1  }
0x45: {  	s10 =	sadd.s32 s16, s10  }
0x46: {  	s10 =	sshrl.u32 s10, $0x3  }
0x47: {  	s12 =	simm.s32 $0x0;
	s11 =	sadd.s32 s14, s10  }
0x48: {  	[tilespmem:s30], [sflag:$0x2] =	stream.linear.gather [hbm4b:s11+s12], $0xE00, $0x38;
	[tilespmem:$0x1F3E0] =	vst v63  }
0x49: {  	_ =	swait.ge [sflag:s29], $0xE00  }
0x4a: {  	[sflag:s29] =	ssyncset.done $0x0  }
0x4b: {  	s10 =	sadd.s32 s15, s10;
	[sflag:s29] =	ssyncadd.s32 $0xFFFFF200  }
0x4c: {  	[tilespmem:s31], [sflag:$0x2] =	stream.linear.gather [hbm4b:s10+s12], $0xE00, $0x38;
	[tilespmem:$0x1F3E0] =	vst v63  }
0x4d: {  	_ =	swait.ge [sflag:s29], $0xE00  }
0x4e: {  	[sflag:s29] =	ssyncset.done $0x0  }
0x4f: {  	s11 =	simm.s32 $0x18700;
	[sflag:s29] =	ssyncadd.s32 $0xFFFFF200  }
0x50: {  	[tilespmem:s4], [sflag:$0x1] =	stream.indirect.gather [hbm4b:s13+s0], $0x10, s11, s0, $0xb8;
	[tilespmem:$0x1F3E0] =	vst v63  }
0x51: {  	s12 =	simm.s32 $0x18780  }
0x52: {  	[tilespmem:s1], [sflag:$0x1] =	stream.indirect.gather [hbm4b:s13+s0], $0x10, s12, s0, $0xb8;
	[tilespmem:$0x1F3E0] =	vst v63  }
0x53: {  	s17 =	simm.s32 $0x18800  }
0x54: {  	[tilespmem:s5], [sflag:$0x1] =	stream.indirect.gather [hbm4b:s13+s0], $0x10, s17, s0, $0xb8;
	[tilespmem:$0x1F3E0] =	vst v63  }
0x55: {  	s18 =	simm.s32 $0x18880  }
0x56: {  	[tilespmem:s6], [sflag:$0x1] =	stream.indirect.gather [hbm4b:s13+s0], $0x10, s18, s0, $0xb8;
	[tilespmem:$0x1F3E0] =	vst v63  }
0x57: {  	_ =	swait.ge [sflag:s7], $0x800  }
0x58: {  	[sflag:s7] =	ssyncset.done $0x0  }
0x59: {  	s11 =	simm.s32 $0x19500;
	[sflag:s7] =	ssyncadd.s32 $0xFFFFF800  }
0x5a: {  	[spmem:s2] =	stream.indirect.scatter.add.f32 [tilespmem:s4], [sflag:$0x2], $0x10, s11, s0, $0xb8;
	[tilespmem:$0x1F3E0] =	vst v63  }
0x5b: {  	_ =	swait.ge [sflag:s29], $0x800  }
0x5c: {  	[sflag:s29] =	ssyncset.done $0x0  }
0x5d: {  	[sflag:s29] =	ssyncadd.s32 $0xFFFFF800  }
0x5e: {  	_ =	swait.ge [sflag:s7], $0x800  }
0x5f: {  	[sflag:s7] =	ssyncset.done $0x0  }
0x60: {  	s12 =	simm.s32 $0x19580;
	[sflag:s7] =	ssyncadd.s32 $0xFFFFF800  }
0x61: {  	[spmem:s2] =	stream.indirect.scatter.add.f32 [tilespmem:s1], [sflag:$0x2], $0x10, s12, s0, $0xb8;
	[tilespmem:$0x1F3E0] =	vst v63  }
0x62: {  	_ =	swait.ge [sflag:s29], $0x800  }
0x63: {  	[sflag:s29] =	ssyncset.done $0x0  }
0x64: {  	[sflag:s29] =	ssyncadd.s32 $0xFFFFF800  }
0x65: {  	_ =	swait.ge [sflag:s7], $0x800  }
0x66: {  	[sflag:s7] =	ssyncset.done $0x0  }
0x67: {  	s17 =	simm.s32 $0x19600;
	[sflag:s7] =	ssyncadd.s32 $0xFFFFF800  }
0x68: {  	[spmem:s2] =	stream.indirect.scatter.add.f32 [tilespmem:s5], [sflag:$0x2], $0x10, s17, s0, $0xb8;
	[tilespmem:$0x1F3E0] =	vst v63  }
0x69: {  	_ =	swait.ge [sflag:s29], $0x800  }
0x6a: {  	[sflag:s29] =	ssyncset.done $0x0  }
0x6b: {  	[sflag:s29] =	ssyncadd.s32 $0xFFFFF800  }
0x6c: {  	_ =	swait.ge [sflag:s7], $0x800  }
0x6d: {  	[sflag:s7] =	ssyncset.done $0x0  }
0x6e: {  	s18 =	simm.s32 $0x19680;
	[sflag:s7] =	ssyncadd.s32 $0xFFFFF800  }
0x6f: {  	[spmem:s2] =	stream.indirect.scatter.add.f32 [tilespmem:s6], [sflag:$0x2], $0x10, s18, s0, $0xb8;
	[tilespmem:$0x1F3E0] =	vst v63  }
0x70: {  	_ =	swait.ge [sflag:s29], $0x800  }
0x71: {  	s10 =	simm.s32 $0x200;
	s11 =	simm.s32 $0x1000;
	[sflag:s29] =	ssyncset.done $0x0  }
.LBB2_3:
0x72: {  	s18 =	sadd.s32 $0x18700, s10  }
0x73: {  	[sflag:s29] =	ssyncadd.s32 $0xFFFFF800;
	s12 =	smov.u32 s11;
	s17 =	sadd.s32 $0x800, s11  }
0x74: {  	[tilespmem:s4], [sflag:$0x1] =	stream.indirect.gather [hbm4b:s13+s0], $0x10, s18, s0, $0xb8;
	[tilespmem:$0x1F3E0] =	vst v63  }
0x75: {  	p0 =	sne.s32 s11, $0x3000;
	s11 =	sadd.s32 $0x18780, s10  }
0x76: {  	[tilespmem:s1], [sflag:$0x1] =	stream.indirect.gather [hbm4b:s13+s0], $0x10, s11, s0, $0xb8;
	[tilespmem:$0x1F3E0] =	vst v63  }
0x77: {  	s11 =	sadd.s32 $0x18800, s10  }
0x78: {  	[tilespmem:s5], [sflag:$0x1] =	stream.indirect.gather [hbm4b:s13+s0], $0x10, s11, s0, $0xb8;
	[tilespmem:$0x1F3E0] =	vst v63  }
0x79: {  	s11 =	sadd.s32 $0x18880, s10  }
0x7a: {  	[tilespmem:s6], [sflag:$0x1] =	stream.indirect.gather [hbm4b:s13+s0], $0x10, s11, s0, $0xb8;
	[tilespmem:$0x1F3E0] =	vst v63  }
0x7b: {  	_ =	swait.ge [sflag:s7], $0x800  }
0x7c: {  	[sflag:s7] =	ssyncset.done $0x0  }
0x7d: {  	s11 =	sadd.s32 $0x19500, s10;
	[sflag:s7] =	ssyncadd.s32 $0xFFFFF800  }
0x7e: {  	[spmem:s2] =	stream.indirect.scatter.add.f32 [tilespmem:s4], [sflag:$0x2], $0x10, s11, s0, $0xb8;
	[tilespmem:$0x1F3E0] =	vst v63  }
0x7f: {  	_ =	swait.ge [sflag:s29], $0x800  }
0x80: {  	[sflag:s29] =	ssyncset.done $0x0  }
0x81: {  	[sflag:s29] =	ssyncadd.s32 $0xFFFFF800  }
0x82: {  	_ =	swait.ge [sflag:s7], $0x800  }
0x83: {  	[sflag:s7] =	ssyncset.done $0x0  }
0x84: {  	s11 =	sadd.s32 $0x19580, s10;
	[sflag:s7] =	ssyncadd.s32 $0xFFFFF800  }
0x85: {  	[spmem:s2] =	stream.indirect.scatter.add.f32 [tilespmem:s1], [sflag:$0x2], $0x10, s11, s0, $0xb8;
	[tilespmem:$0x1F3E0] =	vst v63  }
0x86: {  	_ =	swait.ge [sflag:s29], $0x800  }
0x87: {  	[sflag:s29] =	ssyncset.done $0x0  }
0x88: {  	[sflag:s29] =	ssyncadd.s32 $0xFFFFF800  }
0x89: {  	_ =	swait.ge [sflag:s7], $0x800  }
0x8a: {  	[sflag:s7] =	ssyncset.done $0x0  }
0x8b: {  	s11 =	sadd.s32 $0x19600, s10;
	[sflag:s7] =	ssyncadd.s32 $0xFFFFF800  }
0x8c: {  	[spmem:s2] =	stream.indirect.scatter.add.f32 [tilespmem:s5], [sflag:$0x2], $0x10, s11, s0, $0xb8;
	[tilespmem:$0x1F3E0] =	vst v63  }
0x8d: {  	_ =	swait.ge [sflag:s29], $0x800  }
0x8e: {  	[sflag:s29] =	ssyncset.done $0x0  }
0x8f: {  	[sflag:s29] =	ssyncadd.s32 $0xFFFFF800  }
0x90: {  	_ =	swait.ge [sflag:s7], $0x800  }
.Ltmp0:
0x91: {  	[sflag:s7] =	ssyncset.done $0x0;
	(pc) =	sbr.rel @p0 .LBB2_3-.Ltmp0, $4  }
0x92: {  	s10 =	sadd.s32 $0x19680, s10;
	[sflag:s7] =	ssyncadd.s32 $0xFFFFF800  }
0x93: {  	[spmem:s2] =	stream.indirect.scatter.add.f32 [tilespmem:s6], [sflag:$0x2], $0x10, s10, s0, $0xb8;
	[tilespmem:$0x1F3E0] =	vst v63  }
0x94: {  	_ =	swait.ge [sflag:s29], $0x800  }
0x95: {  	s11 =	smov.u32 s17;
	s10 =	sshra.s32 s12, $0x2;
	[sflag:s29] =	ssyncset.done $0x0  }
0x96: {  	s11 =	sadd.s32 $0x18700, s10;
	[sflag:s29] =	ssyncadd.s32 $0xFFFFF800  }
0x97: {  	[tilespmem:s4], [sflag:$0x1] =	stream.indirect.gather [hbm4b:s13+s0], $0x10, s11, s0, $0xb8;
	[tilespmem:$0x1F3E0] =	vst v63  }
0x98: {  	s18 =	sadd.s32 $0x18780, s10  }
0x99: {  	[tilespmem:s1], [sflag:$0x1] =	stream.indirect.gather [hbm4b:s13+s0], $0x10, s18, s0, $0xb8;
	[tilespmem:$0x1F3E0] =	vst v63  }
0x9a: {  	s12 =	sadd.s32 $0x18800, s10  }
0x9b: {  	[tilespmem:s5], [sflag:$0x1] =	stream.indirect.gather [hbm4b:s13+s0], $0x10, s12, s0, $0xb8;
	[tilespmem:$0x1F3E0] =	vst v63  }
0x9c: {  	s17 =	sadd.s32 $0x18880, s10  }
0x9d: {  	[tilespmem:s6], [sflag:$0x1] =	stream.indirect.gather [hbm4b:s13+s0], $0x10, s17, s0, $0xb8;
	[tilespmem:$0x1F3E0] =	vst v63  }
0x9e: {  	_ =	swait.ge [sflag:s7], $0x800  }
0x9f: {  	[sflag:s7] =	ssyncset.done $0x0  }
0xa0: {  	s18 =	sadd.s32 $0x19500, s10;
	[sflag:s7] =	ssyncadd.s32 $0xFFFFF800  }
0xa1: {  	[spmem:s2] =	stream.indirect.scatter.add.f32 [tilespmem:s4], [sflag:$0x2], $0x10, s18, s0, $0xb8;
	[tilespmem:$0x1F3E0] =	vst v63  }
0xa2: {  	_ =	swait.ge [sflag:s29], $0x800  }
0xa3: {  	[sflag:s29] =	ssyncset.done $0x0  }
0xa4: {  	[sflag:s29] =	ssyncadd.s32 $0xFFFFF800  }
0xa5: {  	_ =	swait.ge [sflag:s7], $0x800  }
0xa6: {  	[sflag:s7] =	ssyncset.done $0x0  }
0xa7: {  	s12 =	sadd.s32 $0x19580, s10;
	[sflag:s7] =	ssyncadd.s32 $0xFFFFF800  }
0xa8: {  	[spmem:s2] =	stream.indirect.scatter.add.f32 [tilespmem:s1], [sflag:$0x2], $0x10, s12, s0, $0xb8;
	[tilespmem:$0x1F3E0] =	vst v63  }
0xa9: {  	_ =	swait.ge [sflag:s29], $0x800  }
0xaa: {  	[sflag:s29] =	ssyncset.done $0x0  }
0xab: {  	[sflag:s29] =	ssyncadd.s32 $0xFFFFF800  }
0xac: {  	_ =	swait.ge [sflag:s7], $0x800  }
0xad: {  	[sflag:s7] =	ssyncset.done $0x0  }
0xae: {  	s17 =	sadd.s32 $0x19600, s10;
	[sflag:s7] =	ssyncadd.s32 $0xFFFFF800  }
0xaf: {  	[spmem:s2] =	stream.indirect.scatter.add.f32 [tilespmem:s5], [sflag:$0x2], $0x10, s17, s0, $0xb8;
	[tilespmem:$0x1F3E0] =	vst v63  }
0xb0: {  	_ =	swait.ge [sflag:s29], $0x800  }
0xb1: {  	[sflag:s29] =	ssyncset.done $0x0  }
0xb2: {  	[sflag:s29] =	ssyncadd.s32 $0xFFFFF800  }
0xb3: {  	s9 =	sadd.s32 $0x1, s9;
	_ =	swait.ge [sflag:s7], $0x800  }
0xb4: {  	p0 =	sne.s32 s9, $0xE;
	[sflag:s7] =	ssyncset.done $0x0  }
.Ltmp1:
0xb5: {  	s18 =	sadd.s32 $0x19680, s10;
	[sflag:s7] =	ssyncadd.s32 $0xFFFFF800;
	(pc) =	sbr.rel @p0 .LBB2_2-.Ltmp1, $4  }
0xb6: {  	[spmem:s2] =	stream.indirect.scatter.add.f32 [tilespmem:s6], [sflag:$0x2], $0x10, s18, s0, $0xb8;
	[tilespmem:$0x1F3E0] =	vst v63  }
0xb7: {  	_ =	swait.ge [sflag:s29], $0x800  }
0xb8: {  	[sflag:s29] =	ssyncset.done $0x0  }
0xb9: {  	[sflag:s29] =	ssyncadd.s32 $0xFFFFF800  }
0xba: {  	[bflag:$0x0] =	sbarrier.arrive $0xFFFF  }
0xbb: {  	s9 =	rddreg [dreg:$0xc]  }
0xbc: {  	[tilespmem:s28], [sflag:$0x2] =	stream.linear.gather [spmem:s9], $0x30E0, $0x38;
	[tilespmem:$0x1F3E0] =	vst v63  }
0xbd: {  	_ =	swait.ge [sflag:s29], $0x30E0  }
0xbe: {  	[sflag:s29] =	ssyncset.done $0x0  }
0xbf: {  	s11 =	rddreg [dreg:$0x4];
	[sflag:s29] =	ssyncadd.s32 $0xFFFFCF20  }
0xc0: {  	[hbm4b:s11+s3] =	stream.linear.scatter [tilespmem:s28], [sflag:$0x2], $0x30E0, $0x38;
	[tilespmem:$0x1F3E0] =	vst v63  }
0xc1: {  	_ =	swait.ge [sflag:s29], $0x30E0  }
0xc2: {  	[sflag:s29] =	ssyncset.done $0x0  }
0xc3: {  	[sflag:s29] =	ssyncadd.s32 $0xFFFFCF20  }
0xc4: {  	[tilespmem:s28], [sflag:$0x2] =	stream.linear.gather [spmem:s20], $0x30E0, $0x38;
	[tilespmem:$0x1F3E0] =	vst v63  }
0xc5: {  	_ =	swait.ge [sflag:s29], $0x30E0  }
0xc6: {  	[sflag:s29] =	ssyncset.done $0x0  }
0xc7: {  	s12 =	rddreg [dreg:$0x5];
	[sflag:s29] =	ssyncadd.s32 $0xFFFFCF20  }
0xc8: {  	[hbm4b:s12+s3] =	stream.linear.scatter [tilespmem:s28], [sflag:$0x2], $0x30E0, $0x38;
	[tilespmem:$0x1F3E0] =	vst v63  }
0xc9: {  	_ =	swait.ge [sflag:s29], $0x30E0  }
0xca: {  	[sflag:s29] =	ssyncset.done $0x0  }
0xcb: {  	[sflag:s29] =	ssyncadd.s32 $0xFFFFCF20  }
0xcc: {  	[tilespmem:s28], [sflag:$0x2] =	stream.linear.gather [spmem:s21], $0x30E0, $0x38;
	[tilespmem:$0x1F3E0] =	vst v63  }
0xcd: {  	_ =	swait.ge [sflag:s29], $0x30E0  }
0xce: {  	[sflag:s29] =	ssyncset.done $0x0  }
0xcf: {  	s17 =	rddreg [dreg:$0x6];
	[sflag:s29] =	ssyncadd.s32 $0xFFFFCF20  }
0xd0: {  	[hbm4b:s17+s3] =	stream.linear.scatter [tilespmem:s28], [sflag:$0x2], $0x30E0, $0x38;
	[tilespmem:$0x1F3E0] =	vst v63  }
0xd1: {  	_ =	swait.ge [sflag:s29], $0x30E0  }
0xd2: {  	[sflag:s29] =	ssyncset.done $0x0  }
0xd3: {  	[sflag:s29] =	ssyncadd.s32 $0xFFFFCF20  }
0xd4: {  	[tilespmem:s28], [sflag:$0x2] =	stream.linear.gather [spmem:s22], $0x30E0, $0x38;
	[tilespmem:$0x1F3E0] =	vst v63  }
0xd5: {  	_ =	swait.ge [sflag:s29], $0x30E0  }
0xd6: {  	[sflag:s29] =	ssyncset.done $0x0  }
0xd7: {  	s18 =	rddreg [dreg:$0x7];
	[sflag:s29] =	ssyncadd.s32 $0xFFFFCF20  }
0xd8: {  	[hbm4b:s18+s3] =	stream.linear.scatter [tilespmem:s28], [sflag:$0x2], $0x30E0, $0x38;
	[tilespmem:$0x1F3E0] =	vst v63  }
0xd9: {  	_ =	swait.ge [sflag:s29], $0x30E0  }
0xda: {  	[sflag:s29] =	ssyncset.done $0x0  }
0xdb: {  	[sflag:s29] =	ssyncadd.s32 $0xFFFFCF20  }
0xdc: {  	[tilespmem:s28], [sflag:$0x2] =	stream.linear.gather [spmem:s23], $0x30E0, $0x38;
	[tilespmem:$0x1F3E0] =	vst v63  }
0xdd: {  	_ =	swait.ge [sflag:s29], $0x30E0  }
0xde: {  	[sflag:s29] =	ssyncset.done $0x0  }
0xdf: {  	s10 =	rddreg [dreg:$0x8];
	[sflag:s29] =	ssyncadd.s32 $0xFFFFCF20  }
0xe0: {  	[hbm4b:s10+s3] =	stream.linear.scatter [tilespmem:s28], [sflag:$0x2], $0x30E0, $0x38;
	[tilespmem:$0x1F3E0] =	vst v63  }
0xe1: {  	_ =	swait.ge [sflag:s29], $0x30E0  }
0xe2: {  	[sflag:s29] =	ssyncset.done $0x0  }
0xe3: {  	[sflag:s29] =	ssyncadd.s32 $0xFFFFCF20  }
0xe4: {  	[tilespmem:s28], [sflag:$0x2] =	stream.linear.gather [spmem:s24], $0x30E0, $0x38;
	[tilespmem:$0x1F3E0] =	vst v63  }
0xe5: {  	_ =	swait.ge [sflag:s29], $0x30E0  }
0xe6: {  	[sflag:s29] =	ssyncset.done $0x0  }
0xe7: {  	s11 =	rddreg [dreg:$0x9];
	[sflag:s29] =	ssyncadd.s32 $0xFFFFCF20  }
0xe8: {  	[hbm4b:s11+s3] =	stream.linear.scatter [tilespmem:s28], [sflag:$0x2], $0x30E0, $0x38;
	[tilespmem:$0x1F3E0] =	vst v63  }
0xe9: {  	_ =	swait.ge [sflag:s29], $0x30E0  }
0xea: {  	[sflag:s29] =	ssyncset.done $0x0  }
0xeb: {  	[sflag:s29] =	ssyncadd.s32 $0xFFFFCF20  }
0xec: {  	[tilespmem:s28], [sflag:$0x2] =	stream.linear.gather [spmem:s25], $0x30E0, $0x38;
	[tilespmem:$0x1F3E0] =	vst v63  }
0xed: {  	_ =	swait.ge [sflag:s29], $0x30E0  }
0xee: {  	[sflag:s29] =	ssyncset.done $0x0  }
0xef: {  	s12 =	rddreg [dreg:$0xa];
	[sflag:s29] =	ssyncadd.s32 $0xFFFFCF20  }
0xf0: {  	[hbm4b:s12+s3] =	stream.linear.scatter [tilespmem:s28], [sflag:$0x2], $0x30E0, $0x38;
	[tilespmem:$0x1F3E0] =	vst v63  }
0xf1: {  	_ =	swait.ge [sflag:s29], $0x30E0  }
0xf2: {  	[sflag:s29] =	ssyncset.done $0x0  }
0xf3: {  	[sflag:s29] =	ssyncadd.s32 $0xFFFFCF20  }
0xf4: {  	[tilespmem:s28], [sflag:$0x2] =	stream.linear.gather [spmem:s26], $0x30E0, $0x38;
	[tilespmem:$0x1F3E0] =	vst v63  }
0xf5: {  	_ =	swait.ge [sflag:s29], $0x30E0  }
0xf6: {  	[sflag:s29] =	ssyncset.done $0x0  }
0xf7: {  	s17 =	rddreg [dreg:$0xb];
	[sflag:s29] =	ssyncadd.s32 $0xFFFFCF20  }
0xf8: {  	[hbm4b:s17+s3] =	stream.linear.scatter [tilespmem:s28], [sflag:$0x2], $0x30E0, $0x38;
	[tilespmem:$0x1F3E0] =	vst v63  }
0xf9: {  	_ =	swait.ge [sflag:s29], $0x30E0  }
0xfa: {  	s8 =	sadd.s32 $0x1, s8;
	s18 =	rddreg [dreg:$0xd]  }
0xfb: {  	p0 =	sne.s32 s8, s18  }
.Ltmp2:
0xfc: {  	_ = 	snop;
	(pc) =	sbr.rel @p0 .LBB2_1-.Ltmp2, $3  }
0xfd: {  	_ =	sdelay $0x1  }
0xfe: {  	[sflag:s29] =	ssyncset.done $0x0  }
0xff: {  	[sflag:s29] =	ssyncadd.s32 $0xFFFFCF20  }
0x100: {  	_ =	sfence.sel $0x180000  }
0x101: {  	[bflag:$0x0] =	sbarrier.arrive $0xFFFF  }
0x102: {  	_ =	strace $0x9000004A  }
0x103: {  	s0 =	stileid.u32;
	[bflag:$0x2] =	sbarrier.arrive $0xFFFF  }
0x104: {  	p0 =	sne.s32 s0, $0x0;
	s0 =	rddreg [dreg:$0x3]  }
0x105: {  	s0 =	sadd.s32 @!p0 $0x100000, s0  }
0x106: {  	[sflag:s0] =	ssyncadd.tile.s32 @!p0 $0x1;
	_ =	shalt  }
.Lfunc_end2:
_tile_overlayer_lowered:
.L_overlay_start_2:
0x107: {  	(tag) =	ssettag $0x2  }
0x108: {  	s0 =	rddreg [dreg:$0x0];
	s2 =	stileid.u32  }
0x109: {  	s1 =	rddreg [dreg:$0x1];
	p0 =	sne.s32 s2, $0x0  }
0x10a: {  	s3 =	rddreg [dreg:$0x2];
	[bflag:$0x3] =	sbarrier.arrive $0xFFFF;
	s2 =	simm.s32 @!p0 $0x1C02  }
0x10b: {  	[timem:s3], [sflag:s2] =	dma.local @!p0 [hbm:s0], s1  }
0x10c: {  	s0 =	simm.s32 @!p0 $0x2  }
0x10d: {  	_ =	swait.ge @!p0 [sflag:s0], s1  }
0x10e: {  	s1 =	ssub.s32 @!p0 $0x0, s1;
	[sflag:s0] =	ssyncset.done @!p0 $0x0  }
0x10f: {  	[sflag:s0] =	ssyncadd.s32 @!p0 s1  }
0x110: {  	[bflag:$0x3] =	sbarrier.arrive $0xFFFF  }
0x111: {  	_ =	shalt  }

// kernel: kernel.16.cloned.1.call-start
scs
__scs_entry_jumppad:
0x0: {  	(pc) =	sbr.rel $0x88, $3  }
0x1: {  	(tag) =	ssettag $0x0;
	lr =	simm.s32 $0x1  }
0x2: {  	[smem:$0x3F97] =	sst lr;
	_ =	strace $0xD0000000  }
0x3: {  	_ = 	snop  }
0x4: {  	_ = 	snop  }
0x5: {  	_ = 	snop  }
0x6: {  	_ = 	snop  }
0x7: {  	_ = 	snop  }
__scs_overlays_trampoline_lowered:
0x8: {  	[smem:$0x3FA6] =	sst s0  }
0x9: {  	[smem:$0x3FA7] =	sst s1  }
0xa: {  	[smem:$0x3FA8] =	sst s2  }
0xb: {  	[smem:$0x3FA9] =	sst s3  }
0xc: {  	[smem:$0x3FAA] =	sst s4  }
0xd: {  	[smem:$0x3FAB] =	sst s5  }
0xe: {  	[smem:$0x3FAC] =	sst s6  }
0xf: {  	[smem:$0x3FAD] =	sst s7  }
0x10: {  	[smem:$0x3FAE] =	sst s8  }
0x11: {  	[smem:$0x3FAF] =	sst s9;
	s0 =	simm.s32 @!p0 $0x0  }
0x12: {  	s1 =	sld [smem:$0x3F95];
	s0 =	simm.s32 @p0 $0x1  }
0x13: {  	[smem:$0x3FB0] =	sst s0;
	s0 =	simm.s32 @!p1 $0x0  }
0x14: {  	s2 =	sld [smem:$0x3F94];
	s0 =	simm.s32 @p1 $0x1  }
0x15: {  	[smem:$0x3FB1] =	sst s0;
	s0 =	simm.s32 @!p2 $0x0  }
0x16: {  	s3 =	sld [smem:$0x3FDB];
	s0 =	simm.s32 @p2 $0x1  }
0x17: {  	s4 =	simm.s32 $0x1BF5;
	[smem:$0x3FB3] =	sst s0  }
0x18: {  	s0 =	sld [smem:$0x3F96];
	_ =	swait.ge [sflag:s4], $0x0  }
0x19: {  	s7 =	sld [smem:$0x3F97]  }
0x1a: {  	s8 =	sadd.s32 $0xFFFFE003, lr  }
0x1b: {  	s9 =	sadd.s32 $0xFFFFFEF7, lr;
	s5 =	simm.s32 $0xFFFFFFFF;
	p2 =	slt.u32 s8, $0xFFFFF086  }
0x1c: {  	p1 =	slt.u32 s9, $0xF7A;
	s5 =	simm.s32 @!p2 $0x0  }
0x1d: {  	s5 =	simm.s32 @p1 $0x1;
	p0 =	seq.s32 s7, s2  }
0x1e: {  	s7 =	smul.u32 @!p0 $0xF7A, s2;
	p2 =	seq.s32 @!p0 s5, $0x0  }
0x1f: {  	s9 =	smul.u32 $0xF7A, s1;
	s8 =	simm.s32 @!p0 $0x1BF5;
	p2 =	por !p2, p0  }
0x20: {  	[sflag:s8] =	ssyncset.s32 @!p0 $0xFFFFF086;
	s6 =	sadd.s32 @!p0 s3, s7;
	s7 =	simm.s32 @!p0 $0x108  }
0x21: {  	s3 =	sadd.s32 s3, s9;
	s6 =	sadd.s32 @!p0 $0x88, s6;
	s7 =	simm.s32 @p2 $0x1082  }
0x22: {  	[simem:s7], [sflag:s8] =	dma.local @!p0 [hbm:s6], $0xF7A  }
0x23: {  	s9 =	sor.u32 $0xD0000000, s2;
	s6 =	simm.s32 $0x108;
	_ =	swait.ge @!p0 [sflag:s8], $0x0  }
0x24: {  	s3 =	sadd.s32 $0x88, s3;
	s6 =	simm.s32 @!p1 $0x1082;
	[sflag:s4] =	ssyncset.s32 $0xFFFFF086  }
0x25: {  	[simem:s6], [sflag:s4] =	dma.local [hbm:s3], $0xF7A  }
0x26: {  	[smem:$0x3F97] =	sst s1;
	(tag) =	ssettag s2;
	_ =	strace s9  }
0x27: {  	s1 =	sld [smem:$0x3FA7]  }
0x28: {  	s2 =	sld [smem:$0x3FA8]  }
0x29: {  	s4 =	sld [smem:$0x3FAA]  }
0x2a: {  	p0 =	seq.s32 s5, $0x0;
	s5 =	sld [smem:$0x3FAB]  }
0x2b: {  	s6 =	sld [smem:$0x3FAC]  }
0x2c: {  	s7 =	sld [smem:$0x3FAD]  }
0x2d: {  	s3 =	simm.s32 $0x108;
	s8 =	sld [smem:$0x3FAE]  }
0x2e: {  	s3 =	simm.s32 @!p0 $0x1082;
	s9 =	sld [smem:$0x3FAF]  }
0x2f: {  	lr =	sadd.s32 s0, s3;
	s0 =	sld [smem:$0x3FA6]  }
0x30: {  	s3 =	sld [smem:$0x3FA9]  }
0x31: {  	[smem:$0x3FB2] =	sst s10  }
0x32: {  	s10 =	sld [smem:$0x3FB0];
	_ =	sdelay $0x3  }
0x33: {  	p0 =	seq.s32 s10, $0x1;
	s10 =	sld [smem:$0x3FB2];
	_ =	sdelay $0x3  }
0x34: {  	[smem:$0x3FB2] =	sst s10  }
0x35: {  	s10 =	sld [smem:$0x3FB1];
	_ =	sdelay $0x3  }
0x36: {  	p1 =	seq.s32 s10, $0x1;
	s10 =	sld [smem:$0x3FB2];
	_ =	sdelay $0x3  }
0x37: {  	[smem:$0x3FB2] =	sst s10  }
0x38: {  	s10 =	sld [smem:$0x3FB3]  }
0x39: {  	_ = 	snop;
	(pc) =	sbr.ind lr, $3  }
0x3a: {  	_ = 	snop  }
0x3b: {  	_ = 	snop  }
0x3c: {  	p2 =	seq.s32 s10, $0x1;
	s10 =	sld [smem:$0x3FB2]  }
0x3d: {  	_ =	shalt  }
0x3e: {  	_ =	shalt  }
0x3f: {  	_ =	shalt  }
0x40: {  	_ =	shalt  }
0x41: {  	_ =	shalt  }
0x42: {  	_ =	shalt  }
0x43: {  	_ =	shalt  }
0x44: {  	_ =	shalt  }
0x45: {  	_ =	shalt  }
0x46: {  	_ =	shalt  }
0x47: {  	_ =	shalt  }
0x48: {  	_ =	shalt  }
0x49: {  	_ =	shalt  }
0x4a: {  	_ =	shalt  }
0x4b: {  	_ =	shalt  }
0x4c: {  	_ =	shalt  }
0x4d: {  	_ =	shalt  }
0x4e: {  	_ =	shalt  }
0x4f: {  	_ =	shalt  }
0x50: {  	_ =	shalt  }
0x51: {  	_ =	shalt  }
0x52: {  	_ =	shalt  }
0x53: {  	_ =	shalt  }
0x54: {  	_ =	shalt  }
0x55: {  	_ =	shalt  }
0x56: {  	_ =	shalt  }
0x57: {  	_ =	shalt  }
0x58: {  	_ =	shalt  }
0x59: {  	_ =	shalt  }
0x5a: {  	_ =	shalt  }
0x5b: {  	_ =	shalt  }
0x5c: {  	_ =	shalt  }
0x5d: {  	_ =	shalt  }
0x5e: {  	_ =	shalt  }
0x5f: {  	_ =	shalt  }
0x60: {  	_ =	shalt  }
0x61: {  	_ =	shalt  }
0x62: {  	_ =	shalt  }
0x63: {  	_ =	shalt  }
0x64: {  	_ =	shalt  }
0x65: {  	_ =	shalt  }
0x66: {  	_ =	shalt  }
0x67: {  	_ =	shalt  }
0x68: {  	_ =	shalt  }
0x69: {  	_ =	shalt  }
0x6a: {  	_ =	shalt  }
0x6b: {  	_ =	shalt  }
0x6c: {  	_ =	shalt  }
0x6d: {  	_ =	shalt  }
0x6e: {  	_ =	shalt  }
0x6f: {  	_ =	shalt  }
0x70: {  	_ =	shalt  }
0x71: {  	_ =	shalt  }
0x72: {  	_ =	shalt  }
0x73: {  	_ =	shalt  }
0x74: {  	_ =	shalt  }
0x75: {  	_ =	shalt  }
0x76: {  	_ =	shalt  }
0x77: {  	_ =	shalt  }
0x78: {  	_ =	shalt  }
0x79: {  	_ =	shalt  }
0x7a: {  	_ =	shalt  }
0x7b: {  	_ =	shalt  }
0x7c: {  	_ =	shalt  }
0x7d: {  	_ =	shalt  }
0x7e: {  	_ =	shalt  }
0x7f: {  	_ =	shalt  }
0x80: {  	_ =	shalt  }
0x81: {  	_ =	shalt  }
0x82: {  	_ =	shalt  }
0x83: {  	_ =	shalt  }
0x84: {  	_ =	shalt  }
0x85: {  	_ =	shalt  }
0x86: {  	_ =	shalt  }
0x87: {  	_ =	shalt  }
.Lfunc_end0:
.L_simem_size_0:
called_computation.2_lowered:
.L_overlay_start_0:
0x88: {  	s2 =	sld [smem:$0x3FD9]  }
0x89: {  	s3 =	sld [smem:$0x3FFE];
	_ =	sdelay $0x1  }
0x8a: {  	s1 =	srdreg.scid  }
0x8b: {  	s0 =	sand.u32 $0x1, s1  }
0x8c: {  	s17 =	sshll.u32 s0, $0xA;
	s2 =	sadd.s32 s3, s2  }
0x8d: {  	s2 =	sadd.s32 s2, s17  }
0x8e: {  	[smem:$0x3FBE] =	sst s2  }
0x8f: {  	_ = 	snop  }
0x90: {  	s2 =	sld [smem:$0x3FD0];
	(tm) =	ssettm $0x1  }
0x91: {  	s18 =	sld [smem:$0x3FFB];
	_ =	sdelay $0x3  }
0x92: {  	_ =	strace s18  }
0x93: {  	s3 =	sld [smem:$0x3FFC];
	_ =	sdelay $0x3  }
0x94: {  	_ =	strace s3  }
0x95: {  	s3 =	sld [smem:$0x3FFD];
	_ =	sdelay $0x3  }
0x96: {  	_ =	strace s3  }
0x97: {  	_ =	strace $0x8FFFFFFF  }
0x98: {  	s19 =	sld [smem:$0x3FDB];
	_ =	sdelay $0x1  }
0x99: {  	s4 =	simm.s32 $_scs_section_size  }
0x9a: {  	s5 =	simm.s32 $_size__tile_overlayer_lowered;
	s6 =	simm.s32 $_tile_overlayer_lowered  }
0x9b: {  	s22 =	simm.s32 $0x1BFF;
	s21 =	sshll.u32 s6, $0x1;
	s3 =	sadd.s32 s4, s19  }
0x9c: {  	s7 =	simm.s32 $0x0;
	s20 =	sshll.u32 s5, $0x1;
	s5 =	sadd.s32 s21, s3  }
0x9d: {  	[timem:s7], [sflag:s22] =	dma.local [hbm:s5], s20  }
0x9e: {  	_ =	swait.ge [sflag:s22], s20  }
0x9f: {  	s4 =	ssub.s32 $0x0, s20;
	[sflag:s22] =	ssyncset.done $0x0  }
0xa0: {  	[sflag:s22] =	ssyncadd.s32 s4;
	_ =	sdelay $0x1  }
0xa1: {  	s23 =	simm.s32 $0x1B8B  }
0xa2: {  	_ =	swait.ge [sflag:s23], $0x1  }
0xa3: {  	[sflag:s23] =	ssyncset.done $0x0  }
0xa4: {  	s25 =	simm.s32 $0x1B8E;
	s24 =	sld [smem:$0x3FFE];
	[sflag:s23] =	ssyncadd.s32 $0xFFFFFFFF  }
0xa5: {  	s26 =	simm.s32 $execute0_lowered;
	[smem:$0x3FD2] =	sst s25  }
0xa6: {  	s5 =	sshll.u32 s26, $0x1;
	_ =	strace $0x8000004C;
	[dreg:$0x1] =	wrdreg $0xFFFFFFFF  }
0xa7: {  	s28 =	simm.s32 $_size_execute0_lowered;
	s3 =	sadd.s32 s3, s5;
	[dreg:$0x0] =	wrdreg $0x0  }
0xa8: {  	s5 =	sshll.u32 s28, $0x1;
	[dreg:$0x2] =	wrdreg s3  }
0xa9: {  	[dreg:$0x3] =	wrdreg s5  }
0xaa: {  	[dreg:$0x4] =	wrdreg $0xC0  }
0xab: {  	_ =	task [dreg:s7], $0x5FFFF  }
0xac: {  	[dreg:$0x1] =	wrdreg $0xFFFFFFFF  }
0xad: {  	[dreg:$0x0] =	wrdreg $0x60  }
0xae: {  	[dreg:$0x2] =	wrdreg s24  }
0xaf: {  	[dreg:$0x3] =	wrdreg s2  }
0xb0: {  	[dreg:$0x4] =	wrdreg $0x0  }
0xb1: {  	[dreg:$0x5] =	wrdreg $0x9  }
0xb2: {  	_ =	task.clear_ibuf [dreg:s7], $0x6FFFF;
	_ =	strace $0x9000004C  }
0xb3: {  	s29 =	simm.s32 $0x9;
	_ =	strace $0x8000004E  }
0xb4: {  	_ =	swait.ge [sflag:s29], $0x1  }
0xb5: {  	[sflag:s29] =	ssyncadd.s32 $0xFFFFFFFF  }
0xb6: {  	_ =	strace $0x9000004E  }
0xb7: {  	_ =	sfence  }
0xb8: {  	s30 =	sld [smem:$0x0];
	_ =	sdelay $0x2  }
0xb9: {  	s31 =	sshll.u32 s1, $0xD;
	s1 =	sshrl.u32 s1, $0x2  }
0xba: {  	s3 =	sand.u32 $0x4000, s31;
	s1 =	sadd.s32 s1, s30  }
0xbb: {  	s0 =	sor.u32 s3, s0;
	s1 =	sshll.u32 s1, $0x11  }
0xbc: {  	s0 =	sor.u32 s1, s0  }
0xbd: {  	s0 =	sadd.s32 $0x8F2B, s0  }
0xbe: {  	[sflag:s0] =	ssyncadd.remote.s32 $0x1  }
0xbf: {  	_ =	sfence.sel $0xFFFF  }
0xc0: {  	[dreg:$0x0] =	wrdreg $0xFFFFFFFF;
	(pc) =	sbr.abs _section_cstart, $3  }
0xc1: {  	[dreg:$0x1] =	wrdreg $0xFFFFFFFF  }
0xc2: {  	_ =	task.clear_ibuf [dreg:s7], $0x2FFFF;
	_ =	strace $0x9FFFFFFF  }
0xc3: {  	(tm) =	ssettm $0x7FFFFFFF  }
tec
execute0_lowered:
.L_overlay_start_1:
0x0: {  	(tag) =	ssettag $0x1  }
0x1: {  	s0 =	rddreg [dreg:$0x0]  }
0x2: {  	s2 =	rddreg [dreg:$0x2];
	s3 =	simm.s32 $0x0  }
0x3: {  	s1 =	srdreg.scid;
	s10 =	stileid.u32;
	s28 =	simm.s32 $0x1C300  }
0x4: {  	s29 =	simm.s32 $0x2;
	s30 =	simm.s32 $0x18700;
	s31 =	simm.s32 $0x19500  }
0x5: {  	[smem:$0x7FF] =	sst s3;
	s4 =	sadd.s32 $0xC6A00, s0;
	s9 =	smul.u32 $0x18700, s10  }
0x6: {  	s1 =	sand.u32 $0x1, s1;
	s8 =	sshll.u32 s10, $0x1;
	s23 =	smul.u32 $0x61C00, s10  }
0x7: {  	_ =	strace $0x8000004D;
	s5 =	ssub.s32 $0x2, s1;
	s6 =	smul.u32 $0x187000, s1  }
0x8: {  	s1 =	sor.u32 s1, s8;
	s7 =	sshrl.u32 s5, $0x1;
	s8 =	sadd.s32 $0x30E0, s9  }
0x9: {  	s10 =	sadd.s32 $0x61C0, s9;
	s11 =	sadd.s32 $0x92A0, s9;
	s12 =	sadd.s32 $0xC380, s9  }
0xa: {  	s17 =	sadd.s32 $0xF460, s9;
	s25 =	sadd.s32 $0x12540, s9;
	s26 =	sadd.s32 $0x15620, s9  }
0xb: {  	s22 =	sshrl.u32 s23, $0x2;
	s23 =	sadd.s32 s9, s2;
	s5 =	ssub.s32 s5, s7  }
0xc: {  	s13 =	sadd.s32 s6, s9;
	s14 =	sadd.s32 s6, s8;
	s15 =	sadd.s32 s6, s11  }
0xd: {  	s19 =	sadd.s32 s6, s17;
	s20 =	sadd.s32 s6, s25;
	[dreg:$0xc] =	wrdreg s23  }
0xe: {  	s23 =	sadd.s32 s12, s2;
	s25 =	sadd.s32 s25, s2;
	s13 =	sshrl.u32 s13, $0x3  }
0xf: {  	s7 =	simm.s32 $0x1;
	s24 =	sshrl.u32 s14, $0x3;
	s13 =	sadd.s32 s4, s13  }
0x10: {  	s14 =	sadd.s32 s6, s10;
	[dreg:$0x4] =	wrdreg s13;
	s13 =	sadd.s32 s4, s24  }
0x11: {  	s24 =	smax.u32 s5, $0x1;
	s5 =	simm.s32 $0x1B300;
	[dreg:$0x5] =	wrdreg s13  }
0x12: {  	s13 =	sshrl.u32 s14, $0x3;
	s14 =	sshrl.u32 s15, $0x3;
	s15 =	sadd.s32 s6, s12  }
0x13: {  	s6 =	sadd.s32 s6, s26;
	[dreg:$0xd] =	wrdreg s24;
	s24 =	sadd.s32 s17, s2  }
0x14: {  	s26 =	sadd.s32 s26, s2;
	s13 =	sadd.s32 s4, s13;
	s16 =	sadd.s32 s4, s14  }
0x15: {  	s18 =	sshrl.u32 s15, $0x3;
	s14 =	sshrl.u32 s20, $0x3;
	s6 =	sshrl.u32 s6, $0x3  }
0x16: {  	s15 =	sadd.s32 $0x2C00, s0;
	s20 =	sadd.s32 s8, s2;
	[dreg:$0x6] =	wrdreg s13  }
0x17: {  	s8 =	simm.s32 $0x0;
	[dreg:$0x7] =	wrdreg s16;
	s13 =	sadd.s32 s4, s18  }
0x18: {  	s21 =	sadd.s32 s4, s14;
	s14 =	sadd.s32 $0x95A00, s0;
	s16 =	smul.u32 $0xC400, s1  }
0x19: {  	s1 =	simm.s32 $0x1AB00;
	[dreg:$0x8] =	wrdreg s13;
	s13 =	sshrl.u32 s19, $0x3  }
0x1a: {  	[dreg:$0xa] =	wrdreg s21;
	s19 =	sadd.s32 s22, s2;
	s13 =	sadd.s32 s4, s13  }
0x1b: {  	s21 =	sadd.s32 s10, s2;
	s4 =	sadd.s32 s4, s6;
	[dreg:$0x9] =	wrdreg s13  }
0x1c: {  	s22 =	sadd.s32 s11, s2;
	s6 =	simm.s32 $0x1BB00;
	[dreg:$0xb] =	wrdreg s4  }
0x1d: {  	s13 =	sadd.s32 $0x33C00, s0;
	s0 =	simm.s32 $0x80;
	s4 =	simm.s32 $0x1A300  }
.LBB2_1:
0x1e: {  	s9 =	rddreg [dreg:$0x1]  }
0x1f: {  	[tilespmem:s28], [sflag:$0x2] =	stream.linear.gather [hbm4b:s9+s3], $0x30E0, $0x38;
	[tilespmem:$0x1F3E0] =	vst v63  }
0x20: {  	_ =	swait.ge [sflag:s29], $0x30E0  }
0x21: {  	[sflag:s29] =	ssyncset.done $0x0  }
0x22: {  	[sflag:s29] =	ssyncadd.s32 $0xFFFFCF20  }
0x23: {  	[spmem:s19] =	stream.linear.scatter [tilespmem:s28], [sflag:$0x2], $0x30E0, $0x38;
	[tilespmem:$0x1F3E0] =	vst v63  }
0x24: {  	_ =	swait.ge [sflag:s29], $0x30E0  }
0x25: {  	[sflag:s29] =	ssyncset.done $0x0  }
0x26: {  	[sflag:s29] =	ssyncadd.s32 $0xFFFFCF20  }
0x27: {  	[spmem:s20] =	stream.linear.scatter [tilespmem:s28], [sflag:$0x2], $0x30E0, $0x38;
	[tilespmem:$0x1F3E0] =	vst v63  }
0x28: {  	_ =	swait.ge [sflag:s29], $0x30E0  }
0x29: {  	[sflag:s29] =	ssyncset.done $0x0  }
0x2a: {  	[sflag:s29] =	ssyncadd.s32 $0xFFFFCF20  }
0x2b: {  	[spmem:s21] =	stream.linear.scatter [tilespmem:s28], [sflag:$0x2], $0x30E0, $0x38;
	[tilespmem:$0x1F3E0] =	vst v63  }
0x2c: {  	_ =	swait.ge [sflag:s29], $0x30E0  }
0x2d: {  	[sflag:s29] =	ssyncset.done $0x0  }
0x2e: {  	[sflag:s29] =	ssyncadd.s32 $0xFFFFCF20  }
0x2f: {  	[spmem:s22] =	stream.linear.scatter [tilespmem:s28], [sflag:$0x2], $0x30E0, $0x38;
	[tilespmem:$0x1F3E0] =	vst v63  }
0x30: {  	_ =	swait.ge [sflag:s29], $0x30E0  }
0x31: {  	[sflag:s29] =	ssyncset.done $0x0  }
0x32: {  	[sflag:s29] =	ssyncadd.s32 $0xFFFFCF20  }
0x33: {  	[spmem:s23] =	stream.linear.scatter [tilespmem:s28], [sflag:$0x2], $0x30E0, $0x38;
	[tilespmem:$0x1F3E0] =	vst v63  }
0x34: {  	_ =	swait.ge [sflag:s29], $0x30E0  }
0x35: {  	[sflag:s29] =	ssyncset.done $0x0  }
0x36: {  	[sflag:s29] =	ssyncadd.s32 $0xFFFFCF20  }
0x37: {  	[spmem:s24] =	stream.linear.scatter [tilespmem:s28], [sflag:$0x2], $0x30E0, $0x38;
	[tilespmem:$0x1F3E0] =	vst v63  }
0x38: {  	_ =	swait.ge [sflag:s29], $0x30E0  }
0x39: {  	[sflag:s29] =	ssyncset.done $0x0  }
0x3a: {  	[sflag:s29] =	ssyncadd.s32 $0xFFFFCF20  }
0x3b: {  	[spmem:s25] =	stream.linear.scatter [tilespmem:s28], [sflag:$0x2], $0x30E0, $0x38;
	[tilespmem:$0x1F3E0] =	vst v63  }
0x3c: {  	_ =	swait.ge [sflag:s29], $0x30E0  }
0x3d: {  	[sflag:s29] =	ssyncset.done $0x0  }
0x3e: {  	[sflag:s29] =	ssyncadd.s32 $0xFFFFCF20  }
0x3f: {  	[spmem:s26] =	stream.linear.scatter [tilespmem:s28], [sflag:$0x2], $0x30E0, $0x38;
	[tilespmem:$0x1F3E0] =	vst v63  }
0x40: {  	_ =	swait.ge [sflag:s29], $0x30E0  }
0x41: {  	[sflag:s29] =	ssyncset.done $0x0  }
0x42: {  	[sflag:s29] =	ssyncadd.s32 $0xFFFFCF20  }
0x43: {  	s9 =	simm.s32 $0x0;
	[bflag:$0x0] =	sbarrier.arrive $0xFFFF  }
.LBB2_2:
0x44: {  	s10 =	smul.u32 $0xE00, s9;
	_ =	sdelay $0x1  }
0x45: {  	s10 =	sadd.s32 s16, s10  }
0x46: {  	s10 =	sshrl.u32 s10, $0x3  }
0x47: {  	s12 =	simm.s32 $0x0;
	s11 =	sadd.s32 s14, s10  }
0x48: {  	[tilespmem:s30], [sflag:$0x2] =	stream.linear.gather [hbm4b:s11+s12], $0xE00, $0x38;
	[tilespmem:$0x1F3E0] =	vst v63  }
0x49: {  	_ =	swait.ge [sflag:s29], $0xE00  }
0x4a: {  	[sflag:s29] =	ssyncset.done $0x0  }
0x4b: {  	s10 =	sadd.s32 s15, s10;
	[sflag:s29] =	ssyncadd.s32 $0xFFFFF200  }
0x4c: {  	[tilespmem:s31], [sflag:$0x2] =	stream.linear.gather [hbm4b:s10+s12], $0xE00, $0x38;
	[tilespmem:$0x1F3E0] =	vst v63  }
0x4d: {  	_ =	swait.ge [sflag:s29], $0xE00  }
0x4e: {  	[sflag:s29] =	ssyncset.done $0x0  }
0x4f: {  	s11 =	simm.s32 $0x18700;
	[sflag:s29] =	ssyncadd.s32 $0xFFFFF200  }
0x50: {  	[tilespmem:s4], [sflag:$0x1] =	stream.indirect.gather [hbm4b:s13+s0], $0x10, s11, s0, $0xb8;
	[tilespmem:$0x1F3E0] =	vst v63  }
0x51: {  	s12 =	simm.s32 $0x18780  }
0x52: {  	[tilespmem:s1], [sflag:$0x1] =	stream.indirect.gather [hbm4b:s13+s0], $0x10, s12, s0, $0xb8;
	[tilespmem:$0x1F3E0] =	vst v63  }
0x53: {  	s17 =	simm.s32 $0x18800  }
0x54: {  	[tilespmem:s5], [sflag:$0x1] =	stream.indirect.gather [hbm4b:s13+s0], $0x10, s17, s0, $0xb8;
	[tilespmem:$0x1F3E0] =	vst v63  }
0x55: {  	s18 =	simm.s32 $0x18880  }
0x56: {  	[tilespmem:s6], [sflag:$0x1] =	stream.indirect.gather [hbm4b:s13+s0], $0x10, s18, s0, $0xb8;
	[tilespmem:$0x1F3E0] =	vst v63  }
0x57: {  	_ =	swait.ge [sflag:s7], $0x800  }
0x58: {  	[sflag:s7] =	ssyncset.done $0x0  }
0x59: {  	s11 =	simm.s32 $0x19500;
	[sflag:s7] =	ssyncadd.s32 $0xFFFFF800  }
0x5a: {  	[spmem:s2] =	stream.indirect.scatter.add.f32 [tilespmem:s4], [sflag:$0x2], $0x10, s11, s0, $0xb8;
	[tilespmem:$0x1F3E0] =	vst v63  }
0x5b: {  	_ =	swait.ge [sflag:s29], $0x800  }
0x5c: {  	[sflag:s29] =	ssyncset.done $0x0  }
0x5d: {  	[sflag:s29] =	ssyncadd.s32 $0xFFFFF800  }
0x5e: {  	_ =	swait.ge [sflag:s7], $0x800  }
0x5f: {  	[sflag:s7] =	ssyncset.done $0x0  }
0x60: {  	s12 =	simm.s32 $0x19580;
	[sflag:s7] =	ssyncadd.s32 $0xFFFFF800  }
0x61: {  	[spmem:s2] =	stream.indirect.scatter.add.f32 [tilespmem:s1], [sflag:$0x2], $0x10, s12, s0, $0xb8;
	[tilespmem:$0x1F3E0] =	vst v63  }
0x62: {  	_ =	swait.ge [sflag:s29], $0x800  }
0x63: {  	[sflag:s29] =	ssyncset.done $0x0  }
0x64: {  	[sflag:s29] =	ssyncadd.s32 $0xFFFFF800  }
0x65: {  	_ =	swait.ge [sflag:s7], $0x800  }
0x66: {  	[sflag:s7] =	ssyncset.done $0x0  }
0x67: {  	s17 =	simm.s32 $0x19600;
	[sflag:s7] =	ssyncadd.s32 $0xFFFFF800  }
0x68: {  	[spmem:s2] =	stream.indirect.scatter.add.f32 [tilespmem:s5], [sflag:$0x2], $0x10, s17, s0, $0xb8;
	[tilespmem:$0x1F3E0] =	vst v63  }
0x69: {  	_ =	swait.ge [sflag:s29], $0x800  }
0x6a: {  	[sflag:s29] =	ssyncset.done $0x0  }
0x6b: {  	[sflag:s29] =	ssyncadd.s32 $0xFFFFF800  }
0x6c: {  	_ =	swait.ge [sflag:s7], $0x800  }
0x6d: {  	[sflag:s7] =	ssyncset.done $0x0  }
0x6e: {  	s18 =	simm.s32 $0x19680;
	[sflag:s7] =	ssyncadd.s32 $0xFFFFF800  }
0x6f: {  	[spmem:s2] =	stream.indirect.scatter.add.f32 [tilespmem:s6], [sflag:$0x2], $0x10, s18, s0, $0xb8;
	[tilespmem:$0x1F3E0] =	vst v63  }
0x70: {  	_ =	swait.ge [sflag:s29], $0x800  }
0x71: {  	s10 =	simm.s32 $0x200;
	s11 =	simm.s32 $0x1000;
	[sflag:s29] =	ssyncset.done $0x0  }
.LBB2_3:
0x72: {  	s18 =	sadd.s32 $0x18700, s10  }
0x73: {  	[sflag:s29] =	ssyncadd.s32 $0xFFFFF800;
	s12 =	smov.u32 s11;
	s17 =	sadd.s32 $0x800, s11  }
0x74: {  	[tilespmem:s4], [sflag:$0x1] =	stream.indirect.gather [hbm4b:s13+s0], $0x10, s18, s0, $0xb8;
	[tilespmem:$0x1F3E0] =	vst v63  }
0x75: {  	p0 =	sne.s32 s11, $0x3000;
	s11 =	sadd.s32 $0x18780, s10  }
0x76: {  	[tilespmem:s1], [sflag:$0x1] =	stream.indirect.gather [hbm4b:s13+s0], $0x10, s11, s0, $0xb8;
	[tilespmem:$0x1F3E0] =	vst v63  }
0x77: {  	s11 =	sadd.s32 $0x18800, s10  }
0x78: {  	[tilespmem:s5], [sflag:$0x1] =	stream.indirect.gather [hbm4b:s13+s0], $0x10, s11, s0, $0xb8;
	[tilespmem:$0x1F3E0] =	vst v63  }
0x79: {  	s11 =	sadd.s32 $0x18880, s10  }
0x7a: {  	[tilespmem:s6], [sflag:$0x1] =	stream.indirect.gather [hbm4b:s13+s0], $0x10, s11, s0, $0xb8;
	[tilespmem:$0x1F3E0] =	vst v63  }
0x7b: {  	_ =	swait.ge [sflag:s7], $0x800  }
0x7c: {  	[sflag:s7] =	ssyncset.done $0x0  }
0x7d: {  	s11 =	sadd.s32 $0x19500, s10;
	[sflag:s7] =	ssyncadd.s32 $0xFFFFF800  }
0x7e: {  	[spmem:s2] =	stream.indirect.scatter.add.f32 [tilespmem:s4], [sflag:$0x2], $0x10, s11, s0, $0xb8;
	[tilespmem:$0x1F3E0] =	vst v63  }
0x7f: {  	_ =	swait.ge [sflag:s29], $0x800  }
0x80: {  	[sflag:s29] =	ssyncset.done $0x0  }
0x81: {  	[sflag:s29] =	ssyncadd.s32 $0xFFFFF800  }
0x82: {  	_ =	swait.ge [sflag:s7], $0x800  }
0x83: {  	[sflag:s7] =	ssyncset.done $0x0  }
0x84: {  	s11 =	sadd.s32 $0x19580, s10;
	[sflag:s7] =	ssyncadd.s32 $0xFFFFF800  }
0x85: {  	[spmem:s2] =	stream.indirect.scatter.add.f32 [tilespmem:s1], [sflag:$0x2], $0x10, s11, s0, $0xb8;
	[tilespmem:$0x1F3E0] =	vst v63  }
0x86: {  	_ =	swait.ge [sflag:s29], $0x800  }
0x87: {  	[sflag:s29] =	ssyncset.done $0x0  }
0x88: {  	[sflag:s29] =	ssyncadd.s32 $0xFFFFF800  }
0x89: {  	_ =	swait.ge [sflag:s7], $0x800  }
0x8a: {  	[sflag:s7] =	ssyncset.done $0x0  }
0x8b: {  	s11 =	sadd.s32 $0x19600, s10;
	[sflag:s7] =	ssyncadd.s32 $0xFFFFF800  }
0x8c: {  	[spmem:s2] =	stream.indirect.scatter.add.f32 [tilespmem:s5], [sflag:$0x2], $0x10, s11, s0, $0xb8;
	[tilespmem:$0x1F3E0] =	vst v63  }
0x8d: {  	_ =	swait.ge [sflag:s29], $0x800  }
0x8e: {  	[sflag:s29] =	ssyncset.done $0x0  }
0x8f: {  	[sflag:s29] =	ssyncadd.s32 $0xFFFFF800  }
0x90: {  	_ =	swait.ge [sflag:s7], $0x800  }
.Ltmp0:
0x91: {  	[sflag:s7] =	ssyncset.done $0x0;
	(pc) =	sbr.rel @p0 .LBB2_3-.Ltmp0, $4  }
0x92: {  	s10 =	sadd.s32 $0x19680, s10;
	[sflag:s7] =	ssyncadd.s32 $0xFFFFF800  }
0x93: {  	[spmem:s2] =	stream.indirect.scatter.add.f32 [tilespmem:s6], [sflag:$0x2], $0x10, s10, s0, $0xb8;
	[tilespmem:$0x1F3E0] =	vst v63  }
0x94: {  	_ =	swait.ge [sflag:s29], $0x800  }
0x95: {  	s11 =	smov.u32 s17;
	s10 =	sshra.s32 s12, $0x2;
	[sflag:s29] =	ssyncset.done $0x0  }
0x96: {  	s11 =	sadd.s32 $0x18700, s10;
	[sflag:s29] =	ssyncadd.s32 $0xFFFFF800  }
0x97: {  	[tilespmem:s4], [sflag:$0x1] =	stream.indirect.gather [hbm4b:s13+s0], $0x10, s11, s0, $0xb8;
	[tilespmem:$0x1F3E0] =	vst v63  }
0x98: {  	s18 =	sadd.s32 $0x18780, s10  }
0x99: {  	[tilespmem:s1], [sflag:$0x1] =	stream.indirect.gather [hbm4b:s13+s0], $0x10, s18, s0, $0xb8;
	[tilespmem:$0x1F3E0] =	vst v63  }
0x9a: {  	s12 =	sadd.s32 $0x18800, s10  }
0x9b: {  	[tilespmem:s5], [sflag:$0x1] =	stream.indirect.gather [hbm4b:s13+s0], $0x10, s12, s0, $0xb8;
	[tilespmem:$0x1F3E0] =	vst v63  }
0x9c: {  	s17 =	sadd.s32 $0x18880, s10  }
0x9d: {  	[tilespmem:s6], [sflag:$0x1] =	stream.indirect.gather [hbm4b:s13+s0], $0x10, s17, s0, $0xb8;
	[tilespmem:$0x1F3E0] =	vst v63  }
0x9e: {  	_ =	swait.ge [sflag:s7], $0x800  }
0x9f: {  	[sflag:s7] =	ssyncset.done $0x0  }
0xa0: {  	s18 =	sadd.s32 $0x19500, s10;
	[sflag:s7] =	ssyncadd.s32 $0xFFFFF800  }
0xa1: {  	[spmem:s2] =	stream.indirect.scatter.add.f32 [tilespmem:s4], [sflag:$0x2], $0x10, s18, s0, $0xb8;
	[tilespmem:$0x1F3E0] =	vst v63  }
0xa2: {  	_ =	swait.ge [sflag:s29], $0x800  }
0xa3: {  	[sflag:s29] =	ssyncset.done $0x0  }
0xa4: {  	[sflag:s29] =	ssyncadd.s32 $0xFFFFF800  }
0xa5: {  	_ =	swait.ge [sflag:s7], $0x800  }
0xa6: {  	[sflag:s7] =	ssyncset.done $0x0  }
0xa7: {  	s12 =	sadd.s32 $0x19580, s10;
	[sflag:s7] =	ssyncadd.s32 $0xFFFFF800  }
0xa8: {  	[spmem:s2] =	stream.indirect.scatter.add.f32 [tilespmem:s1], [sflag:$0x2], $0x10, s12, s0, $0xb8;
	[tilespmem:$0x1F3E0] =	vst v63  }
0xa9: {  	_ =	swait.ge [sflag:s29], $0x800  }
0xaa: {  	[sflag:s29] =	ssyncset.done $0x0  }
0xab: {  	[sflag:s29] =	ssyncadd.s32 $0xFFFFF800  }
0xac: {  	_ =	swait.ge [sflag:s7], $0x800  }
0xad: {  	[sflag:s7] =	ssyncset.done $0x0  }
0xae: {  	s17 =	sadd.s32 $0x19600, s10;
	[sflag:s7] =	ssyncadd.s32 $0xFFFFF800  }
0xaf: {  	[spmem:s2] =	stream.indirect.scatter.add.f32 [tilespmem:s5], [sflag:$0x2], $0x10, s17, s0, $0xb8;
	[tilespmem:$0x1F3E0] =	vst v63  }
0xb0: {  	_ =	swait.ge [sflag:s29], $0x800  }
0xb1: {  	[sflag:s29] =	ssyncset.done $0x0  }
0xb2: {  	[sflag:s29] =	ssyncadd.s32 $0xFFFFF800  }
0xb3: {  	s9 =	sadd.s32 $0x1, s9;
	_ =	swait.ge [sflag:s7], $0x800  }
0xb4: {  	p0 =	sne.s32 s9, $0xE;
	[sflag:s7] =	ssyncset.done $0x0  }
.Ltmp1:
0xb5: {  	s18 =	sadd.s32 $0x19680, s10;
	[sflag:s7] =	ssyncadd.s32 $0xFFFFF800;
	(pc) =	sbr.rel @p0 .LBB2_2-.Ltmp1, $4  }
0xb6: {  	[spmem:s2] =	stream.indirect.scatter.add.f32 [tilespmem:s6], [sflag:$0x2], $0x10, s18, s0, $0xb8;
	[tilespmem:$0x1F3E0] =	vst v63  }
0xb7: {  	_ =	swait.ge [sflag:s29], $0x800  }
0xb8: {  	[sflag:s29] =	ssyncset.done $0x0  }
0xb9: {  	[sflag:s29] =	ssyncadd.s32 $0xFFFFF800  }
0xba: {  	[bflag:$0x0] =	sbarrier.arrive $0xFFFF  }
0xbb: {  	s9 =	rddreg [dreg:$0xc]  }
0xbc: {  	[tilespmem:s28], [sflag:$0x2] =	stream.linear.gather [spmem:s9], $0x30E0, $0x38;
	[tilespmem:$0x1F3E0] =	vst v63  }
0xbd: {  	_ =	swait.ge [sflag:s29], $0x30E0  }
0xbe: {  	[sflag:s29] =	ssyncset.done $0x0  }
0xbf: {  	s11 =	rddreg [dreg:$0x4];
	[sflag:s29] =	ssyncadd.s32 $0xFFFFCF20  }
0xc0: {  	[hbm4b:s11+s3] =	stream.linear.scatter [tilespmem:s28], [sflag:$0x2], $0x30E0, $0x38;
	[tilespmem:$0x1F3E0] =	vst v63  }
0xc1: {  	_ =	swait.ge [sflag:s29], $0x30E0  }
0xc2: {  	[sflag:s29] =	ssyncset.done $0x0  }
0xc3: {  	[sflag:s29] =	ssyncadd.s32 $0xFFFFCF20  }
0xc4: {  	[tilespmem:s28], [sflag:$0x2] =	stream.linear.gather [spmem:s20], $0x30E0, $0x38;
	[tilespmem:$0x1F3E0] =	vst v63  }
0xc5: {  	_ =	swait.ge [sflag:s29], $0x30E0  }
0xc6: {  	[sflag:s29] =	ssyncset.done $0x0  }
0xc7: {  	s12 =	rddreg [dreg:$0x5];
	[sflag:s29] =	ssyncadd.s32 $0xFFFFCF20  }
0xc8: {  	[hbm4b:s12+s3] =	stream.linear.scatter [tilespmem:s28], [sflag:$0x2], $0x30E0, $0x38;
	[tilespmem:$0x1F3E0] =	vst v63  }
0xc9: {  	_ =	swait.ge [sflag:s29], $0x30E0  }
0xca: {  	[sflag:s29] =	ssyncset.done $0x0  }
0xcb: {  	[sflag:s29] =	ssyncadd.s32 $0xFFFFCF20  }
0xcc: {  	[tilespmem:s28], [sflag:$0x2] =	stream.linear.gather [spmem:s21], $0x30E0, $0x38;
	[tilespmem:$0x1F3E0] =	vst v63  }
0xcd: {  	_ =	swait.ge [sflag:s29], $0x30E0  }
0xce: {  	[sflag:s29] =	ssyncset.done $0x0  }
0xcf: {  	s17 =	rddreg [dreg:$0x6];
	[sflag:s29] =	ssyncadd.s32 $0xFFFFCF20  }
0xd0: {  	[hbm4b:s17+s3] =	stream.linear.scatter [tilespmem:s28], [sflag:$0x2], $0x30E0, $0x38;
	[tilespmem:$0x1F3E0] =	vst v63  }
0xd1: {  	_ =	swait.ge [sflag:s29], $0x30E0  }
0xd2: {  	[sflag:s29] =	ssyncset.done $0x0  }
0xd3: {  	[sflag:s29] =	ssyncadd.s32 $0xFFFFCF20  }
0xd4: {  	[tilespmem:s28], [sflag:$0x2] =	stream.linear.gather [spmem:s22], $0x30E0, $0x38;
	[tilespmem:$0x1F3E0] =	vst v63  }
0xd5: {  	_ =	swait.ge [sflag:s29], $0x30E0  }
0xd6: {  	[sflag:s29] =	ssyncset.done $0x0  }
0xd7: {  	s18 =	rddreg [dreg:$0x7];
	[sflag:s29] =	ssyncadd.s32 $0xFFFFCF20  }
0xd8: {  	[hbm4b:s18+s3] =	stream.linear.scatter [tilespmem:s28], [sflag:$0x2], $0x30E0, $0x38;
	[tilespmem:$0x1F3E0] =	vst v63  }
0xd9: {  	_ =	swait.ge [sflag:s29], $0x30E0  }
0xda: {  	[sflag:s29] =	ssyncset.done $0x0  }
0xdb: {  	[sflag:s29] =	ssyncadd.s32 $0xFFFFCF20  }
0xdc: {  	[tilespmem:s28], [sflag:$0x2] =	stream.linear.gather [spmem:s23], $0x30E0, $0x38;
	[tilespmem:$0x1F3E0] =	vst v63  }
0xdd: {  	_ =	swait.ge [sflag:s29], $0x30E0  }
0xde: {  	[sflag:s29] =	ssyncset.done $0x0  }
0xdf: {  	s10 =	rddreg [dreg:$0x8];
	[sflag:s29] =	ssyncadd.s32 $0xFFFFCF20  }
0xe0: {  	[hbm4b:s10+s3] =	stream.linear.scatter [tilespmem:s28], [sflag:$0x2], $0x30E0, $0x38;
	[tilespmem:$0x1F3E0] =	vst v63  }
0xe1: {  	_ =	swait.ge [sflag:s29], $0x30E0  }
0xe2: {  	[sflag:s29] =	ssyncset.done $0x0  }
0xe3: {  	[sflag:s29] =	ssyncadd.s32 $0xFFFFCF20  }
0xe4: {  	[tilespmem:s28], [sflag:$0x2] =	stream.linear.gather [spmem:s24], $0x30E0, $0x38;
	[tilespmem:$0x1F3E0] =	vst v63  }
0xe5: {  	_ =	swait.ge [sflag:s29], $0x30E0  }
0xe6: {  	[sflag:s29] =	ssyncset.done $0x0  }
0xe7: {  	s11 =	rddreg [dreg:$0x9];
	[sflag:s29] =	ssyncadd.s32 $0xFFFFCF20  }
0xe8: {  	[hbm4b:s11+s3] =	stream.linear.scatter [tilespmem:s28], [sflag:$0x2], $0x30E0, $0x38;
	[tilespmem:$0x1F3E0] =	vst v63  }
0xe9: {  	_ =	swait.ge [sflag:s29], $0x30E0  }
0xea: {  	[sflag:s29] =	ssyncset.done $0x0  }
0xeb: {  	[sflag:s29] =	ssyncadd.s32 $0xFFFFCF20  }
0xec: {  	[tilespmem:s28], [sflag:$0x2] =	stream.linear.gather [spmem:s25], $0x30E0, $0x38;
	[tilespmem:$0x1F3E0] =	vst v63  }
0xed: {  	_ =	swait.ge [sflag:s29], $0x30E0  }
0xee: {  	[sflag:s29] =	ssyncset.done $0x0  }
0xef: {  	s12 =	rddreg [dreg:$0xa];
	[sflag:s29] =	ssyncadd.s32 $0xFFFFCF20  }
0xf0: {  	[hbm4b:s12+s3] =	stream.linear.scatter [tilespmem:s28], [sflag:$0x2], $0x30E0, $0x38;
	[tilespmem:$0x1F3E0] =	vst v63  }
0xf1: {  	_ =	swait.ge [sflag:s29], $0x30E0  }
0xf2: {  	[sflag:s29] =	ssyncset.done $0x0  }
0xf3: {  	[sflag:s29] =	ssyncadd.s32 $0xFFFFCF20  }
0xf4: {  	[tilespmem:s28], [sflag:$0x2] =	stream.linear.gather [spmem:s26], $0x30E0, $0x38;
	[tilespmem:$0x1F3E0] =	vst v63  }
0xf5: {  	_ =	swait.ge [sflag:s29], $0x30E0  }
0xf6: {  	[sflag:s29] =	ssyncset.done $0x0  }
0xf7: {  	s17 =	rddreg [dreg:$0xb];
	[sflag:s29] =	ssyncadd.s32 $0xFFFFCF20  }
0xf8: {  	[hbm4b:s17+s3] =	stream.linear.scatter [tilespmem:s28], [sflag:$0x2], $0x30E0, $0x38;
	[tilespmem:$0x1F3E0] =	vst v63  }
0xf9: {  	_ =	swait.ge [sflag:s29], $0x30E0  }
0xfa: {  	s8 =	sadd.s32 $0x1, s8;
	s18 =	rddreg [dreg:$0xd]  }
0xfb: {  	p0 =	sne.s32 s8, s18  }
.Ltmp2:
0xfc: {  	_ = 	snop;
	(pc) =	sbr.rel @p0 .LBB2_1-.Ltmp2, $3  }
0xfd: {  	_ =	sdelay $0x1  }
0xfe: {  	[sflag:s29] =	ssyncset.done $0x0  }
0xff: {  	[sflag:s29] =	ssyncadd.s32 $0xFFFFCF20  }
0x100: {  	_ =	sfence.sel $0x180000  }
0x101: {  	[bflag:$0x0] =	sbarrier.arrive $0xFFFF  }
0x102: {  	_ =	strace $0x9000004D  }
0x103: {  	s0 =	stileid.u32;
	[bflag:$0x2] =	sbarrier.arrive $0xFFFF  }
0x104: {  	p0 =	sne.s32 s0, $0x0;
	s0 =	rddreg [dreg:$0x3]  }
0x105: {  	s0 =	sadd.s32 @!p0 $0x100000, s0  }
0x106: {  	[sflag:s0] =	ssyncadd.tile.s32 @!p0 $0x1;
	_ =	shalt  }
.Lfunc_end2:
_tile_overlayer_lowered:
.L_overlay_start_2:
0x107: {  	(tag) =	ssettag $0x2  }
0x108: {  	s0 =	rddreg [dreg:$0x0];
	s2 =	stileid.u32  }
0x109: {  	s1 =	rddreg [dreg:$0x1];
	p0 =	sne.s32 s2, $0x0  }
0x10a: {  	s3 =	rddreg [dreg:$0x2];
	[bflag:$0x3] =	sbarrier.arrive $0xFFFF;
	s2 =	simm.s32 @!p0 $0x1C02  }
0x10b: {  	[timem:s3], [sflag:s2] =	dma.local @!p0 [hbm:s0], s1  }
0x10c: {  	s0 =	simm.s32 @!p0 $0x2  }
0x10d: {  	_ =	swait.ge @!p0 [sflag:s0], s1  }
0x10e: {  	s1 =	ssub.s32 @!p0 $0x0, s1;
	[sflag:s0] =	ssyncset.done @!p0 $0x0  }
0x10f: {  	[sflag:s0] =	ssyncadd.s32 @!p0 s1  }
0x110: {  	[bflag:$0x3] =	sbarrier.arrive $0xFFFF  }
0x111: {  	_ =	shalt  }

// kernel: kernel.19.cloned.1.call-start
scs
__scs_entry_jumppad:
0x0: {  	(pc) =	sbr.rel $0x88, $3  }
0x1: {  	(tag) =	ssettag $0x0;
	lr =	simm.s32 $0x1  }
0x2: {  	[smem:$0x3F97] =	sst lr;
	_ =	strace $0xD0000000  }
0x3: {  	_ = 	snop  }
0x4: {  	_ = 	snop  }
0x5: {  	_ = 	snop  }
0x6: {  	_ = 	snop  }
0x7: {  	_ = 	snop  }
__scs_overlays_trampoline_lowered:
0x8: {  	[smem:$0x3FA6] =	sst s0  }
0x9: {  	[smem:$0x3FA7] =	sst s1  }
0xa: {  	[smem:$0x3FA8] =	sst s2  }
0xb: {  	[smem:$0x3FA9] =	sst s3  }
0xc: {  	[smem:$0x3FAA] =	sst s4  }
0xd: {  	[smem:$0x3FAB] =	sst s5  }
0xe: {  	[smem:$0x3FAC] =	sst s6  }
0xf: {  	[smem:$0x3FAD] =	sst s7  }
0x10: {  	[smem:$0x3FAE] =	sst s8  }
0x11: {  	[smem:$0x3FAF] =	sst s9;
	s0 =	simm.s32 @!p0 $0x0  }
0x12: {  	s1 =	sld [smem:$0x3F95];
	s0 =	simm.s32 @p0 $0x1  }
0x13: {  	[smem:$0x3FB0] =	sst s0;
	s0 =	simm.s32 @!p1 $0x0  }
0x14: {  	s2 =	sld [smem:$0x3F94];
	s0 =	simm.s32 @p1 $0x1  }
0x15: {  	[smem:$0x3FB1] =	sst s0;
	s0 =	simm.s32 @!p2 $0x0  }
0x16: {  	s3 =	sld [smem:$0x3FDB];
	s0 =	simm.s32 @p2 $0x1  }
0x17: {  	s4 =	simm.s32 $0x1BF5;
	[smem:$0x3FB3] =	sst s0  }
0x18: {  	s0 =	sld [smem:$0x3F96];
	_ =	swait.ge [sflag:s4], $0x0  }
0x19: {  	s7 =	sld [smem:$0x3F97]  }
0x1a: {  	s8 =	sadd.s32 $0xFFFFE003, lr  }
0x1b: {  	s9 =	sadd.s32 $0xFFFFFEF7, lr;
	s5 =	simm.s32 $0xFFFFFFFF;
	p2 =	slt.u32 s8, $0xFFFFF086  }
0x1c: {  	p1 =	slt.u32 s9, $0xF7A;
	s5 =	simm.s32 @!p2 $0x0  }
0x1d: {  	s5 =	simm.s32 @p1 $0x1;
	p0 =	seq.s32 s7, s2  }
0x1e: {  	s7 =	smul.u32 @!p0 $0xF7A, s2;
	p2 =	seq.s32 @!p0 s5, $0x0  }
0x1f: {  	s9 =	smul.u32 $0xF7A, s1;
	s8 =	simm.s32 @!p0 $0x1BF5;
	p2 =	por !p2, p0  }
0x20: {  	[sflag:s8] =	ssyncset.s32 @!p0 $0xFFFFF086;
	s6 =	sadd.s32 @!p0 s3, s7;
	s7 =	simm.s32 @!p0 $0x108  }
0x21: {  	s3 =	sadd.s32 s3, s9;
	s6 =	sadd.s32 @!p0 $0x88, s6;
	s7 =	simm.s32 @p2 $0x1082  }
0x22: {  	[simem:s7], [sflag:s8] =	dma.local @!p0 [hbm:s6], $0xF7A  }
0x23: {  	s9 =	sor.u32 $0xD0000000, s2;
	s6 =	simm.s32 $0x108;
	_ =	swait.ge @!p0 [sflag:s8], $0x0  }
0x24: {  	s3 =	sadd.s32 $0x88, s3;
	s6 =	simm.s32 @!p1 $0x1082;
	[sflag:s4] =	ssyncset.s32 $0xFFFFF086  }
0x25: {  	[simem:s6], [sflag:s4] =	dma.local [hbm:s3], $0xF7A  }
0x26: {  	[smem:$0x3F97] =	sst s1;
	(tag) =	ssettag s2;
	_ =	strace s9  }
0x27: {  	s1 =	sld [smem:$0x3FA7]  }
0x28: {  	s2 =	sld [smem:$0x3FA8]  }
0x29: {  	s4 =	sld [smem:$0x3FAA]  }
0x2a: {  	p0 =	seq.s32 s5, $0x0;
	s5 =	sld [smem:$0x3FAB]  }
0x2b: {  	s6 =	sld [smem:$0x3FAC]  }
0x2c: {  	s7 =	sld [smem:$0x3FAD]  }
0x2d: {  	s3 =	simm.s32 $0x108;
	s8 =	sld [smem:$0x3FAE]  }
0x2e: {  	s3 =	simm.s32 @!p0 $0x1082;
	s9 =	sld [smem:$0x3FAF]  }
0x2f: {  	lr =	sadd.s32 s0, s3;
	s0 =	sld [smem:$0x3FA6]  }
0x30: {  	s3 =	sld [smem:$0x3FA9]  }
0x31: {  	[smem:$0x3FB2] =	sst s10  }
0x32: {  	s10 =	sld [smem:$0x3FB0];
	_ =	sdelay $0x3  }
0x33: {  	p0 =	seq.s32 s10, $0x1;
	s10 =	sld [smem:$0x3FB2];
	_ =	sdelay $0x3  }
0x34: {  	[smem:$0x3FB2] =	sst s10  }
0x35: {  	s10 =	sld [smem:$0x3FB1];
	_ =	sdelay $0x3  }
0x36: {  	p1 =	seq.s32 s10, $0x1;
	s10 =	sld [smem:$0x3FB2];
	_ =	sdelay $0x3  }
0x37: {  	[smem:$0x3FB2] =	sst s10  }
0x38: {  	s10 =	sld [smem:$0x3FB3]  }
0x39: {  	_ = 	snop;
	(pc) =	sbr.ind lr, $3  }
0x3a: {  	_ = 	snop  }
0x3b: {  	_ = 	snop  }
0x3c: {  	p2 =	seq.s32 s10, $0x1;
	s10 =	sld [smem:$0x3FB2]  }
0x3d: {  	_ =	shalt  }
0x3e: {  	_ =	shalt  }
0x3f: {  	_ =	shalt  }
0x40: {  	_ =	shalt  }
0x41: {  	_ =	shalt  }
0x42: {  	_ =	shalt  }
0x43: {  	_ =	shalt  }
0x44: {  	_ =	shalt  }
0x45: {  	_ =	shalt  }
0x46: {  	_ =	shalt  }
0x47: {  	_ =	shalt  }
0x48: {  	_ =	shalt  }
0x49: {  	_ =	shalt  }
0x4a: {  	_ =	shalt  }
0x4b: {  	_ =	shalt  }
0x4c: {  	_ =	shalt  }
0x4d: {  	_ =	shalt  }
0x4e: {  	_ =	shalt  }
0x4f: {  	_ =	shalt  }
0x50: {  	_ =	shalt  }
0x51: {  	_ =	shalt  }
0x52: {  	_ =	shalt  }
0x53: {  	_ =	shalt  }
0x54: {  	_ =	shalt  }
0x55: {  	_ =	shalt  }
0x56: {  	_ =	shalt  }
0x57: {  	_ =	shalt  }
0x58: {  	_ =	shalt  }
0x59: {  	_ =	shalt  }
0x5a: {  	_ =	shalt  }
0x5b: {  	_ =	shalt  }
0x5c: {  	_ =	shalt  }
0x5d: {  	_ =	shalt  }
0x5e: {  	_ =	shalt  }
0x5f: {  	_ =	shalt  }
0x60: {  	_ =	shalt  }
0x61: {  	_ =	shalt  }
0x62: {  	_ =	shalt  }
0x63: {  	_ =	shalt  }
0x64: {  	_ =	shalt  }
0x65: {  	_ =	shalt  }
0x66: {  	_ =	shalt  }
0x67: {  	_ =	shalt  }
0x68: {  	_ =	shalt  }
0x69: {  	_ =	shalt  }
0x6a: {  	_ =	shalt  }
0x6b: {  	_ =	shalt  }
0x6c: {  	_ =	shalt  }
0x6d: {  	_ =	shalt  }
0x6e: {  	_ =	shalt  }
0x6f: {  	_ =	shalt  }
0x70: {  	_ =	shalt  }
0x71: {  	_ =	shalt  }
0x72: {  	_ =	shalt  }
0x73: {  	_ =	shalt  }
0x74: {  	_ =	shalt  }
0x75: {  	_ =	shalt  }
0x76: {  	_ =	shalt  }
0x77: {  	_ =	shalt  }
0x78: {  	_ =	shalt  }
0x79: {  	_ =	shalt  }
0x7a: {  	_ =	shalt  }
0x7b: {  	_ =	shalt  }
0x7c: {  	_ =	shalt  }
0x7d: {  	_ =	shalt  }
0x7e: {  	_ =	shalt  }
0x7f: {  	_ =	shalt  }
0x80: {  	_ =	shalt  }
0x81: {  	_ =	shalt  }
0x82: {  	_ =	shalt  }
0x83: {  	_ =	shalt  }
0x84: {  	_ =	shalt  }
0x85: {  	_ =	shalt  }
0x86: {  	_ =	shalt  }
0x87: {  	_ =	shalt  }
.Lfunc_end0:
.L_simem_size_0:
called_computation.3_lowered:
.L_overlay_start_0:
0x88: {  	s2 =	sld [smem:$0x3FD9]  }
0x89: {  	s3 =	sld [smem:$0x3FFE];
	_ =	sdelay $0x1  }
0x8a: {  	s1 =	srdreg.scid  }
0x8b: {  	s0 =	sand.u32 $0x1, s1  }
0x8c: {  	s17 =	sshll.u32 s0, $0xA;
	s2 =	sadd.s32 s3, s2  }
0x8d: {  	s2 =	sadd.s32 s2, s17  }
0x8e: {  	[smem:$0x3FBE] =	sst s2  }
0x8f: {  	_ = 	snop  }
0x90: {  	s2 =	sld [smem:$0x3FD0];
	(tm) =	ssettm $0x1  }
0x91: {  	s18 =	sld [smem:$0x3FFB];
	_ =	sdelay $0x3  }
0x92: {  	_ =	strace s18  }
0x93: {  	s3 =	sld [smem:$0x3FFC];
	_ =	sdelay $0x3  }
0x94: {  	_ =	strace s3  }
0x95: {  	s3 =	sld [smem:$0x3FFD];
	_ =	sdelay $0x3  }
0x96: {  	_ =	strace s3  }
0x97: {  	_ =	strace $0x8FFFFFFF  }
0x98: {  	s19 =	sld [smem:$0x3FDB];
	_ =	sdelay $0x1  }
0x99: {  	s4 =	simm.s32 $_scs_section_size  }
0x9a: {  	s5 =	simm.s32 $_size__tile_overlayer_lowered;
	s6 =	simm.s32 $_tile_overlayer_lowered  }
0x9b: {  	s22 =	simm.s32 $0x1BFF;
	s21 =	sshll.u32 s6, $0x1;
	s3 =	sadd.s32 s4, s19  }
0x9c: {  	s7 =	simm.s32 $0x0;
	s20 =	sshll.u32 s5, $0x1;
	s5 =	sadd.s32 s21, s3  }
0x9d: {  	[timem:s7], [sflag:s22] =	dma.local [hbm:s5], s20  }
0x9e: {  	_ =	swait.ge [sflag:s22], s20  }
0x9f: {  	s4 =	ssub.s32 $0x0, s20;
	[sflag:s22] =	ssyncset.done $0x0  }
0xa0: {  	[sflag:s22] =	ssyncadd.s32 s4;
	_ =	sdelay $0x1  }
0xa1: {  	s23 =	simm.s32 $0x1B8B  }
0xa2: {  	_ =	swait.ge [sflag:s23], $0x1  }
0xa3: {  	[sflag:s23] =	ssyncset.done $0x0  }
0xa4: {  	s25 =	simm.s32 $0x1B8E;
	s24 =	sld [smem:$0x3FFE];
	[sflag:s23] =	ssyncadd.s32 $0xFFFFFFFF  }
0xa5: {  	s26 =	simm.s32 $execute0_lowered;
	[smem:$0x3FD2] =	sst s25  }
0xa6: {  	s5 =	sshll.u32 s26, $0x1;
	_ =	strace $0x8000004F;
	[dreg:$0x1] =	wrdreg $0xFFFFFFFF  }
0xa7: {  	s28 =	simm.s32 $_size_execute0_lowered;
	s3 =	sadd.s32 s3, s5;
	[dreg:$0x0] =	wrdreg $0x0  }
0xa8: {  	s5 =	sshll.u32 s28, $0x1;
	[dreg:$0x2] =	wrdreg s3  }
0xa9: {  	[dreg:$0x3] =	wrdreg s5  }
0xaa: {  	[dreg:$0x4] =	wrdreg $0xC0  }
0xab: {  	_ =	task [dreg:s7], $0x5FFFF  }
0xac: {  	[dreg:$0x1] =	wrdreg $0xFFFFFFFF  }
0xad: {  	[dreg:$0x0] =	wrdreg $0x60  }
0xae: {  	[dreg:$0x2] =	wrdreg s24  }
0xaf: {  	[dreg:$0x3] =	wrdreg s2  }
0xb0: {  	[dreg:$0x4] =	wrdreg $0x0  }
0xb1: {  	[dreg:$0x5] =	wrdreg $0x9  }
0xb2: {  	_ =	task.clear_ibuf [dreg:s7], $0x6FFFF;
	_ =	strace $0x9000004F  }
0xb3: {  	s29 =	simm.s32 $0x9;
	_ =	strace $0x80000051  }
0xb4: {  	_ =	swait.ge [sflag:s29], $0x1  }
0xb5: {  	[sflag:s29] =	ssyncadd.s32 $0xFFFFFFFF  }
0xb6: {  	_ =	strace $0x90000051  }
0xb7: {  	_ =	sfence  }
0xb8: {  	s30 =	sld [smem:$0x0];
	_ =	sdelay $0x2  }
0xb9: {  	s31 =	sshll.u32 s1, $0xD;
	s1 =	sshrl.u32 s1, $0x2  }
0xba: {  	s3 =	sand.u32 $0x4000, s31;
	s1 =	sadd.s32 s1, s30  }
0xbb: {  	s0 =	sor.u32 s3, s0;
	s1 =	sshll.u32 s1, $0x11  }
0xbc: {  	s0 =	sor.u32 s1, s0  }
0xbd: {  	s0 =	sadd.s32 $0x8F2B, s0  }
0xbe: {  	[sflag:s0] =	ssyncadd.remote.s32 $0x1  }
0xbf: {  	_ =	sfence.sel $0xFFFF  }
0xc0: {  	[dreg:$0x0] =	wrdreg $0xFFFFFFFF;
	(pc) =	sbr.abs _section_cstart, $3  }
0xc1: {  	[dreg:$0x1] =	wrdreg $0xFFFFFFFF  }
0xc2: {  	_ =	task.clear_ibuf [dreg:s7], $0x2FFFF;
	_ =	strace $0x9FFFFFFF  }
0xc3: {  	(tm) =	ssettm $0x7FFFFFFF  }
tec
execute0_lowered:
.L_overlay_start_1:
0x0: {  	(tag) =	ssettag $0x1  }
0x1: {  	s0 =	rddreg [dreg:$0x0]  }
0x2: {  	s2 =	rddreg [dreg:$0x2];
	s3 =	simm.s32 $0x0  }
0x3: {  	s1 =	srdreg.scid;
	s10 =	stileid.u32;
	s28 =	simm.s32 $0x1C300  }
0x4: {  	s29 =	simm.s32 $0x2;
	s30 =	simm.s32 $0x18700;
	s31 =	simm.s32 $0x19500  }
0x5: {  	[smem:$0x7FF] =	sst s3;
	s4 =	sadd.s32 $0xC6A00, s0;
	s9 =	smul.u32 $0x18700, s10  }
0x6: {  	s1 =	sand.u32 $0x1, s1;
	s8 =	sshll.u32 s10, $0x1;
	s23 =	smul.u32 $0x61C00, s10  }
0x7: {  	_ =	strace $0x80000050;
	s5 =	ssub.s32 $0x2, s1;
	s6 =	smul.u32 $0x187000, s1  }
0x8: {  	s1 =	sor.u32 s1, s8;
	s7 =	sshrl.u32 s5, $0x1;
	s8 =	sadd.s32 $0x30E0, s9  }
0x9: {  	s10 =	sadd.s32 $0x61C0, s9;
	s11 =	sadd.s32 $0x92A0, s9;
	s12 =	sadd.s32 $0xC380, s9  }
0xa: {  	s17 =	sadd.s32 $0xF460, s9;
	s25 =	sadd.s32 $0x12540, s9;
	s26 =	sadd.s32 $0x15620, s9  }
0xb: {  	s22 =	sshrl.u32 s23, $0x2;
	s23 =	sadd.s32 s9, s2;
	s5 =	ssub.s32 s5, s7  }
0xc: {  	s13 =	sadd.s32 s6, s9;
	s14 =	sadd.s32 s6, s8;
	s15 =	sadd.s32 s6, s11  }
0xd: {  	s19 =	sadd.s32 s6, s17;
	s20 =	sadd.s32 s6, s25;
	[dreg:$0xc] =	wrdreg s23  }
0xe: {  	s23 =	sadd.s32 s12, s2;
	s25 =	sadd.s32 s25, s2;
	s13 =	sshrl.u32 s13, $0x3  }
0xf: {  	s7 =	simm.s32 $0x1;
	s24 =	sshrl.u32 s14, $0x3;
	s13 =	sadd.s32 s4, s13  }
0x10: {  	s14 =	sadd.s32 s6, s10;
	[dreg:$0x4] =	wrdreg s13;
	s13 =	sadd.s32 s4, s24  }
0x11: {  	s24 =	smax.u32 s5, $0x1;
	s5 =	simm.s32 $0x1B300;
	[dreg:$0x5] =	wrdreg s13  }
0x12: {  	s13 =	sshrl.u32 s14, $0x3;
	s14 =	sshrl.u32 s15, $0x3;
	s15 =	sadd.s32 s6, s12  }
0x13: {  	s6 =	sadd.s32 s6, s26;
	[dreg:$0xd] =	wrdreg s24;
	s24 =	sadd.s32 s17, s2  }
0x14: {  	s26 =	sadd.s32 s26, s2;
	s13 =	sadd.s32 s4, s13;
	s16 =	sadd.s32 s4, s14  }
0x15: {  	s18 =	sshrl.u32 s15, $0x3;
	s14 =	sshrl.u32 s20, $0x3;
	s6 =	sshrl.u32 s6, $0x3  }
0x16: {  	s15 =	sadd.s32 $0x2C00, s0;
	s20 =	sadd.s32 s8, s2;
	[dreg:$0x6] =	wrdreg s13  }
0x17: {  	s8 =	simm.s32 $0x0;
	[dreg:$0x7] =	wrdreg s16;
	s13 =	sadd.s32 s4, s18  }
0x18: {  	s21 =	sadd.s32 s4, s14;
	s14 =	sadd.s32 $0x95A00, s0;
	s16 =	smul.u32 $0xC400, s1  }
0x19: {  	s1 =	simm.s32 $0x1AB00;
	[dreg:$0x8] =	wrdreg s13;
	s13 =	sshrl.u32 s19, $0x3  }
0x1a: {  	[dreg:$0xa] =	wrdreg s21;
	s19 =	sadd.s32 s22, s2;
	s13 =	sadd.s32 s4, s13  }
0x1b: {  	s21 =	sadd.s32 s10, s2;
	s4 =	sadd.s32 s4, s6;
	[dreg:$0x9] =	wrdreg s13  }
0x1c: {  	s22 =	sadd.s32 s11, s2;
	s6 =	simm.s32 $0x1BB00;
	[dreg:$0xb] =	wrdreg s4  }
0x1d: {  	s13 =	sadd.s32 $0x33C00, s0;
	s0 =	simm.s32 $0x80;
	s4 =	simm.s32 $0x1A300  }
.LBB2_1:
0x1e: {  	s9 =	rddreg [dreg:$0x1]  }
0x1f: {  	[tilespmem:s28], [sflag:$0x2] =	stream.linear.gather [hbm4b:s9+s3], $0x30E0, $0x38;
	[tilespmem:$0x1F3E0] =	vst v63  }
0x20: {  	_ =	swait.ge [sflag:s29], $0x30E0  }
0x21: {  	[sflag:s29] =	ssyncset.done $0x0  }
0x22: {  	[sflag:s29] =	ssyncadd.s32 $0xFFFFCF20  }
0x23: {  	[spmem:s19] =	stream.linear.scatter [tilespmem:s28], [sflag:$0x2], $0x30E0, $0x38;
	[tilespmem:$0x1F3E0] =	vst v63  }
0x24: {  	_ =	swait.ge [sflag:s29], $0x30E0  }
0x25: {  	[sflag:s29] =	ssyncset.done $0x0  }
0x26: {  	[sflag:s29] =	ssyncadd.s32 $0xFFFFCF20  }
0x27: {  	[spmem:s20] =	stream.linear.scatter [tilespmem:s28], [sflag:$0x2], $0x30E0, $0x38;
	[tilespmem:$0x1F3E0] =	vst v63  }
0x28: {  	_ =	swait.ge [sflag:s29], $0x30E0  }
0x29: {  	[sflag:s29] =	ssyncset.done $0x0  }
0x2a: {  	[sflag:s29] =	ssyncadd.s32 $0xFFFFCF20  }
0x2b: {  	[spmem:s21] =	stream.linear.scatter [tilespmem:s28], [sflag:$0x2], $0x30E0, $0x38;
	[tilespmem:$0x1F3E0] =	vst v63  }
0x2c: {  	_ =	swait.ge [sflag:s29], $0x30E0  }
0x2d: {  	[sflag:s29] =	ssyncset.done $0x0  }
0x2e: {  	[sflag:s29] =	ssyncadd.s32 $0xFFFFCF20  }
0x2f: {  	[spmem:s22] =	stream.linear.scatter [tilespmem:s28], [sflag:$0x2], $0x30E0, $0x38;
	[tilespmem:$0x1F3E0] =	vst v63  }
0x30: {  	_ =	swait.ge [sflag:s29], $0x30E0  }
0x31: {  	[sflag:s29] =	ssyncset.done $0x0  }
0x32: {  	[sflag:s29] =	ssyncadd.s32 $0xFFFFCF20  }
0x33: {  	[spmem:s23] =	stream.linear.scatter [tilespmem:s28], [sflag:$0x2], $0x30E0, $0x38;
	[tilespmem:$0x1F3E0] =	vst v63  }
0x34: {  	_ =	swait.ge [sflag:s29], $0x30E0  }
0x35: {  	[sflag:s29] =	ssyncset.done $0x0  }
0x36: {  	[sflag:s29] =	ssyncadd.s32 $0xFFFFCF20  }
0x37: {  	[spmem:s24] =	stream.linear.scatter [tilespmem:s28], [sflag:$0x2], $0x30E0, $0x38;
	[tilespmem:$0x1F3E0] =	vst v63  }
0x38: {  	_ =	swait.ge [sflag:s29], $0x30E0  }
0x39: {  	[sflag:s29] =	ssyncset.done $0x0  }
0x3a: {  	[sflag:s29] =	ssyncadd.s32 $0xFFFFCF20  }
0x3b: {  	[spmem:s25] =	stream.linear.scatter [tilespmem:s28], [sflag:$0x2], $0x30E0, $0x38;
	[tilespmem:$0x1F3E0] =	vst v63  }
0x3c: {  	_ =	swait.ge [sflag:s29], $0x30E0  }
0x3d: {  	[sflag:s29] =	ssyncset.done $0x0  }
0x3e: {  	[sflag:s29] =	ssyncadd.s32 $0xFFFFCF20  }
0x3f: {  	[spmem:s26] =	stream.linear.scatter [tilespmem:s28], [sflag:$0x2], $0x30E0, $0x38;
	[tilespmem:$0x1F3E0] =	vst v63  }
0x40: {  	_ =	swait.ge [sflag:s29], $0x30E0  }
0x41: {  	[sflag:s29] =	ssyncset.done $0x0  }
0x42: {  	[sflag:s29] =	ssyncadd.s32 $0xFFFFCF20  }
0x43: {  	s9 =	simm.s32 $0x0;
	[bflag:$0x0] =	sbarrier.arrive $0xFFFF  }
.LBB2_2:
0x44: {  	s10 =	smul.u32 $0xE00, s9;
	_ =	sdelay $0x1  }
0x45: {  	s10 =	sadd.s32 s16, s10  }
0x46: {  	s10 =	sshrl.u32 s10, $0x3  }
0x47: {  	s12 =	simm.s32 $0x0;
	s11 =	sadd.s32 s14, s10  }
0x48: {  	[tilespmem:s30], [sflag:$0x2] =	stream.linear.gather [hbm4b:s11+s12], $0xE00, $0x38;
	[tilespmem:$0x1F3E0] =	vst v63  }
0x49: {  	_ =	swait.ge [sflag:s29], $0xE00  }
0x4a: {  	[sflag:s29] =	ssyncset.done $0x0  }
0x4b: {  	s10 =	sadd.s32 s15, s10;
	[sflag:s29] =	ssyncadd.s32 $0xFFFFF200  }
0x4c: {  	[tilespmem:s31], [sflag:$0x2] =	stream.linear.gather [hbm4b:s10+s12], $0xE00, $0x38;
	[tilespmem:$0x1F3E0] =	vst v63  }
0x4d: {  	_ =	swait.ge [sflag:s29], $0xE00  }
0x4e: {  	[sflag:s29] =	ssyncset.done $0x0  }
0x4f: {  	s11 =	simm.s32 $0x18700;
	[sflag:s29] =	ssyncadd.s32 $0xFFFFF200  }
0x50: {  	[tilespmem:s4], [sflag:$0x1] =	stream.indirect.gather [hbm4b:s13+s0], $0x10, s11, s0, $0xb8;
	[tilespmem:$0x1F3E0] =	vst v63  }
0x51: {  	s12 =	simm.s32 $0x18780  }
0x52: {  	[tilespmem:s1], [sflag:$0x1] =	stream.indirect.gather [hbm4b:s13+s0], $0x10, s12, s0, $0xb8;
	[tilespmem:$0x1F3E0] =	vst v63  }
0x53: {  	s17 =	simm.s32 $0x18800  }
0x54: {  	[tilespmem:s5], [sflag:$0x1] =	stream.indirect.gather [hbm4b:s13+s0], $0x10, s17, s0, $0xb8;
	[tilespmem:$0x1F3E0] =	vst v63  }
0x55: {  	s18 =	simm.s32 $0x18880  }
0x56: {  	[tilespmem:s6], [sflag:$0x1] =	stream.indirect.gather [hbm4b:s13+s0], $0x10, s18, s0, $0xb8;
	[tilespmem:$0x1F3E0] =	vst v63  }
0x57: {  	_ =	swait.ge [sflag:s7], $0x800  }
0x58: {  	[sflag:s7] =	ssyncset.done $0x0  }
0x59: {  	s11 =	simm.s32 $0x19500;
	[sflag:s7] =	ssyncadd.s32 $0xFFFFF800  }
0x5a: {  	[spmem:s2] =	stream.indirect.scatter.add.f32 [tilespmem:s4], [sflag:$0x2], $0x10, s11, s0, $0xb8;
	[tilespmem:$0x1F3E0] =	vst v63  }
0x5b: {  	_ =	swait.ge [sflag:s29], $0x800  }
0x5c: {  	[sflag:s29] =	ssyncset.done $0x0  }
0x5d: {  	[sflag:s29] =	ssyncadd.s32 $0xFFFFF800  }
0x5e: {  	_ =	swait.ge [sflag:s7], $0x800  }
0x5f: {  	[sflag:s7] =	ssyncset.done $0x0  }
0x60: {  	s12 =	simm.s32 $0x19580;
	[sflag:s7] =	ssyncadd.s32 $0xFFFFF800  }
0x61: {  	[spmem:s2] =	stream.indirect.scatter.add.f32 [tilespmem:s1], [sflag:$0x2], $0x10, s12, s0, $0xb8;
	[tilespmem:$0x1F3E0] =	vst v63  }
0x62: {  	_ =	swait.ge [sflag:s29], $0x800  }
0x63: {  	[sflag:s29] =	ssyncset.done $0x0  }
0x64: {  	[sflag:s29] =	ssyncadd.s32 $0xFFFFF800  }
0x65: {  	_ =	swait.ge [sflag:s7], $0x800  }
0x66: {  	[sflag:s7] =	ssyncset.done $0x0  }
0x67: {  	s17 =	simm.s32 $0x19600;
	[sflag:s7] =	ssyncadd.s32 $0xFFFFF800  }
0x68: {  	[spmem:s2] =	stream.indirect.scatter.add.f32 [tilespmem:s5], [sflag:$0x2], $0x10, s17, s0, $0xb8;
	[tilespmem:$0x1F3E0] =	vst v63  }
0x69: {  	_ =	swait.ge [sflag:s29], $0x800  }
0x6a: {  	[sflag:s29] =	ssyncset.done $0x0  }
0x6b: {  	[sflag:s29] =	ssyncadd.s32 $0xFFFFF800  }
0x6c: {  	_ =	swait.ge [sflag:s7], $0x800  }
0x6d: {  	[sflag:s7] =	ssyncset.done $0x0  }
0x6e: {  	s18 =	simm.s32 $0x19680;
	[sflag:s7] =	ssyncadd.s32 $0xFFFFF800  }
0x6f: {  	[spmem:s2] =	stream.indirect.scatter.add.f32 [tilespmem:s6], [sflag:$0x2], $0x10, s18, s0, $0xb8;
	[tilespmem:$0x1F3E0] =	vst v63  }
0x70: {  	_ =	swait.ge [sflag:s29], $0x800  }
0x71: {  	s10 =	simm.s32 $0x200;
	s11 =	simm.s32 $0x1000;
	[sflag:s29] =	ssyncset.done $0x0  }
.LBB2_3:
0x72: {  	s18 =	sadd.s32 $0x18700, s10  }
0x73: {  	[sflag:s29] =	ssyncadd.s32 $0xFFFFF800;
	s12 =	smov.u32 s11;
	s17 =	sadd.s32 $0x800, s11  }
0x74: {  	[tilespmem:s4], [sflag:$0x1] =	stream.indirect.gather [hbm4b:s13+s0], $0x10, s18, s0, $0xb8;
	[tilespmem:$0x1F3E0] =	vst v63  }
0x75: {  	p0 =	sne.s32 s11, $0x3000;
	s11 =	sadd.s32 $0x18780, s10  }
0x76: {  	[tilespmem:s1], [sflag:$0x1] =	stream.indirect.gather [hbm4b:s13+s0], $0x10, s11, s0, $0xb8;
	[tilespmem:$0x1F3E0] =	vst v63  }
0x77: {  	s11 =	sadd.s32 $0x18800, s10  }
0x78: {  	[tilespmem:s5], [sflag:$0x1] =	stream.indirect.gather [hbm4b:s13+s0], $0x10, s11, s0, $0xb8;
	[tilespmem:$0x1F3E0] =	vst v63  }
0x79: {  	s11 =	sadd.s32 $0x18880, s10  }
0x7a: {  	[tilespmem:s6], [sflag:$0x1] =	stream.indirect.gather [hbm4b:s13+s0], $0x10, s11, s0, $0xb8;
	[tilespmem:$0x1F3E0] =	vst v63  }
0x7b: {  	_ =	swait.ge [sflag:s7], $0x800  }
0x7c: {  	[sflag:s7] =	ssyncset.done $0x0  }
0x7d: {  	s11 =	sadd.s32 $0x19500, s10;
	[sflag:s7] =	ssyncadd.s32 $0xFFFFF800  }
0x7e: {  	[spmem:s2] =	stream.indirect.scatter.add.f32 [tilespmem:s4], [sflag:$0x2], $0x10, s11, s0, $0xb8;
	[tilespmem:$0x1F3E0] =	vst v63  }
0x7f: {  	_ =	swait.ge [sflag:s29], $0x800  }
0x80: {  	[sflag:s29] =	ssyncset.done $0x0  }
0x81: {  	[sflag:s29] =	ssyncadd.s32 $0xFFFFF800  }
0x82: {  	_ =	swait.ge [sflag:s7], $0x800  }
0x83: {  	[sflag:s7] =	ssyncset.done $0x0  }
0x84: {  	s11 =	sadd.s32 $0x19580, s10;
	[sflag:s7] =	ssyncadd.s32 $0xFFFFF800  }
0x85: {  	[spmem:s2] =	stream.indirect.scatter.add.f32 [tilespmem:s1], [sflag:$0x2], $0x10, s11, s0, $0xb8;
	[tilespmem:$0x1F3E0] =	vst v63  }
0x86: {  	_ =	swait.ge [sflag:s29], $0x800  }
0x87: {  	[sflag:s29] =	ssyncset.done $0x0  }
0x88: {  	[sflag:s29] =	ssyncadd.s32 $0xFFFFF800  }
0x89: {  	_ =	swait.ge [sflag:s7], $0x800  }
0x8a: {  	[sflag:s7] =	ssyncset.done $0x0  }
0x8b: {  	s11 =	sadd.s32 $0x19600, s10;
	[sflag:s7] =	ssyncadd.s32 $0xFFFFF800  }
0x8c: {  	[spmem:s2] =	stream.indirect.scatter.add.f32 [tilespmem:s5], [sflag:$0x2], $0x10, s11, s0, $0xb8;
	[tilespmem:$0x1F3E0] =	vst v63  }
0x8d: {  	_ =	swait.ge [sflag:s29], $0x800  }
0x8e: {  	[sflag:s29] =	ssyncset.done $0x0  }
0x8f: {  	[sflag:s29] =	ssyncadd.s32 $0xFFFFF800  }
0x90: {  	_ =	swait.ge [sflag:s7], $0x800  }
.Ltmp0:
0x91: {  	[sflag:s7] =	ssyncset.done $0x0;
	(pc) =	sbr.rel @p0 .LBB2_3-.Ltmp0, $4  }
0x92: {  	s10 =	sadd.s32 $0x19680, s10;
	[sflag:s7] =	ssyncadd.s32 $0xFFFFF800  }
0x93: {  	[spmem:s2] =	stream.indirect.scatter.add.f32 [tilespmem:s6], [sflag:$0x2], $0x10, s10, s0, $0xb8;
	[tilespmem:$0x1F3E0] =	vst v63  }
0x94: {  	_ =	swait.ge [sflag:s29], $0x800  }
0x95: {  	s11 =	smov.u32 s17;
	s10 =	sshra.s32 s12, $0x2;
	[sflag:s29] =	ssyncset.done $0x0  }
0x96: {  	s11 =	sadd.s32 $0x18700, s10;
	[sflag:s29] =	ssyncadd.s32 $0xFFFFF800  }
0x97: {  	[tilespmem:s4], [sflag:$0x1] =	stream.indirect.gather [hbm4b:s13+s0], $0x10, s11, s0, $0xb8;
	[tilespmem:$0x1F3E0] =	vst v63  }
0x98: {  	s18 =	sadd.s32 $0x18780, s10  }
0x99: {  	[tilespmem:s1], [sflag:$0x1] =	stream.indirect.gather [hbm4b:s13+s0], $0x10, s18, s0, $0xb8;
	[tilespmem:$0x1F3E0] =	vst v63  }
0x9a: {  	s12 =	sadd.s32 $0x18800, s10  }
0x9b: {  	[tilespmem:s5], [sflag:$0x1] =	stream.indirect.gather [hbm4b:s13+s0], $0x10, s12, s0, $0xb8;
	[tilespmem:$0x1F3E0] =	vst v63  }
0x9c: {  	s17 =	sadd.s32 $0x18880, s10  }
0x9d: {  	[tilespmem:s6], [sflag:$0x1] =	stream.indirect.gather [hbm4b:s13+s0], $0x10, s17, s0, $0xb8;
	[tilespmem:$0x1F3E0] =	vst v63  }
0x9e: {  	_ =	swait.ge [sflag:s7], $0x800  }
0x9f: {  	[sflag:s7] =	ssyncset.done $0x0  }
0xa0: {  	s18 =	sadd.s32 $0x19500, s10;
	[sflag:s7] =	ssyncadd.s32 $0xFFFFF800  }
0xa1: {  	[spmem:s2] =	stream.indirect.scatter.add.f32 [tilespmem:s4], [sflag:$0x2], $0x10, s18, s0, $0xb8;
	[tilespmem:$0x1F3E0] =	vst v63  }
0xa2: {  	_ =	swait.ge [sflag:s29], $0x800  }
0xa3: {  	[sflag:s29] =	ssyncset.done $0x0  }
0xa4: {  	[sflag:s29] =	ssyncadd.s32 $0xFFFFF800  }
0xa5: {  	_ =	swait.ge [sflag:s7], $0x800  }
0xa6: {  	[sflag:s7] =	ssyncset.done $0x0  }
0xa7: {  	s12 =	sadd.s32 $0x19580, s10;
	[sflag:s7] =	ssyncadd.s32 $0xFFFFF800  }
0xa8: {  	[spmem:s2] =	stream.indirect.scatter.add.f32 [tilespmem:s1], [sflag:$0x2], $0x10, s12, s0, $0xb8;
	[tilespmem:$0x1F3E0] =	vst v63  }
0xa9: {  	_ =	swait.ge [sflag:s29], $0x800  }
0xaa: {  	[sflag:s29] =	ssyncset.done $0x0  }
0xab: {  	[sflag:s29] =	ssyncadd.s32 $0xFFFFF800  }
0xac: {  	_ =	swait.ge [sflag:s7], $0x800  }
0xad: {  	[sflag:s7] =	ssyncset.done $0x0  }
0xae: {  	s17 =	sadd.s32 $0x19600, s10;
	[sflag:s7] =	ssyncadd.s32 $0xFFFFF800  }
0xaf: {  	[spmem:s2] =	stream.indirect.scatter.add.f32 [tilespmem:s5], [sflag:$0x2], $0x10, s17, s0, $0xb8;
	[tilespmem:$0x1F3E0] =	vst v63  }
0xb0: {  	_ =	swait.ge [sflag:s29], $0x800  }
0xb1: {  	[sflag:s29] =	ssyncset.done $0x0  }
0xb2: {  	[sflag:s29] =	ssyncadd.s32 $0xFFFFF800  }
0xb3: {  	s9 =	sadd.s32 $0x1, s9;
	_ =	swait.ge [sflag:s7], $0x800  }
0xb4: {  	p0 =	sne.s32 s9, $0xE;
	[sflag:s7] =	ssyncset.done $0x0  }
.Ltmp1:
0xb5: {  	s18 =	sadd.s32 $0x19680, s10;
	[sflag:s7] =	ssyncadd.s32 $0xFFFFF800;
	(pc) =	sbr.rel @p0 .LBB2_2-.Ltmp1, $4  }
0xb6: {  	[spmem:s2] =	stream.indirect.scatter.add.f32 [tilespmem:s6], [sflag:$0x2], $0x10, s18, s0, $0xb8;
	[tilespmem:$0x1F3E0] =	vst v63  }
0xb7: {  	_ =	swait.ge [sflag:s29], $0x800  }
0xb8: {  	[sflag:s29] =	ssyncset.done $0x0  }
0xb9: {  	[sflag:s29] =	ssyncadd.s32 $0xFFFFF800  }
0xba: {  	[bflag:$0x0] =	sbarrier.arrive $0xFFFF  }
0xbb: {  	s9 =	rddreg [dreg:$0xc]  }
0xbc: {  	[tilespmem:s28], [sflag:$0x2] =	stream.linear.gather [spmem:s9], $0x30E0, $0x38;
	[tilespmem:$0x1F3E0] =	vst v63  }
0xbd: {  	_ =	swait.ge [sflag:s29], $0x30E0  }
0xbe: {  	[sflag:s29] =	ssyncset.done $0x0  }
0xbf: {  	s11 =	rddreg [dreg:$0x4];
	[sflag:s29] =	ssyncadd.s32 $0xFFFFCF20  }
0xc0: {  	[hbm4b:s11+s3] =	stream.linear.scatter [tilespmem:s28], [sflag:$0x2], $0x30E0, $0x38;
	[tilespmem:$0x1F3E0] =	vst v63  }
0xc1: {  	_ =	swait.ge [sflag:s29], $0x30E0  }
0xc2: {  	[sflag:s29] =	ssyncset.done $0x0  }
0xc3: {  	[sflag:s29] =	ssyncadd.s32 $0xFFFFCF20  }
0xc4: {  	[tilespmem:s28], [sflag:$0x2] =	stream.linear.gather [spmem:s20], $0x30E0, $0x38;
	[tilespmem:$0x1F3E0] =	vst v63  }
0xc5: {  	_ =	swait.ge [sflag:s29], $0x30E0  }
0xc6: {  	[sflag:s29] =	ssyncset.done $0x0  }
0xc7: {  	s12 =	rddreg [dreg:$0x5];
	[sflag:s29] =	ssyncadd.s32 $0xFFFFCF20  }
0xc8: {  	[hbm4b:s12+s3] =	stream.linear.scatter [tilespmem:s28], [sflag:$0x2], $0x30E0, $0x38;
	[tilespmem:$0x1F3E0] =	vst v63  }
0xc9: {  	_ =	swait.ge [sflag:s29], $0x30E0  }
0xca: {  	[sflag:s29] =	ssyncset.done $0x0  }
0xcb: {  	[sflag:s29] =	ssyncadd.s32 $0xFFFFCF20  }
0xcc: {  	[tilespmem:s28], [sflag:$0x2] =	stream.linear.gather [spmem:s21], $0x30E0, $0x38;
	[tilespmem:$0x1F3E0] =	vst v63  }
0xcd: {  	_ =	swait.ge [sflag:s29], $0x30E0  }
0xce: {  	[sflag:s29] =	ssyncset.done $0x0  }
0xcf: {  	s17 =	rddreg [dreg:$0x6];
	[sflag:s29] =	ssyncadd.s32 $0xFFFFCF20  }
0xd0: {  	[hbm4b:s17+s3] =	stream.linear.scatter [tilespmem:s28], [sflag:$0x2], $0x30E0, $0x38;
	[tilespmem:$0x1F3E0] =	vst v63  }
0xd1: {  	_ =	swait.ge [sflag:s29], $0x30E0  }
0xd2: {  	[sflag:s29] =	ssyncset.done $0x0  }
0xd3: {  	[sflag:s29] =	ssyncadd.s32 $0xFFFFCF20  }
0xd4: {  	[tilespmem:s28], [sflag:$0x2] =	stream.linear.gather [spmem:s22], $0x30E0, $0x38;
	[tilespmem:$0x1F3E0] =	vst v63  }
0xd5: {  	_ =	swait.ge [sflag:s29], $0x30E0  }
0xd6: {  	[sflag:s29] =	ssyncset.done $0x0  }
0xd7: {  	s18 =	rddreg [dreg:$0x7];
	[sflag:s29] =	ssyncadd.s32 $0xFFFFCF20  }
0xd8: {  	[hbm4b:s18+s3] =	stream.linear.scatter [tilespmem:s28], [sflag:$0x2], $0x30E0, $0x38;
	[tilespmem:$0x1F3E0] =	vst v63  }
0xd9: {  	_ =	swait.ge [sflag:s29], $0x30E0  }
0xda: {  	[sflag:s29] =	ssyncset.done $0x0  }
0xdb: {  	[sflag:s29] =	ssyncadd.s32 $0xFFFFCF20  }
0xdc: {  	[tilespmem:s28], [sflag:$0x2] =	stream.linear.gather [spmem:s23], $0x30E0, $0x38;
	[tilespmem:$0x1F3E0] =	vst v63  }
0xdd: {  	_ =	swait.ge [sflag:s29], $0x30E0  }
0xde: {  	[sflag:s29] =	ssyncset.done $0x0  }
0xdf: {  	s10 =	rddreg [dreg:$0x8];
	[sflag:s29] =	ssyncadd.s32 $0xFFFFCF20  }
0xe0: {  	[hbm4b:s10+s3] =	stream.linear.scatter [tilespmem:s28], [sflag:$0x2], $0x30E0, $0x38;
	[tilespmem:$0x1F3E0] =	vst v63  }
0xe1: {  	_ =	swait.ge [sflag:s29], $0x30E0  }
0xe2: {  	[sflag:s29] =	ssyncset.done $0x0  }
0xe3: {  	[sflag:s29] =	ssyncadd.s32 $0xFFFFCF20  }
0xe4: {  	[tilespmem:s28], [sflag:$0x2] =	stream.linear.gather [spmem:s24], $0x30E0, $0x38;
	[tilespmem:$0x1F3E0] =	vst v63  }
0xe5: {  	_ =	swait.ge [sflag:s29], $0x30E0  }
0xe6: {  	[sflag:s29] =	ssyncset.done $0x0  }
0xe7: {  	s11 =	rddreg [dreg:$0x9];
	[sflag:s29] =	ssyncadd.s32 $0xFFFFCF20  }
0xe8: {  	[hbm4b:s11+s3] =	stream.linear.scatter [tilespmem:s28], [sflag:$0x2], $0x30E0, $0x38;
	[tilespmem:$0x1F3E0] =	vst v63  }
0xe9: {  	_ =	swait.ge [sflag:s29], $0x30E0  }
0xea: {  	[sflag:s29] =	ssyncset.done $0x0  }
0xeb: {  	[sflag:s29] =	ssyncadd.s32 $0xFFFFCF20  }
0xec: {  	[tilespmem:s28], [sflag:$0x2] =	stream.linear.gather [spmem:s25], $0x30E0, $0x38;
	[tilespmem:$0x1F3E0] =	vst v63  }
0xed: {  	_ =	swait.ge [sflag:s29], $0x30E0  }
0xee: {  	[sflag:s29] =	ssyncset.done $0x0  }
0xef: {  	s12 =	rddreg [dreg:$0xa];
	[sflag:s29] =	ssyncadd.s32 $0xFFFFCF20  }
0xf0: {  	[hbm4b:s12+s3] =	stream.linear.scatter [tilespmem:s28], [sflag:$0x2], $0x30E0, $0x38;
	[tilespmem:$0x1F3E0] =	vst v63  }
0xf1: {  	_ =	swait.ge [sflag:s29], $0x30E0  }
0xf2: {  	[sflag:s29] =	ssyncset.done $0x0  }
0xf3: {  	[sflag:s29] =	ssyncadd.s32 $0xFFFFCF20  }
0xf4: {  	[tilespmem:s28], [sflag:$0x2] =	stream.linear.gather [spmem:s26], $0x30E0, $0x38;
	[tilespmem:$0x1F3E0] =	vst v63  }
0xf5: {  	_ =	swait.ge [sflag:s29], $0x30E0  }
0xf6: {  	[sflag:s29] =	ssyncset.done $0x0  }
0xf7: {  	s17 =	rddreg [dreg:$0xb];
	[sflag:s29] =	ssyncadd.s32 $0xFFFFCF20  }
0xf8: {  	[hbm4b:s17+s3] =	stream.linear.scatter [tilespmem:s28], [sflag:$0x2], $0x30E0, $0x38;
	[tilespmem:$0x1F3E0] =	vst v63  }
0xf9: {  	_ =	swait.ge [sflag:s29], $0x30E0  }
0xfa: {  	s8 =	sadd.s32 $0x1, s8;
	s18 =	rddreg [dreg:$0xd]  }
0xfb: {  	p0 =	sne.s32 s8, s18  }
.Ltmp2:
0xfc: {  	_ = 	snop;
	(pc) =	sbr.rel @p0 .LBB2_1-.Ltmp2, $3  }
0xfd: {  	_ =	sdelay $0x1  }
0xfe: {  	[sflag:s29] =	ssyncset.done $0x0  }
0xff: {  	[sflag:s29] =	ssyncadd.s32 $0xFFFFCF20  }
0x100: {  	_ =	sfence.sel $0x180000  }
0x101: {  	[bflag:$0x0] =	sbarrier.arrive $0xFFFF  }
0x102: {  	_ =	strace $0x90000050  }
0x103: {  	s0 =	stileid.u32;
	[bflag:$0x2] =	sbarrier.arrive $0xFFFF  }
0x104: {  	p0 =	sne.s32 s0, $0x0;
	s0 =	rddreg [dreg:$0x3]  }
0x105: {  	s0 =	sadd.s32 @!p0 $0x100000, s0  }
0x106: {  	[sflag:s0] =	ssyncadd.tile.s32 @!p0 $0x1;
	_ =	shalt  }
.Lfunc_end2:
_tile_overlayer_lowered:
.L_overlay_start_2:
0x107: {  	(tag) =	ssettag $0x2  }
0x108: {  	s0 =	rddreg [dreg:$0x0];
	s2 =	stileid.u32  }
0x109: {  	s1 =	rddreg [dreg:$0x1];
	p0 =	sne.s32 s2, $0x0  }
0x10a: {  	s3 =	rddreg [dreg:$0x2];
	[bflag:$0x3] =	sbarrier.arrive $0xFFFF;
	s2 =	simm.s32 @!p0 $0x1C02  }
0x10b: {  	[timem:s3], [sflag:s2] =	dma.local @!p0 [hbm:s0], s1  }
0x10c: {  	s0 =	simm.s32 @!p0 $0x2  }
0x10d: {  	_ =	swait.ge @!p0 [sflag:s0], s1  }
0x10e: {  	s1 =	ssub.s32 @!p0 $0x0, s1;
	[sflag:s0] =	ssyncset.done @!p0 $0x0  }
0x10f: {  	[sflag:s0] =	ssyncadd.s32 @!p0 s1  }
0x110: {  	[bflag:$0x3] =	sbarrier.arrive $0xFFFF  }
0x111: {  	_ =	shalt  }

</sc_bundles>
